<compile_context>
chip_gen: v7x
topology: tpu7x:2x2x1
jax: 0.10.2.dev20260603
libtpu: 0.0.44.dev20260713+nightly
codegen_flags: <defaults>
</compile_context>

<pallas_src>
import functools
import numpy as np
import jax
import jax.numpy as jnp
from jax import lax
from jax.experimental import pallas as pl
from jax.experimental.pallas import tpu as pltpu
from jax.experimental.pallas import tpu_sc as plsc

F32 = jnp.float32
NWORK = 32
CHUNK = 80


def _swish(v):
    return v * jax.nn.sigmoid(v)


def _ln(v, eps=1e-5):
    mu = jnp.mean(v, axis=-1, keepdims=True)
    var = jnp.mean((v - mu) * (v - mu), axis=-1, keepdims=True)
    return (v - mu) / jnp.sqrt(var + eps)


def _dot(a, b):
    return jnp.dot(a, b, preferred_element_type=F32)



def _prep_body(x_ref, nW_ref, nb_ref, Wms_ref, Wmd_ref, h1_ref, A_ref, B_ref):
    x = x_ref[...]
    h1 = _dot(x, nW_ref[...]) + nb_ref[...]
    h1_ref[...] = h1
    A_ref[...] = _dot(h1, Wms_ref[...])
    B_ref[...] = _dot(h1, Wmd_ref[...])


def _tc_prep(x, nW, nb, Wms, Wmd, nb_rows=1000):
    n = x.shape[0]
    grid = (n // nb_rows,)
    full = lambda shp: pl.BlockSpec(shp, lambda i: (0, 0))
    blk = lambda w: pl.BlockSpec((nb_rows, w), lambda i: (i, 0))
    return pl.pallas_call(
        _prep_body,
        grid=grid,
        in_specs=[blk(128), full((128, 128)), full((1, 128)),
                  full((128, 128)), full((128, 128))],
        out_specs=[blk(128), blk(128), blk(128)],
        out_shape=[jax.ShapeDtypeStruct((n, 128), F32)] * 3,
    )(x, nW, nb, Wms, Wmd)


def _bf(v):
    return v.astype(jnp.bfloat16).astype(F32)


def _passA_body(ga_ref, gb_ref, ev_ref, es_ref, d2_ref, eW_ref, ebias_ref,
                Wme_ref, wd_ref, bm_ref, m_ref, dist_ref):
    dist = jnp.sqrt(d2_ref[...] + 1e-12)
    e0 = jnp.concatenate([ev_ref[...], _dot(es_ref[...], eW_ref[...])
                          + ebias_ref[...]], axis=-1)
    pre = (ga_ref[...] + gb_ref[...] + _dot(e0, Wme_ref[...])
           + _bf(dist) * _bf(wd_ref[...]) + bm_ref[...])
    m_ref[...] = _swish(pre)
    dist_ref[...] = dist


def _tc_pass_a(ga, gb, ev, es, d2, eW, ebias, Wme, wd, bm, eb=3200):
    e = ga.shape[0]
    grid = (e // eb,)
    full = lambda a: pl.BlockSpec(a.shape, lambda i: (0,) * a.ndim)
    blk = lambda w: pl.BlockSpec((eb, w), lambda i: (i, 0))
    return pl.pallas_call(
        _passA_body,
        grid=grid,
        in_specs=[blk(128), blk(128), blk(3), blk(13), blk(1), full(eW),
                  full(ebias), full(Wme), full(wd), full(bm)],
        out_specs=[blk(128), blk(1)],
        out_shape=[jax.ShapeDtypeStruct((e, 128), F32),
                   jax.ShapeDtypeStruct((e, 1), F32)],
    )(ga, gb, ev, es, d2, eW, ebias, Wme, wd, bm)


def _node_body(h_ref, aa_ref, ab_ref, Wh_ref, Wa_ref, bn_ref, o_ref):
    h = h_ref[...]
    agg = aa_ref[...] + ab_ref[...]
    u = _dot(h, Wh_ref[...]) + _dot(agg, Wa_ref[...]) + bn_ref[...]
    o_ref[...] = _ln(h + _swish(u))


def _tc_node(h, aa, ab, Wh, Wa, bn, nb_rows=1000):
    n = h.shape[0]
    grid = (n // nb_rows,)
    full = lambda shp: pl.BlockSpec(shp, lambda i: (0, 0))
    blk = lambda w: pl.BlockSpec((nb_rows, w), lambda i: (i, 0))
    return pl.pallas_call(
        _node_body,
        grid=grid,
        in_specs=[blk(128), blk(128), blk(128), full((128, 128)),
                  full((128, 128)), full((1, 128))],
        out_specs=blk(128),
        out_shape=jax.ShapeDtypeStruct((n, 128), F32),
    )(h, aa, ab, Wh, Wa, bn)


def _passB_body(gs_ref, gd_ref, ev_ref, es_ref, dist_ref, eW_ref, ebias_ref,
                Wes_ref, Wed_ref, Wee_ref, be_ref,
                Wm2s_ref, Wm2d_ref, Wm2e_ref, wd2_ref, bm2_ref, m2_ref):
    gs = gs_ref[...]
    gd = gd_ref[...]
    dist = dist_ref[...]
    e0 = jnp.concatenate([ev_ref[...], _dot(es_ref[...], eW_ref[...])
                          + ebias_ref[...]], axis=-1)
    se = _swish(_dot(gs, Wes_ref[...]) + _dot(gd, Wed_ref[...])
                + _dot(e0, Wee_ref[...]) + be_ref[...])
    e1 = _ln(e0 + se)
    pre = (_dot(gs, Wm2s_ref[...]) + _dot(gd, Wm2d_ref[...])
           + _dot(e1, Wm2e_ref[...]) + _bf(dist) * _bf(wd2_ref[...])
           + bm2_ref[...])
    m2_ref[...] = _swish(pre)


def _tc_pass_b(gs, gd, ev, es, dist, eW, ebias, Wes, Wed, Wee, be,
               Wm2s, Wm2d, Wm2e, wd2, bm2, eb=2000):
    e = gs.shape[0]
    grid = (e // eb,)
    full = lambda a: pl.BlockSpec(a.shape, lambda i: (0,) * a.ndim)
    blk = lambda w: pl.BlockSpec((eb, w), lambda i: (i, 0))
    return pl.pallas_call(
        _passB_body,
        grid=grid,
        in_specs=[blk(128), blk(128), blk(3), blk(13), blk(1),
                  full(eW), full(ebias),
                  full(Wes), full(Wed), full(Wee), full(be),
                  full(Wm2s), full(Wm2d), full(Wm2e), full(wd2), full(bm2)],
        out_specs=blk(128),
        out_shape=jax.ShapeDtypeStruct((e, 128), F32),
    )(gs, gd, ev, es, dist, eW, ebias, Wes, Wed, Wee, be,
      Wm2s, Wm2d, Wm2e, wd2, bm2)


def _final_body(k_arr, h_ref, aa_ref, ab_ref, Wh_ref, Wa_ref, bn_ref,
                oW_ref, ob_ref, p_ref, out_ref, g_ref):
    h = h_ref[...]
    agg = aa_ref[...] + ab_ref[...]
    u = _dot(h, Wh_ref[...]) + _dot(agg, Wa_ref[...]) + bn_ref[...]
    h3 = _ln(h + _swish(u))
    out = _dot(h3, oW_ref[...]) + ob_ref[...]
    out_ref[...] = out

    p = p_ref[...]
    score = _dot(out, p) / jnp.sqrt(jnp.sum(p * p) + 1e-12)
    k = k_arr

    b = lax.bitcast_convert_type(score, jnp.int32)
    keys = jnp.where(b >= 0, b ^ jnp.int32(-2147483648), ~b).astype(jnp.uint32)

    def step(i, t):
        sh = (jnp.uint32(31) - i.astype(jnp.uint32))
        cand = t | lax.shift_left(jnp.uint32(1), sh)
        c = jnp.sum((keys >= cand).astype(jnp.int32))
        return jnp.where(c >= k, cand, t)

    t = lax.fori_loop(0, 32, step, jnp.uint32(0))
    gt = keys > t
    eq = keys == t
    cgt = jnp.sum(gt.astype(jnp.int32))
    ceq = jnp.sum(eq.astype(jnp.int32))
    r = (k - cgt).astype(F32)
    w = out * jnp.tanh(score)
    s_gt = jnp.sum(jnp.where(gt, w, 0.0), axis=0, keepdims=True)
    s_eq = jnp.sum(jnp.where(eq, w, 0.0), axis=0, keepdims=True)
    wsum = s_gt + s_eq * (r / jnp.maximum(ceq, 1).astype(F32))
    g_ref[...] = wsum / jnp.float32(k)


def _tc_final(h2, aa, ab, Wh, Wa, bn, oW, ob, p, k):
    n = h2.shape[0]
    full2 = lambda a: pl.BlockSpec(a.shape, lambda: tuple(0 for _ in a.shape))
    args = (h2, aa, ab, Wh, Wa, bn, oW, ob, p)
    return pl.pallas_call(
        functools.partial(_final_body, k),
        in_specs=[full2(a) for a in args],
        out_specs=[pl.BlockSpec((n, 64), lambda: (0, 0)),
                   pl.BlockSpec((1, 64), lambda: (0, 0))],
        out_shape=[jax.ShapeDtypeStruct((n, 64), F32),
                   jax.ShapeDtypeStruct((1, 64), F32)],
    )(*args)



def _sc_gather2(ta, tb, src, dst, pos3=None):
    e = src.shape[0]
    d = ta.shape[1]
    n = ta.shape[0]
    epw = e // NWORK
    n_ch = epw // CHUNK
    with_d2 = pos3 is not None
    mesh = plsc.VectorSubcoreMesh(core_axis_name="c", subcore_axis_name="s")

    out_type = [jax.ShapeDtypeStruct((e, d), F32)] * 2
    scratch = [
        pltpu.VMEM((2, CHUNK), jnp.int32),
        pltpu.VMEM((2, CHUNK), jnp.int32),
        pltpu.VMEM((2, CHUNK, d), F32),
        pltpu.VMEM((2, CHUNK, d), F32),
        pltpu.SemaphoreType.DMA,
        pltpu.SemaphoreType.DMA,
        pltpu.SemaphoreType.DMA,
    ]
    if with_d2:
        out_type = out_type + [jax.ShapeDtypeStruct((e,), F32)]
        scratch = scratch + [pltpu.VMEM((2, 6, CHUNK), F32),
                             pltpu.VMEM((2, CHUNK), F32),
                             pltpu.SemaphoreType.DMA,
                             pltpu.SemaphoreType.DMA]

    @functools.partial(pl.kernel, mesh=mesh, out_type=out_type,
                       scratch_types=scratch)
    def k(*refs):
        if with_d2:
            (ta_hbm, tb_hbm, src_hbm, dst_hbm, px_hbm, py_hbm, pz_hbm,
             oa_hbm, ob_hbm, d2_hbm, idxa_v, idxb_v, rowsa_v, rowsb_v,
             sema, semb, semw, pv_v, d2_v, semp0, semp1) = refs
            semp = (semp0, semp1)
        else:
            (ta_hbm, tb_hbm, src_hbm, dst_hbm, oa_hbm, ob_hbm,
             idxa_v, idxb_v, rowsa_v, rowsb_v, sema, semb, semw) = refs
        wid = lax.axis_index("c") * 16 + lax.axis_index("s")
        base = wid * epw

        def do_chunk(off, b, ca, cb):
            if with_d2:
                for j in range(CHUNK // 16):
                    sl = pl.ds(j * 16, 16)
                    acc = jnp.zeros((16,), F32)
                    for a in range(3):
                        rel = pv_v[b, a + 3, sl] - pv_v[b, a, sl]
                        acc = acc + rel * rel
                    d2_v[b, sl] = acc
            ca.wait()
            cb.wait()
            wr = [pltpu.async_copy(rowsa_v.at[b], oa_hbm.at[pl.ds(off, CHUNK)], semw),
                  pltpu.async_copy(rowsb_v.at[b], ob_hbm.at[pl.ds(off, CHUNK)], semw)]
            if with_d2:
                wr.append(pltpu.async_copy(d2_v.at[b], d2_hbm.at[pl.ds(off, CHUNK)], semw))
            return wr

        def fire(off, b):
            pltpu.sync_copy(src_hbm.at[pl.ds(off, CHUNK)], idxa_v.at[b])
            pltpu.sync_copy(dst_hbm.at[pl.ds(off, CHUNK)], idxb_v.at[b])
            ca = pltpu.async_copy(ta_hbm.at[idxa_v.at[b]], rowsa_v.at[b], sema)
            cb = pltpu.async_copy(tb_hbm.at[idxb_v.at[b]], rowsb_v.at[b], semb)
            if with_d2:
                for a, (p_hbm, idx) in enumerate([
                        (px_hbm, idxa_v), (py_hbm, idxa_v), (pz_hbm, idxa_v),
                        (px_hbm, idxb_v), (py_hbm, idxb_v), (pz_hbm, idxb_v)]):
                    pltpu.async_copy(p_hbm.at[idx.at[b]], pv_v.at[b, a], semp[b])
            return ca, cb

        def wait_pos(b):
            if with_d2:
                for a, (p_hbm, idx) in enumerate([
                        (px_hbm, idxa_v), (py_hbm, idxa_v), (pz_hbm, idxa_v),
                        (px_hbm, idxb_v), (py_hbm, idxb_v), (pz_hbm, idxb_v)]):
                    pltpu.make_async_copy(p_hbm.at[idx.at[b]], pv_v.at[b, a],
                                          semp[b]).wait()

        def pair(t, carry):
            off0 = base + (2 * t) * CHUNK
            off1 = off0 + CHUNK
            ca0, cb0 = fire(off0, 0)
            ca1, cb1 = fire(off1, 1)
            wait_pos(0)
            w0 = do_chunk(off0, 0, ca0, cb0)
            wait_pos(1)
            w1 = do_chunk(off1, 1, ca1, cb1)
            for w in w0 + w1:
                w.wait()
            return carry

        lax.fori_loop(0, n_ch // 2, pair, 0)
        if n_ch % 2:
            off = base + (n_ch - 1) * CHUNK
            ca, cb = fire(off, 0)
            wait_pos(0)
            for w in do_chunk(off, 0, ca, cb):
                w.wait()

    if with_d2:
        return k(ta, tb, src, dst, pos3[0], pos3[1], pos3[2])
    return k(ta, tb, src, dst)


def _sc_scatter(m, dst, zrows, n):
    e = m.shape[0]
    epw = e // NWORK
    n_ch = epw // CHUNK
    n_nc = n // CHUNK
    mesh = plsc.VectorSubcoreMesh(core_axis_name="c", subcore_axis_name="s")

    @functools.partial(
        pl.kernel, mesh=mesh,
        out_type=jax.ShapeDtypeStruct((2, n, 128), F32),
        scratch_types=[
            pltpu.VMEM((2, CHUNK), jnp.int32),
            pltpu.VMEM((2, CHUNK, 128), F32),
            pltpu.VMEM((CHUNK, 128), F32),
            pltpu.VMEM_SHARED((n, 128), F32),
            pltpu.SemaphoreType.DMA,
        ],
    )
    def k(m_hbm, dst_hbm, z_hbm, out_hbm, idx_v, rows_v, oc_v, acc_sh, sem):
        c = lax.axis_index("c")
        s = lax.axis_index("s")
        wid = c * 16 + s
        base = wid * epw
        cnt = (n_nc - 1 - s) // 16 + 1

        pltpu.sync_copy(z_hbm, oc_v)

        def zbody(t, carry):
            pltpu.sync_copy(oc_v, acc_sh.at[pl.ds((s + t * 16) * CHUNK, CHUNK)])
            return carry

        lax.fori_loop(0, cnt, zbody, 0)
        plsc.subcore_barrier()

        def load(ci, b):
            off = base + ci * CHUNK
            return [pltpu.async_copy(dst_hbm.at[pl.ds(off, CHUNK)],
                                     idx_v.at[b], sem),
                    pltpu.async_copy(m_hbm.at[pl.ds(off, CHUNK)],
                                     rows_v.at[b], sem)]

        def scat(b):
            pltpu.sync_copy(rows_v.at[b], acc_sh.at[idx_v.at[b]], add=True)

        for w in load(0, 0):
            w.wait()

        def pair(t, carry):
            l1 = load(2 * t + 1, 1)
            scat(0)
            for w in l1:
                w.wait()
            l0 = load(2 * t + 2, 0)
            scat(1)
            for w in l0:
                w.wait()
            return carry

        lax.fori_loop(0, (n_ch - 1) // 2, pair, 0)
        scat(0)
        if n_ch % 2 == 0:
            for w in load(n_ch - 1, 1):
                w.wait()
            scat(1)
        plsc.subcore_barrier()

        def obody(t, carry):
            r0 = (s + t * 16) * CHUNK
            pltpu.sync_copy(acc_sh.at[pl.ds(r0, CHUNK)], oc_v)
            pltpu.sync_copy(oc_v, out_hbm.at[c, pl.ds(r0, CHUNK)])
            return carry

        lax.fori_loop(0, cnt, obody, 0)

    return k(m, dst, zrows)



def kernel(x, edge_attr, pos, params, edge_index, batch):
    n = x.shape[0]
    e = edge_attr.shape[0]
    src, dst = edge_index[0], edge_index[1]

    eW, ebias = params["edge_W"], params["edge_b"]
    L0, L1 = params["layers"]
    Wm1, bm1 = L0["Wm"], L0["bm"]
    Wn1, bn1 = L0["Wn"], L0["bn"]
    We1, be1 = L0["We"], L0["be"]
    Wm2, bm2 = L1["Wm"], L1["bm"]
    Wn2, bn2 = L1["Wn"], L1["bn"]

    row = lambda v: v[None, :]
    ev = edge_attr[:, :3]
    es = edge_attr[:, 3:]
    wd1 = row(Wm1[384])
    wd2 = row(Wm2[384])

    h1, A1, B1 = _tc_prep(x, params["node_W"], row(params["node_b"]),
                          Wm1[:128], Wm1[128:256])

    pos3 = pos.T
    ga, gb, d2 = _sc_gather2(A1, B1, src, dst, pos3=pos3)

    m1, dist = _tc_pass_a(ga, gb, ev, es, d2[:, None], eW, row(ebias),
                          Wm1[256:384], wd1, row(bm1))

    zrows = jnp.zeros((CHUNK, 128), F32)
    agg1 = _sc_scatter(m1, dst, zrows, n)

    h2 = _tc_node(h1, agg1[0], agg1[1], Wn1[:128], Wn1[128:], row(bn1))

    gs, gd = _sc_gather2(h2, h2, src, dst)

    m2 = _tc_pass_b(gs, gd, ev, es, dist, eW, row(ebias),
                    We1[:128], We1[128:256], We1[256:384], row(be1),
                    Wm2[:128], Wm2[128:256], Wm2[256:384], wd2, row(bm2))

    agg2 = _sc_scatter(m2, dst, zrows, n)

    k = int(np.ceil(0.5 * n))
    out, gemb = _tc_final(h2, agg2[0], agg2[1], Wn2[:128], Wn2[128:], row(bn2),
                          params["out_W"], row(params["out_b"]),
                          params["pool_p"][:, None], k)
    return out, gemb

# --- scband reference (transcript-rebuilt; emitter-appended) ---
"""Pipeline reference for scband-snn-39109972197641 (READ-ONLY COPY).

The authoritative reference and input builder live on the scoring server;
editing this copy changes nothing except your own understanding.
"""

import jax, jax.numpy as jnp
import numpy as np

N = 10000
E = 320000
D_IN = 128
D_EDGE = 16
HID = 128
OUT = 64
NUM_LAYERS = 2
RATIO = 0.5

def swish(x):
    return x * jax.nn.sigmoid(x)

def layer_norm(x, eps=1e-5):
    mu = jnp.mean(x, axis=-1, keepdims=True)
    var = jnp.var(x, axis=-1, keepdims=True)
    return (x - mu) / jnp.sqrt(var + eps)

def glorot(key, shape):
    scale = np.sqrt(2.0 / (shape[0] + shape[1]))
    return jax.random.normal(key, shape, jnp.float32) * scale

def make_params(key):
    ks = jax.random.split(key, 6 + 3 * NUM_LAYERS)
    params = {
        "node_W": glorot(ks[0], (D_IN, HID)),
        "node_b": jnp.zeros((HID,), jnp.float32),
        "edge_W": glorot(ks[1], (D_EDGE - 3, HID - 3)),
        "edge_b": jnp.zeros((HID - 3,), jnp.float32),
        "out_W": glorot(ks[2], (HID, OUT)),
        "out_b": jnp.zeros((OUT,), jnp.float32),
        "pool_p": jax.random.normal(ks[3], (OUT,), jnp.float32),
        "layers": [],
    }
    for i in range(NUM_LAYERS):
        k0 = ks[6 + 3 * i]
        k1 = ks[6 + 3 * i + 1]
        k2 = ks[6 + 3 * i + 2]
        params["layers"].append({
            "Wm": glorot(k0, (3 * HID + 1, HID)),
            "bm": jnp.zeros((HID,), jnp.float32),
            "Wn": glorot(k1, (2 * HID, HID)),
            "bn": jnp.zeros((HID,), jnp.float32),
            "We": glorot(k2, (3 * HID, HID)),
            "be": jnp.zeros((HID,), jnp.float32),
        })
    return params

def setup_inputs(seed: int = 0):
    key = jax.random.key(seed)
    k_x, k_ei, k_ea, k_pos, k_p = jax.random.split(key, 5)
    x = jax.random.normal(k_x, (N, D_IN), jnp.float32)
    edge_index = jax.random.randint(k_ei, (2, E), 0, N, dtype=jnp.int32)
    edge_attr = jax.random.normal(k_ea, (E, D_EDGE), jnp.float32)
    pos = jax.random.normal(k_pos, (N, 3), jnp.float32)
    batch = jnp.zeros((N,), jnp.int32)
    params = make_params(k_p)
    return {"x": x, "edge_attr": edge_attr, "pos": pos, "params": params,
            "edge_index": edge_index, "batch": batch}

def _forward(x, edge_attr, pos, params, edge_index, batch):
    # node embedding
    h = x @ params["node_W"] + params["node_b"]
    # edge embedding: first 3 dims are vectors, rest are scalars passed through Linear
    e_vec, e_sca = edge_attr[:, :3], edge_attr[:, 3:]
    e = jnp.concatenate([e_vec, e_sca @ params["edge_W"] + params["edge_b"]], axis=-1)
    src, dst = edge_index[0], edge_index[1]
    for lp in params["layers"]:
        # simplex conv layer (message passing over 1-simplices)
        rel = pos[dst] - pos[src]
        dist = jnp.sqrt(jnp.sum(rel * rel, axis=-1, keepdims=True) + 1e-12)
        m_in = jnp.concatenate([h[src], h[dst], e, dist], axis=-1)
        m = swish(m_in @ lp["Wm"] + lp["bm"])
        agg = jax.ops.segment_sum(m, dst, num_segments=N)
        h = layer_norm(h + swish(jnp.concatenate([h, agg], axis=-1) @ lp["Wn"] + lp["bn"]))
        e = layer_norm(e + swish(jnp.concatenate([h[src], h[dst], e], axis=-1) @ lp["We"] + lp["be"]))
    out = h @ params["out_W"] + params["out_b"]
    # TopKPooling: projection score, keep top ratio*N nodes, gate by tanh(score)
    p = params["pool_p"]
    score = out @ p / jnp.sqrt(jnp.sum(p * p) + 1e-12)
    k = int(np.ceil(RATIO * N))
    top_scores, perm = jax.lax.top_k(score, k)
    pooled = out[perm] * jnp.tanh(top_scores)[:, None]
    pb = batch[perm]
    num_graphs = 1
    sums = jax.ops.segment_sum(pooled, pb, num_segments=num_graphs)
    counts = jax.ops.segment_sum(jnp.ones((k,), jnp.float32), pb, num_segments=num_graphs)
    global_emb = sums / jnp.maximum(counts, 1.0)[:, None]
    return out, global_emb

def reference(x, edge_attr, pos, params, edge_index, batch):
    return _forward(x, edge_attr, pos, params, edge_index, batch)

if __name__ == "__main__":
    import jax
    _d = setup_inputs()
    print(jax.jit(kernel)(*tuple(_d.values())))

</pallas_src>

<mosaic_0001>
#map = affine_map<(d0, d1) -> (0, 0)>
#map1 = affine_map<(d0, d1) -> (0)>
#map2 = affine_map<(d0, d1) -> (0, 0, 0)>
module attributes {stable_mosaic.version = 14 : i64} {
  func.func @k(%arg0: i32, %arg1: i32, %arg2: memref<320000x128xf32, #tpu.memory_space<hbm>>, %arg3: memref<320000xi32, #tpu.memory_space<hbm>>, %arg4: memref<80x128xf32, #tpu.memory_space<hbm>>, %arg5: memref<2x10000x128xf32, #tpu.memory_space<hbm>>, %arg6: memref<2x80xi32, #tpu.memory_space<vmem>>, %arg7: memref<2x80x128xf32, #tpu.memory_space<vmem>>, %arg8: memref<80x128xf32, #tpu.memory_space<vmem>>, %arg9: memref<10000x128xf32, #tpu.memory_space<vmem_shared>>, %arg10: memref<!tpu.dma_semaphore, #tpu.memory_space<semaphore_mem>>) attributes {dimension_semantics = [#tpu.dimension_semantics<core_parallel>, #tpu.dimension_semantics<subcore_parallel>], iteration_bounds = array<i64: 2, 16>, scalar_prefetch = 0 : i64, scratch_operands = 5 : i64, tpu.core_type = #tpu.core_type<sc_vector_subcore>, window_params = [{transform_indices = #map}, {transform_indices = #map1}, {transform_indices = #map}, {transform_indices = #map2}]} {
    %mul3A = arith.constant 16 : i32
    %mul3A_0 = arith.muli %arg0, %mul3A : i32
    %add3A = arith.addi %mul3A_0, %arg1 : i32
    %mul3A_1 = arith.constant 10000 : i32
    %mul3A_2 = arith.muli %add3A, %mul3A_1 : i32
    %sub3A = arith.constant 124 : i32
    %sub3A_3 = arith.subi %sub3A, %arg1 : i32
    %jit3A = arith.constant 16 : i32
    %div3A = arith.divsi %sub3A_3, %jit3A : i32
    %sign3A = arith.constant 0 : i32
    %sign3A_4 = arith.cmpi sgt, %sub3A_3, %sign3A : i32
    %sign3A_5 = arith.extui %sign3A_4 : i1 to i32
    %sign3A_6 = arith.constant 0 : i32
    %sign3A_7 = arith.cmpi slt, %sub3A_3, %sign3A_6 : i32
    %sign3A_8 = arith.extui %sign3A_7 : i1 to i32
    %sign3A_9 = arith.subi %sign3A_5, %sign3A_8 : i32
    %sign3A_10 = arith.constant 0 : i32
    %sign3A_11 = arith.cmpi sgt, %jit3A, %sign3A_10 : i32
    %sign3A_12 = arith.extui %sign3A_11 : i1 to i32
    %sign3A_13 = arith.constant 0 : i32
    %sign3A_14 = arith.cmpi slt, %jit3A, %sign3A_13 : i32
    %sign3A_15 = arith.extui %sign3A_14 : i1 to i32
    %sign3A_16 = arith.subi %sign3A_12, %sign3A_15 : i32
    %ne3A = arith.cmpi ne, %sign3A_9, %sign3A_16 : i32
    %rem3A = arith.remsi %sub3A_3, %jit3A : i32
    %ne3A_17 = arith.constant 0 : i32
    %ne3A_18 = arith.cmpi ne, %rem3A, %ne3A_17 : i32
    %and3A = arith.andi %ne3A, %ne3A_18 : i1
    %sub3A_19 = arith.constant 1 : i32
    %sub3A_20 = arith.subi %div3A, %sub3A_19 : i32
    %select_n3A = arith.select %and3A, %sub3A_20, %div3A : i32
    %add3A_21 = arith.constant 1 : i32
    %add3A_22 = arith.addi %select_n3A, %add3A_21 : i32
    "tpu.region"() ({
      %run_scoped3A_93 = tpu.sem_alloc : memref<!tpu.dma_semaphore, #tpu.memory_space<semaphore_mem>>
      tpu.enqueue_dma source(%arg4 : memref<80x128xf32, #tpu.memory_space<hbm>>) target(%arg8 : memref<80x128xf32, #tpu.memory_space<vmem>>) target_semaphore(%run_scoped3A_93 : memref<!tpu.dma_semaphore, #tpu.memory_space<semaphore_mem>>)
      tpu.wait_dma2 semaphore(%run_scoped3A_93 : memref<!tpu.dma_semaphore, #tpu.memory_space<semaphore_mem>>) src(%arg4 : memref<80x128xf32, #tpu.memory_space<hbm>>) dst(%arg8 : memref<80x128xf32, #tpu.memory_space<vmem>>)
      tpu.yield
    }) : () -> ()
    %while3A = arith.constant 0 : i32
    %while3A_23 = arith.constant 0 : i32
    %while3A_24 = arith.subi %add3A_22, %while3A_23 : i32
    %while3A_25 = arith.addi %while3A_23, %while3A_24 : i32
    %while3A_26 = arith.constant 1 : i32
    %while3A_27 = arith.divsi %while3A_24, %while3A_26 : i32
    %while3A_28 = arith.muli %while3A_27, %while3A_26 : i32
    %while3A_29 = arith.addi %while3A_23, %while3A_28 : i32
    %while3A_30 = arith.constant 1 : i32
    scf.for %while3A_93 = %while3A_23 to %while3A_29 step %while3A_30  : i32 {
      %mul3A_94 = arith.constant 16 : i32
      %mul3A_95 = arith.muli %while3A_93, %mul3A_94 : i32
      %add3A_96 = arith.addi %arg1, %mul3A_95 : i32
      %mul3A_97 = arith.constant 80 : i32
      %mul3A_98 = arith.muli %add3A_96, %mul3A_97 : i32
      "tpu.region"() ({
        %run_scoped3A_99 = tpu.sem_alloc : memref<!tpu.dma_semaphore, #tpu.memory_space<semaphore_mem>>
        %dma_start3A_100 = arith.constant 0 : i32
        %dma_start3A_101 = tpu.memref_slice %arg9[%mul3A_98, %dma_start3A_100] : memref<10000x128xf32, #tpu.memory_space<vmem_shared>> -> memref<80x128xf32, #tpu.memory_space<vmem_shared>>
        %dma_start3A_102 = arith.constant 0 : i32
        %dma_start3A_103 = tpu.memref_slice %arg9[%mul3A_98, %dma_start3A_102] : memref<10000x128xf32, #tpu.memory_space<vmem_shared>> -> memref<80x128xf32, #tpu.memory_space<vmem_shared>>
        tpu.enqueue_dma source(%arg8 : memref<80x128xf32, #tpu.memory_space<vmem>>) target(%dma_start3A_103 : memref<80x128xf32, #tpu.memory_space<vmem_shared>>) target_semaphore(%run_scoped3A_99 : memref<!tpu.dma_semaphore, #tpu.memory_space<semaphore_mem>>)
        %dma_wait3A_104 = arith.constant 0 : i32
        %dma_wait3A_105 = tpu.memref_slice %arg9[%mul3A_98, %dma_wait3A_104] : memref<10000x128xf32, #tpu.memory_space<vmem_shared>> -> memref<80x128xf32, #tpu.memory_space<vmem_shared>>
        %dma_wait3A_106 = arith.constant 0 : i32
        %dma_wait3A_107 = tpu.memref_slice %arg9[%mul3A_98, %dma_wait3A_106] : memref<10000x128xf32, #tpu.memory_space<vmem_shared>> -> memref<80x128xf32, #tpu.memory_space<vmem_shared>>
        tpu.wait_dma2 semaphore(%run_scoped3A_99 : memref<!tpu.dma_semaphore, #tpu.memory_space<semaphore_mem>>) src(%arg8 : memref<80x128xf32, #tpu.memory_space<vmem>>) dst(%dma_wait3A_107 : memref<80x128xf32, #tpu.memory_space<vmem_shared>>)
        tpu.yield
      }) : () -> ()
    }
    %while3A_31 = arith.constant 1 : i32
    scf.for %while3A_93 = %while3A_29 to %while3A_25 step %while3A_31  : i32 {
      %mul3A_94 = arith.constant 16 : i32
      %mul3A_95 = arith.muli %while3A_93, %mul3A_94 : i32
      %add3A_96 = arith.addi %arg1, %mul3A_95 : i32
      %mul3A_97 = arith.constant 80 : i32
      %mul3A_98 = arith.muli %add3A_96, %mul3A_97 : i32
      "tpu.region"() ({
        %run_scoped3A_99 = tpu.sem_alloc : memref<!tpu.dma_semaphore, #tpu.memory_space<semaphore_mem>>
        %dma_start3A_100 = arith.constant 0 : i32
        %dma_start3A_101 = tpu.memref_slice %arg9[%mul3A_98, %dma_start3A_100] : memref<10000x128xf32, #tpu.memory_space<vmem_shared>> -> memref<80x128xf32, #tpu.memory_space<vmem_shared>>
        %dma_start3A_102 = arith.constant 0 : i32
        %dma_start3A_103 = tpu.memref_slice %arg9[%mul3A_98, %dma_start3A_102] : memref<10000x128xf32, #tpu.memory_space<vmem_shared>> -> memref<80x128xf32, #tpu.memory_space<vmem_shared>>
        tpu.enqueue_dma source(%arg8 : memref<80x128xf32, #tpu.memory_space<vmem>>) target(%dma_start3A_103 : memref<80x128xf32, #tpu.memory_space<vmem_shared>>) target_semaphore(%run_scoped3A_99 : memref<!tpu.dma_semaphore, #tpu.memory_space<semaphore_mem>>)
        %dma_wait3A_104 = arith.constant 0 : i32
        %dma_wait3A_105 = tpu.memref_slice %arg9[%mul3A_98, %dma_wait3A_104] : memref<10000x128xf32, #tpu.memory_space<vmem_shared>> -> memref<80x128xf32, #tpu.memory_space<vmem_shared>>
        %dma_wait3A_106 = arith.constant 0 : i32
        %dma_wait3A_107 = tpu.memref_slice %arg9[%mul3A_98, %dma_wait3A_106] : memref<10000x128xf32, #tpu.memory_space<vmem_shared>> -> memref<80x128xf32, #tpu.memory_space<vmem_shared>>
        tpu.wait_dma2 semaphore(%run_scoped3A_99 : memref<!tpu.dma_semaphore, #tpu.memory_space<semaphore_mem>>) src(%arg8 : memref<80x128xf32, #tpu.memory_space<vmem>>) dst(%dma_wait3A_107 : memref<80x128xf32, #tpu.memory_space<vmem_shared>>)
        tpu.yield
      }) : () -> ()
    }
    %barrier3A = arith.constant 0 : index
    tpu.barrier barrier_id(%barrier3A)
    %add3A_32 = arith.constant 0 : i32
    %add3A_33 = arith.addi %mul3A_2, %add3A_32 : i32
    %dma_start3A = arith.constant 0 : i32
    %dma_start3A_34 = arith.constant 0 : i32
    %dma_start3A_35 = tpu.memref_slice %arg6[%dma_start3A, %dma_start3A_34] : memref<2x80xi32, #tpu.memory_space<vmem>> -> memref<1x80xi32, #tpu.memory_space<vmem>>
    %dma_start3A_36 = tpu.memref_squeeze %dma_start3A_35 : memref<1x80xi32, #tpu.memory_space<vmem>> -> memref<80xi32, #tpu.memory_space<vmem>>
    %dma_start3A_37 = tpu.memref_slice %arg3[%add3A_33] : memref<320000xi32, #tpu.memory_space<hbm>> -> memref<80xi32, #tpu.memory_space<hbm>>
    %dma_start3A_38 = arith.constant 0 : i32
    %dma_start3A_39 = tpu.memref_slice %arg6[%dma_start3A, %dma_start3A_38] : memref<2x80xi32, #tpu.memory_space<vmem>> -> memref<1x80xi32, #tpu.memory_space<vmem>>
    %dma_start3A_40 = tpu.memref_squeeze %dma_start3A_39 : memref<1x80xi32, #tpu.memory_space<vmem>> -> memref<80xi32, #tpu.memory_space<vmem>>
    %dma_start3A_41 = tpu.memref_slice %arg3[%add3A_33] : memref<320000xi32, #tpu.memory_space<hbm>> -> memref<80xi32, #tpu.memory_space<hbm>>
    tpu.enqueue_dma source(%dma_start3A_41 : memref<80xi32, #tpu.memory_space<hbm>>) target(%dma_start3A_40 : memref<80xi32, #tpu.memory_space<vmem>>) target_semaphore(%arg10 : memref<!tpu.dma_semaphore, #tpu.memory_space<semaphore_mem>>)
    %dma_start3A_42 = arith.constant 0 : i32
    %dma_start3A_43 = arith.constant 0 : i32
    %dma_start3A_44 = arith.constant 0 : i32
    %dma_start3A_45 = tpu.memref_slice %arg7[%dma_start3A_42, %dma_start3A_43, %dma_start3A_44] : memref<2x80x128xf32, #tpu.memory_space<vmem>> -> memref<1x80x128xf32, #tpu.memory_space<vmem>>
    %dma_start3A_46 = tpu.memref_squeeze %dma_start3A_45 : memref<1x80x128xf32, #tpu.memory_space<vmem>> -> memref<80x128xf32, #tpu.memory_space<vmem>>
    %dma_start3A_47 = arith.constant 0 : i32
    %dma_start3A_48 = tpu.memref_slice %arg2[%add3A_33, %dma_start3A_47] : memref<320000x128xf32, #tpu.memory_space<hbm>> -> memref<80x128xf32, #tpu.memory_space<hbm>>
    %dma_start3A_49 = arith.constant 0 : i32
    %dma_start3A_50 = arith.constant 0 : i32
    %dma_start3A_51 = tpu.memref_slice %arg7[%dma_start3A_42, %dma_start3A_49, %dma_start3A_50] : memref<2x80x128xf32, #tpu.memory_space<vmem>> -> memref<1x80x128xf32, #tpu.memory_space<vmem>>
    %dma_start3A_52 = tpu.memref_squeeze %dma_start3A_51 : memref<1x80x128xf32, #tpu.memory_space<vmem>> -> memref<80x128xf32, #tpu.memory_space<vmem>>
    %dma_start3A_53 = arith.constant 0 : i32
    %dma_start3A_54 = tpu.memref_slice %arg2[%add3A_33, %dma_start3A_53] : memref<320000x128xf32, #tpu.memory_space<hbm>> -> memref<80x128xf32, #tpu.memory_space<hbm>>
    tpu.enqueue_dma source(%dma_start3A_54 : memref<80x128xf32, #tpu.memory_space<hbm>>) target(%dma_start3A_52 : memref<80x128xf32, #tpu.memory_space<vmem>>) target_semaphore(%arg10 : memref<!tpu.dma_semaphore, #tpu.memory_space<semaphore_mem>>)
    %dma_wait3A = arith.constant 0 : i32
    %dma_wait3A_55 = arith.constant 0 : i32
    %dma_wait3A_56 = tpu.memref_slice %arg6[%dma_wait3A, %dma_wait3A_55] : memref<2x80xi32, #tpu.memory_space<vmem>> -> memref<1x80xi32, #tpu.memory_space<vmem>>
    %dma_wait3A_57 = tpu.memref_squeeze %dma_wait3A_56 : memref<1x80xi32, #tpu.memory_space<vmem>> -> memref<80xi32, #tpu.memory_space<vmem>>
    %dma_wait3A_58 = tpu.memref_slice %arg3[%add3A_33] : memref<320000xi32, #tpu.memory_space<hbm>> -> memref<80xi32, #tpu.memory_space<hbm>>
    %dma_wait3A_59 = arith.constant 0 : i32
    %dma_wait3A_60 = tpu.memref_slice %arg6[%dma_wait3A, %dma_wait3A_59] : memref<2x80xi32, #tpu.memory_space<vmem>> -> memref<1x80xi32, #tpu.memory_space<vmem>>
    %dma_wait3A_61 = tpu.memref_squeeze %dma_wait3A_60 : memref<1x80xi32, #tpu.memory_space<vmem>> -> memref<80xi32, #tpu.memory_space<vmem>>
    %dma_wait3A_62 = tpu.memref_slice %arg3[%add3A_33] : memref<320000xi32, #tpu.memory_space<hbm>> -> memref<80xi32, #tpu.memory_space<hbm>>
    tpu.wait_dma2 semaphore(%arg10 : memref<!tpu.dma_semaphore, #tpu.memory_space<semaphore_mem>>) src(%dma_wait3A_62 : memref<80xi32, #tpu.memory_space<hbm>>) dst(%dma_wait3A_61 : memref<80xi32, #tpu.memory_space<vmem>>)
    %dma_wait3A_63 = arith.constant 0 : i32
    %dma_wait3A_64 = arith.constant 0 : i32
    %dma_wait3A_65 = arith.constant 0 : i32
    %dma_wait3A_66 = tpu.memref_slice %arg7[%dma_wait3A_63, %dma_wait3A_64, %dma_wait3A_65] : memref<2x80x128xf32, #tpu.memory_space<vmem>> -> memref<1x80x128xf32, #tpu.memory_space<vmem>>
    %dma_wait3A_67 = tpu.memref_squeeze %dma_wait3A_66 : memref<1x80x128xf32, #tpu.memory_space<vmem>> -> memref<80x128xf32, #tpu.memory_space<vmem>>
    %dma_wait3A_68 = arith.constant 0 : i32
    %dma_wait3A_69 = tpu.memref_slice %arg2[%add3A_33, %dma_wait3A_68] : memref<320000x128xf32, #tpu.memory_space<hbm>> -> memref<80x128xf32, #tpu.memory_space<hbm>>
    %dma_wait3A_70 = arith.constant 0 : i32
    %dma_wait3A_71 = arith.constant 0 : i32
    %dma_wait3A_72 = tpu.memref_slice %arg7[%dma_wait3A_63, %dma_wait3A_70, %dma_wait3A_71] : memref<2x80x128xf32, #tpu.memory_space<vmem>> -> memref<1x80x128xf32, #tpu.memory_space<vmem>>
    %dma_wait3A_73 = tpu.memref_squeeze %dma_wait3A_72 : memref<1x80x128xf32, #tpu.memory_space<vmem>> -> memref<80x128xf32, #tpu.memory_space<vmem>>
    %dma_wait3A_74 = arith.constant 0 : i32
    %dma_wait3A_75 = tpu.memref_slice %arg2[%add3A_33, %dma_wait3A_74] : memref<320000x128xf32, #tpu.memory_space<hbm>> -> memref<80x128xf32, #tpu.memory_space<hbm>>
    tpu.wait_dma2 semaphore(%arg10 : memref<!tpu.dma_semaphore, #tpu.memory_space<semaphore_mem>>) src(%dma_wait3A_75 : memref<80x128xf32, #tpu.memory_space<hbm>>) dst(%dma_wait3A_73 : memref<80x128xf32, #tpu.memory_space<vmem>>)
    %scan3A = arith.constant 0 : i32
    %scan3A_76 = arith.constant 0 : i32
    %scan3A_77 = arith.constant 62 : i32
    %scan3A_78 = arith.addi %scan3A_76, %scan3A_77 : i32
    %scan3A_79 = arith.constant 1 : i32
    scf.for %scan3A_93 = %scan3A_76 to %scan3A_78 step %scan3A_79  : i32 {
      %mul3A_94 = arith.constant 2 : i32
      %mul3A_95 = arith.muli %mul3A_94, %scan3A_93 : i32
      %add3A_96 = arith.constant 1 : i32
      %add3A_97 = arith.addi %mul3A_95, %add3A_96 : i32
      %mul3A_98 = arith.constant 80 : i32
      %mul3A_99 = arith.muli %add3A_97, %mul3A_98 : i32
      %add3A_100 = arith.addi %mul3A_2, %mul3A_99 : i32
      %dma_start3A_101 = arith.constant 1 : i32
      %dma_start3A_102 = arith.constant 0 : i32
      %dma_start3A_103 = tpu.memref_slice %arg6[%dma_start3A_101, %dma_start3A_102] : memref<2x80xi32, #tpu.memory_space<vmem>> -> memref<1x80xi32, #tpu.memory_space<vmem>>
      %dma_start3A_104 = tpu.memref_squeeze %dma_start3A_103 : memref<1x80xi32, #tpu.memory_space<vmem>> -> memref<80xi32, #tpu.memory_space<vmem>>
      %dma_start3A_105 = tpu.memref_slice %arg3[%add3A_100] : memref<320000xi32, #tpu.memory_space<hbm>> -> memref<80xi32, #tpu.memory_space<hbm>>
      %dma_start3A_106 = arith.constant 0 : i32
      %dma_start3A_107 = tpu.memref_slice %arg6[%dma_start3A_101, %dma_start3A_106] : memref<2x80xi32, #tpu.memory_space<vmem>> -> memref<1x80xi32, #tpu.memory_space<vmem>>
      %dma_start3A_108 = tpu.memref_squeeze %dma_start3A_107 : memref<1x80xi32, #tpu.memory_space<vmem>> -> memref<80xi32, #tpu.memory_space<vmem>>
      %dma_start3A_109 = tpu.memref_slice %arg3[%add3A_100] : memref<320000xi32, #tpu.memory_space<hbm>> -> memref<80xi32, #tpu.memory_space<hbm>>
      tpu.enqueue_dma source(%dma_start3A_109 : memref<80xi32, #tpu.memory_space<hbm>>) target(%dma_start3A_108 : memref<80xi32, #tpu.memory_space<vmem>>) target_semaphore(%arg10 : memref<!tpu.dma_semaphore, #tpu.memory_space<semaphore_mem>>)
      %dma_start3A_110 = arith.constant 1 : i32
      %dma_start3A_111 = arith.constant 0 : i32
      %dma_start3A_112 = arith.constant 0 : i32
      %dma_start3A_113 = tpu.memref_slice %arg7[%dma_start3A_110, %dma_start3A_111, %dma_start3A_112] : memref<2x80x128xf32, #tpu.memory_space<vmem>> -> memref<1x80x128xf32, #tpu.memory_space<vmem>>
      %dma_start3A_114 = tpu.memref_squeeze %dma_start3A_113 : memref<1x80x128xf32, #tpu.memory_space<vmem>> -> memref<80x128xf32, #tpu.memory_space<vmem>>
      %dma_start3A_115 = arith.constant 0 : i32
      %dma_start3A_116 = tpu.memref_slice %arg2[%add3A_100, %dma_start3A_115] : memref<320000x128xf32, #tpu.memory_space<hbm>> -> memref<80x128xf32, #tpu.memory_space<hbm>>
      %dma_start3A_117 = arith.constant 0 : i32
      %dma_start3A_118 = arith.constant 0 : i32
      %dma_start3A_119 = tpu.memref_slice %arg7[%dma_start3A_110, %dma_start3A_117, %dma_start3A_118] : memref<2x80x128xf32, #tpu.memory_space<vmem>> -> memref<1x80x128xf32, #tpu.memory_space<vmem>>
      %dma_start3A_120 = tpu.memref_squeeze %dma_start3A_119 : memref<1x80x128xf32, #tpu.memory_space<vmem>> -> memref<80x128xf32, #tpu.memory_space<vmem>>
      %dma_start3A_121 = arith.constant 0 : i32
      %dma_start3A_122 = tpu.memref_slice %arg2[%add3A_100, %dma_start3A_121] : memref<320000x128xf32, #tpu.memory_space<hbm>> -> memref<80x128xf32, #tpu.memory_space<hbm>>
      tpu.enqueue_dma source(%dma_start3A_122 : memref<80x128xf32, #tpu.memory_space<hbm>>) target(%dma_start3A_120 : memref<80x128xf32, #tpu.memory_space<vmem>>) target_semaphore(%arg10 : memref<!tpu.dma_semaphore, #tpu.memory_space<semaphore_mem>>)
      %run_scoped3A_123 = arith.constant 0 : i32
      %run_scoped3A_124 = arith.constant 0 : i32
      "tpu.region"() ({
        %run_scoped3A_200 = tpu.sem_alloc : memref<!tpu.dma_semaphore, #tpu.memory_space<semaphore_mem>>
        %dma_start3A_201 = arith.constant 0 : i32
        %dma_start3A_202 = arith.constant 0 : i32
        %dma_start3A_203 = tpu.memref_slice %arg7[%run_scoped3A_123, %dma_start3A_201, %dma_start3A_202] : memref<2x80x128xf32, #tpu.memory_space<vmem>> -> memref<1x80x128xf32, #tpu.memory_space<vmem>>
        %dma_start3A_204 = tpu.memref_squeeze %dma_start3A_203 : memref<1x80x128xf32, #tpu.memory_space<vmem>> -> memref<80x128xf32, #tpu.memory_space<vmem>>
        %dma_start3A_205 = arith.constant 0 : i32
        %dma_start3A_206 = tpu.memref_slice %arg6[%run_scoped3A_124, %dma_start3A_205] : memref<2x80xi32, #tpu.memory_space<vmem>> -> memref<1x80xi32, #tpu.memory_space<vmem>>
        %dma_start3A_207 = tpu.memref_squeeze %dma_start3A_206 : memref<1x80xi32, #tpu.memory_space<vmem>> -> memref<80xi32, #tpu.memory_space<vmem>>
        %dma_start3A_208 = arith.constant 0 : i32
        %dma_start3A_209 = arith.constant 0 : i32
        %dma_start3A_210 = tpu.memref_slice %arg9[%dma_start3A_208, %dma_start3A_209] : memref<10000x128xf32, #tpu.memory_space<vmem_shared>> -> memref<10000x128xf32, #tpu.memory_space<vmem_shared>>
        tpu.enqueue_indirect_dma source(%dma_start3A_204 : memref<80x128xf32, #tpu.memory_space<vmem>>) target(%dma_start3A_210 : memref<10000x128xf32, #tpu.memory_space<vmem_shared>>) offsets(%dma_start3A_207 : memref<80xi32, #tpu.memory_space<vmem>>) semaphore(%run_scoped3A_200 : memref<!tpu.dma_semaphore, #tpu.memory_space<semaphore_mem>>) {add = true}
        %dma_wait3A_211 = arith.constant 0 : i32
        %dma_wait3A_212 = arith.constant 0 : i32
        %dma_wait3A_213 = tpu.memref_slice %arg7[%run_scoped3A_123, %dma_wait3A_211, %dma_wait3A_212] : memref<2x80x128xf32, #tpu.memory_space<vmem>> -> memref<1x80x128xf32, #tpu.memory_space<vmem>>
        %dma_wait3A_214 = tpu.memref_squeeze %dma_wait3A_213 : memref<1x80x128xf32, #tpu.memory_space<vmem>> -> memref<80x128xf32, #tpu.memory_space<vmem>>
        %dma_wait3A_215 = arith.constant 0 : i32
        %dma_wait3A_216 = tpu.memref_slice %arg6[%run_scoped3A_124, %dma_wait3A_215] : memref<2x80xi32, #tpu.memory_space<vmem>> -> memref<1x80xi32, #tpu.memory_space<vmem>>
        %dma_wait3A_217 = tpu.memref_squeeze %dma_wait3A_216 : memref<1x80xi32, #tpu.memory_space<vmem>> -> memref<80xi32, #tpu.memory_space<vmem>>
        %dma_wait3A_218 = arith.constant 0 : i32
        %dma_wait3A_219 = arith.constant 0 : i32
        %dma_wait3A_220 = tpu.memref_slice %arg9[%dma_wait3A_218, %dma_wait3A_219] : memref<10000x128xf32, #tpu.memory_space<vmem_shared>> -> memref<10000x128xf32, #tpu.memory_space<vmem_shared>>
        tpu.wait_indirect_dma semaphore(%run_scoped3A_200 : memref<!tpu.dma_semaphore, #tpu.memory_space<semaphore_mem>>) src(%dma_wait3A_214 : memref<80x128xf32, #tpu.memory_space<vmem>>) dst(%dma_wait3A_220 : memref<10000x128xf32, #tpu.memory_space<vmem_shared>>)
        tpu.yield
      }) : () -> ()
      %dma_wait3A_125 = arith.constant 1 : i32
      %dma_wait3A_126 = arith.constant 0 : i32
      %dma_wait3A_127 = tpu.memref_slice %arg6[%dma_wait3A_125, %dma_wait3A_126] : memref<2x80xi32, #tpu.memory_space<vmem>> -> memref<1x80xi32, #tpu.memory_space<vmem>>
      %dma_wait3A_128 = tpu.memref_squeeze %dma_wait3A_127 : memref<1x80xi32, #tpu.memory_space<vmem>> -> memref<80xi32, #tpu.memory_space<vmem>>
      %dma_wait3A_129 = tpu.memref_slice %arg3[%add3A_100] : memref<320000xi32, #tpu.memory_space<hbm>> -> memref<80xi32, #tpu.memory_space<hbm>>
      %dma_wait3A_130 = arith.constant 0 : i32
      %dma_wait3A_131 = tpu.memref_slice %arg6[%dma_wait3A_125, %dma_wait3A_130] : memref<2x80xi32, #tpu.memory_space<vmem>> -> memref<1x80xi32, #tpu.memory_space<vmem>>
      %dma_wait3A_132 = tpu.memref_squeeze %dma_wait3A_131 : memref<1x80xi32, #tpu.memory_space<vmem>> -> memref<80xi32, #tpu.memory_space<vmem>>
      %dma_wait3A_133 = tpu.memref_slice %arg3[%add3A_100] : memref<320000xi32, #tpu.memory_space<hbm>> -> memref<80xi32, #tpu.memory_space<hbm>>
      tpu.wait_dma2 semaphore(%arg10 : memref<!tpu.dma_semaphore, #tpu.memory_space<semaphore_mem>>) src(%dma_wait3A_133 : memref<80xi32, #tpu.memory_space<hbm>>) dst(%dma_wait3A_132 : memref<80xi32, #tpu.memory_space<vmem>>)
      %dma_wait3A_134 = arith.constant 1 : i32
      %dma_wait3A_135 = arith.constant 0 : i32
      %dma_wait3A_136 = arith.constant 0 : i32
      %dma_wait3A_137 = tpu.memref_slice %arg7[%dma_wait3A_134, %dma_wait3A_135, %dma_wait3A_136] : memref<2x80x128xf32, #tpu.memory_space<vmem>> -> memref<1x80x128xf32, #tpu.memory_space<vmem>>
      %dma_wait3A_138 = tpu.memref_squeeze %dma_wait3A_137 : memref<1x80x128xf32, #tpu.memory_space<vmem>> -> memref<80x128xf32, #tpu.memory_space<vmem>>
      %dma_wait3A_139 = arith.constant 0 : i32
      %dma_wait3A_140 = tpu.memref_slice %arg2[%add3A_100, %dma_wait3A_139] : memref<320000x128xf32, #tpu.memory_space<hbm>> -> memref<80x128xf32, #tpu.memory_space<hbm>>
      %dma_wait3A_141 = arith.constant 0 : i32
      %dma_wait3A_142 = arith.constant 0 : i32
      %dma_wait3A_143 = tpu.memref_slice %arg7[%dma_wait3A_134, %dma_wait3A_141, %dma_wait3A_142] : memref<2x80x128xf32, #tpu.memory_space<vmem>> -> memref<1x80x128xf32, #tpu.memory_space<vmem>>
      %dma_wait3A_144 = tpu.memref_squeeze %dma_wait3A_143 : memref<1x80x128xf32, #tpu.memory_space<vmem>> -> memref<80x128xf32, #tpu.memory_space<vmem>>
      %dma_wait3A_145 = arith.constant 0 : i32
      %dma_wait3A_146 = tpu.memref_slice %arg2[%add3A_100, %dma_wait3A_145] : memref<320000x128xf32, #tpu.memory_space<hbm>> -> memref<80x128xf32, #tpu.memory_space<hbm>>
      tpu.wait_dma2 semaphore(%arg10 : memref<!tpu.dma_semaphore, #tpu.memory_space<semaphore_mem>>) src(%dma_wait3A_146 : memref<80x128xf32, #tpu.memory_space<hbm>>) dst(%dma_wait3A_144 : memref<80x128xf32, #tpu.memory_space<vmem>>)
      %mul3A_147 = arith.constant 2 : i32
      %mul3A_148 = arith.muli %mul3A_147, %scan3A_93 : i32
      %add3A_149 = arith.constant 2 : i32
      %add3A_150 = arith.addi %mul3A_148, %add3A_149 : i32
      %mul3A_151 = arith.constant 80 : i32
      %mul3A_152 = arith.muli %add3A_150, %mul3A_151 : i32
      %add3A_153 = arith.addi %mul3A_2, %mul3A_152 : i32
      %dma_start3A_154 = arith.constant 0 : i32
      %dma_start3A_155 = arith.constant 0 : i32
      %dma_start3A_156 = tpu.memref_slice %arg6[%dma_start3A_154, %dma_start3A_155] : memref<2x80xi32, #tpu.memory_space<vmem>> -> memref<1x80xi32, #tpu.memory_space<vmem>>
      %dma_start3A_157 = tpu.memref_squeeze %dma_start3A_156 : memref<1x80xi32, #tpu.memory_space<vmem>> -> memref<80xi32, #tpu.memory_space<vmem>>
      %dma_start3A_158 = tpu.memref_slice %arg3[%add3A_153] : memref<320000xi32, #tpu.memory_space<hbm>> -> memref<80xi32, #tpu.memory_space<hbm>>
      %dma_start3A_159 = arith.constant 0 : i32
      %dma_start3A_160 = tpu.memref_slice %arg6[%dma_start3A_154, %dma_start3A_159] : memref<2x80xi32, #tpu.memory_space<vmem>> -> memref<1x80xi32, #tpu.memory_space<vmem>>
      %dma_start3A_161 = tpu.memref_squeeze %dma_start3A_160 : memref<1x80xi32, #tpu.memory_space<vmem>> -> memref<80xi32, #tpu.memory_space<vmem>>
      %dma_start3A_162 = tpu.memref_slice %arg3[%add3A_153] : memref<320000xi32, #tpu.memory_space<hbm>> -> memref<80xi32, #tpu.memory_space<hbm>>
      tpu.enqueue_dma source(%dma_start3A_162 : memref<80xi32, #tpu.memory_space<hbm>>) target(%dma_start3A_161 : memref<80xi32, #tpu.memory_space<vmem>>) target_semaphore(%arg10 : memref<!tpu.dma_semaphore, #tpu.memory_space<semaphore_mem>>)
      %dma_start3A_163 = arith.constant 0 : i32
      %dma_start3A_164 = arith.constant 0 : i32
      %dma_start3A_165 = arith.constant 0 : i32
      %dma_start3A_166 = tpu.memref_slice %arg7[%dma_start3A_163, %dma_start3A_164, %dma_start3A_165] : memref<2x80x128xf32, #tpu.memory_space<vmem>> -> memref<1x80x128xf32, #tpu.memory_space<vmem>>
      %dma_start3A_167 = tpu.memref_squeeze %dma_start3A_166 : memref<1x80x128xf32, #tpu.memory_space<vmem>> -> memref<80x128xf32, #tpu.memory_space<vmem>>
      %dma_start3A_168 = arith.constant 0 : i32
      %dma_start3A_169 = tpu.memref_slice %arg2[%add3A_153, %dma_start3A_168] : memref<320000x128xf32, #tpu.memory_space<hbm>> -> memref<80x128xf32, #tpu.memory_space<hbm>>
      %dma_start3A_170 = arith.constant 0 : i32
      %dma_start3A_171 = arith.constant 0 : i32
      %dma_start3A_172 = tpu.memref_slice %arg7[%dma_start3A_163, %dma_start3A_170, %dma_start3A_171] : memref<2x80x128xf32, #tpu.memory_space<vmem>> -> memref<1x80x128xf32, #tpu.memory_space<vmem>>
      %dma_start3A_173 = tpu.memref_squeeze %dma_start3A_172 : memref<1x80x128xf32, #tpu.memory_space<vmem>> -> memref<80x128xf32, #tpu.memory_space<vmem>>
      %dma_start3A_174 = arith.constant 0 : i32
      %dma_start3A_175 = tpu.memref_slice %arg2[%add3A_153, %dma_start3A_174] : memref<320000x128xf32, #tpu.memory_space<hbm>> -> memref<80x128xf32, #tpu.memory_space<hbm>>
      tpu.enqueue_dma source(%dma_start3A_175 : memref<80x128xf32, #tpu.memory_space<hbm>>) target(%dma_start3A_173 : memref<80x128xf32, #tpu.memory_space<vmem>>) target_semaphore(%arg10 : memref<!tpu.dma_semaphore, #tpu.memory_space<semaphore_mem>>)
      %run_scoped3A_176 = arith.constant 1 : i32
      %run_scoped3A_177 = arith.constant 1 : i32
      "tpu.region"() ({
        %run_scoped3A_200 = tpu.sem_alloc : memref<!tpu.dma_semaphore, #tpu.memory_space<semaphore_mem>>
        %dma_start3A_201 = arith.constant 0 : i32
        %dma_start3A_202 = arith.constant 0 : i32
        %dma_start3A_203 = tpu.memref_slice %arg7[%run_scoped3A_176, %dma_start3A_201, %dma_start3A_202] : memref<2x80x128xf32, #tpu.memory_space<vmem>> -> memref<1x80x128xf32, #tpu.memory_space<vmem>>
        %dma_start3A_204 = tpu.memref_squeeze %dma_start3A_203 : memref<1x80x128xf32, #tpu.memory_space<vmem>> -> memref<80x128xf32, #tpu.memory_space<vmem>>
        %dma_start3A_205 = arith.constant 0 : i32
        %dma_start3A_206 = tpu.memref_slice %arg6[%run_scoped3A_177, %dma_start3A_205] : memref<2x80xi32, #tpu.memory_space<vmem>> -> memref<1x80xi32, #tpu.memory_space<vmem>>
        %dma_start3A_207 = tpu.memref_squeeze %dma_start3A_206 : memref<1x80xi32, #tpu.memory_space<vmem>> -> memref<80xi32, #tpu.memory_space<vmem>>
        %dma_start3A_208 = arith.constant 0 : i32
        %dma_start3A_209 = arith.constant 0 : i32
        %dma_start3A_210 = tpu.memref_slice %arg9[%dma_start3A_208, %dma_start3A_209] : memref<10000x128xf32, #tpu.memory_space<vmem_shared>> -> memref<10000x128xf32, #tpu.memory_space<vmem_shared>>
        tpu.enqueue_indirect_dma source(%dma_start3A_204 : memref<80x128xf32, #tpu.memory_space<vmem>>) target(%dma_start3A_210 : memref<10000x128xf32, #tpu.memory_space<vmem_shared>>) offsets(%dma_start3A_207 : memref<80xi32, #tpu.memory_space<vmem>>) semaphore(%run_scoped3A_200 : memref<!tpu.dma_semaphore, #tpu.memory_space<semaphore_mem>>) {add = true}
        %dma_wait3A_211 = arith.constant 0 : i32
        %dma_wait3A_212 = arith.constant 0 : i32
        %dma_wait3A_213 = tpu.memref_slice %arg7[%run_scoped3A_176, %dma_wait3A_211, %dma_wait3A_212] : memref<2x80x128xf32, #tpu.memory_space<vmem>> -> memref<1x80x128xf32, #tpu.memory_space<vmem>>
        %dma_wait3A_214 = tpu.memref_squeeze %dma_wait3A_213 : memref<1x80x128xf32, #tpu.memory_space<vmem>> -> memref<80x128xf32, #tpu.memory_space<vmem>>
        %dma_wait3A_215 = arith.constant 0 : i32
        %dma_wait3A_216 = tpu.memref_slice %arg6[%run_scoped3A_177, %dma_wait3A_215] : memref<2x80xi32, #tpu.memory_space<vmem>> -> memref<1x80xi32, #tpu.memory_space<vmem>>
        %dma_wait3A_217 = tpu.memref_squeeze %dma_wait3A_216 : memref<1x80xi32, #tpu.memory_space<vmem>> -> memref<80xi32, #tpu.memory_space<vmem>>
        %dma_wait3A_218 = arith.constant 0 : i32
        %dma_wait3A_219 = arith.constant 0 : i32
        %dma_wait3A_220 = tpu.memref_slice %arg9[%dma_wait3A_218, %dma_wait3A_219] : memref<10000x128xf32, #tpu.memory_space<vmem_shared>> -> memref<10000x128xf32, #tpu.memory_space<vmem_shared>>
        tpu.wait_indirect_dma semaphore(%run_scoped3A_200 : memref<!tpu.dma_semaphore, #tpu.memory_space<semaphore_mem>>) src(%dma_wait3A_214 : memref<80x128xf32, #tpu.memory_space<vmem>>) dst(%dma_wait3A_220 : memref<10000x128xf32, #tpu.memory_space<vmem_shared>>)
        tpu.yield
      }) : () -> ()
      %dma_wait3A_178 = arith.constant 0 : i32
      %dma_wait3A_179 = arith.constant 0 : i32
      %dma_wait3A_180 = tpu.memref_slice %arg6[%dma_wait3A_178, %dma_wait3A_179] : memref<2x80xi32, #tpu.memory_space<vmem>> -> memref<1x80xi32, #tpu.memory_space<vmem>>
      %dma_wait3A_181 = tpu.memref_squeeze %dma_wait3A_180 : memref<1x80xi32, #tpu.memory_space<vmem>> -> memref<80xi32, #tpu.memory_space<vmem>>
      %dma_wait3A_182 = tpu.memref_slice %arg3[%add3A_153] : memref<320000xi32, #tpu.memory_space<hbm>> -> memref<80xi32, #tpu.memory_space<hbm>>
      %dma_wait3A_183 = arith.constant 0 : i32
      %dma_wait3A_184 = tpu.memref_slice %arg6[%dma_wait3A_178, %dma_wait3A_183] : memref<2x80xi32, #tpu.memory_space<vmem>> -> memref<1x80xi32, #tpu.memory_space<vmem>>
      %dma_wait3A_185 = tpu.memref_squeeze %dma_wait3A_184 : memref<1x80xi32, #tpu.memory_space<vmem>> -> memref<80xi32, #tpu.memory_space<vmem>>
      %dma_wait3A_186 = tpu.memref_slice %arg3[%add3A_153] : memref<320000xi32, #tpu.memory_space<hbm>> -> memref<80xi32, #tpu.memory_space<hbm>>
      tpu.wait_dma2 semaphore(%arg10 : memref<!tpu.dma_semaphore, #tpu.memory_space<semaphore_mem>>) src(%dma_wait3A_186 : memref<80xi32, #tpu.memory_space<hbm>>) dst(%dma_wait3A_185 : memref<80xi32, #tpu.memory_space<vmem>>)
      %dma_wait3A_187 = arith.constant 0 : i32
      %dma_wait3A_188 = arith.constant 0 : i32
      %dma_wait3A_189 = arith.constant 0 : i32
      %dma_wait3A_190 = tpu.memref_slice %arg7[%dma_wait3A_187, %dma_wait3A_188, %dma_wait3A_189] : memref<2x80x128xf32, #tpu.memory_space<vmem>> -> memref<1x80x128xf32, #tpu.memory_space<vmem>>
      %dma_wait3A_191 = tpu.memref_squeeze %dma_wait3A_190 : memref<1x80x128xf32, #tpu.memory_space<vmem>> -> memref<80x128xf32, #tpu.memory_space<vmem>>
      %dma_wait3A_192 = arith.constant 0 : i32
      %dma_wait3A_193 = tpu.memref_slice %arg2[%add3A_153, %dma_wait3A_192] : memref<320000x128xf32, #tpu.memory_space<hbm>> -> memref<80x128xf32, #tpu.memory_space<hbm>>
      %dma_wait3A_194 = arith.constant 0 : i32
      %dma_wait3A_195 = arith.constant 0 : i32
      %dma_wait3A_196 = tpu.memref_slice %arg7[%dma_wait3A_187, %dma_wait3A_194, %dma_wait3A_195] : memref<2x80x128xf32, #tpu.memory_space<vmem>> -> memref<1x80x128xf32, #tpu.memory_space<vmem>>
      %dma_wait3A_197 = tpu.memref_squeeze %dma_wait3A_196 : memref<1x80x128xf32, #tpu.memory_space<vmem>> -> memref<80x128xf32, #tpu.memory_space<vmem>>
      %dma_wait3A_198 = arith.constant 0 : i32
      %dma_wait3A_199 = tpu.memref_slice %arg2[%add3A_153, %dma_wait3A_198] : memref<320000x128xf32, #tpu.memory_space<hbm>> -> memref<80x128xf32, #tpu.memory_space<hbm>>
      tpu.wait_dma2 semaphore(%arg10 : memref<!tpu.dma_semaphore, #tpu.memory_space<semaphore_mem>>) src(%dma_wait3A_199 : memref<80x128xf32, #tpu.memory_space<hbm>>) dst(%dma_wait3A_197 : memref<80x128xf32, #tpu.memory_space<vmem>>)
    }
    %scan3A_80 = arith.constant 62 : i32
    %run_scoped3A = arith.constant 0 : i32
    %run_scoped3A_81 = arith.constant 0 : i32
    "tpu.region"() ({
      %run_scoped3A_93 = tpu.sem_alloc : memref<!tpu.dma_semaphore, #tpu.memory_space<semaphore_mem>>
      %dma_start3A_94 = arith.constant 0 : i32
      %dma_start3A_95 = arith.constant 0 : i32
      %dma_start3A_96 = tpu.memref_slice %arg7[%run_scoped3A, %dma_start3A_94, %dma_start3A_95] : memref<2x80x128xf32, #tpu.memory_space<vmem>> -> memref<1x80x128xf32, #tpu.memory_space<vmem>>
      %dma_start3A_97 = tpu.memref_squeeze %dma_start3A_96 : memref<1x80x128xf32, #tpu.memory_space<vmem>> -> memref<80x128xf32, #tpu.memory_space<vmem>>
      %dma_start3A_98 = arith.constant 0 : i32
      %dma_start3A_99 = tpu.memref_slice %arg6[%run_scoped3A_81, %dma_start3A_98] : memref<2x80xi32, #tpu.memory_space<vmem>> -> memref<1x80xi32, #tpu.memory_space<vmem>>
      %dma_start3A_100 = tpu.memref_squeeze %dma_start3A_99 : memref<1x80xi32, #tpu.memory_space<vmem>> -> memref<80xi32, #tpu.memory_space<vmem>>
      %dma_start3A_101 = arith.constant 0 : i32
      %dma_start3A_102 = arith.constant 0 : i32
      %dma_start3A_103 = tpu.memref_slice %arg9[%dma_start3A_101, %dma_start3A_102] : memref<10000x128xf32, #tpu.memory_space<vmem_shared>> -> memref<10000x128xf32, #tpu.memory_space<vmem_shared>>
      tpu.enqueue_indirect_dma source(%dma_start3A_97 : memref<80x128xf32, #tpu.memory_space<vmem>>) target(%dma_start3A_103 : memref<10000x128xf32, #tpu.memory_space<vmem_shared>>) offsets(%dma_start3A_100 : memref<80xi32, #tpu.memory_space<vmem>>) semaphore(%run_scoped3A_93 : memref<!tpu.dma_semaphore, #tpu.memory_space<semaphore_mem>>) {add = true}
      %dma_wait3A_104 = arith.constant 0 : i32
      %dma_wait3A_105 = arith.constant 0 : i32
      %dma_wait3A_106 = tpu.memref_slice %arg7[%run_scoped3A, %dma_wait3A_104, %dma_wait3A_105] : memref<2x80x128xf32, #tpu.memory_space<vmem>> -> memref<1x80x128xf32, #tpu.memory_space<vmem>>
      %dma_wait3A_107 = tpu.memref_squeeze %dma_wait3A_106 : memref<1x80x128xf32, #tpu.memory_space<vmem>> -> memref<80x128xf32, #tpu.memory_space<vmem>>
      %dma_wait3A_108 = arith.constant 0 : i32
      %dma_wait3A_109 = tpu.memref_slice %arg6[%run_scoped3A_81, %dma_wait3A_108] : memref<2x80xi32, #tpu.memory_space<vmem>> -> memref<1x80xi32, #tpu.memory_space<vmem>>
      %dma_wait3A_110 = tpu.memref_squeeze %dma_wait3A_109 : memref<1x80xi32, #tpu.memory_space<vmem>> -> memref<80xi32, #tpu.memory_space<vmem>>
      %dma_wait3A_111 = arith.constant 0 : i32
      %dma_wait3A_112 = arith.constant 0 : i32
      %dma_wait3A_113 = tpu.memref_slice %arg9[%dma_wait3A_111, %dma_wait3A_112] : memref<10000x128xf32, #tpu.memory_space<vmem_shared>> -> memref<10000x128xf32, #tpu.memory_space<vmem_shared>>
      tpu.wait_indirect_dma semaphore(%run_scoped3A_93 : memref<!tpu.dma_semaphore, #tpu.memory_space<semaphore_mem>>) src(%dma_wait3A_107 : memref<80x128xf32, #tpu.memory_space<vmem>>) dst(%dma_wait3A_113 : memref<10000x128xf32, #tpu.memory_space<vmem_shared>>)
      tpu.yield
    }) : () -> ()
    %barrier3A_82 = arith.constant 0 : index
    tpu.barrier barrier_id(%barrier3A_82)
    %while3A_83 = arith.constant 0 : i32
    %while3A_84 = arith.constant 0 : i32
    %while3A_85 = arith.subi %add3A_22, %while3A_84 : i32
    %while3A_86 = arith.addi %while3A_84, %while3A_85 : i32
    %while3A_87 = arith.constant 1 : i32
    %while3A_88 = arith.divsi %while3A_85, %while3A_87 : i32
    %while3A_89 = arith.muli %while3A_88, %while3A_87 : i32
    %while3A_90 = arith.addi %while3A_84, %while3A_89 : i32
    %while3A_91 = arith.constant 1 : i32
    scf.for %while3A_93 = %while3A_84 to %while3A_90 step %while3A_91  : i32 {
      %mul3A_94 = arith.constant 16 : i32
      %mul3A_95 = arith.muli %while3A_93, %mul3A_94 : i32
      %add3A_96 = arith.addi %arg1, %mul3A_95 : i32
      %mul3A_97 = arith.constant 80 : i32
      %mul3A_98 = arith.muli %add3A_96, %mul3A_97 : i32
      "tpu.region"() ({
        %run_scoped3A_99 = tpu.sem_alloc : memref<!tpu.dma_semaphore, #tpu.memory_space<semaphore_mem>>
        %dma_start3A_100 = arith.constant 0 : i32
        %dma_start3A_101 = tpu.memref_slice %arg9[%mul3A_98, %dma_start3A_100] : memref<10000x128xf32, #tpu.memory_space<vmem_shared>> -> memref<80x128xf32, #tpu.memory_space<vmem_shared>>
        %dma_start3A_102 = arith.constant 0 : i32
        %dma_start3A_103 = tpu.memref_slice %arg9[%mul3A_98, %dma_start3A_102] : memref<10000x128xf32, #tpu.memory_space<vmem_shared>> -> memref<80x128xf32, #tpu.memory_space<vmem_shared>>
        tpu.enqueue_dma source(%dma_start3A_103 : memref<80x128xf32, #tpu.memory_space<vmem_shared>>) target(%arg8 : memref<80x128xf32, #tpu.memory_space<vmem>>) target_semaphore(%run_scoped3A_99 : memref<!tpu.dma_semaphore, #tpu.memory_space<semaphore_mem>>)
        %dma_wait3A_104 = arith.constant 0 : i32
        %dma_wait3A_105 = tpu.memref_slice %arg9[%mul3A_98, %dma_wait3A_104] : memref<10000x128xf32, #tpu.memory_space<vmem_shared>> -> memref<80x128xf32, #tpu.memory_space<vmem_shared>>
        %dma_wait3A_106 = arith.constant 0 : i32
        %dma_wait3A_107 = tpu.memref_slice %arg9[%mul3A_98, %dma_wait3A_106] : memref<10000x128xf32, #tpu.memory_space<vmem_shared>> -> memref<80x128xf32, #tpu.memory_space<vmem_shared>>
        tpu.wait_dma2 semaphore(%run_scoped3A_99 : memref<!tpu.dma_semaphore, #tpu.memory_space<semaphore_mem>>) src(%dma_wait3A_107 : memref<80x128xf32, #tpu.memory_space<vmem_shared>>) dst(%arg8 : memref<80x128xf32, #tpu.memory_space<vmem>>)
        tpu.yield
      }) : () -> ()
      "tpu.region"() ({
        %run_scoped3A_99 = tpu.sem_alloc : memref<!tpu.dma_semaphore, #tpu.memory_space<semaphore_mem>>
        %dma_start3A_100 = arith.constant 0 : i32
        %dma_start3A_101 = tpu.memref_slice %arg5[%arg0, %mul3A_98, %dma_start3A_100] : memref<2x10000x128xf32, #tpu.memory_space<hbm>> -> memref<1x80x128xf32, #tpu.memory_space<hbm>>
        %dma_start3A_102 = tpu.memref_squeeze %dma_start3A_101 : memref<1x80x128xf32, #tpu.memory_space<hbm>> -> memref<80x128xf32, #tpu.memory_space<hbm>>
        %dma_start3A_103 = arith.constant 0 : i32
        %dma_start3A_104 = tpu.memref_slice %arg5[%arg0, %mul3A_98, %dma_start3A_103] : memref<2x10000x128xf32, #tpu.memory_space<hbm>> -> memref<1x80x128xf32, #tpu.memory_space<hbm>>
        %dma_start3A_105 = tpu.memref_squeeze %dma_start3A_104 : memref<1x80x128xf32, #tpu.memory_space<hbm>> -> memref<80x128xf32, #tpu.memory_space<hbm>>
        tpu.enqueue_dma source(%arg8 : memref<80x128xf32, #tpu.memory_space<vmem>>) target(%dma_start3A_105 : memref<80x128xf32, #tpu.memory_space<hbm>>) target_semaphore(%run_scoped3A_99 : memref<!tpu.dma_semaphore, #tpu.memory_space<semaphore_mem>>)
        %dma_wait3A_106 = arith.constant 0 : i32
        %dma_wait3A_107 = tpu.memref_slice %arg5[%arg0, %mul3A_98, %dma_wait3A_106] : memref<2x10000x128xf32, #tpu.memory_space<hbm>> -> memref<1x80x128xf32, #tpu.memory_space<hbm>>
        %dma_wait3A_108 = tpu.memref_squeeze %dma_wait3A_107 : memref<1x80x128xf32, #tpu.memory_space<hbm>> -> memref<80x128xf32, #tpu.memory_space<hbm>>
        %dma_wait3A_109 = arith.constant 0 : i32
        %dma_wait3A_110 = tpu.memref_slice %arg5[%arg0, %mul3A_98, %dma_wait3A_109] : memref<2x10000x128xf32, #tpu.memory_space<hbm>> -> memref<1x80x128xf32, #tpu.memory_space<hbm>>
        %dma_wait3A_111 = tpu.memref_squeeze %dma_wait3A_110 : memref<1x80x128xf32, #tpu.memory_space<hbm>> -> memref<80x128xf32, #tpu.memory_space<hbm>>
        tpu.wait_dma2 semaphore(%run_scoped3A_99 : memref<!tpu.dma_semaphore, #tpu.memory_space<semaphore_mem>>) src(%arg8 : memref<80x128xf32, #tpu.memory_space<vmem>>) dst(%dma_wait3A_111 : memref<80x128xf32, #tpu.memory_space<hbm>>)
        tpu.yield
      }) : () -> ()
    }
    %while3A_92 = arith.constant 1 : i32
    scf.for %while3A_93 = %while3A_90 to %while3A_86 step %while3A_92  : i32 {
      %mul3A_94 = arith.constant 16 : i32
      %mul3A_95 = arith.muli %while3A_93, %mul3A_94 : i32
      %add3A_96 = arith.addi %arg1, %mul3A_95 : i32
      %mul3A_97 = arith.constant 80 : i32
      %mul3A_98 = arith.muli %add3A_96, %mul3A_97 : i32
      "tpu.region"() ({
        %run_scoped3A_99 = tpu.sem_alloc : memref<!tpu.dma_semaphore, #tpu.memory_space<semaphore_mem>>
        %dma_start3A_100 = arith.constant 0 : i32
        %dma_start3A_101 = tpu.memref_slice %arg9[%mul3A_98, %dma_start3A_100] : memref<10000x128xf32, #tpu.memory_space<vmem_shared>> -> memref<80x128xf32, #tpu.memory_space<vmem_shared>>
        %dma_start3A_102 = arith.constant 0 : i32
        %dma_start3A_103 = tpu.memref_slice %arg9[%mul3A_98, %dma_start3A_102] : memref<10000x128xf32, #tpu.memory_space<vmem_shared>> -> memref<80x128xf32, #tpu.memory_space<vmem_shared>>
        tpu.enqueue_dma source(%dma_start3A_103 : memref<80x128xf32, #tpu.memory_space<vmem_shared>>) target(%arg8 : memref<80x128xf32, #tpu.memory_space<vmem>>) target_semaphore(%run_scoped3A_99 : memref<!tpu.dma_semaphore, #tpu.memory_space<semaphore_mem>>)
        %dma_wait3A_104 = arith.constant 0 : i32
        %dma_wait3A_105 = tpu.memref_slice %arg9[%mul3A_98, %dma_wait3A_104] : memref<10000x128xf32, #tpu.memory_space<vmem_shared>> -> memref<80x128xf32, #tpu.memory_space<vmem_shared>>
        %dma_wait3A_106 = arith.constant 0 : i32
        %dma_wait3A_107 = tpu.memref_slice %arg9[%mul3A_98, %dma_wait3A_106] : memref<10000x128xf32, #tpu.memory_space<vmem_shared>> -> memref<80x128xf32, #tpu.memory_space<vmem_shared>>
        tpu.wait_dma2 semaphore(%run_scoped3A_99 : memref<!tpu.dma_semaphore, #tpu.memory_space<semaphore_mem>>) src(%dma_wait3A_107 : memref<80x128xf32, #tpu.memory_space<vmem_shared>>) dst(%arg8 : memref<80x128xf32, #tpu.memory_space<vmem>>)
        tpu.yield
      }) : () -> ()
      "tpu.region"() ({
        %run_scoped3A_99 = tpu.sem_alloc : memref<!tpu.dma_semaphore, #tpu.memory_space<semaphore_mem>>
        %dma_start3A_100 = arith.constant 0 : i32
        %dma_start3A_101 = tpu.memref_slice %arg5[%arg0, %mul3A_98, %dma_start3A_100] : memref<2x10000x128xf32, #tpu.memory_space<hbm>> -> memref<1x80x128xf32, #tpu.memory_space<hbm>>
        %dma_start3A_102 = tpu.memref_squeeze %dma_start3A_101 : memref<1x80x128xf32, #tpu.memory_space<hbm>> -> memref<80x128xf32, #tpu.memory_space<hbm>>
        %dma_start3A_103 = arith.constant 0 : i32
        %dma_start3A_104 = tpu.memref_slice %arg5[%arg0, %mul3A_98, %dma_start3A_103] : memref<2x10000x128xf32, #tpu.memory_space<hbm>> -> memref<1x80x128xf32, #tpu.memory_space<hbm>>
        %dma_start3A_105 = tpu.memref_squeeze %dma_start3A_104 : memref<1x80x128xf32, #tpu.memory_space<hbm>> -> memref<80x128xf32, #tpu.memory_space<hbm>>
        tpu.enqueue_dma source(%arg8 : memref<80x128xf32, #tpu.memory_space<vmem>>) target(%dma_start3A_105 : memref<80x128xf32, #tpu.memory_space<hbm>>) target_semaphore(%run_scoped3A_99 : memref<!tpu.dma_semaphore, #tpu.memory_space<semaphore_mem>>)
        %dma_wait3A_106 = arith.constant 0 : i32
        %dma_wait3A_107 = tpu.memref_slice %arg5[%arg0, %mul3A_98, %dma_wait3A_106] : memref<2x10000x128xf32, #tpu.memory_space<hbm>> -> memref<1x80x128xf32, #tpu.memory_space<hbm>>
        %dma_wait3A_108 = tpu.memref_squeeze %dma_wait3A_107 : memref<1x80x128xf32, #tpu.memory_space<hbm>> -> memref<80x128xf32, #tpu.memory_space<hbm>>
        %dma_wait3A_109 = arith.constant 0 : i32
        %dma_wait3A_110 = tpu.memref_slice %arg5[%arg0, %mul3A_98, %dma_wait3A_109] : memref<2x10000x128xf32, #tpu.memory_space<hbm>> -> memref<1x80x128xf32, #tpu.memory_space<hbm>>
        %dma_wait3A_111 = tpu.memref_squeeze %dma_wait3A_110 : memref<1x80x128xf32, #tpu.memory_space<hbm>> -> memref<80x128xf32, #tpu.memory_space<hbm>>
        tpu.wait_dma2 semaphore(%run_scoped3A_99 : memref<!tpu.dma_semaphore, #tpu.memory_space<semaphore_mem>>) src(%arg8 : memref<80x128xf32, #tpu.memory_space<vmem>>) dst(%dma_wait3A_111 : memref<80x128xf32, #tpu.memory_space<hbm>>)
        tpu.yield
      }) : () -> ()
    }
    return
  }
}

#map = affine_map<(d0, d1) -> (0, 0)>
#map1 = affine_map<(d0, d1) -> (0)>
module attributes {stable_mosaic.version = 14 : i64} {
  func.func @k(%arg0: i32, %arg1: i32, %arg2: memref<10000x128xf32, #tpu.memory_space<hbm>>, %arg3: memref<10000x128xf32, #tpu.memory_space<hbm>>, %arg4: memref<320000xi32, #tpu.memory_space<hbm>>, %arg5: memref<320000xi32, #tpu.memory_space<hbm>>, %arg6: memref<10000xf32, #tpu.memory_space<hbm>>, %arg7: memref<10000xf32, #tpu.memory_space<hbm>>, %arg8: memref<10000xf32, #tpu.memory_space<hbm>>, %arg9: memref<320000x128xf32, #tpu.memory_space<hbm>>, %arg10: memref<320000x128xf32, #tpu.memory_space<hbm>>, %arg11: memref<320000xf32, #tpu.memory_space<hbm>>, %arg12: memref<2x80xi32, #tpu.memory_space<vmem>>, %arg13: memref<2x80xi32, #tpu.memory_space<vmem>>, %arg14: memref<2x80x128xf32, #tpu.memory_space<vmem>>, %arg15: memref<2x80x128xf32, #tpu.memory_space<vmem>>, %arg16: memref<!tpu.dma_semaphore, #tpu.memory_space<semaphore_mem>>, %arg17: memref<!tpu.dma_semaphore, #tpu.memory_space<semaphore_mem>>, %arg18: memref<!tpu.dma_semaphore, #tpu.memory_space<semaphore_mem>>, %arg19: memref<2x6x80xf32, #tpu.memory_space<vmem>>, %arg20: memref<2x80xf32, #tpu.memory_space<vmem>>, %arg21: memref<!tpu.dma_semaphore, #tpu.memory_space<semaphore_mem>>, %arg22: memref<!tpu.dma_semaphore, #tpu.memory_space<semaphore_mem>>) attributes {dimension_semantics = [#tpu.dimension_semantics<core_parallel>, #tpu.dimension_semantics<subcore_parallel>], iteration_bounds = array<i64: 2, 16>, scalar_prefetch = 0 : i64, scratch_operands = 11 : i64, tpu.core_type = #tpu.core_type<sc_vector_subcore>, window_params = [{transform_indices = #map}, {transform_indices = #map}, {transform_indices = #map1}, {transform_indices = #map1}, {transform_indices = #map1}, {transform_indices = #map1}, {transform_indices = #map1}, {transform_indices = #map}, {transform_indices = #map}, {transform_indices = #map1}]} {
    %mul3A = arith.constant 16 : i32
    %mul3A_0 = arith.muli %arg0, %mul3A : i32
    %add3A = arith.addi %mul3A_0, %arg1 : i32
    %mul3A_1 = arith.constant 10000 : i32
    %mul3A_2 = arith.muli %add3A, %mul3A_1 : i32
    %scan3A = arith.constant 0 : i32
    %scan3A_3 = arith.constant 0 : i32
    %scan3A_4 = arith.constant 62 : i32
    %scan3A_5 = arith.addi %scan3A_3, %scan3A_4 : i32
    %scan3A_6 = arith.constant 1 : i32
    scf.for %scan3A_550 = %scan3A_3 to %scan3A_5 step %scan3A_6  : i32 {
      %mul3A_551 = arith.constant 2 : i32
      %mul3A_552 = arith.muli %mul3A_551, %scan3A_550 : i32
      %mul3A_553 = arith.constant 80 : i32
      %mul3A_554 = arith.muli %mul3A_552, %mul3A_553 : i32
      %add3A_555 = arith.addi %mul3A_2, %mul3A_554 : i32
      %add3A_556 = arith.constant 80 : i32
      %add3A_557 = arith.addi %add3A_555, %add3A_556 : i32
      %run_scoped3A_558 = arith.constant 0 : i32
      "tpu.region"() ({
        %run_scoped3A_1652 = tpu.sem_alloc : memref<!tpu.dma_semaphore, #tpu.memory_space<semaphore_mem>>
        %dma_start3A_1653 = arith.constant 0 : i32
        %dma_start3A_1654 = tpu.memref_slice %arg12[%run_scoped3A_558, %dma_start3A_1653] : memref<2x80xi32, #tpu.memory_space<vmem>> -> memref<1x80xi32, #tpu.memory_space<vmem>>
        %dma_start3A_1655 = tpu.memref_squeeze %dma_start3A_1654 : memref<1x80xi32, #tpu.memory_space<vmem>> -> memref<80xi32, #tpu.memory_space<vmem>>
        %dma_start3A_1656 = tpu.memref_slice %arg4[%add3A_555] : memref<320000xi32, #tpu.memory_space<hbm>> -> memref<80xi32, #tpu.memory_space<hbm>>
        %dma_start3A_1657 = arith.constant 0 : i32
        %dma_start3A_1658 = tpu.memref_slice %arg12[%run_scoped3A_558, %dma_start3A_1657] : memref<2x80xi32, #tpu.memory_space<vmem>> -> memref<1x80xi32, #tpu.memory_space<vmem>>
        %dma_start3A_1659 = tpu.memref_squeeze %dma_start3A_1658 : memref<1x80xi32, #tpu.memory_space<vmem>> -> memref<80xi32, #tpu.memory_space<vmem>>
        %dma_start3A_1660 = tpu.memref_slice %arg4[%add3A_555] : memref<320000xi32, #tpu.memory_space<hbm>> -> memref<80xi32, #tpu.memory_space<hbm>>
        tpu.enqueue_dma source(%dma_start3A_1660 : memref<80xi32, #tpu.memory_space<hbm>>) target(%dma_start3A_1659 : memref<80xi32, #tpu.memory_space<vmem>>) target_semaphore(%run_scoped3A_1652 : memref<!tpu.dma_semaphore, #tpu.memory_space<semaphore_mem>>)
        %dma_wait3A_1661 = arith.constant 0 : i32
        %dma_wait3A_1662 = tpu.memref_slice %arg12[%run_scoped3A_558, %dma_wait3A_1661] : memref<2x80xi32, #tpu.memory_space<vmem>> -> memref<1x80xi32, #tpu.memory_space<vmem>>
        %dma_wait3A_1663 = tpu.memref_squeeze %dma_wait3A_1662 : memref<1x80xi32, #tpu.memory_space<vmem>> -> memref<80xi32, #tpu.memory_space<vmem>>
        %dma_wait3A_1664 = tpu.memref_slice %arg4[%add3A_555] : memref<320000xi32, #tpu.memory_space<hbm>> -> memref<80xi32, #tpu.memory_space<hbm>>
        %dma_wait3A_1665 = arith.constant 0 : i32
        %dma_wait3A_1666 = tpu.memref_slice %arg12[%run_scoped3A_558, %dma_wait3A_1665] : memref<2x80xi32, #tpu.memory_space<vmem>> -> memref<1x80xi32, #tpu.memory_space<vmem>>
        %dma_wait3A_1667 = tpu.memref_squeeze %dma_wait3A_1666 : memref<1x80xi32, #tpu.memory_space<vmem>> -> memref<80xi32, #tpu.memory_space<vmem>>
        %dma_wait3A_1668 = tpu.memref_slice %arg4[%add3A_555] : memref<320000xi32, #tpu.memory_space<hbm>> -> memref<80xi32, #tpu.memory_space<hbm>>
        tpu.wait_dma2 semaphore(%run_scoped3A_1652 : memref<!tpu.dma_semaphore, #tpu.memory_space<semaphore_mem>>) src(%dma_wait3A_1668 : memref<80xi32, #tpu.memory_space<hbm>>) dst(%dma_wait3A_1667 : memref<80xi32, #tpu.memory_space<vmem>>)
        tpu.yield
      }) : () -> ()
      %run_scoped3A_559 = arith.constant 0 : i32
      "tpu.region"() ({
        %run_scoped3A_1652 = tpu.sem_alloc : memref<!tpu.dma_semaphore, #tpu.memory_space<semaphore_mem>>
        %dma_start3A_1653 = arith.constant 0 : i32
        %dma_start3A_1654 = tpu.memref_slice %arg13[%run_scoped3A_559, %dma_start3A_1653] : memref<2x80xi32, #tpu.memory_space<vmem>> -> memref<1x80xi32, #tpu.memory_space<vmem>>
        %dma_start3A_1655 = tpu.memref_squeeze %dma_start3A_1654 : memref<1x80xi32, #tpu.memory_space<vmem>> -> memref<80xi32, #tpu.memory_space<vmem>>
        %dma_start3A_1656 = tpu.memref_slice %arg5[%add3A_555] : memref<320000xi32, #tpu.memory_space<hbm>> -> memref<80xi32, #tpu.memory_space<hbm>>
        %dma_start3A_1657 = arith.constant 0 : i32
        %dma_start3A_1658 = tpu.memref_slice %arg13[%run_scoped3A_559, %dma_start3A_1657] : memref<2x80xi32, #tpu.memory_space<vmem>> -> memref<1x80xi32, #tpu.memory_space<vmem>>
        %dma_start3A_1659 = tpu.memref_squeeze %dma_start3A_1658 : memref<1x80xi32, #tpu.memory_space<vmem>> -> memref<80xi32, #tpu.memory_space<vmem>>
        %dma_start3A_1660 = tpu.memref_slice %arg5[%add3A_555] : memref<320000xi32, #tpu.memory_space<hbm>> -> memref<80xi32, #tpu.memory_space<hbm>>
        tpu.enqueue_dma source(%dma_start3A_1660 : memref<80xi32, #tpu.memory_space<hbm>>) target(%dma_start3A_1659 : memref<80xi32, #tpu.memory_space<vmem>>) target_semaphore(%run_scoped3A_1652 : memref<!tpu.dma_semaphore, #tpu.memory_space<semaphore_mem>>)
        %dma_wait3A_1661 = arith.constant 0 : i32
        %dma_wait3A_1662 = tpu.memref_slice %arg13[%run_scoped3A_559, %dma_wait3A_1661] : memref<2x80xi32, #tpu.memory_space<vmem>> -> memref<1x80xi32, #tpu.memory_space<vmem>>
        %dma_wait3A_1663 = tpu.memref_squeeze %dma_wait3A_1662 : memref<1x80xi32, #tpu.memory_space<vmem>> -> memref<80xi32, #tpu.memory_space<vmem>>
        %dma_wait3A_1664 = tpu.memref_slice %arg5[%add3A_555] : memref<320000xi32, #tpu.memory_space<hbm>> -> memref<80xi32, #tpu.memory_space<hbm>>
        %dma_wait3A_1665 = arith.constant 0 : i32
        %dma_wait3A_1666 = tpu.memref_slice %arg13[%run_scoped3A_559, %dma_wait3A_1665] : memref<2x80xi32, #tpu.memory_space<vmem>> -> memref<1x80xi32, #tpu.memory_space<vmem>>
        %dma_wait3A_1667 = tpu.memref_squeeze %dma_wait3A_1666 : memref<1x80xi32, #tpu.memory_space<vmem>> -> memref<80xi32, #tpu.memory_space<vmem>>
        %dma_wait3A_1668 = tpu.memref_slice %arg5[%add3A_555] : memref<320000xi32, #tpu.memory_space<hbm>> -> memref<80xi32, #tpu.memory_space<hbm>>
        tpu.wait_dma2 semaphore(%run_scoped3A_1652 : memref<!tpu.dma_semaphore, #tpu.memory_space<semaphore_mem>>) src(%dma_wait3A_1668 : memref<80xi32, #tpu.memory_space<hbm>>) dst(%dma_wait3A_1667 : memref<80xi32, #tpu.memory_space<vmem>>)
        tpu.yield
      }) : () -> ()
      %dma_start3A_560 = arith.constant 0 : i32
      %dma_start3A_561 = arith.constant 0 : i32
      %dma_start3A_562 = arith.constant 0 : i32
      %dma_start3A_563 = arith.constant 0 : i32
      %dma_start3A_564 = tpu.memref_slice %arg14[%dma_start3A_561, %dma_start3A_562, %dma_start3A_563] : memref<2x80x128xf32, #tpu.memory_space<vmem>> -> memref<1x80x128xf32, #tpu.memory_space<vmem>>
      %dma_start3A_565 = tpu.memref_squeeze %dma_start3A_564 : memref<1x80x128xf32, #tpu.memory_space<vmem>> -> memref<80x128xf32, #tpu.memory_space<vmem>>
      %dma_start3A_566 = arith.constant 0 : i32
      %dma_start3A_567 = tpu.memref_slice %arg12[%dma_start3A_560, %dma_start3A_566] : memref<2x80xi32, #tpu.memory_space<vmem>> -> memref<1x80xi32, #tpu.memory_space<vmem>>
      %dma_start3A_568 = tpu.memref_squeeze %dma_start3A_567 : memref<1x80xi32, #tpu.memory_space<vmem>> -> memref<80xi32, #tpu.memory_space<vmem>>
      %dma_start3A_569 = arith.constant 0 : i32
      %dma_start3A_570 = arith.constant 0 : i32
      %dma_start3A_571 = tpu.memref_slice %arg2[%dma_start3A_569, %dma_start3A_570] : memref<10000x128xf32, #tpu.memory_space<hbm>> -> memref<10000x128xf32, #tpu.memory_space<hbm>>
      tpu.enqueue_indirect_dma source(%dma_start3A_571 : memref<10000x128xf32, #tpu.memory_space<hbm>>) target(%dma_start3A_565 : memref<80x128xf32, #tpu.memory_space<vmem>>) offsets(%dma_start3A_568 : memref<80xi32, #tpu.memory_space<vmem>>) semaphore(%arg16 : memref<!tpu.dma_semaphore, #tpu.memory_space<semaphore_mem>>)
      %dma_start3A_572 = arith.constant 0 : i32
      %dma_start3A_573 = arith.constant 0 : i32
      %dma_start3A_574 = arith.constant 0 : i32
      %dma_start3A_575 = arith.constant 0 : i32
      %dma_start3A_576 = tpu.memref_slice %arg15[%dma_start3A_573, %dma_start3A_574, %dma_start3A_575] : memref<2x80x128xf32, #tpu.memory_space<vmem>> -> memref<1x80x128xf32, #tpu.memory_space<vmem>>
      %dma_start3A_577 = tpu.memref_squeeze %dma_start3A_576 : memref<1x80x128xf32, #tpu.memory_space<vmem>> -> memref<80x128xf32, #tpu.memory_space<vmem>>
      %dma_start3A_578 = arith.constant 0 : i32
      %dma_start3A_579 = tpu.memref_slice %arg13[%dma_start3A_572, %dma_start3A_578] : memref<2x80xi32, #tpu.memory_space<vmem>> -> memref<1x80xi32, #tpu.memory_space<vmem>>
      %dma_start3A_580 = tpu.memref_squeeze %dma_start3A_579 : memref<1x80xi32, #tpu.memory_space<vmem>> -> memref<80xi32, #tpu.memory_space<vmem>>
      %dma_start3A_581 = arith.constant 0 : i32
      %dma_start3A_582 = arith.constant 0 : i32
      %dma_start3A_583 = tpu.memref_slice %arg3[%dma_start3A_581, %dma_start3A_582] : memref<10000x128xf32, #tpu.memory_space<hbm>> -> memref<10000x128xf32, #tpu.memory_space<hbm>>
      tpu.enqueue_indirect_dma source(%dma_start3A_583 : memref<10000x128xf32, #tpu.memory_space<hbm>>) target(%dma_start3A_577 : memref<80x128xf32, #tpu.memory_space<vmem>>) offsets(%dma_start3A_580 : memref<80xi32, #tpu.memory_space<vmem>>) semaphore(%arg17 : memref<!tpu.dma_semaphore, #tpu.memory_space<semaphore_mem>>)
      %dma_start3A_584 = arith.constant 0 : i32
      %dma_start3A_585 = arith.constant 0 : i32
      %dma_start3A_586 = arith.constant 0 : i32
      %dma_start3A_587 = arith.constant 0 : i32
      %dma_start3A_588 = tpu.memref_slice %arg19[%dma_start3A_585, %dma_start3A_586, %dma_start3A_587] : memref<2x6x80xf32, #tpu.memory_space<vmem>> -> memref<1x1x80xf32, #tpu.memory_space<vmem>>
      %dma_start3A_589 = tpu.memref_squeeze %dma_start3A_588 : memref<1x1x80xf32, #tpu.memory_space<vmem>> -> memref<80xf32, #tpu.memory_space<vmem>>
      %dma_start3A_590 = arith.constant 0 : i32
      %dma_start3A_591 = tpu.memref_slice %arg12[%dma_start3A_584, %dma_start3A_590] : memref<2x80xi32, #tpu.memory_space<vmem>> -> memref<1x80xi32, #tpu.memory_space<vmem>>
      %dma_start3A_592 = tpu.memref_squeeze %dma_start3A_591 : memref<1x80xi32, #tpu.memory_space<vmem>> -> memref<80xi32, #tpu.memory_space<vmem>>
      %dma_start3A_593 = arith.constant 0 : i32
      %dma_start3A_594 = tpu.memref_slice %arg6[%dma_start3A_593] : memref<10000xf32, #tpu.memory_space<hbm>> -> memref<10000xf32, #tpu.memory_space<hbm>>
      tpu.enqueue_indirect_dma source(%dma_start3A_594 : memref<10000xf32, #tpu.memory_space<hbm>>) target(%dma_start3A_589 : memref<80xf32, #tpu.memory_space<vmem>>) offsets(%dma_start3A_592 : memref<80xi32, #tpu.memory_space<vmem>>) semaphore(%arg21 : memref<!tpu.dma_semaphore, #tpu.memory_space<semaphore_mem>>)
      %dma_start3A_595 = arith.constant 0 : i32
      %dma_start3A_596 = arith.constant 0 : i32
      %dma_start3A_597 = arith.constant 1 : i32
      %dma_start3A_598 = arith.constant 0 : i32
      %dma_start3A_599 = tpu.memref_slice %arg19[%dma_start3A_596, %dma_start3A_597, %dma_start3A_598] : memref<2x6x80xf32, #tpu.memory_space<vmem>> -> memref<1x1x80xf32, #tpu.memory_space<vmem>>
      %dma_start3A_600 = tpu.memref_squeeze %dma_start3A_599 : memref<1x1x80xf32, #tpu.memory_space<vmem>> -> memref<80xf32, #tpu.memory_space<vmem>>
      %dma_start3A_601 = arith.constant 0 : i32
      %dma_start3A_602 = tpu.memref_slice %arg12[%dma_start3A_595, %dma_start3A_601] : memref<2x80xi32, #tpu.memory_space<vmem>> -> memref<1x80xi32, #tpu.memory_space<vmem>>
      %dma_start3A_603 = tpu.memref_squeeze %dma_start3A_602 : memref<1x80xi32, #tpu.memory_space<vmem>> -> memref<80xi32, #tpu.memory_space<vmem>>
      %dma_start3A_604 = arith.constant 0 : i32
      %dma_start3A_605 = tpu.memref_slice %arg7[%dma_start3A_604] : memref<10000xf32, #tpu.memory_space<hbm>> -> memref<10000xf32, #tpu.memory_space<hbm>>
      tpu.enqueue_indirect_dma source(%dma_start3A_605 : memref<10000xf32, #tpu.memory_space<hbm>>) target(%dma_start3A_600 : memref<80xf32, #tpu.memory_space<vmem>>) offsets(%dma_start3A_603 : memref<80xi32, #tpu.memory_space<vmem>>) semaphore(%arg21 : memref<!tpu.dma_semaphore, #tpu.memory_space<semaphore_mem>>)
      %dma_start3A_606 = arith.constant 0 : i32
      %dma_start3A_607 = arith.constant 0 : i32
      %dma_start3A_608 = arith.constant 2 : i32
      %dma_start3A_609 = arith.constant 0 : i32
      %dma_start3A_610 = tpu.memref_slice %arg19[%dma_start3A_607, %dma_start3A_608, %dma_start3A_609] : memref<2x6x80xf32, #tpu.memory_space<vmem>> -> memref<1x1x80xf32, #tpu.memory_space<vmem>>
      %dma_start3A_611 = tpu.memref_squeeze %dma_start3A_610 : memref<1x1x80xf32, #tpu.memory_space<vmem>> -> memref<80xf32, #tpu.memory_space<vmem>>
      %dma_start3A_612 = arith.constant 0 : i32
      %dma_start3A_613 = tpu.memref_slice %arg12[%dma_start3A_606, %dma_start3A_612] : memref<2x80xi32, #tpu.memory_space<vmem>> -> memref<1x80xi32, #tpu.memory_space<vmem>>
      %dma_start3A_614 = tpu.memref_squeeze %dma_start3A_613 : memref<1x80xi32, #tpu.memory_space<vmem>> -> memref<80xi32, #tpu.memory_space<vmem>>
      %dma_start3A_615 = arith.constant 0 : i32
      %dma_start3A_616 = tpu.memref_slice %arg8[%dma_start3A_615] : memref<10000xf32, #tpu.memory_space<hbm>> -> memref<10000xf32, #tpu.memory_space<hbm>>
      tpu.enqueue_indirect_dma source(%dma_start3A_616 : memref<10000xf32, #tpu.memory_space<hbm>>) target(%dma_start3A_611 : memref<80xf32, #tpu.memory_space<vmem>>) offsets(%dma_start3A_614 : memref<80xi32, #tpu.memory_space<vmem>>) semaphore(%arg21 : memref<!tpu.dma_semaphore, #tpu.memory_space<semaphore_mem>>)
      %dma_start3A_617 = arith.constant 0 : i32
      %dma_start3A_618 = arith.constant 0 : i32
      %dma_start3A_619 = arith.constant 3 : i32
      %dma_start3A_620 = arith.constant 0 : i32
      %dma_start3A_621 = tpu.memref_slice %arg19[%dma_start3A_618, %dma_start3A_619, %dma_start3A_620] : memref<2x6x80xf32, #tpu.memory_space<vmem>> -> memref<1x1x80xf32, #tpu.memory_space<vmem>>
      %dma_start3A_622 = tpu.memref_squeeze %dma_start3A_621 : memref<1x1x80xf32, #tpu.memory_space<vmem>> -> memref<80xf32, #tpu.memory_space<vmem>>
      %dma_start3A_623 = arith.constant 0 : i32
      %dma_start3A_624 = tpu.memref_slice %arg13[%dma_start3A_617, %dma_start3A_623] : memref<2x80xi32, #tpu.memory_space<vmem>> -> memref<1x80xi32, #tpu.memory_space<vmem>>
      %dma_start3A_625 = tpu.memref_squeeze %dma_start3A_624 : memref<1x80xi32, #tpu.memory_space<vmem>> -> memref<80xi32, #tpu.memory_space<vmem>>
      %dma_start3A_626 = arith.constant 0 : i32
      %dma_start3A_627 = tpu.memref_slice %arg6[%dma_start3A_626] : memref<10000xf32, #tpu.memory_space<hbm>> -> memref<10000xf32, #tpu.memory_space<hbm>>
      tpu.enqueue_indirect_dma source(%dma_start3A_627 : memref<10000xf32, #tpu.memory_space<hbm>>) target(%dma_start3A_622 : memref<80xf32, #tpu.memory_space<vmem>>) offsets(%dma_start3A_625 : memref<80xi32, #tpu.memory_space<vmem>>) semaphore(%arg21 : memref<!tpu.dma_semaphore, #tpu.memory_space<semaphore_mem>>)
      %dma_start3A_628 = arith.constant 0 : i32
      %dma_start3A_629 = arith.constant 0 : i32
      %dma_start3A_630 = arith.constant 4 : i32
      %dma_start3A_631 = arith.constant 0 : i32
      %dma_start3A_632 = tpu.memref_slice %arg19[%dma_start3A_629, %dma_start3A_630, %dma_start3A_631] : memref<2x6x80xf32, #tpu.memory_space<vmem>> -> memref<1x1x80xf32, #tpu.memory_space<vmem>>
      %dma_start3A_633 = tpu.memref_squeeze %dma_start3A_632 : memref<1x1x80xf32, #tpu.memory_space<vmem>> -> memref<80xf32, #tpu.memory_space<vmem>>
      %dma_start3A_634 = arith.constant 0 : i32
      %dma_start3A_635 = tpu.memref_slice %arg13[%dma_start3A_628, %dma_start3A_634] : memref<2x80xi32, #tpu.memory_space<vmem>> -> memref<1x80xi32, #tpu.memory_space<vmem>>
      %dma_start3A_636 = tpu.memref_squeeze %dma_start3A_635 : memref<1x80xi32, #tpu.memory_space<vmem>> -> memref<80xi32, #tpu.memory_space<vmem>>
      %dma_start3A_637 = arith.constant 0 : i32
      %dma_start3A_638 = tpu.memref_slice %arg7[%dma_start3A_637] : memref<10000xf32, #tpu.memory_space<hbm>> -> memref<10000xf32, #tpu.memory_space<hbm>>
      tpu.enqueue_indirect_dma source(%dma_start3A_638 : memref<10000xf32, #tpu.memory_space<hbm>>) target(%dma_start3A_633 : memref<80xf32, #tpu.memory_space<vmem>>) offsets(%dma_start3A_636 : memref<80xi32, #tpu.memory_space<vmem>>) semaphore(%arg21 : memref<!tpu.dma_semaphore, #tpu.memory_space<semaphore_mem>>)
      %dma_start3A_639 = arith.constant 0 : i32
      %dma_start3A_640 = arith.constant 0 : i32
      %dma_start3A_641 = arith.constant 5 : i32
      %dma_start3A_642 = arith.constant 0 : i32
      %dma_start3A_643 = tpu.memref_slice %arg19[%dma_start3A_640, %dma_start3A_641, %dma_start3A_642] : memref<2x6x80xf32, #tpu.memory_space<vmem>> -> memref<1x1x80xf32, #tpu.memory_space<vmem>>
      %dma_start3A_644 = tpu.memref_squeeze %dma_start3A_643 : memref<1x1x80xf32, #tpu.memory_space<vmem>> -> memref<80xf32, #tpu.memory_space<vmem>>
      %dma_start3A_645 = arith.constant 0 : i32
      %dma_start3A_646 = tpu.memref_slice %arg13[%dma_start3A_639, %dma_start3A_645] : memref<2x80xi32, #tpu.memory_space<vmem>> -> memref<1x80xi32, #tpu.memory_space<vmem>>
      %dma_start3A_647 = tpu.memref_squeeze %dma_start3A_646 : memref<1x80xi32, #tpu.memory_space<vmem>> -> memref<80xi32, #tpu.memory_space<vmem>>
      %dma_start3A_648 = arith.constant 0 : i32
      %dma_start3A_649 = tpu.memref_slice %arg8[%dma_start3A_648] : memref<10000xf32, #tpu.memory_space<hbm>> -> memref<10000xf32, #tpu.memory_space<hbm>>
      tpu.enqueue_indirect_dma source(%dma_start3A_649 : memref<10000xf32, #tpu.memory_space<hbm>>) target(%dma_start3A_644 : memref<80xf32, #tpu.memory_space<vmem>>) offsets(%dma_start3A_647 : memref<80xi32, #tpu.memory_space<vmem>>) semaphore(%arg21 : memref<!tpu.dma_semaphore, #tpu.memory_space<semaphore_mem>>)
      %run_scoped3A_650 = arith.constant 1 : i32
      "tpu.region"() ({
        %run_scoped3A_1652 = tpu.sem_alloc : memref<!tpu.dma_semaphore, #tpu.memory_space<semaphore_mem>>
        %dma_start3A_1653 = arith.constant 0 : i32
        %dma_start3A_1654 = tpu.memref_slice %arg12[%run_scoped3A_650, %dma_start3A_1653] : memref<2x80xi32, #tpu.memory_space<vmem>> -> memref<1x80xi32, #tpu.memory_space<vmem>>
        %dma_start3A_1655 = tpu.memref_squeeze %dma_start3A_1654 : memref<1x80xi32, #tpu.memory_space<vmem>> -> memref<80xi32, #tpu.memory_space<vmem>>
        %dma_start3A_1656 = tpu.memref_slice %arg4[%add3A_557] : memref<320000xi32, #tpu.memory_space<hbm>> -> memref<80xi32, #tpu.memory_space<hbm>>
        %dma_start3A_1657 = arith.constant 0 : i32
        %dma_start3A_1658 = tpu.memref_slice %arg12[%run_scoped3A_650, %dma_start3A_1657] : memref<2x80xi32, #tpu.memory_space<vmem>> -> memref<1x80xi32, #tpu.memory_space<vmem>>
        %dma_start3A_1659 = tpu.memref_squeeze %dma_start3A_1658 : memref<1x80xi32, #tpu.memory_space<vmem>> -> memref<80xi32, #tpu.memory_space<vmem>>
        %dma_start3A_1660 = tpu.memref_slice %arg4[%add3A_557] : memref<320000xi32, #tpu.memory_space<hbm>> -> memref<80xi32, #tpu.memory_space<hbm>>
        tpu.enqueue_dma source(%dma_start3A_1660 : memref<80xi32, #tpu.memory_space<hbm>>) target(%dma_start3A_1659 : memref<80xi32, #tpu.memory_space<vmem>>) target_semaphore(%run_scoped3A_1652 : memref<!tpu.dma_semaphore, #tpu.memory_space<semaphore_mem>>)
        %dma_wait3A_1661 = arith.constant 0 : i32
        %dma_wait3A_1662 = tpu.memref_slice %arg12[%run_scoped3A_650, %dma_wait3A_1661] : memref<2x80xi32, #tpu.memory_space<vmem>> -> memref<1x80xi32, #tpu.memory_space<vmem>>
        %dma_wait3A_1663 = tpu.memref_squeeze %dma_wait3A_1662 : memref<1x80xi32, #tpu.memory_space<vmem>> -> memref<80xi32, #tpu.memory_space<vmem>>
        %dma_wait3A_1664 = tpu.memref_slice %arg4[%add3A_557] : memref<320000xi32, #tpu.memory_space<hbm>> -> memref<80xi32, #tpu.memory_space<hbm>>
        %dma_wait3A_1665 = arith.constant 0 : i32
        %dma_wait3A_1666 = tpu.memref_slice %arg12[%run_scoped3A_650, %dma_wait3A_1665] : memref<2x80xi32, #tpu.memory_space<vmem>> -> memref<1x80xi32, #tpu.memory_space<vmem>>
        %dma_wait3A_1667 = tpu.memref_squeeze %dma_wait3A_1666 : memref<1x80xi32, #tpu.memory_space<vmem>> -> memref<80xi32, #tpu.memory_space<vmem>>
        %dma_wait3A_1668 = tpu.memref_slice %arg4[%add3A_557] : memref<320000xi32, #tpu.memory_space<hbm>> -> memref<80xi32, #tpu.memory_space<hbm>>
        tpu.wait_dma2 semaphore(%run_scoped3A_1652 : memref<!tpu.dma_semaphore, #tpu.memory_space<semaphore_mem>>) src(%dma_wait3A_1668 : memref<80xi32, #tpu.memory_space<hbm>>) dst(%dma_wait3A_1667 : memref<80xi32, #tpu.memory_space<vmem>>)
        tpu.yield
      }) : () -> ()
      %run_scoped3A_651 = arith.constant 1 : i32
      "tpu.region"() ({
        %run_scoped3A_1652 = tpu.sem_alloc : memref<!tpu.dma_semaphore, #tpu.memory_space<semaphore_mem>>
        %dma_start3A_1653 = arith.constant 0 : i32
        %dma_start3A_1654 = tpu.memref_slice %arg13[%run_scoped3A_651, %dma_start3A_1653] : memref<2x80xi32, #tpu.memory_space<vmem>> -> memref<1x80xi32, #tpu.memory_space<vmem>>
        %dma_start3A_1655 = tpu.memref_squeeze %dma_start3A_1654 : memref<1x80xi32, #tpu.memory_space<vmem>> -> memref<80xi32, #tpu.memory_space<vmem>>
        %dma_start3A_1656 = tpu.memref_slice %arg5[%add3A_557] : memref<320000xi32, #tpu.memory_space<hbm>> -> memref<80xi32, #tpu.memory_space<hbm>>
        %dma_start3A_1657 = arith.constant 0 : i32
        %dma_start3A_1658 = tpu.memref_slice %arg13[%run_scoped3A_651, %dma_start3A_1657] : memref<2x80xi32, #tpu.memory_space<vmem>> -> memref<1x80xi32, #tpu.memory_space<vmem>>
        %dma_start3A_1659 = tpu.memref_squeeze %dma_start3A_1658 : memref<1x80xi32, #tpu.memory_space<vmem>> -> memref<80xi32, #tpu.memory_space<vmem>>
        %dma_start3A_1660 = tpu.memref_slice %arg5[%add3A_557] : memref<320000xi32, #tpu.memory_space<hbm>> -> memref<80xi32, #tpu.memory_space<hbm>>
        tpu.enqueue_dma source(%dma_start3A_1660 : memref<80xi32, #tpu.memory_space<hbm>>) target(%dma_start3A_1659 : memref<80xi32, #tpu.memory_space<vmem>>) target_semaphore(%run_scoped3A_1652 : memref<!tpu.dma_semaphore, #tpu.memory_space<semaphore_mem>>)
        %dma_wait3A_1661 = arith.constant 0 : i32
        %dma_wait3A_1662 = tpu.memref_slice %arg13[%run_scoped3A_651, %dma_wait3A_1661] : memref<2x80xi32, #tpu.memory_space<vmem>> -> memref<1x80xi32, #tpu.memory_space<vmem>>
        %dma_wait3A_1663 = tpu.memref_squeeze %dma_wait3A_1662 : memref<1x80xi32, #tpu.memory_space<vmem>> -> memref<80xi32, #tpu.memory_space<vmem>>
        %dma_wait3A_1664 = tpu.memref_slice %arg5[%add3A_557] : memref<320000xi32, #tpu.memory_space<hbm>> -> memref<80xi32, #tpu.memory_space<hbm>>
        %dma_wait3A_1665 = arith.constant 0 : i32
        %dma_wait3A_1666 = tpu.memref_slice %arg13[%run_scoped3A_651, %dma_wait3A_1665] : memref<2x80xi32, #tpu.memory_space<vmem>> -> memref<1x80xi32, #tpu.memory_space<vmem>>
        %dma_wait3A_1667 = tpu.memref_squeeze %dma_wait3A_1666 : memref<1x80xi32, #tpu.memory_space<vmem>> -> memref<80xi32, #tpu.memory_space<vmem>>
        %dma_wait3A_1668 = tpu.memref_slice %arg5[%add3A_557] : memref<320000xi32, #tpu.memory_space<hbm>> -> memref<80xi32, #tpu.memory_space<hbm>>
        tpu.wait_dma2 semaphore(%run_scoped3A_1652 : memref<!tpu.dma_semaphore, #tpu.memory_space<semaphore_mem>>) src(%dma_wait3A_1668 : memref<80xi32, #tpu.memory_space<hbm>>) dst(%dma_wait3A_1667 : memref<80xi32, #tpu.memory_space<vmem>>)
        tpu.yield
      }) : () -> ()
      %dma_start3A_652 = arith.constant 1 : i32
      %dma_start3A_653 = arith.constant 1 : i32
      %dma_start3A_654 = arith.constant 0 : i32
      %dma_start3A_655 = arith.constant 0 : i32
      %dma_start3A_656 = tpu.memref_slice %arg14[%dma_start3A_653, %dma_start3A_654, %dma_start3A_655] : memref<2x80x128xf32, #tpu.memory_space<vmem>> -> memref<1x80x128xf32, #tpu.memory_space<vmem>>
      %dma_start3A_657 = tpu.memref_squeeze %dma_start3A_656 : memref<1x80x128xf32, #tpu.memory_space<vmem>> -> memref<80x128xf32, #tpu.memory_space<vmem>>
      %dma_start3A_658 = arith.constant 0 : i32
      %dma_start3A_659 = tpu.memref_slice %arg12[%dma_start3A_652, %dma_start3A_658] : memref<2x80xi32, #tpu.memory_space<vmem>> -> memref<1x80xi32, #tpu.memory_space<vmem>>
      %dma_start3A_660 = tpu.memref_squeeze %dma_start3A_659 : memref<1x80xi32, #tpu.memory_space<vmem>> -> memref<80xi32, #tpu.memory_space<vmem>>
      %dma_start3A_661 = arith.constant 0 : i32
      %dma_start3A_662 = arith.constant 0 : i32
      %dma_start3A_663 = tpu.memref_slice %arg2[%dma_start3A_661, %dma_start3A_662] : memref<10000x128xf32, #tpu.memory_space<hbm>> -> memref<10000x128xf32, #tpu.memory_space<hbm>>
      tpu.enqueue_indirect_dma source(%dma_start3A_663 : memref<10000x128xf32, #tpu.memory_space<hbm>>) target(%dma_start3A_657 : memref<80x128xf32, #tpu.memory_space<vmem>>) offsets(%dma_start3A_660 : memref<80xi32, #tpu.memory_space<vmem>>) semaphore(%arg16 : memref<!tpu.dma_semaphore, #tpu.memory_space<semaphore_mem>>)
      %dma_start3A_664 = arith.constant 1 : i32
      %dma_start3A_665 = arith.constant 1 : i32
      %dma_start3A_666 = arith.constant 0 : i32
      %dma_start3A_667 = arith.constant 0 : i32
      %dma_start3A_668 = tpu.memref_slice %arg15[%dma_start3A_665, %dma_start3A_666, %dma_start3A_667] : memref<2x80x128xf32, #tpu.memory_space<vmem>> -> memref<1x80x128xf32, #tpu.memory_space<vmem>>
      %dma_start3A_669 = tpu.memref_squeeze %dma_start3A_668 : memref<1x80x128xf32, #tpu.memory_space<vmem>> -> memref<80x128xf32, #tpu.memory_space<vmem>>
      %dma_start3A_670 = arith.constant 0 : i32
      %dma_start3A_671 = tpu.memref_slice %arg13[%dma_start3A_664, %dma_start3A_670] : memref<2x80xi32, #tpu.memory_space<vmem>> -> memref<1x80xi32, #tpu.memory_space<vmem>>
      %dma_start3A_672 = tpu.memref_squeeze %dma_start3A_671 : memref<1x80xi32, #tpu.memory_space<vmem>> -> memref<80xi32, #tpu.memory_space<vmem>>
      %dma_start3A_673 = arith.constant 0 : i32
      %dma_start3A_674 = arith.constant 0 : i32
      %dma_start3A_675 = tpu.memref_slice %arg3[%dma_start3A_673, %dma_start3A_674] : memref<10000x128xf32, #tpu.memory_space<hbm>> -> memref<10000x128xf32, #tpu.memory_space<hbm>>
      tpu.enqueue_indirect_dma source(%dma_start3A_675 : memref<10000x128xf32, #tpu.memory_space<hbm>>) target(%dma_start3A_669 : memref<80x128xf32, #tpu.memory_space<vmem>>) offsets(%dma_start3A_672 : memref<80xi32, #tpu.memory_space<vmem>>) semaphore(%arg17 : memref<!tpu.dma_semaphore, #tpu.memory_space<semaphore_mem>>)
      %dma_start3A_676 = arith.constant 1 : i32
      %dma_start3A_677 = arith.constant 1 : i32
      %dma_start3A_678 = arith.constant 0 : i32
      %dma_start3A_679 = arith.constant 0 : i32
      %dma_start3A_680 = tpu.memref_slice %arg19[%dma_start3A_677, %dma_start3A_678, %dma_start3A_679] : memref<2x6x80xf32, #tpu.memory_space<vmem>> -> memref<1x1x80xf32, #tpu.memory_space<vmem>>
      %dma_start3A_681 = tpu.memref_squeeze %dma_start3A_680 : memref<1x1x80xf32, #tpu.memory_space<vmem>> -> memref<80xf32, #tpu.memory_space<vmem>>
      %dma_start3A_682 = arith.constant 0 : i32
      %dma_start3A_683 = tpu.memref_slice %arg12[%dma_start3A_676, %dma_start3A_682] : memref<2x80xi32, #tpu.memory_space<vmem>> -> memref<1x80xi32, #tpu.memory_space<vmem>>
      %dma_start3A_684 = tpu.memref_squeeze %dma_start3A_683 : memref<1x80xi32, #tpu.memory_space<vmem>> -> memref<80xi32, #tpu.memory_space<vmem>>
      %dma_start3A_685 = arith.constant 0 : i32
      %dma_start3A_686 = tpu.memref_slice %arg6[%dma_start3A_685] : memref<10000xf32, #tpu.memory_space<hbm>> -> memref<10000xf32, #tpu.memory_space<hbm>>
      tpu.enqueue_indirect_dma source(%dma_start3A_686 : memref<10000xf32, #tpu.memory_space<hbm>>) target(%dma_start3A_681 : memref<80xf32, #tpu.memory_space<vmem>>) offsets(%dma_start3A_684 : memref<80xi32, #tpu.memory_space<vmem>>) semaphore(%arg22 : memref<!tpu.dma_semaphore, #tpu.memory_space<semaphore_mem>>)
      %dma_start3A_687 = arith.constant 1 : i32
      %dma_start3A_688 = arith.constant 1 : i32
      %dma_start3A_689 = arith.constant 1 : i32
      %dma_start3A_690 = arith.constant 0 : i32
      %dma_start3A_691 = tpu.memref_slice %arg19[%dma_start3A_688, %dma_start3A_689, %dma_start3A_690] : memref<2x6x80xf32, #tpu.memory_space<vmem>> -> memref<1x1x80xf32, #tpu.memory_space<vmem>>
      %dma_start3A_692 = tpu.memref_squeeze %dma_start3A_691 : memref<1x1x80xf32, #tpu.memory_space<vmem>> -> memref<80xf32, #tpu.memory_space<vmem>>
      %dma_start3A_693 = arith.constant 0 : i32
      %dma_start3A_694 = tpu.memref_slice %arg12[%dma_start3A_687, %dma_start3A_693] : memref<2x80xi32, #tpu.memory_space<vmem>> -> memref<1x80xi32, #tpu.memory_space<vmem>>
      %dma_start3A_695 = tpu.memref_squeeze %dma_start3A_694 : memref<1x80xi32, #tpu.memory_space<vmem>> -> memref<80xi32, #tpu.memory_space<vmem>>
      %dma_start3A_696 = arith.constant 0 : i32
      %dma_start3A_697 = tpu.memref_slice %arg7[%dma_start3A_696] : memref<10000xf32, #tpu.memory_space<hbm>> -> memref<10000xf32, #tpu.memory_space<hbm>>
      tpu.enqueue_indirect_dma source(%dma_start3A_697 : memref<10000xf32, #tpu.memory_space<hbm>>) target(%dma_start3A_692 : memref<80xf32, #tpu.memory_space<vmem>>) offsets(%dma_start3A_695 : memref<80xi32, #tpu.memory_space<vmem>>) semaphore(%arg22 : memref<!tpu.dma_semaphore, #tpu.memory_space<semaphore_mem>>)
      %dma_start3A_698 = arith.constant 1 : i32
      %dma_start3A_699 = arith.constant 1 : i32
      %dma_start3A_700 = arith.constant 2 : i32
      %dma_start3A_701 = arith.constant 0 : i32
      %dma_start3A_702 = tpu.memref_slice %arg19[%dma_start3A_699, %dma_start3A_700, %dma_start3A_701] : memref<2x6x80xf32, #tpu.memory_space<vmem>> -> memref<1x1x80xf32, #tpu.memory_space<vmem>>
      %dma_start3A_703 = tpu.memref_squeeze %dma_start3A_702 : memref<1x1x80xf32, #tpu.memory_space<vmem>> -> memref<80xf32, #tpu.memory_space<vmem>>
      %dma_start3A_704 = arith.constant 0 : i32
      %dma_start3A_705 = tpu.memref_slice %arg12[%dma_start3A_698, %dma_start3A_704] : memref<2x80xi32, #tpu.memory_space<vmem>> -> memref<1x80xi32, #tpu.memory_space<vmem>>
      %dma_start3A_706 = tpu.memref_squeeze %dma_start3A_705 : memref<1x80xi32, #tpu.memory_space<vmem>> -> memref<80xi32, #tpu.memory_space<vmem>>
      %dma_start3A_707 = arith.constant 0 : i32
      %dma_start3A_708 = tpu.memref_slice %arg8[%dma_start3A_707] : memref<10000xf32, #tpu.memory_space<hbm>> -> memref<10000xf32, #tpu.memory_space<hbm>>
      tpu.enqueue_indirect_dma source(%dma_start3A_708 : memref<10000xf32, #tpu.memory_space<hbm>>) target(%dma_start3A_703 : memref<80xf32, #tpu.memory_space<vmem>>) offsets(%dma_start3A_706 : memref<80xi32, #tpu.memory_space<vmem>>) semaphore(%arg22 : memref<!tpu.dma_semaphore, #tpu.memory_space<semaphore_mem>>)
      %dma_start3A_709 = arith.constant 1 : i32
      %dma_start3A_710 = arith.constant 1 : i32
      %dma_start3A_711 = arith.constant 3 : i32
      %dma_start3A_712 = arith.constant 0 : i32
      %dma_start3A_713 = tpu.memref_slice %arg19[%dma_start3A_710, %dma_start3A_711, %dma_start3A_712] : memref<2x6x80xf32, #tpu.memory_space<vmem>> -> memref<1x1x80xf32, #tpu.memory_space<vmem>>
      %dma_start3A_714 = tpu.memref_squeeze %dma_start3A_713 : memref<1x1x80xf32, #tpu.memory_space<vmem>> -> memref<80xf32, #tpu.memory_space<vmem>>
      %dma_start3A_715 = arith.constant 0 : i32
      %dma_start3A_716 = tpu.memref_slice %arg13[%dma_start3A_709, %dma_start3A_715] : memref<2x80xi32, #tpu.memory_space<vmem>> -> memref<1x80xi32, #tpu.memory_space<vmem>>
      %dma_start3A_717 = tpu.memref_squeeze %dma_start3A_716 : memref<1x80xi32, #tpu.memory_space<vmem>> -> memref<80xi32, #tpu.memory_space<vmem>>
      %dma_start3A_718 = arith.constant 0 : i32
      %dma_start3A_719 = tpu.memref_slice %arg6[%dma_start3A_718] : memref<10000xf32, #tpu.memory_space<hbm>> -> memref<10000xf32, #tpu.memory_space<hbm>>
      tpu.enqueue_indirect_dma source(%dma_start3A_719 : memref<10000xf32, #tpu.memory_space<hbm>>) target(%dma_start3A_714 : memref<80xf32, #tpu.memory_space<vmem>>) offsets(%dma_start3A_717 : memref<80xi32, #tpu.memory_space<vmem>>) semaphore(%arg22 : memref<!tpu.dma_semaphore, #tpu.memory_space<semaphore_mem>>)
      %dma_start3A_720 = arith.constant 1 : i32
      %dma_start3A_721 = arith.constant 1 : i32
      %dma_start3A_722 = arith.constant 4 : i32
      %dma_start3A_723 = arith.constant 0 : i32
      %dma_start3A_724 = tpu.memref_slice %arg19[%dma_start3A_721, %dma_start3A_722, %dma_start3A_723] : memref<2x6x80xf32, #tpu.memory_space<vmem>> -> memref<1x1x80xf32, #tpu.memory_space<vmem>>
      %dma_start3A_725 = tpu.memref_squeeze %dma_start3A_724 : memref<1x1x80xf32, #tpu.memory_space<vmem>> -> memref<80xf32, #tpu.memory_space<vmem>>
      %dma_start3A_726 = arith.constant 0 : i32
      %dma_start3A_727 = tpu.memref_slice %arg13[%dma_start3A_720, %dma_start3A_726] : memref<2x80xi32, #tpu.memory_space<vmem>> -> memref<1x80xi32, #tpu.memory_space<vmem>>
      %dma_start3A_728 = tpu.memref_squeeze %dma_start3A_727 : memref<1x80xi32, #tpu.memory_space<vmem>> -> memref<80xi32, #tpu.memory_space<vmem>>
      %dma_start3A_729 = arith.constant 0 : i32
      %dma_start3A_730 = tpu.memref_slice %arg7[%dma_start3A_729] : memref<10000xf32, #tpu.memory_space<hbm>> -> memref<10000xf32, #tpu.memory_space<hbm>>
      tpu.enqueue_indirect_dma source(%dma_start3A_730 : memref<10000xf32, #tpu.memory_space<hbm>>) target(%dma_start3A_725 : memref<80xf32, #tpu.memory_space<vmem>>) offsets(%dma_start3A_728 : memref<80xi32, #tpu.memory_space<vmem>>) semaphore(%arg22 : memref<!tpu.dma_semaphore, #tpu.memory_space<semaphore_mem>>)
      %dma_start3A_731 = arith.constant 1 : i32
      %dma_start3A_732 = arith.constant 1 : i32
      %dma_start3A_733 = arith.constant 5 : i32
      %dma_start3A_734 = arith.constant 0 : i32
      %dma_start3A_735 = tpu.memref_slice %arg19[%dma_start3A_732, %dma_start3A_733, %dma_start3A_734] : memref<2x6x80xf32, #tpu.memory_space<vmem>> -> memref<1x1x80xf32, #tpu.memory_space<vmem>>
      %dma_start3A_736 = tpu.memref_squeeze %dma_start3A_735 : memref<1x1x80xf32, #tpu.memory_space<vmem>> -> memref<80xf32, #tpu.memory_space<vmem>>
      %dma_start3A_737 = arith.constant 0 : i32
      %dma_start3A_738 = tpu.memref_slice %arg13[%dma_start3A_731, %dma_start3A_737] : memref<2x80xi32, #tpu.memory_space<vmem>> -> memref<1x80xi32, #tpu.memory_space<vmem>>
      %dma_start3A_739 = tpu.memref_squeeze %dma_start3A_738 : memref<1x80xi32, #tpu.memory_space<vmem>> -> memref<80xi32, #tpu.memory_space<vmem>>
      %dma_start3A_740 = arith.constant 0 : i32
      %dma_start3A_741 = tpu.memref_slice %arg8[%dma_start3A_740] : memref<10000xf32, #tpu.memory_space<hbm>> -> memref<10000xf32, #tpu.memory_space<hbm>>
      tpu.enqueue_indirect_dma source(%dma_start3A_741 : memref<10000xf32, #tpu.memory_space<hbm>>) target(%dma_start3A_736 : memref<80xf32, #tpu.memory_space<vmem>>) offsets(%dma_start3A_739 : memref<80xi32, #tpu.memory_space<vmem>>) semaphore(%arg22 : memref<!tpu.dma_semaphore, #tpu.memory_space<semaphore_mem>>)
      %dma_wait3A_742 = arith.constant 0 : i32
      %dma_wait3A_743 = arith.constant 0 : i32
      %dma_wait3A_744 = arith.constant 0 : i32
      %dma_wait3A_745 = arith.constant 0 : i32
      %dma_wait3A_746 = tpu.memref_slice %arg19[%dma_wait3A_743, %dma_wait3A_744, %dma_wait3A_745] : memref<2x6x80xf32, #tpu.memory_space<vmem>> -> memref<1x1x80xf32, #tpu.memory_space<vmem>>
      %dma_wait3A_747 = tpu.memref_squeeze %dma_wait3A_746 : memref<1x1x80xf32, #tpu.memory_space<vmem>> -> memref<80xf32, #tpu.memory_space<vmem>>
      %dma_wait3A_748 = arith.constant 0 : i32
      %dma_wait3A_749 = tpu.memref_slice %arg12[%dma_wait3A_742, %dma_wait3A_748] : memref<2x80xi32, #tpu.memory_space<vmem>> -> memref<1x80xi32, #tpu.memory_space<vmem>>
      %dma_wait3A_750 = tpu.memref_squeeze %dma_wait3A_749 : memref<1x80xi32, #tpu.memory_space<vmem>> -> memref<80xi32, #tpu.memory_space<vmem>>
      %dma_wait3A_751 = arith.constant 0 : i32
      %dma_wait3A_752 = tpu.memref_slice %arg6[%dma_wait3A_751] : memref<10000xf32, #tpu.memory_space<hbm>> -> memref<10000xf32, #tpu.memory_space<hbm>>
      tpu.wait_indirect_dma semaphore(%arg21 : memref<!tpu.dma_semaphore, #tpu.memory_space<semaphore_mem>>) src(%dma_wait3A_752 : memref<10000xf32, #tpu.memory_space<hbm>>) dst(%dma_wait3A_747 : memref<80xf32, #tpu.memory_space<vmem>>)
      %dma_wait3A_753 = arith.constant 0 : i32
      %dma_wait3A_754 = arith.constant 0 : i32
      %dma_wait3A_755 = arith.constant 1 : i32
      %dma_wait3A_756 = arith.constant 0 : i32
      %dma_wait3A_757 = tpu.memref_slice %arg19[%dma_wait3A_754, %dma_wait3A_755, %dma_wait3A_756] : memref<2x6x80xf32, #tpu.memory_space<vmem>> -> memref<1x1x80xf32, #tpu.memory_space<vmem>>
      %dma_wait3A_758 = tpu.memref_squeeze %dma_wait3A_757 : memref<1x1x80xf32, #tpu.memory_space<vmem>> -> memref<80xf32, #tpu.memory_space<vmem>>
      %dma_wait3A_759 = arith.constant 0 : i32
      %dma_wait3A_760 = tpu.memref_slice %arg12[%dma_wait3A_753, %dma_wait3A_759] : memref<2x80xi32, #tpu.memory_space<vmem>> -> memref<1x80xi32, #tpu.memory_space<vmem>>
      %dma_wait3A_761 = tpu.memref_squeeze %dma_wait3A_760 : memref<1x80xi32, #tpu.memory_space<vmem>> -> memref<80xi32, #tpu.memory_space<vmem>>
      %dma_wait3A_762 = arith.constant 0 : i32
      %dma_wait3A_763 = tpu.memref_slice %arg7[%dma_wait3A_762] : memref<10000xf32, #tpu.memory_space<hbm>> -> memref<10000xf32, #tpu.memory_space<hbm>>
      tpu.wait_indirect_dma semaphore(%arg21 : memref<!tpu.dma_semaphore, #tpu.memory_space<semaphore_mem>>) src(%dma_wait3A_763 : memref<10000xf32, #tpu.memory_space<hbm>>) dst(%dma_wait3A_758 : memref<80xf32, #tpu.memory_space<vmem>>)
      %dma_wait3A_764 = arith.constant 0 : i32
      %dma_wait3A_765 = arith.constant 0 : i32
      %dma_wait3A_766 = arith.constant 2 : i32
      %dma_wait3A_767 = arith.constant 0 : i32
      %dma_wait3A_768 = tpu.memref_slice %arg19[%dma_wait3A_765, %dma_wait3A_766, %dma_wait3A_767] : memref<2x6x80xf32, #tpu.memory_space<vmem>> -> memref<1x1x80xf32, #tpu.memory_space<vmem>>
      %dma_wait3A_769 = tpu.memref_squeeze %dma_wait3A_768 : memref<1x1x80xf32, #tpu.memory_space<vmem>> -> memref<80xf32, #tpu.memory_space<vmem>>
      %dma_wait3A_770 = arith.constant 0 : i32
      %dma_wait3A_771 = tpu.memref_slice %arg12[%dma_wait3A_764, %dma_wait3A_770] : memref<2x80xi32, #tpu.memory_space<vmem>> -> memref<1x80xi32, #tpu.memory_space<vmem>>
      %dma_wait3A_772 = tpu.memref_squeeze %dma_wait3A_771 : memref<1x80xi32, #tpu.memory_space<vmem>> -> memref<80xi32, #tpu.memory_space<vmem>>
      %dma_wait3A_773 = arith.constant 0 : i32
      %dma_wait3A_774 = tpu.memref_slice %arg8[%dma_wait3A_773] : memref<10000xf32, #tpu.memory_space<hbm>> -> memref<10000xf32, #tpu.memory_space<hbm>>
      tpu.wait_indirect_dma semaphore(%arg21 : memref<!tpu.dma_semaphore, #tpu.memory_space<semaphore_mem>>) src(%dma_wait3A_774 : memref<10000xf32, #tpu.memory_space<hbm>>) dst(%dma_wait3A_769 : memref<80xf32, #tpu.memory_space<vmem>>)
      %dma_wait3A_775 = arith.constant 0 : i32
      %dma_wait3A_776 = arith.constant 0 : i32
      %dma_wait3A_777 = arith.constant 3 : i32
      %dma_wait3A_778 = arith.constant 0 : i32
      %dma_wait3A_779 = tpu.memref_slice %arg19[%dma_wait3A_776, %dma_wait3A_777, %dma_wait3A_778] : memref<2x6x80xf32, #tpu.memory_space<vmem>> -> memref<1x1x80xf32, #tpu.memory_space<vmem>>
      %dma_wait3A_780 = tpu.memref_squeeze %dma_wait3A_779 : memref<1x1x80xf32, #tpu.memory_space<vmem>> -> memref<80xf32, #tpu.memory_space<vmem>>
      %dma_wait3A_781 = arith.constant 0 : i32
      %dma_wait3A_782 = tpu.memref_slice %arg13[%dma_wait3A_775, %dma_wait3A_781] : memref<2x80xi32, #tpu.memory_space<vmem>> -> memref<1x80xi32, #tpu.memory_space<vmem>>
      %dma_wait3A_783 = tpu.memref_squeeze %dma_wait3A_782 : memref<1x80xi32, #tpu.memory_space<vmem>> -> memref<80xi32, #tpu.memory_space<vmem>>
      %dma_wait3A_784 = arith.constant 0 : i32
      %dma_wait3A_785 = tpu.memref_slice %arg6[%dma_wait3A_784] : memref<10000xf32, #tpu.memory_space<hbm>> -> memref<10000xf32, #tpu.memory_space<hbm>>
      tpu.wait_indirect_dma semaphore(%arg21 : memref<!tpu.dma_semaphore, #tpu.memory_space<semaphore_mem>>) src(%dma_wait3A_785 : memref<10000xf32, #tpu.memory_space<hbm>>) dst(%dma_wait3A_780 : memref<80xf32, #tpu.memory_space<vmem>>)
      %dma_wait3A_786 = arith.constant 0 : i32
      %dma_wait3A_787 = arith.constant 0 : i32
      %dma_wait3A_788 = arith.constant 4 : i32
      %dma_wait3A_789 = arith.constant 0 : i32
      %dma_wait3A_790 = tpu.memref_slice %arg19[%dma_wait3A_787, %dma_wait3A_788, %dma_wait3A_789] : memref<2x6x80xf32, #tpu.memory_space<vmem>> -> memref<1x1x80xf32, #tpu.memory_space<vmem>>
      %dma_wait3A_791 = tpu.memref_squeeze %dma_wait3A_790 : memref<1x1x80xf32, #tpu.memory_space<vmem>> -> memref<80xf32, #tpu.memory_space<vmem>>
      %dma_wait3A_792 = arith.constant 0 : i32
      %dma_wait3A_793 = tpu.memref_slice %arg13[%dma_wait3A_786, %dma_wait3A_792] : memref<2x80xi32, #tpu.memory_space<vmem>> -> memref<1x80xi32, #tpu.memory_space<vmem>>
      %dma_wait3A_794 = tpu.memref_squeeze %dma_wait3A_793 : memref<1x80xi32, #tpu.memory_space<vmem>> -> memref<80xi32, #tpu.memory_space<vmem>>
      %dma_wait3A_795 = arith.constant 0 : i32
      %dma_wait3A_796 = tpu.memref_slice %arg7[%dma_wait3A_795] : memref<10000xf32, #tpu.memory_space<hbm>> -> memref<10000xf32, #tpu.memory_space<hbm>>
      tpu.wait_indirect_dma semaphore(%arg21 : memref<!tpu.dma_semaphore, #tpu.memory_space<semaphore_mem>>) src(%dma_wait3A_796 : memref<10000xf32, #tpu.memory_space<hbm>>) dst(%dma_wait3A_791 : memref<80xf32, #tpu.memory_space<vmem>>)
      %dma_wait3A_797 = arith.constant 0 : i32
      %dma_wait3A_798 = arith.constant 0 : i32
      %dma_wait3A_799 = arith.constant 5 : i32
      %dma_wait3A_800 = arith.constant 0 : i32
      %dma_wait3A_801 = tpu.memref_slice %arg19[%dma_wait3A_798, %dma_wait3A_799, %dma_wait3A_800] : memref<2x6x80xf32, #tpu.memory_space<vmem>> -> memref<1x1x80xf32, #tpu.memory_space<vmem>>
      %dma_wait3A_802 = tpu.memref_squeeze %dma_wait3A_801 : memref<1x1x80xf32, #tpu.memory_space<vmem>> -> memref<80xf32, #tpu.memory_space<vmem>>
      %dma_wait3A_803 = arith.constant 0 : i32
      %dma_wait3A_804 = tpu.memref_slice %arg13[%dma_wait3A_797, %dma_wait3A_803] : memref<2x80xi32, #tpu.memory_space<vmem>> -> memref<1x80xi32, #tpu.memory_space<vmem>>
      %dma_wait3A_805 = tpu.memref_squeeze %dma_wait3A_804 : memref<1x80xi32, #tpu.memory_space<vmem>> -> memref<80xi32, #tpu.memory_space<vmem>>
      %dma_wait3A_806 = arith.constant 0 : i32
      %dma_wait3A_807 = tpu.memref_slice %arg8[%dma_wait3A_806] : memref<10000xf32, #tpu.memory_space<hbm>> -> memref<10000xf32, #tpu.memory_space<hbm>>
      tpu.wait_indirect_dma semaphore(%arg21 : memref<!tpu.dma_semaphore, #tpu.memory_space<semaphore_mem>>) src(%dma_wait3A_807 : memref<10000xf32, #tpu.memory_space<hbm>>) dst(%dma_wait3A_802 : memref<80xf32, #tpu.memory_space<vmem>>)
      %broadcast_in_dim3A_808 = arith.constant 0.000000e+00 : f32
      %broadcast_in_dim3A_809 = vector.broadcast %broadcast_in_dim3A_808 : f32 to vector<16xf32>
      %get3A_810 = arith.constant 0 : i32
      %get3A_811 = arith.constant 3 : i32
      %get3A_812 = arith.index_cast %get3A_810 : i32 to index
      %get3A_813 = arith.index_cast %get3A_811 : i32 to index
      %get3A_814 = arith.constant 0 : index
      %get3A_815 = tpu.vector_load %arg19[%get3A_812, %get3A_813, %get3A_814] {strides = array<i32>} : memref<2x6x80xf32, #tpu.memory_space<vmem>>, vector<1x1x16xf32>,
      %get3A_816 = vector.shape_cast %get3A_815 : vector<1x1x16xf32> to vector<16xf32>
      %get3A_817 = arith.constant 0 : i32
      %get3A_818 = arith.constant 0 : i32
      %get3A_819 = arith.index_cast %get3A_817 : i32 to index
      %get3A_820 = arith.index_cast %get3A_818 : i32 to index
      %get3A_821 = arith.constant 0 : index
      %get3A_822 = tpu.vector_load %arg19[%get3A_819, %get3A_820, %get3A_821] {strides = array<i32>} : memref<2x6x80xf32, #tpu.memory_space<vmem>>, vector<1x1x16xf32>,
      %get3A_823 = vector.shape_cast %get3A_822 : vector<1x1x16xf32> to vector<16xf32>
      %sub3A_824 = arith.subf %get3A_816, %get3A_823 : vector<16xf32>
      %mul3A_825 = arith.mulf %sub3A_824, %sub3A_824 : vector<16xf32>
      %add3A_826 = arith.addf %broadcast_in_dim3A_809, %mul3A_825 : vector<16xf32>
      %get3A_827 = arith.constant 0 : i32
      %get3A_828 = arith.constant 4 : i32
      %get3A_829 = arith.index_cast %get3A_827 : i32 to index
      %get3A_830 = arith.index_cast %get3A_828 : i32 to index
      %get3A_831 = arith.constant 0 : index
      %get3A_832 = tpu.vector_load %arg19[%get3A_829, %get3A_830, %get3A_831] {strides = array<i32>} : memref<2x6x80xf32, #tpu.memory_space<vmem>>, vector<1x1x16xf32>,
      %get3A_833 = vector.shape_cast %get3A_832 : vector<1x1x16xf32> to vector<16xf32>
      %get3A_834 = arith.constant 0 : i32
      %get3A_835 = arith.constant 1 : i32
      %get3A_836 = arith.index_cast %get3A_834 : i32 to index
      %get3A_837 = arith.index_cast %get3A_835 : i32 to index
      %get3A_838 = arith.constant 0 : index
      %get3A_839 = tpu.vector_load %arg19[%get3A_836, %get3A_837, %get3A_838] {strides = array<i32>} : memref<2x6x80xf32, #tpu.memory_space<vmem>>, vector<1x1x16xf32>,
      %get3A_840 = vector.shape_cast %get3A_839 : vector<1x1x16xf32> to vector<16xf32>
      %sub3A_841 = arith.subf %get3A_833, %get3A_840 : vector<16xf32>
      %mul3A_842 = arith.mulf %sub3A_841, %sub3A_841 : vector<16xf32>
      %add3A_843 = arith.addf %add3A_826, %mul3A_842 : vector<16xf32>
      %get3A_844 = arith.constant 0 : i32
      %get3A_845 = arith.constant 5 : i32
      %get3A_846 = arith.index_cast %get3A_844 : i32 to index
      %get3A_847 = arith.index_cast %get3A_845 : i32 to index
      %get3A_848 = arith.constant 0 : index
      %get3A_849 = tpu.vector_load %arg19[%get3A_846, %get3A_847, %get3A_848] {strides = array<i32>} : memref<2x6x80xf32, #tpu.memory_space<vmem>>, vector<1x1x16xf32>,
      %get3A_850 = vector.shape_cast %get3A_849 : vector<1x1x16xf32> to vector<16xf32>
      %get3A_851 = arith.constant 0 : i32
      %get3A_852 = arith.constant 2 : i32
      %get3A_853 = arith.index_cast %get3A_851 : i32 to index
      %get3A_854 = arith.index_cast %get3A_852 : i32 to index
      %get3A_855 = arith.constant 0 : index
      %get3A_856 = tpu.vector_load %arg19[%get3A_853, %get3A_854, %get3A_855] {strides = array<i32>} : memref<2x6x80xf32, #tpu.memory_space<vmem>>, vector<1x1x16xf32>,
      %get3A_857 = vector.shape_cast %get3A_856 : vector<1x1x16xf32> to vector<16xf32>
      %sub3A_858 = arith.subf %get3A_850, %get3A_857 : vector<16xf32>
      %mul3A_859 = arith.mulf %sub3A_858, %sub3A_858 : vector<16xf32>
      %add3A_860 = arith.addf %add3A_843, %mul3A_859 : vector<16xf32>
      %swap3A_861 = arith.constant 0 : i32
      %swap3A_862 = arith.index_cast %swap3A_861 : i32 to index
      %swap3A_863 = arith.constant 0 : index
      %swap3A_864 = tpu.vector_load %arg20[%swap3A_862, %swap3A_863] {strides = array<i32>} : memref<2x80xf32, #tpu.memory_space<vmem>>, vector<1x16xf32>,
      %swap3A_865 = vector.shape_cast %swap3A_864 : vector<1x16xf32> to vector<16xf32>
      %swap3A_866 = vector.shape_cast %add3A_860 : vector<16xf32> to vector<1x16xf32>
      tpu.vector_store %arg20[%swap3A_862, %swap3A_863], %swap3A_866 {strides = array<i32>} : memref<2x80xf32, #tpu.memory_space<vmem>>, vector<1x16xf32>,
      %broadcast_in_dim3A_867 = arith.constant 0.000000e+00 : f32
      %broadcast_in_dim3A_868 = vector.broadcast %broadcast_in_dim3A_867 : f32 to vector<16xf32>
      %get3A_869 = arith.constant 0 : i32
      %get3A_870 = arith.constant 3 : i32
      %get3A_871 = arith.index_cast %get3A_869 : i32 to index
      %get3A_872 = arith.index_cast %get3A_870 : i32 to index
      %get3A_873 = arith.constant 16 : index
      %get3A_874 = tpu.vector_load %arg19[%get3A_871, %get3A_872, %get3A_873] {strides = array<i32>} : memref<2x6x80xf32, #tpu.memory_space<vmem>>, vector<1x1x16xf32>,
      %get3A_875 = vector.shape_cast %get3A_874 : vector<1x1x16xf32> to vector<16xf32>
      %get3A_876 = arith.constant 0 : i32
      %get3A_877 = arith.constant 0 : i32
      %get3A_878 = arith.index_cast %get3A_876 : i32 to index
      %get3A_879 = arith.index_cast %get3A_877 : i32 to index
      %get3A_880 = arith.constant 16 : index
      %get3A_881 = tpu.vector_load %arg19[%get3A_878, %get3A_879, %get3A_880] {strides = array<i32>} : memref<2x6x80xf32, #tpu.memory_space<vmem>>, vector<1x1x16xf32>,
      %get3A_882 = vector.shape_cast %get3A_881 : vector<1x1x16xf32> to vector<16xf32>
      %sub3A_883 = arith.subf %get3A_875, %get3A_882 : vector<16xf32>
      %mul3A_884 = arith.mulf %sub3A_883, %sub3A_883 : vector<16xf32>
      %add3A_885 = arith.addf %broadcast_in_dim3A_868, %mul3A_884 : vector<16xf32>
      %get3A_886 = arith.constant 0 : i32
      %get3A_887 = arith.constant 4 : i32
      %get3A_888 = arith.index_cast %get3A_886 : i32 to index
      %get3A_889 = arith.index_cast %get3A_887 : i32 to index
      %get3A_890 = arith.constant 16 : index
      %get3A_891 = tpu.vector_load %arg19[%get3A_888, %get3A_889, %get3A_890] {strides = array<i32>} : memref<2x6x80xf32, #tpu.memory_space<vmem>>, vector<1x1x16xf32>,
      %get3A_892 = vector.shape_cast %get3A_891 : vector<1x1x16xf32> to vector<16xf32>
      %get3A_893 = arith.constant 0 : i32
      %get3A_894 = arith.constant 1 : i32
      %get3A_895 = arith.index_cast %get3A_893 : i32 to index
      %get3A_896 = arith.index_cast %get3A_894 : i32 to index
      %get3A_897 = arith.constant 16 : index
      %get3A_898 = tpu.vector_load %arg19[%get3A_895, %get3A_896, %get3A_897] {strides = array<i32>} : memref<2x6x80xf32, #tpu.memory_space<vmem>>, vector<1x1x16xf32>,
      %get3A_899 = vector.shape_cast %get3A_898 : vector<1x1x16xf32> to vector<16xf32>
      %sub3A_900 = arith.subf %get3A_892, %get3A_899 : vector<16xf32>
      %mul3A_901 = arith.mulf %sub3A_900, %sub3A_900 : vector<16xf32>
      %add3A_902 = arith.addf %add3A_885, %mul3A_901 : vector<16xf32>
      %get3A_903 = arith.constant 0 : i32
      %get3A_904 = arith.constant 5 : i32
      %get3A_905 = arith.index_cast %get3A_903 : i32 to index
      %get3A_906 = arith.index_cast %get3A_904 : i32 to index
      %get3A_907 = arith.constant 16 : index
      %get3A_908 = tpu.vector_load %arg19[%get3A_905, %get3A_906, %get3A_907] {strides = array<i32>} : memref<2x6x80xf32, #tpu.memory_space<vmem>>, vector<1x1x16xf32>,
      %get3A_909 = vector.shape_cast %get3A_908 : vector<1x1x16xf32> to vector<16xf32>
      %get3A_910 = arith.constant 0 : i32
      %get3A_911 = arith.constant 2 : i32
      %get3A_912 = arith.index_cast %get3A_910 : i32 to index
      %get3A_913 = arith.index_cast %get3A_911 : i32 to index
      %get3A_914 = arith.constant 16 : index
      %get3A_915 = tpu.vector_load %arg19[%get3A_912, %get3A_913, %get3A_914] {strides = array<i32>} : memref<2x6x80xf32, #tpu.memory_space<vmem>>, vector<1x1x16xf32>,
      %get3A_916 = vector.shape_cast %get3A_915 : vector<1x1x16xf32> to vector<16xf32>
      %sub3A_917 = arith.subf %get3A_909, %get3A_916 : vector<16xf32>
      %mul3A_918 = arith.mulf %sub3A_917, %sub3A_917 : vector<16xf32>
      %add3A_919 = arith.addf %add3A_902, %mul3A_918 : vector<16xf32>
      %swap3A_920 = arith.constant 0 : i32
      %swap3A_921 = arith.index_cast %swap3A_920 : i32 to index
      %swap3A_922 = arith.constant 16 : index
      %swap3A_923 = tpu.vector_load %arg20[%swap3A_921, %swap3A_922] {strides = array<i32>} : memref<2x80xf32, #tpu.memory_space<vmem>>, vector<1x16xf32>,
      %swap3A_924 = vector.shape_cast %swap3A_923 : vector<1x16xf32> to vector<16xf32>
      %swap3A_925 = vector.shape_cast %add3A_919 : vector<16xf32> to vector<1x16xf32>
      tpu.vector_store %arg20[%swap3A_921, %swap3A_922], %swap3A_925 {strides = array<i32>} : memref<2x80xf32, #tpu.memory_space<vmem>>, vector<1x16xf32>,
      %broadcast_in_dim3A_926 = arith.constant 0.000000e+00 : f32
      %broadcast_in_dim3A_927 = vector.broadcast %broadcast_in_dim3A_926 : f32 to vector<16xf32>
      %get3A_928 = arith.constant 0 : i32
      %get3A_929 = arith.constant 3 : i32
      %get3A_930 = arith.index_cast %get3A_928 : i32 to index
      %get3A_931 = arith.index_cast %get3A_929 : i32 to index
      %get3A_932 = arith.constant 32 : index
      %get3A_933 = tpu.vector_load %arg19[%get3A_930, %get3A_931, %get3A_932] {strides = array<i32>} : memref<2x6x80xf32, #tpu.memory_space<vmem>>, vector<1x1x16xf32>,
      %get3A_934 = vector.shape_cast %get3A_933 : vector<1x1x16xf32> to vector<16xf32>
      %get3A_935 = arith.constant 0 : i32
      %get3A_936 = arith.constant 0 : i32
      %get3A_937 = arith.index_cast %get3A_935 : i32 to index
      %get3A_938 = arith.index_cast %get3A_936 : i32 to index
      %get3A_939 = arith.constant 32 : index
      %get3A_940 = tpu.vector_load %arg19[%get3A_937, %get3A_938, %get3A_939] {strides = array<i32>} : memref<2x6x80xf32, #tpu.memory_space<vmem>>, vector<1x1x16xf32>,
      %get3A_941 = vector.shape_cast %get3A_940 : vector<1x1x16xf32> to vector<16xf32>
      %sub3A_942 = arith.subf %get3A_934, %get3A_941 : vector<16xf32>
      %mul3A_943 = arith.mulf %sub3A_942, %sub3A_942 : vector<16xf32>
      %add3A_944 = arith.addf %broadcast_in_dim3A_927, %mul3A_943 : vector<16xf32>
      %get3A_945 = arith.constant 0 : i32
      %get3A_946 = arith.constant 4 : i32
      %get3A_947 = arith.index_cast %get3A_945 : i32 to index
      %get3A_948 = arith.index_cast %get3A_946 : i32 to index
      %get3A_949 = arith.constant 32 : index
      %get3A_950 = tpu.vector_load %arg19[%get3A_947, %get3A_948, %get3A_949] {strides = array<i32>} : memref<2x6x80xf32, #tpu.memory_space<vmem>>, vector<1x1x16xf32>,
      %get3A_951 = vector.shape_cast %get3A_950 : vector<1x1x16xf32> to vector<16xf32>
      %get3A_952 = arith.constant 0 : i32
      %get3A_953 = arith.constant 1 : i32
      %get3A_954 = arith.index_cast %get3A_952 : i32 to index
      %get3A_955 = arith.index_cast %get3A_953 : i32 to index
      %get3A_956 = arith.constant 32 : index
      %get3A_957 = tpu.vector_load %arg19[%get3A_954, %get3A_955, %get3A_956] {strides = array<i32>} : memref<2x6x80xf32, #tpu.memory_space<vmem>>, vector<1x1x16xf32>,
      %get3A_958 = vector.shape_cast %get3A_957 : vector<1x1x16xf32> to vector<16xf32>
      %sub3A_959 = arith.subf %get3A_951, %get3A_958 : vector<16xf32>
      %mul3A_960 = arith.mulf %sub3A_959, %sub3A_959 : vector<16xf32>
      %add3A_961 = arith.addf %add3A_944, %mul3A_960 : vector<16xf32>
      %get3A_962 = arith.constant 0 : i32
      %get3A_963 = arith.constant 5 : i32
      %get3A_964 = arith.index_cast %get3A_962 : i32 to index
      %get3A_965 = arith.index_cast %get3A_963 : i32 to index
      %get3A_966 = arith.constant 32 : index
      %get3A_967 = tpu.vector_load %arg19[%get3A_964, %get3A_965, %get3A_966] {strides = array<i32>} : memref<2x6x80xf32, #tpu.memory_space<vmem>>, vector<1x1x16xf32>,
      %get3A_968 = vector.shape_cast %get3A_967 : vector<1x1x16xf32> to vector<16xf32>
      %get3A_969 = arith.constant 0 : i32
      %get3A_970 = arith.constant 2 : i32
      %get3A_971 = arith.index_cast %get3A_969 : i32 to index
      %get3A_972 = arith.index_cast %get3A_970 : i32 to index
      %get3A_973 = arith.constant 32 : index
      %get3A_974 = tpu.vector_load %arg19[%get3A_971, %get3A_972, %get3A_973] {strides = array<i32>} : memref<2x6x80xf32, #tpu.memory_space<vmem>>, vector<1x1x16xf32>,
      %get3A_975 = vector.shape_cast %get3A_974 : vector<1x1x16xf32> to vector<16xf32>
      %sub3A_976 = arith.subf %get3A_968, %get3A_975 : vector<16xf32>
      %mul3A_977 = arith.mulf %sub3A_976, %sub3A_976 : vector<16xf32>
      %add3A_978 = arith.addf %add3A_961, %mul3A_977 : vector<16xf32>
      %swap3A_979 = arith.constant 0 : i32
      %swap3A_980 = arith.index_cast %swap3A_979 : i32 to index
      %swap3A_981 = arith.constant 32 : index
      %swap3A_982 = tpu.vector_load %arg20[%swap3A_980, %swap3A_981] {strides = array<i32>} : memref<2x80xf32, #tpu.memory_space<vmem>>, vector<1x16xf32>,
      %swap3A_983 = vector.shape_cast %swap3A_982 : vector<1x16xf32> to vector<16xf32>
      %swap3A_984 = vector.shape_cast %add3A_978 : vector<16xf32> to vector<1x16xf32>
      tpu.vector_store %arg20[%swap3A_980, %swap3A_981], %swap3A_984 {strides = array<i32>} : memref<2x80xf32, #tpu.memory_space<vmem>>, vector<1x16xf32>,
      %broadcast_in_dim3A_985 = arith.constant 0.000000e+00 : f32
      %broadcast_in_dim3A_986 = vector.broadcast %broadcast_in_dim3A_985 : f32 to vector<16xf32>
      %get3A_987 = arith.constant 0 : i32
      %get3A_988 = arith.constant 3 : i32
      %get3A_989 = arith.index_cast %get3A_987 : i32 to index
      %get3A_990 = arith.index_cast %get3A_988 : i32 to index
      %get3A_991 = arith.constant 48 : index
      %get3A_992 = tpu.vector_load %arg19[%get3A_989, %get3A_990, %get3A_991] {strides = array<i32>} : memref<2x6x80xf32, #tpu.memory_space<vmem>>, vector<1x1x16xf32>,
      %get3A_993 = vector.shape_cast %get3A_992 : vector<1x1x16xf32> to vector<16xf32>
      %get3A_994 = arith.constant 0 : i32
      %get3A_995 = arith.constant 0 : i32
      %get3A_996 = arith.index_cast %get3A_994 : i32 to index
      %get3A_997 = arith.index_cast %get3A_995 : i32 to index
      %get3A_998 = arith.constant 48 : index
      %get3A_999 = tpu.vector_load %arg19[%get3A_996, %get3A_997, %get3A_998] {strides = array<i32>} : memref<2x6x80xf32, #tpu.memory_space<vmem>>, vector<1x1x16xf32>,
      %get3A_1000 = vector.shape_cast %get3A_999 : vector<1x1x16xf32> to vector<16xf32>
      %sub3A_1001 = arith.subf %get3A_993, %get3A_1000 : vector<16xf32>
      %mul3A_1002 = arith.mulf %sub3A_1001, %sub3A_1001 : vector<16xf32>
      %add3A_1003 = arith.addf %broadcast_in_dim3A_986, %mul3A_1002 : vector<16xf32>
      %get3A_1004 = arith.constant 0 : i32
      %get3A_1005 = arith.constant 4 : i32
      %get3A_1006 = arith.index_cast %get3A_1004 : i32 to index
      %get3A_1007 = arith.index_cast %get3A_1005 : i32 to index
      %get3A_1008 = arith.constant 48 : index
      %get3A_1009 = tpu.vector_load %arg19[%get3A_1006, %get3A_1007, %get3A_1008] {strides = array<i32>} : memref<2x6x80xf32, #tpu.memory_space<vmem>>, vector<1x1x16xf32>,
      %get3A_1010 = vector.shape_cast %get3A_1009 : vector<1x1x16xf32> to vector<16xf32>
      %get3A_1011 = arith.constant 0 : i32
      %get3A_1012 = arith.constant 1 : i32
      %get3A_1013 = arith.index_cast %get3A_1011 : i32 to index
      %get3A_1014 = arith.index_cast %get3A_1012 : i32 to index
      %get3A_1015 = arith.constant 48 : index
      %get3A_1016 = tpu.vector_load %arg19[%get3A_1013, %get3A_1014, %get3A_1015] {strides = array<i32>} : memref<2x6x80xf32, #tpu.memory_space<vmem>>, vector<1x1x16xf32>,
      %get3A_1017 = vector.shape_cast %get3A_1016 : vector<1x1x16xf32> to vector<16xf32>
      %sub3A_1018 = arith.subf %get3A_1010, %get3A_1017 : vector<16xf32>
      %mul3A_1019 = arith.mulf %sub3A_1018, %sub3A_1018 : vector<16xf32>
      %add3A_1020 = arith.addf %add3A_1003, %mul3A_1019 : vector<16xf32>
      %get3A_1021 = arith.constant 0 : i32
      %get3A_1022 = arith.constant 5 : i32
      %get3A_1023 = arith.index_cast %get3A_1021 : i32 to index
      %get3A_1024 = arith.index_cast %get3A_1022 : i32 to index
      %get3A_1025 = arith.constant 48 : index
      %get3A_1026 = tpu.vector_load %arg19[%get3A_1023, %get3A_1024, %get3A_1025] {strides = array<i32>} : memref<2x6x80xf32, #tpu.memory_space<vmem>>, vector<1x1x16xf32>,
      %get3A_1027 = vector.shape_cast %get3A_1026 : vector<1x1x16xf32> to vector<16xf32>
      %get3A_1028 = arith.constant 0 : i32
      %get3A_1029 = arith.constant 2 : i32
      %get3A_1030 = arith.index_cast %get3A_1028 : i32 to index
      %get3A_1031 = arith.index_cast %get3A_1029 : i32 to index
      %get3A_1032 = arith.constant 48 : index
      %get3A_1033 = tpu.vector_load %arg19[%get3A_1030, %get3A_1031, %get3A_1032] {strides = array<i32>} : memref<2x6x80xf32, #tpu.memory_space<vmem>>, vector<1x1x16xf32>,
      %get3A_1034 = vector.shape_cast %get3A_1033 : vector<1x1x16xf32> to vector<16xf32>
      %sub3A_1035 = arith.subf %get3A_1027, %get3A_1034 : vector<16xf32>
      %mul3A_1036 = arith.mulf %sub3A_1035, %sub3A_1035 : vector<16xf32>
      %add3A_1037 = arith.addf %add3A_1020, %mul3A_1036 : vector<16xf32>
      %swap3A_1038 = arith.constant 0 : i32
      %swap3A_1039 = arith.index_cast %swap3A_1038 : i32 to index
      %swap3A_1040 = arith.constant 48 : index
      %swap3A_1041 = tpu.vector_load %arg20[%swap3A_1039, %swap3A_1040] {strides = array<i32>} : memref<2x80xf32, #tpu.memory_space<vmem>>, vector<1x16xf32>,
      %swap3A_1042 = vector.shape_cast %swap3A_1041 : vector<1x16xf32> to vector<16xf32>
      %swap3A_1043 = vector.shape_cast %add3A_1037 : vector<16xf32> to vector<1x16xf32>
      tpu.vector_store %arg20[%swap3A_1039, %swap3A_1040], %swap3A_1043 {strides = array<i32>} : memref<2x80xf32, #tpu.memory_space<vmem>>, vector<1x16xf32>,
      %broadcast_in_dim3A_1044 = arith.constant 0.000000e+00 : f32
      %broadcast_in_dim3A_1045 = vector.broadcast %broadcast_in_dim3A_1044 : f32 to vector<16xf32>
      %get3A_1046 = arith.constant 0 : i32
      %get3A_1047 = arith.constant 3 : i32
      %get3A_1048 = arith.index_cast %get3A_1046 : i32 to index
      %get3A_1049 = arith.index_cast %get3A_1047 : i32 to index
      %get3A_1050 = arith.constant 64 : index
      %get3A_1051 = tpu.vector_load %arg19[%get3A_1048, %get3A_1049, %get3A_1050] {strides = array<i32>} : memref<2x6x80xf32, #tpu.memory_space<vmem>>, vector<1x1x16xf32>,
      %get3A_1052 = vector.shape_cast %get3A_1051 : vector<1x1x16xf32> to vector<16xf32>
      %get3A_1053 = arith.constant 0 : i32
      %get3A_1054 = arith.constant 0 : i32
      %get3A_1055 = arith.index_cast %get3A_1053 : i32 to index
      %get3A_1056 = arith.index_cast %get3A_1054 : i32 to index
      %get3A_1057 = arith.constant 64 : index
      %get3A_1058 = tpu.vector_load %arg19[%get3A_1055, %get3A_1056, %get3A_1057] {strides = array<i32>} : memref<2x6x80xf32, #tpu.memory_space<vmem>>, vector<1x1x16xf32>,
      %get3A_1059 = vector.shape_cast %get3A_1058 : vector<1x1x16xf32> to vector<16xf32>
      %sub3A_1060 = arith.subf %get3A_1052, %get3A_1059 : vector<16xf32>
      %mul3A_1061 = arith.mulf %sub3A_1060, %sub3A_1060 : vector<16xf32>
      %add3A_1062 = arith.addf %broadcast_in_dim3A_1045, %mul3A_1061 : vector<16xf32>
      %get3A_1063 = arith.constant 0 : i32
      %get3A_1064 = arith.constant 4 : i32
      %get3A_1065 = arith.index_cast %get3A_1063 : i32 to index
      %get3A_1066 = arith.index_cast %get3A_1064 : i32 to index
      %get3A_1067 = arith.constant 64 : index
      %get3A_1068 = tpu.vector_load %arg19[%get3A_1065, %get3A_1066, %get3A_1067] {strides = array<i32>} : memref<2x6x80xf32, #tpu.memory_space<vmem>>, vector<1x1x16xf32>,
      %get3A_1069 = vector.shape_cast %get3A_1068 : vector<1x1x16xf32> to vector<16xf32>
      %get3A_1070 = arith.constant 0 : i32
      %get3A_1071 = arith.constant 1 : i32
      %get3A_1072 = arith.index_cast %get3A_1070 : i32 to index
      %get3A_1073 = arith.index_cast %get3A_1071 : i32 to index
      %get3A_1074 = arith.constant 64 : index
      %get3A_1075 = tpu.vector_load %arg19[%get3A_1072, %get3A_1073, %get3A_1074] {strides = array<i32>} : memref<2x6x80xf32, #tpu.memory_space<vmem>>, vector<1x1x16xf32>,
      %get3A_1076 = vector.shape_cast %get3A_1075 : vector<1x1x16xf32> to vector<16xf32>
      %sub3A_1077 = arith.subf %get3A_1069, %get3A_1076 : vector<16xf32>
      %mul3A_1078 = arith.mulf %sub3A_1077, %sub3A_1077 : vector<16xf32>
      %add3A_1079 = arith.addf %add3A_1062, %mul3A_1078 : vector<16xf32>
      %get3A_1080 = arith.constant 0 : i32
      %get3A_1081 = arith.constant 5 : i32
      %get3A_1082 = arith.index_cast %get3A_1080 : i32 to index
      %get3A_1083 = arith.index_cast %get3A_1081 : i32 to index
      %get3A_1084 = arith.constant 64 : index
      %get3A_1085 = tpu.vector_load %arg19[%get3A_1082, %get3A_1083, %get3A_1084] {strides = array<i32>} : memref<2x6x80xf32, #tpu.memory_space<vmem>>, vector<1x1x16xf32>,
      %get3A_1086 = vector.shape_cast %get3A_1085 : vector<1x1x16xf32> to vector<16xf32>
      %get3A_1087 = arith.constant 0 : i32
      %get3A_1088 = arith.constant 2 : i32
      %get3A_1089 = arith.index_cast %get3A_1087 : i32 to index
      %get3A_1090 = arith.index_cast %get3A_1088 : i32 to index
      %get3A_1091 = arith.constant 64 : index
      %get3A_1092 = tpu.vector_load %arg19[%get3A_1089, %get3A_1090, %get3A_1091] {strides = array<i32>} : memref<2x6x80xf32, #tpu.memory_space<vmem>>, vector<1x1x16xf32>,
      %get3A_1093 = vector.shape_cast %get3A_1092 : vector<1x1x16xf32> to vector<16xf32>
      %sub3A_1094 = arith.subf %get3A_1086, %get3A_1093 : vector<16xf32>
      %mul3A_1095 = arith.mulf %sub3A_1094, %sub3A_1094 : vector<16xf32>
      %add3A_1096 = arith.addf %add3A_1079, %mul3A_1095 : vector<16xf32>
      %swap3A_1097 = arith.constant 0 : i32
      %swap3A_1098 = arith.index_cast %swap3A_1097 : i32 to index
      %swap3A_1099 = arith.constant 64 : index
      %swap3A_1100 = tpu.vector_load %arg20[%swap3A_1098, %swap3A_1099] {strides = array<i32>} : memref<2x80xf32, #tpu.memory_space<vmem>>, vector<1x16xf32>,
      %swap3A_1101 = vector.shape_cast %swap3A_1100 : vector<1x16xf32> to vector<16xf32>
      %swap3A_1102 = vector.shape_cast %add3A_1096 : vector<16xf32> to vector<1x16xf32>
      tpu.vector_store %arg20[%swap3A_1098, %swap3A_1099], %swap3A_1102 {strides = array<i32>} : memref<2x80xf32, #tpu.memory_space<vmem>>, vector<1x16xf32>,
      %dma_wait3A_1103 = arith.constant 0 : i32
      %dma_wait3A_1104 = arith.constant 0 : i32
      %dma_wait3A_1105 = arith.constant 0 : i32
      %dma_wait3A_1106 = arith.constant 0 : i32
      %dma_wait3A_1107 = tpu.memref_slice %arg14[%dma_wait3A_1104, %dma_wait3A_1105, %dma_wait3A_1106] : memref<2x80x128xf32, #tpu.memory_space<vmem>> -> memref<1x80x128xf32, #tpu.memory_space<vmem>>
      %dma_wait3A_1108 = tpu.memref_squeeze %dma_wait3A_1107 : memref<1x80x128xf32, #tpu.memory_space<vmem>> -> memref<80x128xf32, #tpu.memory_space<vmem>>
      %dma_wait3A_1109 = arith.constant 0 : i32
      %dma_wait3A_1110 = tpu.memref_slice %arg12[%dma_wait3A_1103, %dma_wait3A_1109] : memref<2x80xi32, #tpu.memory_space<vmem>> -> memref<1x80xi32, #tpu.memory_space<vmem>>
      %dma_wait3A_1111 = tpu.memref_squeeze %dma_wait3A_1110 : memref<1x80xi32, #tpu.memory_space<vmem>> -> memref<80xi32, #tpu.memory_space<vmem>>
      %dma_wait3A_1112 = arith.constant 0 : i32
      %dma_wait3A_1113 = arith.constant 0 : i32
      %dma_wait3A_1114 = tpu.memref_slice %arg2[%dma_wait3A_1112, %dma_wait3A_1113] : memref<10000x128xf32, #tpu.memory_space<hbm>> -> memref<10000x128xf32, #tpu.memory_space<hbm>>
      tpu.wait_indirect_dma semaphore(%arg16 : memref<!tpu.dma_semaphore, #tpu.memory_space<semaphore_mem>>) src(%dma_wait3A_1114 : memref<10000x128xf32, #tpu.memory_space<hbm>>) dst(%dma_wait3A_1108 : memref<80x128xf32, #tpu.memory_space<vmem>>)
      %dma_wait3A_1115 = arith.constant 0 : i32
      %dma_wait3A_1116 = arith.constant 0 : i32
      %dma_wait3A_1117 = arith.constant 0 : i32
      %dma_wait3A_1118 = arith.constant 0 : i32
      %dma_wait3A_1119 = tpu.memref_slice %arg15[%dma_wait3A_1116, %dma_wait3A_1117, %dma_wait3A_1118] : memref<2x80x128xf32, #tpu.memory_space<vmem>> -> memref<1x80x128xf32, #tpu.memory_space<vmem>>
      %dma_wait3A_1120 = tpu.memref_squeeze %dma_wait3A_1119 : memref<1x80x128xf32, #tpu.memory_space<vmem>> -> memref<80x128xf32, #tpu.memory_space<vmem>>
      %dma_wait3A_1121 = arith.constant 0 : i32
      %dma_wait3A_1122 = tpu.memref_slice %arg13[%dma_wait3A_1115, %dma_wait3A_1121] : memref<2x80xi32, #tpu.memory_space<vmem>> -> memref<1x80xi32, #tpu.memory_space<vmem>>
      %dma_wait3A_1123 = tpu.memref_squeeze %dma_wait3A_1122 : memref<1x80xi32, #tpu.memory_space<vmem>> -> memref<80xi32, #tpu.memory_space<vmem>>
      %dma_wait3A_1124 = arith.constant 0 : i32
      %dma_wait3A_1125 = arith.constant 0 : i32
      %dma_wait3A_1126 = tpu.memref_slice %arg3[%dma_wait3A_1124, %dma_wait3A_1125] : memref<10000x128xf32, #tpu.memory_space<hbm>> -> memref<10000x128xf32, #tpu.memory_space<hbm>>
      tpu.wait_indirect_dma semaphore(%arg17 : memref<!tpu.dma_semaphore, #tpu.memory_space<semaphore_mem>>) src(%dma_wait3A_1126 : memref<10000x128xf32, #tpu.memory_space<hbm>>) dst(%dma_wait3A_1120 : memref<80x128xf32, #tpu.memory_space<vmem>>)
      %dma_start3A_1127 = arith.constant 0 : i32
      %dma_start3A_1128 = arith.constant 0 : i32
      %dma_start3A_1129 = arith.constant 0 : i32
      %dma_start3A_1130 = tpu.memref_slice %arg14[%dma_start3A_1127, %dma_start3A_1128, %dma_start3A_1129] : memref<2x80x128xf32, #tpu.memory_space<vmem>> -> memref<1x80x128xf32, #tpu.memory_space<vmem>>
      %dma_start3A_1131 = tpu.memref_squeeze %dma_start3A_1130 : memref<1x80x128xf32, #tpu.memory_space<vmem>> -> memref<80x128xf32, #tpu.memory_space<vmem>>
      %dma_start3A_1132 = arith.constant 0 : i32
      %dma_start3A_1133 = tpu.memref_slice %arg9[%add3A_555, %dma_start3A_1132] : memref<320000x128xf32, #tpu.memory_space<hbm>> -> memref<80x128xf32, #tpu.memory_space<hbm>>
      %dma_start3A_1134 = arith.constant 0 : i32
      %dma_start3A_1135 = tpu.memref_slice %arg9[%add3A_555, %dma_start3A_1134] : memref<320000x128xf32, #tpu.memory_space<hbm>> -> memref<80x128xf32, #tpu.memory_space<hbm>>
      %dma_start3A_1136 = arith.constant 0 : i32
      %dma_start3A_1137 = arith.constant 0 : i32
      %dma_start3A_1138 = tpu.memref_slice %arg14[%dma_start3A_1127, %dma_start3A_1136, %dma_start3A_1137] : memref<2x80x128xf32, #tpu.memory_space<vmem>> -> memref<1x80x128xf32, #tpu.memory_space<vmem>>
      %dma_start3A_1139 = tpu.memref_squeeze %dma_start3A_1138 : memref<1x80x128xf32, #tpu.memory_space<vmem>> -> memref<80x128xf32, #tpu.memory_space<vmem>>
      tpu.enqueue_dma source(%dma_start3A_1139 : memref<80x128xf32, #tpu.memory_space<vmem>>) target(%dma_start3A_1135 : memref<80x128xf32, #tpu.memory_space<hbm>>) target_semaphore(%arg18 : memref<!tpu.dma_semaphore, #tpu.memory_space<semaphore_mem>>)
      %dma_start3A_1140 = arith.constant 0 : i32
      %dma_start3A_1141 = arith.constant 0 : i32
      %dma_start3A_1142 = arith.constant 0 : i32
      %dma_start3A_1143 = tpu.memref_slice %arg15[%dma_start3A_1140, %dma_start3A_1141, %dma_start3A_1142] : memref<2x80x128xf32, #tpu.memory_space<vmem>> -> memref<1x80x128xf32, #tpu.memory_space<vmem>>
      %dma_start3A_1144 = tpu.memref_squeeze %dma_start3A_1143 : memref<1x80x128xf32, #tpu.memory_space<vmem>> -> memref<80x128xf32, #tpu.memory_space<vmem>>
      %dma_start3A_1145 = arith.constant 0 : i32
      %dma_start3A_1146 = tpu.memref_slice %arg10[%add3A_555, %dma_start3A_1145] : memref<320000x128xf32, #tpu.memory_space<hbm>> -> memref<80x128xf32, #tpu.memory_space<hbm>>
      %dma_start3A_1147 = arith.constant 0 : i32
      %dma_start3A_1148 = tpu.memref_slice %arg10[%add3A_555, %dma_start3A_1147] : memref<320000x128xf32, #tpu.memory_space<hbm>> -> memref<80x128xf32, #tpu.memory_space<hbm>>
      %dma_start3A_1149 = arith.constant 0 : i32
      %dma_start3A_1150 = arith.constant 0 : i32
      %dma_start3A_1151 = tpu.memref_slice %arg15[%dma_start3A_1140, %dma_start3A_1149, %dma_start3A_1150] : memref<2x80x128xf32, #tpu.memory_space<vmem>> -> memref<1x80x128xf32, #tpu.memory_space<vmem>>
      %dma_start3A_1152 = tpu.memref_squeeze %dma_start3A_1151 : memref<1x80x128xf32, #tpu.memory_space<vmem>> -> memref<80x128xf32, #tpu.memory_space<vmem>>
      tpu.enqueue_dma source(%dma_start3A_1152 : memref<80x128xf32, #tpu.memory_space<vmem>>) target(%dma_start3A_1148 : memref<80x128xf32, #tpu.memory_space<hbm>>) target_semaphore(%arg18 : memref<!tpu.dma_semaphore, #tpu.memory_space<semaphore_mem>>)
      %dma_start3A_1153 = arith.constant 0 : i32
      %dma_start3A_1154 = arith.constant 0 : i32
      %dma_start3A_1155 = tpu.memref_slice %arg20[%dma_start3A_1153, %dma_start3A_1154] : memref<2x80xf32, #tpu.memory_space<vmem>> -> memref<1x80xf32, #tpu.memory_space<vmem>>
      %dma_start3A_1156 = tpu.memref_squeeze %dma_start3A_1155 : memref<1x80xf32, #tpu.memory_space<vmem>> -> memref<80xf32, #tpu.memory_space<vmem>>
      %dma_start3A_1157 = tpu.memref_slice %arg11[%add3A_555] : memref<320000xf32, #tpu.memory_space<hbm>> -> memref<80xf32, #tpu.memory_space<hbm>>
      %dma_start3A_1158 = tpu.memref_slice %arg11[%add3A_555] : memref<320000xf32, #tpu.memory_space<hbm>> -> memref<80xf32, #tpu.memory_space<hbm>>
      %dma_start3A_1159 = arith.constant 0 : i32
      %dma_start3A_1160 = tpu.memref_slice %arg20[%dma_start3A_1153, %dma_start3A_1159] : memref<2x80xf32, #tpu.memory_space<vmem>> -> memref<1x80xf32, #tpu.memory_space<vmem>>
      %dma_start3A_1161 = tpu.memref_squeeze %dma_start3A_1160 : memref<1x80xf32, #tpu.memory_space<vmem>> -> memref<80xf32, #tpu.memory_space<vmem>>
      tpu.enqueue_dma source(%dma_start3A_1161 : memref<80xf32, #tpu.memory_space<vmem>>) target(%dma_start3A_1158 : memref<80xf32, #tpu.memory_space<hbm>>) target_semaphore(%arg18 : memref<!tpu.dma_semaphore, #tpu.memory_space<semaphore_mem>>)
      %dma_wait3A_1162 = arith.constant 1 : i32
      %dma_wait3A_1163 = arith.constant 1 : i32
      %dma_wait3A_1164 = arith.constant 0 : i32
      %dma_wait3A_1165 = arith.constant 0 : i32
      %dma_wait3A_1166 = tpu.memref_slice %arg19[%dma_wait3A_1163, %dma_wait3A_1164, %dma_wait3A_1165] : memref<2x6x80xf32, #tpu.memory_space<vmem>> -> memref<1x1x80xf32, #tpu.memory_space<vmem>>
      %dma_wait3A_1167 = tpu.memref_squeeze %dma_wait3A_1166 : memref<1x1x80xf32, #tpu.memory_space<vmem>> -> memref<80xf32, #tpu.memory_space<vmem>>
      %dma_wait3A_1168 = arith.constant 0 : i32
      %dma_wait3A_1169 = tpu.memref_slice %arg12[%dma_wait3A_1162, %dma_wait3A_1168] : memref<2x80xi32, #tpu.memory_space<vmem>> -> memref<1x80xi32, #tpu.memory_space<vmem>>
      %dma_wait3A_1170 = tpu.memref_squeeze %dma_wait3A_1169 : memref<1x80xi32, #tpu.memory_space<vmem>> -> memref<80xi32, #tpu.memory_space<vmem>>
      %dma_wait3A_1171 = arith.constant 0 : i32
      %dma_wait3A_1172 = tpu.memref_slice %arg6[%dma_wait3A_1171] : memref<10000xf32, #tpu.memory_space<hbm>> -> memref<10000xf32, #tpu.memory_space<hbm>>
      tpu.wait_indirect_dma semaphore(%arg22 : memref<!tpu.dma_semaphore, #tpu.memory_space<semaphore_mem>>) src(%dma_wait3A_1172 : memref<10000xf32, #tpu.memory_space<hbm>>) dst(%dma_wait3A_1167 : memref<80xf32, #tpu.memory_space<vmem>>)
      %dma_wait3A_1173 = arith.constant 1 : i32
      %dma_wait3A_1174 = arith.constant 1 : i32
      %dma_wait3A_1175 = arith.constant 1 : i32
      %dma_wait3A_1176 = arith.constant 0 : i32
      %dma_wait3A_1177 = tpu.memref_slice %arg19[%dma_wait3A_1174, %dma_wait3A_1175, %dma_wait3A_1176] : memref<2x6x80xf32, #tpu.memory_space<vmem>> -> memref<1x1x80xf32, #tpu.memory_space<vmem>>
      %dma_wait3A_1178 = tpu.memref_squeeze %dma_wait3A_1177 : memref<1x1x80xf32, #tpu.memory_space<vmem>> -> memref<80xf32, #tpu.memory_space<vmem>>
      %dma_wait3A_1179 = arith.constant 0 : i32
      %dma_wait3A_1180 = tpu.memref_slice %arg12[%dma_wait3A_1173, %dma_wait3A_1179] : memref<2x80xi32, #tpu.memory_space<vmem>> -> memref<1x80xi32, #tpu.memory_space<vmem>>
      %dma_wait3A_1181 = tpu.memref_squeeze %dma_wait3A_1180 : memref<1x80xi32, #tpu.memory_space<vmem>> -> memref<80xi32, #tpu.memory_space<vmem>>
      %dma_wait3A_1182 = arith.constant 0 : i32
      %dma_wait3A_1183 = tpu.memref_slice %arg7[%dma_wait3A_1182] : memref<10000xf32, #tpu.memory_space<hbm>> -> memref<10000xf32, #tpu.memory_space<hbm>>
      tpu.wait_indirect_dma semaphore(%arg22 : memref<!tpu.dma_semaphore, #tpu.memory_space<semaphore_mem>>) src(%dma_wait3A_1183 : memref<10000xf32, #tpu.memory_space<hbm>>) dst(%dma_wait3A_1178 : memref<80xf32, #tpu.memory_space<vmem>>)
      %dma_wait3A_1184 = arith.constant 1 : i32
      %dma_wait3A_1185 = arith.constant 1 : i32
      %dma_wait3A_1186 = arith.constant 2 : i32
      %dma_wait3A_1187 = arith.constant 0 : i32
      %dma_wait3A_1188 = tpu.memref_slice %arg19[%dma_wait3A_1185, %dma_wait3A_1186, %dma_wait3A_1187] : memref<2x6x80xf32, #tpu.memory_space<vmem>> -> memref<1x1x80xf32, #tpu.memory_space<vmem>>
      %dma_wait3A_1189 = tpu.memref_squeeze %dma_wait3A_1188 : memref<1x1x80xf32, #tpu.memory_space<vmem>> -> memref<80xf32, #tpu.memory_space<vmem>>
      %dma_wait3A_1190 = arith.constant 0 : i32
      %dma_wait3A_1191 = tpu.memref_slice %arg12[%dma_wait3A_1184, %dma_wait3A_1190] : memref<2x80xi32, #tpu.memory_space<vmem>> -> memref<1x80xi32, #tpu.memory_space<vmem>>
      %dma_wait3A_1192 = tpu.memref_squeeze %dma_wait3A_1191 : memref<1x80xi32, #tpu.memory_space<vmem>> -> memref<80xi32, #tpu.memory_space<vmem>>
      %dma_wait3A_1193 = arith.constant 0 : i32
      %dma_wait3A_1194 = tpu.memref_slice %arg8[%dma_wait3A_1193] : memref<10000xf32, #tpu.memory_space<hbm>> -> memref<10000xf32, #tpu.memory_space<hbm>>
      tpu.wait_indirect_dma semaphore(%arg22 : memref<!tpu.dma_semaphore, #tpu.memory_space<semaphore_mem>>) src(%dma_wait3A_1194 : memref<10000xf32, #tpu.memory_space<hbm>>) dst(%dma_wait3A_1189 : memref<80xf32, #tpu.memory_space<vmem>>)
      %dma_wait3A_1195 = arith.constant 1 : i32
      %dma_wait3A_1196 = arith.constant 1 : i32
      %dma_wait3A_1197 = arith.constant 3 : i32
      %dma_wait3A_1198 = arith.constant 0 : i32
      %dma_wait3A_1199 = tpu.memref_slice %arg19[%dma_wait3A_1196, %dma_wait3A_1197, %dma_wait3A_1198] : memref<2x6x80xf32, #tpu.memory_space<vmem>> -> memref<1x1x80xf32, #tpu.memory_space<vmem>>
      %dma_wait3A_1200 = tpu.memref_squeeze %dma_wait3A_1199 : memref<1x1x80xf32, #tpu.memory_space<vmem>> -> memref<80xf32, #tpu.memory_space<vmem>>
      %dma_wait3A_1201 = arith.constant 0 : i32
      %dma_wait3A_1202 = tpu.memref_slice %arg13[%dma_wait3A_1195, %dma_wait3A_1201] : memref<2x80xi32, #tpu.memory_space<vmem>> -> memref<1x80xi32, #tpu.memory_space<vmem>>
      %dma_wait3A_1203 = tpu.memref_squeeze %dma_wait3A_1202 : memref<1x80xi32, #tpu.memory_space<vmem>> -> memref<80xi32, #tpu.memory_space<vmem>>
      %dma_wait3A_1204 = arith.constant 0 : i32
      %dma_wait3A_1205 = tpu.memref_slice %arg6[%dma_wait3A_1204] : memref<10000xf32, #tpu.memory_space<hbm>> -> memref<10000xf32, #tpu.memory_space<hbm>>
      tpu.wait_indirect_dma semaphore(%arg22 : memref<!tpu.dma_semaphore, #tpu.memory_space<semaphore_mem>>) src(%dma_wait3A_1205 : memref<10000xf32, #tpu.memory_space<hbm>>) dst(%dma_wait3A_1200 : memref<80xf32, #tpu.memory_space<vmem>>)
      %dma_wait3A_1206 = arith.constant 1 : i32
      %dma_wait3A_1207 = arith.constant 1 : i32
      %dma_wait3A_1208 = arith.constant 4 : i32
      %dma_wait3A_1209 = arith.constant 0 : i32
      %dma_wait3A_1210 = tpu.memref_slice %arg19[%dma_wait3A_1207, %dma_wait3A_1208, %dma_wait3A_1209] : memref<2x6x80xf32, #tpu.memory_space<vmem>> -> memref<1x1x80xf32, #tpu.memory_space<vmem>>
      %dma_wait3A_1211 = tpu.memref_squeeze %dma_wait3A_1210 : memref<1x1x80xf32, #tpu.memory_space<vmem>> -> memref<80xf32, #tpu.memory_space<vmem>>
      %dma_wait3A_1212 = arith.constant 0 : i32
      %dma_wait3A_1213 = tpu.memref_slice %arg13[%dma_wait3A_1206, %dma_wait3A_1212] : memref<2x80xi32, #tpu.memory_space<vmem>> -> memref<1x80xi32, #tpu.memory_space<vmem>>
      %dma_wait3A_1214 = tpu.memref_squeeze %dma_wait3A_1213 : memref<1x80xi32, #tpu.memory_space<vmem>> -> memref<80xi32, #tpu.memory_space<vmem>>
      %dma_wait3A_1215 = arith.constant 0 : i32
      %dma_wait3A_1216 = tpu.memref_slice %arg7[%dma_wait3A_1215] : memref<10000xf32, #tpu.memory_space<hbm>> -> memref<10000xf32, #tpu.memory_space<hbm>>
      tpu.wait_indirect_dma semaphore(%arg22 : memref<!tpu.dma_semaphore, #tpu.memory_space<semaphore_mem>>) src(%dma_wait3A_1216 : memref<10000xf32, #tpu.memory_space<hbm>>) dst(%dma_wait3A_1211 : memref<80xf32, #tpu.memory_space<vmem>>)
      %dma_wait3A_1217 = arith.constant 1 : i32
      %dma_wait3A_1218 = arith.constant 1 : i32
      %dma_wait3A_1219 = arith.constant 5 : i32
      %dma_wait3A_1220 = arith.constant 0 : i32
      %dma_wait3A_1221 = tpu.memref_slice %arg19[%dma_wait3A_1218, %dma_wait3A_1219, %dma_wait3A_1220] : memref<2x6x80xf32, #tpu.memory_space<vmem>> -> memref<1x1x80xf32, #tpu.memory_space<vmem>>
      %dma_wait3A_1222 = tpu.memref_squeeze %dma_wait3A_1221 : memref<1x1x80xf32, #tpu.memory_space<vmem>> -> memref<80xf32, #tpu.memory_space<vmem>>
      %dma_wait3A_1223 = arith.constant 0 : i32
      %dma_wait3A_1224 = tpu.memref_slice %arg13[%dma_wait3A_1217, %dma_wait3A_1223] : memref<2x80xi32, #tpu.memory_space<vmem>> -> memref<1x80xi32, #tpu.memory_space<vmem>>
      %dma_wait3A_1225 = tpu.memref_squeeze %dma_wait3A_1224 : memref<1x80xi32, #tpu.memory_space<vmem>> -> memref<80xi32, #tpu.memory_space<vmem>>
      %dma_wait3A_1226 = arith.constant 0 : i32
      %dma_wait3A_1227 = tpu.memref_slice %arg8[%dma_wait3A_1226] : memref<10000xf32, #tpu.memory_space<hbm>> -> memref<10000xf32, #tpu.memory_space<hbm>>
      tpu.wait_indirect_dma semaphore(%arg22 : memref<!tpu.dma_semaphore, #tpu.memory_space<semaphore_mem>>) src(%dma_wait3A_1227 : memref<10000xf32, #tpu.memory_space<hbm>>) dst(%dma_wait3A_1222 : memref<80xf32, #tpu.memory_space<vmem>>)
      %broadcast_in_dim3A_1228 = arith.constant 0.000000e+00 : f32
      %broadcast_in_dim3A_1229 = vector.broadcast %broadcast_in_dim3A_1228 : f32 to vector<16xf32>
      %get3A_1230 = arith.constant 1 : i32
      %get3A_1231 = arith.constant 3 : i32
      %get3A_1232 = arith.index_cast %get3A_1230 : i32 to index
      %get3A_1233 = arith.index_cast %get3A_1231 : i32 to index
      %get3A_1234 = arith.constant 0 : index
      %get3A_1235 = tpu.vector_load %arg19[%get3A_1232, %get3A_1233, %get3A_1234] {strides = array<i32>} : memref<2x6x80xf32, #tpu.memory_space<vmem>>, vector<1x1x16xf32>,
      %get3A_1236 = vector.shape_cast %get3A_1235 : vector<1x1x16xf32> to vector<16xf32>
      %get3A_1237 = arith.constant 1 : i32
      %get3A_1238 = arith.constant 0 : i32
      %get3A_1239 = arith.index_cast %get3A_1237 : i32 to index
      %get3A_1240 = arith.index_cast %get3A_1238 : i32 to index
      %get3A_1241 = arith.constant 0 : index
      %get3A_1242 = tpu.vector_load %arg19[%get3A_1239, %get3A_1240, %get3A_1241] {strides = array<i32>} : memref<2x6x80xf32, #tpu.memory_space<vmem>>, vector<1x1x16xf32>,
      %get3A_1243 = vector.shape_cast %get3A_1242 : vector<1x1x16xf32> to vector<16xf32>
      %sub3A_1244 = arith.subf %get3A_1236, %get3A_1243 : vector<16xf32>
      %mul3A_1245 = arith.mulf %sub3A_1244, %sub3A_1244 : vector<16xf32>
      %add3A_1246 = arith.addf %broadcast_in_dim3A_1229, %mul3A_1245 : vector<16xf32>
      %get3A_1247 = arith.constant 1 : i32
      %get3A_1248 = arith.constant 4 : i32
      %get3A_1249 = arith.index_cast %get3A_1247 : i32 to index
      %get3A_1250 = arith.index_cast %get3A_1248 : i32 to index
      %get3A_1251 = arith.constant 0 : index
      %get3A_1252 = tpu.vector_load %arg19[%get3A_1249, %get3A_1250, %get3A_1251] {strides = array<i32>} : memref<2x6x80xf32, #tpu.memory_space<vmem>>, vector<1x1x16xf32>,
      %get3A_1253 = vector.shape_cast %get3A_1252 : vector<1x1x16xf32> to vector<16xf32>
      %get3A_1254 = arith.constant 1 : i32
      %get3A_1255 = arith.constant 1 : i32
      %get3A_1256 = arith.index_cast %get3A_1254 : i32 to index
      %get3A_1257 = arith.index_cast %get3A_1255 : i32 to index
      %get3A_1258 = arith.constant 0 : index
      %get3A_1259 = tpu.vector_load %arg19[%get3A_1256, %get3A_1257, %get3A_1258] {strides = array<i32>} : memref<2x6x80xf32, #tpu.memory_space<vmem>>, vector<1x1x16xf32>,
      %get3A_1260 = vector.shape_cast %get3A_1259 : vector<1x1x16xf32> to vector<16xf32>
      %sub3A_1261 = arith.subf %get3A_1253, %get3A_1260 : vector<16xf32>
      %mul3A_1262 = arith.mulf %sub3A_1261, %sub3A_1261 : vector<16xf32>
      %add3A_1263 = arith.addf %add3A_1246, %mul3A_1262 : vector<16xf32>
      %get3A_1264 = arith.constant 1 : i32
      %get3A_1265 = arith.constant 5 : i32
      %get3A_1266 = arith.index_cast %get3A_1264 : i32 to index
      %get3A_1267 = arith.index_cast %get3A_1265 : i32 to index
      %get3A_1268 = arith.constant 0 : index
      %get3A_1269 = tpu.vector_load %arg19[%get3A_1266, %get3A_1267, %get3A_1268] {strides = array<i32>} : memref<2x6x80xf32, #tpu.memory_space<vmem>>, vector<1x1x16xf32>,
      %get3A_1270 = vector.shape_cast %get3A_1269 : vector<1x1x16xf32> to vector<16xf32>
      %get3A_1271 = arith.constant 1 : i32
      %get3A_1272 = arith.constant 2 : i32
      %get3A_1273 = arith.index_cast %get3A_1271 : i32 to index
      %get3A_1274 = arith.index_cast %get3A_1272 : i32 to index
      %get3A_1275 = arith.constant 0 : index
      %get3A_1276 = tpu.vector_load %arg19[%get3A_1273, %get3A_1274, %get3A_1275] {strides = array<i32>} : memref<2x6x80xf32, #tpu.memory_space<vmem>>, vector<1x1x16xf32>,
      %get3A_1277 = vector.shape_cast %get3A_1276 : vector<1x1x16xf32> to vector<16xf32>
      %sub3A_1278 = arith.subf %get3A_1270, %get3A_1277 : vector<16xf32>
      %mul3A_1279 = arith.mulf %sub3A_1278, %sub3A_1278 : vector<16xf32>
      %add3A_1280 = arith.addf %add3A_1263, %mul3A_1279 : vector<16xf32>
      %swap3A_1281 = arith.constant 1 : i32
      %swap3A_1282 = arith.index_cast %swap3A_1281 : i32 to index
      %swap3A_1283 = arith.constant 0 : index
      %swap3A_1284 = tpu.vector_load %arg20[%swap3A_1282, %swap3A_1283] {strides = array<i32>} : memref<2x80xf32, #tpu.memory_space<vmem>>, vector<1x16xf32>,
      %swap3A_1285 = vector.shape_cast %swap3A_1284 : vector<1x16xf32> to vector<16xf32>
      %swap3A_1286 = vector.shape_cast %add3A_1280 : vector<16xf32> to vector<1x16xf32>
      tpu.vector_store %arg20[%swap3A_1282, %swap3A_1283], %swap3A_1286 {strides = array<i32>} : memref<2x80xf32, #tpu.memory_space<vmem>>, vector<1x16xf32>,
      %broadcast_in_dim3A_1287 = arith.constant 0.000000e+00 : f32
      %broadcast_in_dim3A_1288 = vector.broadcast %broadcast_in_dim3A_1287 : f32 to vector<16xf32>
      %get3A_1289 = arith.constant 1 : i32
      %get3A_1290 = arith.constant 3 : i32
      %get3A_1291 = arith.index_cast %get3A_1289 : i32 to index
      %get3A_1292 = arith.index_cast %get3A_1290 : i32 to index
      %get3A_1293 = arith.constant 16 : index
      %get3A_1294 = tpu.vector_load %arg19[%get3A_1291, %get3A_1292, %get3A_1293] {strides = array<i32>} : memref<2x6x80xf32, #tpu.memory_space<vmem>>, vector<1x1x16xf32>,
      %get3A_1295 = vector.shape_cast %get3A_1294 : vector<1x1x16xf32> to vector<16xf32>
      %get3A_1296 = arith.constant 1 : i32
      %get3A_1297 = arith.constant 0 : i32
      %get3A_1298 = arith.index_cast %get3A_1296 : i32 to index
      %get3A_1299 = arith.index_cast %get3A_1297 : i32 to index
      %get3A_1300 = arith.constant 16 : index
      %get3A_1301 = tpu.vector_load %arg19[%get3A_1298, %get3A_1299, %get3A_1300] {strides = array<i32>} : memref<2x6x80xf32, #tpu.memory_space<vmem>>, vector<1x1x16xf32>,
      %get3A_1302 = vector.shape_cast %get3A_1301 : vector<1x1x16xf32> to vector<16xf32>
      %sub3A_1303 = arith.subf %get3A_1295, %get3A_1302 : vector<16xf32>
      %mul3A_1304 = arith.mulf %sub3A_1303, %sub3A_1303 : vector<16xf32>
      %add3A_1305 = arith.addf %broadcast_in_dim3A_1288, %mul3A_1304 : vector<16xf32>
      %get3A_1306 = arith.constant 1 : i32
      %get3A_1307 = arith.constant 4 : i32
      %get3A_1308 = arith.index_cast %get3A_1306 : i32 to index
      %get3A_1309 = arith.index_cast %get3A_1307 : i32 to index
      %get3A_1310 = arith.constant 16 : index
      %get3A_1311 = tpu.vector_load %arg19[%get3A_1308, %get3A_1309, %get3A_1310] {strides = array<i32>} : memref<2x6x80xf32, #tpu.memory_space<vmem>>, vector<1x1x16xf32>,
      %get3A_1312 = vector.shape_cast %get3A_1311 : vector<1x1x16xf32> to vector<16xf32>
      %get3A_1313 = arith.constant 1 : i32
      %get3A_1314 = arith.constant 1 : i32
      %get3A_1315 = arith.index_cast %get3A_1313 : i32 to index
      %get3A_1316 = arith.index_cast %get3A_1314 : i32 to index
      %get3A_1317 = arith.constant 16 : index
      %get3A_1318 = tpu.vector_load %arg19[%get3A_1315, %get3A_1316, %get3A_1317] {strides = array<i32>} : memref<2x6x80xf32, #tpu.memory_space<vmem>>, vector<1x1x16xf32>,
      %get3A_1319 = vector.shape_cast %get3A_1318 : vector<1x1x16xf32> to vector<16xf32>
      %sub3A_1320 = arith.subf %get3A_1312, %get3A_1319 : vector<16xf32>
      %mul3A_1321 = arith.mulf %sub3A_1320, %sub3A_1320 : vector<16xf32>
      %add3A_1322 = arith.addf %add3A_1305, %mul3A_1321 : vector<16xf32>
      %get3A_1323 = arith.constant 1 : i32
      %get3A_1324 = arith.constant 5 : i32
      %get3A_1325 = arith.index_cast %get3A_1323 : i32 to index
      %get3A_1326 = arith.index_cast %get3A_1324 : i32 to index
      %get3A_1327 = arith.constant 16 : index
      %get3A_1328 = tpu.vector_load %arg19[%get3A_1325, %get3A_1326, %get3A_1327] {strides = array<i32>} : memref<2x6x80xf32, #tpu.memory_space<vmem>>, vector<1x1x16xf32>,
      %get3A_1329 = vector.shape_cast %get3A_1328 : vector<1x1x16xf32> to vector<16xf32>
      %get3A_1330 = arith.constant 1 : i32
      %get3A_1331 = arith.constant 2 : i32
      %get3A_1332 = arith.index_cast %get3A_1330 : i32 to index
      %get3A_1333 = arith.index_cast %get3A_1331 : i32 to index
      %get3A_1334 = arith.constant 16 : index
      %get3A_1335 = tpu.vector_load %arg19[%get3A_1332, %get3A_1333, %get3A_1334] {strides = array<i32>} : memref<2x6x80xf32, #tpu.memory_space<vmem>>, vector<1x1x16xf32>,
      %get3A_1336 = vector.shape_cast %get3A_1335 : vector<1x1x16xf32> to vector<16xf32>
      %sub3A_1337 = arith.subf %get3A_1329, %get3A_1336 : vector<16xf32>
      %mul3A_1338 = arith.mulf %sub3A_1337, %sub3A_1337 : vector<16xf32>
      %add3A_1339 = arith.addf %add3A_1322, %mul3A_1338 : vector<16xf32>
      %swap3A_1340 = arith.constant 1 : i32
      %swap3A_1341 = arith.index_cast %swap3A_1340 : i32 to index
      %swap3A_1342 = arith.constant 16 : index
      %swap3A_1343 = tpu.vector_load %arg20[%swap3A_1341, %swap3A_1342] {strides = array<i32>} : memref<2x80xf32, #tpu.memory_space<vmem>>, vector<1x16xf32>,
      %swap3A_1344 = vector.shape_cast %swap3A_1343 : vector<1x16xf32> to vector<16xf32>
      %swap3A_1345 = vector.shape_cast %add3A_1339 : vector<16xf32> to vector<1x16xf32>
      tpu.vector_store %arg20[%swap3A_1341, %swap3A_1342], %swap3A_1345 {strides = array<i32>} : memref<2x80xf32, #tpu.memory_space<vmem>>, vector<1x16xf32>,
      %broadcast_in_dim3A_1346 = arith.constant 0.000000e+00 : f32
      %broadcast_in_dim3A_1347 = vector.broadcast %broadcast_in_dim3A_1346 : f32 to vector<16xf32>
      %get3A_1348 = arith.constant 1 : i32
      %get3A_1349 = arith.constant 3 : i32
      %get3A_1350 = arith.index_cast %get3A_1348 : i32 to index
      %get3A_1351 = arith.index_cast %get3A_1349 : i32 to index
      %get3A_1352 = arith.constant 32 : index
      %get3A_1353 = tpu.vector_load %arg19[%get3A_1350, %get3A_1351, %get3A_1352] {strides = array<i32>} : memref<2x6x80xf32, #tpu.memory_space<vmem>>, vector<1x1x16xf32>,
      %get3A_1354 = vector.shape_cast %get3A_1353 : vector<1x1x16xf32> to vector<16xf32>
      %get3A_1355 = arith.constant 1 : i32
      %get3A_1356 = arith.constant 0 : i32
      %get3A_1357 = arith.index_cast %get3A_1355 : i32 to index
      %get3A_1358 = arith.index_cast %get3A_1356 : i32 to index
      %get3A_1359 = arith.constant 32 : index
      %get3A_1360 = tpu.vector_load %arg19[%get3A_1357, %get3A_1358, %get3A_1359] {strides = array<i32>} : memref<2x6x80xf32, #tpu.memory_space<vmem>>, vector<1x1x16xf32>,
      %get3A_1361 = vector.shape_cast %get3A_1360 : vector<1x1x16xf32> to vector<16xf32>
      %sub3A_1362 = arith.subf %get3A_1354, %get3A_1361 : vector<16xf32>
      %mul3A_1363 = arith.mulf %sub3A_1362, %sub3A_1362 : vector<16xf32>
      %add3A_1364 = arith.addf %broadcast_in_dim3A_1347, %mul3A_1363 : vector<16xf32>
      %get3A_1365 = arith.constant 1 : i32
      %get3A_1366 = arith.constant 4 : i32
      %get3A_1367 = arith.index_cast %get3A_1365 : i32 to index
      %get3A_1368 = arith.index_cast %get3A_1366 : i32 to index
      %get3A_1369 = arith.constant 32 : index
      %get3A_1370 = tpu.vector_load %arg19[%get3A_1367, %get3A_1368, %get3A_1369] {strides = array<i32>} : memref<2x6x80xf32, #tpu.memory_space<vmem>>, vector<1x1x16xf32>,
      %get3A_1371 = vector.shape_cast %get3A_1370 : vector<1x1x16xf32> to vector<16xf32>
      %get3A_1372 = arith.constant 1 : i32
      %get3A_1373 = arith.constant 1 : i32
      %get3A_1374 = arith.index_cast %get3A_1372 : i32 to index
      %get3A_1375 = arith.index_cast %get3A_1373 : i32 to index
      %get3A_1376 = arith.constant 32 : index
      %get3A_1377 = tpu.vector_load %arg19[%get3A_1374, %get3A_1375, %get3A_1376] {strides = array<i32>} : memref<2x6x80xf32, #tpu.memory_space<vmem>>, vector<1x1x16xf32>,
      %get3A_1378 = vector.shape_cast %get3A_1377 : vector<1x1x16xf32> to vector<16xf32>
      %sub3A_1379 = arith.subf %get3A_1371, %get3A_1378 : vector<16xf32>
      %mul3A_1380 = arith.mulf %sub3A_1379, %sub3A_1379 : vector<16xf32>
      %add3A_1381 = arith.addf %add3A_1364, %mul3A_1380 : vector<16xf32>
      %get3A_1382 = arith.constant 1 : i32
      %get3A_1383 = arith.constant 5 : i32
      %get3A_1384 = arith.index_cast %get3A_1382 : i32 to index
      %get3A_1385 = arith.index_cast %get3A_1383 : i32 to index
      %get3A_1386 = arith.constant 32 : index
      %get3A_1387 = tpu.vector_load %arg19[%get3A_1384, %get3A_1385, %get3A_1386] {strides = array<i32>} : memref<2x6x80xf32, #tpu.memory_space<vmem>>, vector<1x1x16xf32>,
      %get3A_1388 = vector.shape_cast %get3A_1387 : vector<1x1x16xf32> to vector<16xf32>
      %get3A_1389 = arith.constant 1 : i32
      %get3A_1390 = arith.constant 2 : i32
      %get3A_1391 = arith.index_cast %get3A_1389 : i32 to index
      %get3A_1392 = arith.index_cast %get3A_1390 : i32 to index
      %get3A_1393 = arith.constant 32 : index
      %get3A_1394 = tpu.vector_load %arg19[%get3A_1391, %get3A_1392, %get3A_1393] {strides = array<i32>} : memref<2x6x80xf32, #tpu.memory_space<vmem>>, vector<1x1x16xf32>,
      %get3A_1395 = vector.shape_cast %get3A_1394 : vector<1x1x16xf32> to vector<16xf32>
      %sub3A_1396 = arith.subf %get3A_1388, %get3A_1395 : vector<16xf32>
      %mul3A_1397 = arith.mulf %sub3A_1396, %sub3A_1396 : vector<16xf32>
      %add3A_1398 = arith.addf %add3A_1381, %mul3A_1397 : vector<16xf32>
      %swap3A_1399 = arith.constant 1 : i32
      %swap3A_1400 = arith.index_cast %swap3A_1399 : i32 to index
      %swap3A_1401 = arith.constant 32 : index
      %swap3A_1402 = tpu.vector_load %arg20[%swap3A_1400, %swap3A_1401] {strides = array<i32>} : memref<2x80xf32, #tpu.memory_space<vmem>>, vector<1x16xf32>,
      %swap3A_1403 = vector.shape_cast %swap3A_1402 : vector<1x16xf32> to vector<16xf32>
      %swap3A_1404 = vector.shape_cast %add3A_1398 : vector<16xf32> to vector<1x16xf32>
      tpu.vector_store %arg20[%swap3A_1400, %swap3A_1401], %swap3A_1404 {strides = array<i32>} : memref<2x80xf32, #tpu.memory_space<vmem>>, vector<1x16xf32>,
      %broadcast_in_dim3A_1405 = arith.constant 0.000000e+00 : f32
      %broadcast_in_dim3A_1406 = vector.broadcast %broadcast_in_dim3A_1405 : f32 to vector<16xf32>
      %get3A_1407 = arith.constant 1 : i32
      %get3A_1408 = arith.constant 3 : i32
      %get3A_1409 = arith.index_cast %get3A_1407 : i32 to index
      %get3A_1410 = arith.index_cast %get3A_1408 : i32 to index
      %get3A_1411 = arith.constant 48 : index
      %get3A_1412 = tpu.vector_load %arg19[%get3A_1409, %get3A_1410, %get3A_1411] {strides = array<i32>} : memref<2x6x80xf32, #tpu.memory_space<vmem>>, vector<1x1x16xf32>,
      %get3A_1413 = vector.shape_cast %get3A_1412 : vector<1x1x16xf32> to vector<16xf32>
      %get3A_1414 = arith.constant 1 : i32
      %get3A_1415 = arith.constant 0 : i32
      %get3A_1416 = arith.index_cast %get3A_1414 : i32 to index
      %get3A_1417 = arith.index_cast %get3A_1415 : i32 to index
      %get3A_1418 = arith.constant 48 : index
      %get3A_1419 = tpu.vector_load %arg19[%get3A_1416, %get3A_1417, %get3A_1418] {strides = array<i32>} : memref<2x6x80xf32, #tpu.memory_space<vmem>>, vector<1x1x16xf32>,
      %get3A_1420 = vector.shape_cast %get3A_1419 : vector<1x1x16xf32> to vector<16xf32>
      %sub3A_1421 = arith.subf %get3A_1413, %get3A_1420 : vector<16xf32>
      %mul3A_1422 = arith.mulf %sub3A_1421, %sub3A_1421 : vector<16xf32>
      %add3A_1423 = arith.addf %broadcast_in_dim3A_1406, %mul3A_1422 : vector<16xf32>
      %get3A_1424 = arith.constant 1 : i32
      %get3A_1425 = arith.constant 4 : i32
      %get3A_1426 = arith.index_cast %get3A_1424 : i32 to index
      %get3A_1427 = arith.index_cast %get3A_1425 : i32 to index
      %get3A_1428 = arith.constant 48 : index
      %get3A_1429 = tpu.vector_load %arg19[%get3A_1426, %get3A_1427, %get3A_1428] {strides = array<i32>} : memref<2x6x80xf32, #tpu.memory_space<vmem>>, vector<1x1x16xf32>,
      %get3A_1430 = vector.shape_cast %get3A_1429 : vector<1x1x16xf32> to vector<16xf32>
      %get3A_1431 = arith.constant 1 : i32
      %get3A_1432 = arith.constant 1 : i32
      %get3A_1433 = arith.index_cast %get3A_1431 : i32 to index
      %get3A_1434 = arith.index_cast %get3A_1432 : i32 to index
      %get3A_1435 = arith.constant 48 : index
      %get3A_1436 = tpu.vector_load %arg19[%get3A_1433, %get3A_1434, %get3A_1435] {strides = array<i32>} : memref<2x6x80xf32, #tpu.memory_space<vmem>>, vector<1x1x16xf32>,
      %get3A_1437 = vector.shape_cast %get3A_1436 : vector<1x1x16xf32> to vector<16xf32>
      %sub3A_1438 = arith.subf %get3A_1430, %get3A_1437 : vector<16xf32>
      %mul3A_1439 = arith.mulf %sub3A_1438, %sub3A_1438 : vector<16xf32>
      %add3A_1440 = arith.addf %add3A_1423, %mul3A_1439 : vector<16xf32>
      %get3A_1441 = arith.constant 1 : i32
      %get3A_1442 = arith.constant 5 : i32
      %get3A_1443 = arith.index_cast %get3A_1441 : i32 to index
      %get3A_1444 = arith.index_cast %get3A_1442 : i32 to index
      %get3A_1445 = arith.constant 48 : index
      %get3A_1446 = tpu.vector_load %arg19[%get3A_1443, %get3A_1444, %get3A_1445] {strides = array<i32>} : memref<2x6x80xf32, #tpu.memory_space<vmem>>, vector<1x1x16xf32>,
      %get3A_1447 = vector.shape_cast %get3A_1446 : vector<1x1x16xf32> to vector<16xf32>
      %get3A_1448 = arith.constant 1 : i32
      %get3A_1449 = arith.constant 2 : i32
      %get3A_1450 = arith.index_cast %get3A_1448 : i32 to index
      %get3A_1451 = arith.index_cast %get3A_1449 : i32 to index
      %get3A_1452 = arith.constant 48 : index
      %get3A_1453 = tpu.vector_load %arg19[%get3A_1450, %get3A_1451, %get3A_1452] {strides = array<i32>} : memref<2x6x80xf32, #tpu.memory_space<vmem>>, vector<1x1x16xf32>,
      %get3A_1454 = vector.shape_cast %get3A_1453 : vector<1x1x16xf32> to vector<16xf32>
      %sub3A_1455 = arith.subf %get3A_1447, %get3A_1454 : vector<16xf32>
      %mul3A_1456 = arith.mulf %sub3A_1455, %sub3A_1455 : vector<16xf32>
      %add3A_1457 = arith.addf %add3A_1440, %mul3A_1456 : vector<16xf32>
      %swap3A_1458 = arith.constant 1 : i32
      %swap3A_1459 = arith.index_cast %swap3A_1458 : i32 to index
      %swap3A_1460 = arith.constant 48 : index
      %swap3A_1461 = tpu.vector_load %arg20[%swap3A_1459, %swap3A_1460] {strides = array<i32>} : memref<2x80xf32, #tpu.memory_space<vmem>>, vector<1x16xf32>,
      %swap3A_1462 = vector.shape_cast %swap3A_1461 : vector<1x16xf32> to vector<16xf32>
      %swap3A_1463 = vector.shape_cast %add3A_1457 : vector<16xf32> to vector<1x16xf32>
      tpu.vector_store %arg20[%swap3A_1459, %swap3A_1460], %swap3A_1463 {strides = array<i32>} : memref<2x80xf32, #tpu.memory_space<vmem>>, vector<1x16xf32>,
      %broadcast_in_dim3A_1464 = arith.constant 0.000000e+00 : f32
      %broadcast_in_dim3A_1465 = vector.broadcast %broadcast_in_dim3A_1464 : f32 to vector<16xf32>
      %get3A_1466 = arith.constant 1 : i32
      %get3A_1467 = arith.constant 3 : i32
      %get3A_1468 = arith.index_cast %get3A_1466 : i32 to index
      %get3A_1469 = arith.index_cast %get3A_1467 : i32 to index
      %get3A_1470 = arith.constant 64 : index
      %get3A_1471 = tpu.vector_load %arg19[%get3A_1468, %get3A_1469, %get3A_1470] {strides = array<i32>} : memref<2x6x80xf32, #tpu.memory_space<vmem>>, vector<1x1x16xf32>,
      %get3A_1472 = vector.shape_cast %get3A_1471 : vector<1x1x16xf32> to vector<16xf32>
      %get3A_1473 = arith.constant 1 : i32
      %get3A_1474 = arith.constant 0 : i32
      %get3A_1475 = arith.index_cast %get3A_1473 : i32 to index
      %get3A_1476 = arith.index_cast %get3A_1474 : i32 to index
      %get3A_1477 = arith.constant 64 : index
      %get3A_1478 = tpu.vector_load %arg19[%get3A_1475, %get3A_1476, %get3A_1477] {strides = array<i32>} : memref<2x6x80xf32, #tpu.memory_space<vmem>>, vector<1x1x16xf32>,
      %get3A_1479 = vector.shape_cast %get3A_1478 : vector<1x1x16xf32> to vector<16xf32>
      %sub3A_1480 = arith.subf %get3A_1472, %get3A_1479 : vector<16xf32>
      %mul3A_1481 = arith.mulf %sub3A_1480, %sub3A_1480 : vector<16xf32>
      %add3A_1482 = arith.addf %broadcast_in_dim3A_1465, %mul3A_1481 : vector<16xf32>
      %get3A_1483 = arith.constant 1 : i32
      %get3A_1484 = arith.constant 4 : i32
      %get3A_1485 = arith.index_cast %get3A_1483 : i32 to index
      %get3A_1486 = arith.index_cast %get3A_1484 : i32 to index
      %get3A_1487 = arith.constant 64 : index
      %get3A_1488 = tpu.vector_load %arg19[%get3A_1485, %get3A_1486, %get3A_1487] {strides = array<i32>} : memref<2x6x80xf32, #tpu.memory_space<vmem>>, vector<1x1x16xf32>,
      %get3A_1489 = vector.shape_cast %get3A_1488 : vector<1x1x16xf32> to vector<16xf32>
      %get3A_1490 = arith.constant 1 : i32
      %get3A_1491 = arith.constant 1 : i32
      %get3A_1492 = arith.index_cast %get3A_1490 : i32 to index
      %get3A_1493 = arith.index_cast %get3A_1491 : i32 to index
      %get3A_1494 = arith.constant 64 : index
      %get3A_1495 = tpu.vector_load %arg19[%get3A_1492, %get3A_1493, %get3A_1494] {strides = array<i32>} : memref<2x6x80xf32, #tpu.memory_space<vmem>>, vector<1x1x16xf32>,
      %get3A_1496 = vector.shape_cast %get3A_1495 : vector<1x1x16xf32> to vector<16xf32>
      %sub3A_1497 = arith.subf %get3A_1489, %get3A_1496 : vector<16xf32>
      %mul3A_1498 = arith.mulf %sub3A_1497, %sub3A_1497 : vector<16xf32>
      %add3A_1499 = arith.addf %add3A_1482, %mul3A_1498 : vector<16xf32>
      %get3A_1500 = arith.constant 1 : i32
      %get3A_1501 = arith.constant 5 : i32
      %get3A_1502 = arith.index_cast %get3A_1500 : i32 to index
      %get3A_1503 = arith.index_cast %get3A_1501 : i32 to index
      %get3A_1504 = arith.constant 64 : index
      %get3A_1505 = tpu.vector_load %arg19[%get3A_1502, %get3A_1503, %get3A_1504] {strides = array<i32>} : memref<2x6x80xf32, #tpu.memory_space<vmem>>, vector<1x1x16xf32>,
      %get3A_1506 = vector.shape_cast %get3A_1505 : vector<1x1x16xf32> to vector<16xf32>
      %get3A_1507 = arith.constant 1 : i32
      %get3A_1508 = arith.constant 2 : i32
      %get3A_1509 = arith.index_cast %get3A_1507 : i32 to index
      %get3A_1510 = arith.index_cast %get3A_1508 : i32 to index
      %get3A_1511 = arith.constant 64 : index
      %get3A_1512 = tpu.vector_load %arg19[%get3A_1509, %get3A_1510, %get3A_1511] {strides = array<i32>} : memref<2x6x80xf32, #tpu.memory_space<vmem>>, vector<1x1x16xf32>,
      %get3A_1513 = vector.shape_cast %get3A_1512 : vector<1x1x16xf32> to vector<16xf32>
      %sub3A_1514 = arith.subf %get3A_1506, %get3A_1513 : vector<16xf32>
      %mul3A_1515 = arith.mulf %sub3A_1514, %sub3A_1514 : vector<16xf32>
      %add3A_1516 = arith.addf %add3A_1499, %mul3A_1515 : vector<16xf32>
      %swap3A_1517 = arith.constant 1 : i32
      %swap3A_1518 = arith.index_cast %swap3A_1517 : i32 to index
      %swap3A_1519 = arith.constant 64 : index
      %swap3A_1520 = tpu.vector_load %arg20[%swap3A_1518, %swap3A_1519] {strides = array<i32>} : memref<2x80xf32, #tpu.memory_space<vmem>>, vector<1x16xf32>,
      %swap3A_1521 = vector.shape_cast %swap3A_1520 : vector<1x16xf32> to vector<16xf32>
      %swap3A_1522 = vector.shape_cast %add3A_1516 : vector<16xf32> to vector<1x16xf32>
      tpu.vector_store %arg20[%swap3A_1518, %swap3A_1519], %swap3A_1522 {strides = array<i32>} : memref<2x80xf32, #tpu.memory_space<vmem>>, vector<1x16xf32>,
      %dma_wait3A_1523 = arith.constant 1 : i32
      %dma_wait3A_1524 = arith.constant 1 : i32
      %dma_wait3A_1525 = arith.constant 0 : i32
      %dma_wait3A_1526 = arith.constant 0 : i32
      %dma_wait3A_1527 = tpu.memref_slice %arg14[%dma_wait3A_1524, %dma_wait3A_1525, %dma_wait3A_1526] : memref<2x80x128xf32, #tpu.memory_space<vmem>> -> memref<1x80x128xf32, #tpu.memory_space<vmem>>
      %dma_wait3A_1528 = tpu.memref_squeeze %dma_wait3A_1527 : memref<1x80x128xf32, #tpu.memory_space<vmem>> -> memref<80x128xf32, #tpu.memory_space<vmem>>
      %dma_wait3A_1529 = arith.constant 0 : i32
      %dma_wait3A_1530 = tpu.memref_slice %arg12[%dma_wait3A_1523, %dma_wait3A_1529] : memref<2x80xi32, #tpu.memory_space<vmem>> -> memref<1x80xi32, #tpu.memory_space<vmem>>
      %dma_wait3A_1531 = tpu.memref_squeeze %dma_wait3A_1530 : memref<1x80xi32, #tpu.memory_space<vmem>> -> memref<80xi32, #tpu.memory_space<vmem>>
      %dma_wait3A_1532 = arith.constant 0 : i32
      %dma_wait3A_1533 = arith.constant 0 : i32
      %dma_wait3A_1534 = tpu.memref_slice %arg2[%dma_wait3A_1532, %dma_wait3A_1533] : memref<10000x128xf32, #tpu.memory_space<hbm>> -> memref<10000x128xf32, #tpu.memory_space<hbm>>
      tpu.wait_indirect_dma semaphore(%arg16 : memref<!tpu.dma_semaphore, #tpu.memory_space<semaphore_mem>>) src(%dma_wait3A_1534 : memref<10000x128xf32, #tpu.memory_space<hbm>>) dst(%dma_wait3A_1528 : memref<80x128xf32, #tpu.memory_space<vmem>>)
      %dma_wait3A_1535 = arith.constant 1 : i32
      %dma_wait3A_1536 = arith.constant 1 : i32
      %dma_wait3A_1537 = arith.constant 0 : i32
      %dma_wait3A_1538 = arith.constant 0 : i32
      %dma_wait3A_1539 = tpu.memref_slice %arg15[%dma_wait3A_1536, %dma_wait3A_1537, %dma_wait3A_1538] : memref<2x80x128xf32, #tpu.memory_space<vmem>> -> memref<1x80x128xf32, #tpu.memory_space<vmem>>
      %dma_wait3A_1540 = tpu.memref_squeeze %dma_wait3A_1539 : memref<1x80x128xf32, #tpu.memory_space<vmem>> -> memref<80x128xf32, #tpu.memory_space<vmem>>
      %dma_wait3A_1541 = arith.constant 0 : i32
      %dma_wait3A_1542 = tpu.memref_slice %arg13[%dma_wait3A_1535, %dma_wait3A_1541] : memref<2x80xi32, #tpu.memory_space<vmem>> -> memref<1x80xi32, #tpu.memory_space<vmem>>
      %dma_wait3A_1543 = tpu.memref_squeeze %dma_wait3A_1542 : memref<1x80xi32, #tpu.memory_space<vmem>> -> memref<80xi32, #tpu.memory_space<vmem>>
      %dma_wait3A_1544 = arith.constant 0 : i32
      %dma_wait3A_1545 = arith.constant 0 : i32
      %dma_wait3A_1546 = tpu.memref_slice %arg3[%dma_wait3A_1544, %dma_wait3A_1545] : memref<10000x128xf32, #tpu.memory_space<hbm>> -> memref<10000x128xf32, #tpu.memory_space<hbm>>
      tpu.wait_indirect_dma semaphore(%arg17 : memref<!tpu.dma_semaphore, #tpu.memory_space<semaphore_mem>>) src(%dma_wait3A_1546 : memref<10000x128xf32, #tpu.memory_space<hbm>>) dst(%dma_wait3A_1540 : memref<80x128xf32, #tpu.memory_space<vmem>>)
      %dma_start3A_1547 = arith.constant 1 : i32
      %dma_start3A_1548 = arith.constant 0 : i32
      %dma_start3A_1549 = arith.constant 0 : i32
      %dma_start3A_1550 = tpu.memref_slice %arg14[%dma_start3A_1547, %dma_start3A_1548, %dma_start3A_1549] : memref<2x80x128xf32, #tpu.memory_space<vmem>> -> memref<1x80x128xf32, #tpu.memory_space<vmem>>
      %dma_start3A_1551 = tpu.memref_squeeze %dma_start3A_1550 : memref<1x80x128xf32, #tpu.memory_space<vmem>> -> memref<80x128xf32, #tpu.memory_space<vmem>>
      %dma_start3A_1552 = arith.constant 0 : i32
      %dma_start3A_1553 = tpu.memref_slice %arg9[%add3A_557, %dma_start3A_1552] : memref<320000x128xf32, #tpu.memory_space<hbm>> -> memref<80x128xf32, #tpu.memory_space<hbm>>
      %dma_start3A_1554 = arith.constant 0 : i32
      %dma_start3A_1555 = tpu.memref_slice %arg9[%add3A_557, %dma_start3A_1554] : memref<320000x128xf32, #tpu.memory_space<hbm>> -> memref<80x128xf32, #tpu.memory_space<hbm>>
      %dma_start3A_1556 = arith.constant 0 : i32
      %dma_start3A_1557 = arith.constant 0 : i32
      %dma_start3A_1558 = tpu.memref_slice %arg14[%dma_start3A_1547, %dma_start3A_1556, %dma_start3A_1557] : memref<2x80x128xf32, #tpu.memory_space<vmem>> -> memref<1x80x128xf32, #tpu.memory_space<vmem>>
      %dma_start3A_1559 = tpu.memref_squeeze %dma_start3A_1558 : memref<1x80x128xf32, #tpu.memory_space<vmem>> -> memref<80x128xf32, #tpu.memory_space<vmem>>
      tpu.enqueue_dma source(%dma_start3A_1559 : memref<80x128xf32, #tpu.memory_space<vmem>>) target(%dma_start3A_1555 : memref<80x128xf32, #tpu.memory_space<hbm>>) target_semaphore(%arg18 : memref<!tpu.dma_semaphore, #tpu.memory_space<semaphore_mem>>)
      %dma_start3A_1560 = arith.constant 1 : i32
      %dma_start3A_1561 = arith.constant 0 : i32
      %dma_start3A_1562 = arith.constant 0 : i32
      %dma_start3A_1563 = tpu.memref_slice %arg15[%dma_start3A_1560, %dma_start3A_1561, %dma_start3A_1562] : memref<2x80x128xf32, #tpu.memory_space<vmem>> -> memref<1x80x128xf32, #tpu.memory_space<vmem>>
      %dma_start3A_1564 = tpu.memref_squeeze %dma_start3A_1563 : memref<1x80x128xf32, #tpu.memory_space<vmem>> -> memref<80x128xf32, #tpu.memory_space<vmem>>
      %dma_start3A_1565 = arith.constant 0 : i32
      %dma_start3A_1566 = tpu.memref_slice %arg10[%add3A_557, %dma_start3A_1565] : memref<320000x128xf32, #tpu.memory_space<hbm>> -> memref<80x128xf32, #tpu.memory_space<hbm>>
      %dma_start3A_1567 = arith.constant 0 : i32
      %dma_start3A_1568 = tpu.memref_slice %arg10[%add3A_557, %dma_start3A_1567] : memref<320000x128xf32, #tpu.memory_space<hbm>> -> memref<80x128xf32, #tpu.memory_space<hbm>>
      %dma_start3A_1569 = arith.constant 0 : i32
      %dma_start3A_1570 = arith.constant 0 : i32
      %dma_start3A_1571 = tpu.memref_slice %arg15[%dma_start3A_1560, %dma_start3A_1569, %dma_start3A_1570] : memref<2x80x128xf32, #tpu.memory_space<vmem>> -> memref<1x80x128xf32, #tpu.memory_space<vmem>>
      %dma_start3A_1572 = tpu.memref_squeeze %dma_start3A_1571 : memref<1x80x128xf32, #tpu.memory_space<vmem>> -> memref<80x128xf32, #tpu.memory_space<vmem>>
      tpu.enqueue_dma source(%dma_start3A_1572 : memref<80x128xf32, #tpu.memory_space<vmem>>) target(%dma_start3A_1568 : memref<80x128xf32, #tpu.memory_space<hbm>>) target_semaphore(%arg18 : memref<!tpu.dma_semaphore, #tpu.memory_space<semaphore_mem>>)
      %dma_start3A_1573 = arith.constant 1 : i32
      %dma_start3A_1574 = arith.constant 0 : i32
      %dma_start3A_1575 = tpu.memref_slice %arg20[%dma_start3A_1573, %dma_start3A_1574] : memref<2x80xf32, #tpu.memory_space<vmem>> -> memref<1x80xf32, #tpu.memory_space<vmem>>
      %dma_start3A_1576 = tpu.memref_squeeze %dma_start3A_1575 : memref<1x80xf32, #tpu.memory_space<vmem>> -> memref<80xf32, #tpu.memory_space<vmem>>
      %dma_start3A_1577 = tpu.memref_slice %arg11[%add3A_557] : memref<320000xf32, #tpu.memory_space<hbm>> -> memref<80xf32, #tpu.memory_space<hbm>>
      %dma_start3A_1578 = tpu.memref_slice %arg11[%add3A_557] : memref<320000xf32, #tpu.memory_space<hbm>> -> memref<80xf32, #tpu.memory_space<hbm>>
      %dma_start3A_1579 = arith.constant 0 : i32
      %dma_start3A_1580 = tpu.memref_slice %arg20[%dma_start3A_1573, %dma_start3A_1579] : memref<2x80xf32, #tpu.memory_space<vmem>> -> memref<1x80xf32, #tpu.memory_space<vmem>>
      %dma_start3A_1581 = tpu.memref_squeeze %dma_start3A_1580 : memref<1x80xf32, #tpu.memory_space<vmem>> -> memref<80xf32, #tpu.memory_space<vmem>>
      tpu.enqueue_dma source(%dma_start3A_1581 : memref<80xf32, #tpu.memory_space<vmem>>) target(%dma_start3A_1578 : memref<80xf32, #tpu.memory_space<hbm>>) target_semaphore(%arg18 : memref<!tpu.dma_semaphore, #tpu.memory_space<semaphore_mem>>)
      %dma_wait3A_1582 = arith.constant 0 : i32
      %dma_wait3A_1583 = arith.constant 0 : i32
      %dma_wait3A_1584 = arith.constant 0 : i32
      %dma_wait3A_1585 = tpu.memref_slice %arg14[%dma_wait3A_1582, %dma_wait3A_1583, %dma_wait3A_1584] : memref<2x80x128xf32, #tpu.memory_space<vmem>> -> memref<1x80x128xf32, #tpu.memory_space<vmem>>
      %dma_wait3A_1586 = tpu.memref_squeeze %dma_wait3A_1585 : memref<1x80x128xf32, #tpu.memory_space<vmem>> -> memref<80x128xf32, #tpu.memory_space<vmem>>
      %dma_wait3A_1587 = arith.constant 0 : i32
      %dma_wait3A_1588 = tpu.memref_slice %arg9[%add3A_555, %dma_wait3A_1587] : memref<320000x128xf32, #tpu.memory_space<hbm>> -> memref<80x128xf32, #tpu.memory_space<hbm>>
      %dma_wait3A_1589 = arith.constant 0 : i32
      %dma_wait3A_1590 = tpu.memref_slice %arg9[%add3A_555, %dma_wait3A_1589] : memref<320000x128xf32, #tpu.memory_space<hbm>> -> memref<80x128xf32, #tpu.memory_space<hbm>>
      %dma_wait3A_1591 = arith.constant 0 : i32
      %dma_wait3A_1592 = arith.constant 0 : i32
      %dma_wait3A_1593 = tpu.memref_slice %arg14[%dma_wait3A_1582, %dma_wait3A_1591, %dma_wait3A_1592] : memref<2x80x128xf32, #tpu.memory_space<vmem>> -> memref<1x80x128xf32, #tpu.memory_space<vmem>>
      %dma_wait3A_1594 = tpu.memref_squeeze %dma_wait3A_1593 : memref<1x80x128xf32, #tpu.memory_space<vmem>> -> memref<80x128xf32, #tpu.memory_space<vmem>>
      tpu.wait_dma2 semaphore(%arg18 : memref<!tpu.dma_semaphore, #tpu.memory_space<semaphore_mem>>) src(%dma_wait3A_1594 : memref<80x128xf32, #tpu.memory_space<vmem>>) dst(%dma_wait3A_1590 : memref<80x128xf32, #tpu.memory_space<hbm>>)
      %dma_wait3A_1595 = arith.constant 0 : i32
      %dma_wait3A_1596 = arith.constant 0 : i32
      %dma_wait3A_1597 = arith.constant 0 : i32
      %dma_wait3A_1598 = tpu.memref_slice %arg15[%dma_wait3A_1595, %dma_wait3A_1596, %dma_wait3A_1597] : memref<2x80x128xf32, #tpu.memory_space<vmem>> -> memref<1x80x128xf32, #tpu.memory_space<vmem>>
      %dma_wait3A_1599 = tpu.memref_squeeze %dma_wait3A_1598 : memref<1x80x128xf32, #tpu.memory_space<vmem>> -> memref<80x128xf32, #tpu.memory_space<vmem>>
      %dma_wait3A_1600 = arith.constant 0 : i32
      %dma_wait3A_1601 = tpu.memref_slice %arg10[%add3A_555, %dma_wait3A_1600] : memref<320000x128xf32, #tpu.memory_space<hbm>> -> memref<80x128xf32, #tpu.memory_space<hbm>>
      %dma_wait3A_1602 = arith.constant 0 : i32
      %dma_wait3A_1603 = tpu.memref_slice %arg10[%add3A_555, %dma_wait3A_1602] : memref<320000x128xf32, #tpu.memory_space<hbm>> -> memref<80x128xf32, #tpu.memory_space<hbm>>
      %dma_wait3A_1604 = arith.constant 0 : i32
      %dma_wait3A_1605 = arith.constant 0 : i32
      %dma_wait3A_1606 = tpu.memref_slice %arg15[%dma_wait3A_1595, %dma_wait3A_1604, %dma_wait3A_1605] : memref<2x80x128xf32, #tpu.memory_space<vmem>> -> memref<1x80x128xf32, #tpu.memory_space<vmem>>
      %dma_wait3A_1607 = tpu.memref_squeeze %dma_wait3A_1606 : memref<1x80x128xf32, #tpu.memory_space<vmem>> -> memref<80x128xf32, #tpu.memory_space<vmem>>
      tpu.wait_dma2 semaphore(%arg18 : memref<!tpu.dma_semaphore, #tpu.memory_space<semaphore_mem>>) src(%dma_wait3A_1607 : memref<80x128xf32, #tpu.memory_space<vmem>>) dst(%dma_wait3A_1603 : memref<80x128xf32, #tpu.memory_space<hbm>>)
      %dma_wait3A_1608 = arith.constant 0 : i32
      %dma_wait3A_1609 = arith.constant 0 : i32
      %dma_wait3A_1610 = tpu.memref_slice %arg20[%dma_wait3A_1608, %dma_wait3A_1609] : memref<2x80xf32, #tpu.memory_space<vmem>> -> memref<1x80xf32, #tpu.memory_space<vmem>>
      %dma_wait3A_1611 = tpu.memref_squeeze %dma_wait3A_1610 : memref<1x80xf32, #tpu.memory_space<vmem>> -> memref<80xf32, #tpu.memory_space<vmem>>
      %dma_wait3A_1612 = tpu.memref_slice %arg11[%add3A_555] : memref<320000xf32, #tpu.memory_space<hbm>> -> memref<80xf32, #tpu.memory_space<hbm>>
      %dma_wait3A_1613 = tpu.memref_slice %arg11[%add3A_555] : memref<320000xf32, #tpu.memory_space<hbm>> -> memref<80xf32, #tpu.memory_space<hbm>>
      %dma_wait3A_1614 = arith.constant 0 : i32
      %dma_wait3A_1615 = tpu.memref_slice %arg20[%dma_wait3A_1608, %dma_wait3A_1614] : memref<2x80xf32, #tpu.memory_space<vmem>> -> memref<1x80xf32, #tpu.memory_space<vmem>>
      %dma_wait3A_1616 = tpu.memref_squeeze %dma_wait3A_1615 : memref<1x80xf32, #tpu.memory_space<vmem>> -> memref<80xf32, #tpu.memory_space<vmem>>
      tpu.wait_dma2 semaphore(%arg18 : memref<!tpu.dma_semaphore, #tpu.memory_space<semaphore_mem>>) src(%dma_wait3A_1616 : memref<80xf32, #tpu.memory_space<vmem>>) dst(%dma_wait3A_1613 : memref<80xf32, #tpu.memory_space<hbm>>)
      %dma_wait3A_1617 = arith.constant 1 : i32
      %dma_wait3A_1618 = arith.constant 0 : i32
      %dma_wait3A_1619 = arith.constant 0 : i32
      %dma_wait3A_1620 = tpu.memref_slice %arg14[%dma_wait3A_1617, %dma_wait3A_1618, %dma_wait3A_1619] : memref<2x80x128xf32, #tpu.memory_space<vmem>> -> memref<1x80x128xf32, #tpu.memory_space<vmem>>
      %dma_wait3A_1621 = tpu.memref_squeeze %dma_wait3A_1620 : memref<1x80x128xf32, #tpu.memory_space<vmem>> -> memref<80x128xf32, #tpu.memory_space<vmem>>
      %dma_wait3A_1622 = arith.constant 0 : i32
      %dma_wait3A_1623 = tpu.memref_slice %arg9[%add3A_557, %dma_wait3A_1622] : memref<320000x128xf32, #tpu.memory_space<hbm>> -> memref<80x128xf32, #tpu.memory_space<hbm>>
      %dma_wait3A_1624 = arith.constant 0 : i32
      %dma_wait3A_1625 = tpu.memref_slice %arg9[%add3A_557, %dma_wait3A_1624] : memref<320000x128xf32, #tpu.memory_space<hbm>> -> memref<80x128xf32, #tpu.memory_space<hbm>>
      %dma_wait3A_1626 = arith.constant 0 : i32
      %dma_wait3A_1627 = arith.constant 0 : i32
      %dma_wait3A_1628 = tpu.memref_slice %arg14[%dma_wait3A_1617, %dma_wait3A_1626, %dma_wait3A_1627] : memref<2x80x128xf32, #tpu.memory_space<vmem>> -> memref<1x80x128xf32, #tpu.memory_space<vmem>>
      %dma_wait3A_1629 = tpu.memref_squeeze %dma_wait3A_1628 : memref<1x80x128xf32, #tpu.memory_space<vmem>> -> memref<80x128xf32, #tpu.memory_space<vmem>>
      tpu.wait_dma2 semaphore(%arg18 : memref<!tpu.dma_semaphore, #tpu.memory_space<semaphore_mem>>) src(%dma_wait3A_1629 : memref<80x128xf32, #tpu.memory_space<vmem>>) dst(%dma_wait3A_1625 : memref<80x128xf32, #tpu.memory_space<hbm>>)
      %dma_wait3A_1630 = arith.constant 1 : i32
      %dma_wait3A_1631 = arith.constant 0 : i32
      %dma_wait3A_1632 = arith.constant 0 : i32
      %dma_wait3A_1633 = tpu.memref_slice %arg15[%dma_wait3A_1630, %dma_wait3A_1631, %dma_wait3A_1632] : memref<2x80x128xf32, #tpu.memory_space<vmem>> -> memref<1x80x128xf32, #tpu.memory_space<vmem>>
      %dma_wait3A_1634 = tpu.memref_squeeze %dma_wait3A_1633 : memref<1x80x128xf32, #tpu.memory_space<vmem>> -> memref<80x128xf32, #tpu.memory_space<vmem>>
      %dma_wait3A_1635 = arith.constant 0 : i32
      %dma_wait3A_1636 = tpu.memref_slice %arg10[%add3A_557, %dma_wait3A_1635] : memref<320000x128xf32, #tpu.memory_space<hbm>> -> memref<80x128xf32, #tpu.memory_space<hbm>>
      %dma_wait3A_1637 = arith.constant 0 : i32
      %dma_wait3A_1638 = tpu.memref_slice %arg10[%add3A_557, %dma_wait3A_1637] : memref<320000x128xf32, #tpu.memory_space<hbm>> -> memref<80x128xf32, #tpu.memory_space<hbm>>
      %dma_wait3A_1639 = arith.constant 0 : i32
      %dma_wait3A_1640 = arith.constant 0 : i32
      %dma_wait3A_1641 = tpu.memref_slice %arg15[%dma_wait3A_1630, %dma_wait3A_1639, %dma_wait3A_1640] : memref<2x80x128xf32, #tpu.memory_space<vmem>> -> memref<1x80x128xf32, #tpu.memory_space<vmem>>
      %dma_wait3A_1642 = tpu.memref_squeeze %dma_wait3A_1641 : memref<1x80x128xf32, #tpu.memory_space<vmem>> -> memref<80x128xf32, #tpu.memory_space<vmem>>
      tpu.wait_dma2 semaphore(%arg18 : memref<!tpu.dma_semaphore, #tpu.memory_space<semaphore_mem>>) src(%dma_wait3A_1642 : memref<80x128xf32, #tpu.memory_space<vmem>>) dst(%dma_wait3A_1638 : memref<80x128xf32, #tpu.memory_space<hbm>>)
      %dma_wait3A_1643 = arith.constant 1 : i32
      %dma_wait3A_1644 = arith.constant 0 : i32
      %dma_wait3A_1645 = tpu.memref_slice %arg20[%dma_wait3A_1643, %dma_wait3A_1644] : memref<2x80xf32, #tpu.memory_space<vmem>> -> memref<1x80xf32, #tpu.memory_space<vmem>>
      %dma_wait3A_1646 = tpu.memref_squeeze %dma_wait3A_1645 : memref<1x80xf32, #tpu.memory_space<vmem>> -> memref<80xf32, #tpu.memory_space<vmem>>
      %dma_wait3A_1647 = tpu.memref_slice %arg11[%add3A_557] : memref<320000xf32, #tpu.memory_space<hbm>> -> memref<80xf32, #tpu.memory_space<hbm>>
      %dma_wait3A_1648 = tpu.memref_slice %arg11[%add3A_557] : memref<320000xf32, #tpu.memory_space<hbm>> -> memref<80xf32, #tpu.memory_space<hbm>>
      %dma_wait3A_1649 = arith.constant 0 : i32
      %dma_wait3A_1650 = tpu.memref_slice %arg20[%dma_wait3A_1643, %dma_wait3A_1649] : memref<2x80xf32, #tpu.memory_space<vmem>> -> memref<1x80xf32, #tpu.memory_space<vmem>>
      %dma_wait3A_1651 = tpu.memref_squeeze %dma_wait3A_1650 : memref<1x80xf32, #tpu.memory_space<vmem>> -> memref<80xf32, #tpu.memory_space<vmem>>
      tpu.wait_dma2 semaphore(%arg18 : memref<!tpu.dma_semaphore, #tpu.memory_space<semaphore_mem>>) src(%dma_wait3A_1651 : memref<80xf32, #tpu.memory_space<vmem>>) dst(%dma_wait3A_1648 : memref<80xf32, #tpu.memory_space<hbm>>)
    }
    %scan3A_7 = arith.constant 62 : i32
    %add3A_8 = arith.constant 9920 : i32
    %add3A_9 = arith.addi %mul3A_2, %add3A_8 : i32
    %run_scoped3A = arith.constant 0 : i32
    "tpu.region"() ({
      %run_scoped3A_550 = tpu.sem_alloc : memref<!tpu.dma_semaphore, #tpu.memory_space<semaphore_mem>>
      %dma_start3A_551 = arith.constant 0 : i32
      %dma_start3A_552 = tpu.memref_slice %arg12[%run_scoped3A, %dma_start3A_551] : memref<2x80xi32, #tpu.memory_space<vmem>> -> memref<1x80xi32, #tpu.memory_space<vmem>>
      %dma_start3A_553 = tpu.memref_squeeze %dma_start3A_552 : memref<1x80xi32, #tpu.memory_space<vmem>> -> memref<80xi32, #tpu.memory_space<vmem>>
      %dma_start3A_554 = tpu.memref_slice %arg4[%add3A_9] : memref<320000xi32, #tpu.memory_space<hbm>> -> memref<80xi32, #tpu.memory_space<hbm>>
      %dma_start3A_555 = arith.constant 0 : i32
      %dma_start3A_556 = tpu.memref_slice %arg12[%run_scoped3A, %dma_start3A_555] : memref<2x80xi32, #tpu.memory_space<vmem>> -> memref<1x80xi32, #tpu.memory_space<vmem>>
      %dma_start3A_557 = tpu.memref_squeeze %dma_start3A_556 : memref<1x80xi32, #tpu.memory_space<vmem>> -> memref<80xi32, #tpu.memory_space<vmem>>
      %dma_start3A_558 = tpu.memref_slice %arg4[%add3A_9] : memref<320000xi32, #tpu.memory_space<hbm>> -> memref<80xi32, #tpu.memory_space<hbm>>
      tpu.enqueue_dma source(%dma_start3A_558 : memref<80xi32, #tpu.memory_space<hbm>>) target(%dma_start3A_557 : memref<80xi32, #tpu.memory_space<vmem>>) target_semaphore(%run_scoped3A_550 : memref<!tpu.dma_semaphore, #tpu.memory_space<semaphore_mem>>)
      %dma_wait3A_559 = arith.constant 0 : i32
      %dma_wait3A_560 = tpu.memref_slice %arg12[%run_scoped3A, %dma_wait3A_559] : memref<2x80xi32, #tpu.memory_space<vmem>> -> memref<1x80xi32, #tpu.memory_space<vmem>>
      %dma_wait3A_561 = tpu.memref_squeeze %dma_wait3A_560 : memref<1x80xi32, #tpu.memory_space<vmem>> -> memref<80xi32, #tpu.memory_space<vmem>>
      %dma_wait3A_562 = tpu.memref_slice %arg4[%add3A_9] : memref<320000xi32, #tpu.memory_space<hbm>> -> memref<80xi32, #tpu.memory_space<hbm>>
      %dma_wait3A_563 = arith.constant 0 : i32
      %dma_wait3A_564 = tpu.memref_slice %arg12[%run_scoped3A, %dma_wait3A_563] : memref<2x80xi32, #tpu.memory_space<vmem>> -> memref<1x80xi32, #tpu.memory_space<vmem>>
      %dma_wait3A_565 = tpu.memref_squeeze %dma_wait3A_564 : memref<1x80xi32, #tpu.memory_space<vmem>> -> memref<80xi32, #tpu.memory_space<vmem>>
      %dma_wait3A_566 = tpu.memref_slice %arg4[%add3A_9] : memref<320000xi32, #tpu.memory_space<hbm>> -> memref<80xi32, #tpu.memory_space<hbm>>
      tpu.wait_dma2 semaphore(%run_scoped3A_550 : memref<!tpu.dma_semaphore, #tpu.memory_space<semaphore_mem>>) src(%dma_wait3A_566 : memref<80xi32, #tpu.memory_space<hbm>>) dst(%dma_wait3A_565 : memref<80xi32, #tpu.memory_space<vmem>>)
      tpu.yield
    }) : () -> ()
    %run_scoped3A_10 = arith.constant 0 : i32
    "tpu.region"() ({
      %run_scoped3A_550 = tpu.sem_alloc : memref<!tpu.dma_semaphore, #tpu.memory_space<semaphore_mem>>
      %dma_start3A_551 = arith.constant 0 : i32
      %dma_start3A_552 = tpu.memref_slice %arg13[%run_scoped3A_10, %dma_start3A_551] : memref<2x80xi32, #tpu.memory_space<vmem>> -> memref<1x80xi32, #tpu.memory_space<vmem>>
      %dma_start3A_553 = tpu.memref_squeeze %dma_start3A_552 : memref<1x80xi32, #tpu.memory_space<vmem>> -> memref<80xi32, #tpu.memory_space<vmem>>
      %dma_start3A_554 = tpu.memref_slice %arg5[%add3A_9] : memref<320000xi32, #tpu.memory_space<hbm>> -> memref<80xi32, #tpu.memory_space<hbm>>
      %dma_start3A_555 = arith.constant 0 : i32
      %dma_start3A_556 = tpu.memref_slice %arg13[%run_scoped3A_10, %dma_start3A_555] : memref<2x80xi32, #tpu.memory_space<vmem>> -> memref<1x80xi32, #tpu.memory_space<vmem>>
      %dma_start3A_557 = tpu.memref_squeeze %dma_start3A_556 : memref<1x80xi32, #tpu.memory_space<vmem>> -> memref<80xi32, #tpu.memory_space<vmem>>
      %dma_start3A_558 = tpu.memref_slice %arg5[%add3A_9] : memref<320000xi32, #tpu.memory_space<hbm>> -> memref<80xi32, #tpu.memory_space<hbm>>
      tpu.enqueue_dma source(%dma_start3A_558 : memref<80xi32, #tpu.memory_space<hbm>>) target(%dma_start3A_557 : memref<80xi32, #tpu.memory_space<vmem>>) target_semaphore(%run_scoped3A_550 : memref<!tpu.dma_semaphore, #tpu.memory_space<semaphore_mem>>)
      %dma_wait3A_559 = arith.constant 0 : i32
      %dma_wait3A_560 = tpu.memref_slice %arg13[%run_scoped3A_10, %dma_wait3A_559] : memref<2x80xi32, #tpu.memory_space<vmem>> -> memref<1x80xi32, #tpu.memory_space<vmem>>
      %dma_wait3A_561 = tpu.memref_squeeze %dma_wait3A_560 : memref<1x80xi32, #tpu.memory_space<vmem>> -> memref<80xi32, #tpu.memory_space<vmem>>
      %dma_wait3A_562 = tpu.memref_slice %arg5[%add3A_9] : memref<320000xi32, #tpu.memory_space<hbm>> -> memref<80xi32, #tpu.memory_space<hbm>>
      %dma_wait3A_563 = arith.constant 0 : i32
      %dma_wait3A_564 = tpu.memref_slice %arg13[%run_scoped3A_10, %dma_wait3A_563] : memref<2x80xi32, #tpu.memory_space<vmem>> -> memref<1x80xi32, #tpu.memory_space<vmem>>
      %dma_wait3A_565 = tpu.memref_squeeze %dma_wait3A_564 : memref<1x80xi32, #tpu.memory_space<vmem>> -> memref<80xi32, #tpu.memory_space<vmem>>
      %dma_wait3A_566 = tpu.memref_slice %arg5[%add3A_9] : memref<320000xi32, #tpu.memory_space<hbm>> -> memref<80xi32, #tpu.memory_space<hbm>>
      tpu.wait_dma2 semaphore(%run_scoped3A_550 : memref<!tpu.dma_semaphore, #tpu.memory_space<semaphore_mem>>) src(%dma_wait3A_566 : memref<80xi32, #tpu.memory_space<hbm>>) dst(%dma_wait3A_565 : memref<80xi32, #tpu.memory_space<vmem>>)
      tpu.yield
    }) : () -> ()
    %dma_start3A = arith.constant 0 : i32
    %dma_start3A_11 = arith.constant 0 : i32
    %dma_start3A_12 = arith.constant 0 : i32
    %dma_start3A_13 = arith.constant 0 : i32
    %dma_start3A_14 = tpu.memref_slice %arg14[%dma_start3A_11, %dma_start3A_12, %dma_start3A_13] : memref<2x80x128xf32, #tpu.memory_space<vmem>> -> memref<1x80x128xf32, #tpu.memory_space<vmem>>
    %dma_start3A_15 = tpu.memref_squeeze %dma_start3A_14 : memref<1x80x128xf32, #tpu.memory_space<vmem>> -> memref<80x128xf32, #tpu.memory_space<vmem>>
    %dma_start3A_16 = arith.constant 0 : i32
    %dma_start3A_17 = tpu.memref_slice %arg12[%dma_start3A, %dma_start3A_16] : memref<2x80xi32, #tpu.memory_space<vmem>> -> memref<1x80xi32, #tpu.memory_space<vmem>>
    %dma_start3A_18 = tpu.memref_squeeze %dma_start3A_17 : memref<1x80xi32, #tpu.memory_space<vmem>> -> memref<80xi32, #tpu.memory_space<vmem>>
    %dma_start3A_19 = arith.constant 0 : i32
    %dma_start3A_20 = arith.constant 0 : i32
    %dma_start3A_21 = tpu.memref_slice %arg2[%dma_start3A_19, %dma_start3A_20] : memref<10000x128xf32, #tpu.memory_space<hbm>> -> memref<10000x128xf32, #tpu.memory_space<hbm>>
    tpu.enqueue_indirect_dma source(%dma_start3A_21 : memref<10000x128xf32, #tpu.memory_space<hbm>>) target(%dma_start3A_15 : memref<80x128xf32, #tpu.memory_space<vmem>>) offsets(%dma_start3A_18 : memref<80xi32, #tpu.memory_space<vmem>>) semaphore(%arg16 : memref<!tpu.dma_semaphore, #tpu.memory_space<semaphore_mem>>)
    %dma_start3A_22 = arith.constant 0 : i32
    %dma_start3A_23 = arith.constant 0 : i32
    %dma_start3A_24 = arith.constant 0 : i32
    %dma_start3A_25 = arith.constant 0 : i32
    %dma_start3A_26 = tpu.memref_slice %arg15[%dma_start3A_23, %dma_start3A_24, %dma_start3A_25] : memref<2x80x128xf32, #tpu.memory_space<vmem>> -> memref<1x80x128xf32, #tpu.memory_space<vmem>>
    %dma_start3A_27 = tpu.memref_squeeze %dma_start3A_26 : memref<1x80x128xf32, #tpu.memory_space<vmem>> -> memref<80x128xf32, #tpu.memory_space<vmem>>
    %dma_start3A_28 = arith.constant 0 : i32
    %dma_start3A_29 = tpu.memref_slice %arg13[%dma_start3A_22, %dma_start3A_28] : memref<2x80xi32, #tpu.memory_space<vmem>> -> memref<1x80xi32, #tpu.memory_space<vmem>>
    %dma_start3A_30 = tpu.memref_squeeze %dma_start3A_29 : memref<1x80xi32, #tpu.memory_space<vmem>> -> memref<80xi32, #tpu.memory_space<vmem>>
    %dma_start3A_31 = arith.constant 0 : i32
    %dma_start3A_32 = arith.constant 0 : i32
    %dma_start3A_33 = tpu.memref_slice %arg3[%dma_start3A_31, %dma_start3A_32] : memref<10000x128xf32, #tpu.memory_space<hbm>> -> memref<10000x128xf32, #tpu.memory_space<hbm>>
    tpu.enqueue_indirect_dma source(%dma_start3A_33 : memref<10000x128xf32, #tpu.memory_space<hbm>>) target(%dma_start3A_27 : memref<80x128xf32, #tpu.memory_space<vmem>>) offsets(%dma_start3A_30 : memref<80xi32, #tpu.memory_space<vmem>>) semaphore(%arg17 : memref<!tpu.dma_semaphore, #tpu.memory_space<semaphore_mem>>)
    %dma_start3A_34 = arith.constant 0 : i32
    %dma_start3A_35 = arith.constant 0 : i32
    %dma_start3A_36 = arith.constant 0 : i32
    %dma_start3A_37 = arith.constant 0 : i32
    %dma_start3A_38 = tpu.memref_slice %arg19[%dma_start3A_35, %dma_start3A_36, %dma_start3A_37] : memref<2x6x80xf32, #tpu.memory_space<vmem>> -> memref<1x1x80xf32, #tpu.memory_space<vmem>>
    %dma_start3A_39 = tpu.memref_squeeze %dma_start3A_38 : memref<1x1x80xf32, #tpu.memory_space<vmem>> -> memref<80xf32, #tpu.memory_space<vmem>>
    %dma_start3A_40 = arith.constant 0 : i32
    %dma_start3A_41 = tpu.memref_slice %arg12[%dma_start3A_34, %dma_start3A_40] : memref<2x80xi32, #tpu.memory_space<vmem>> -> memref<1x80xi32, #tpu.memory_space<vmem>>
    %dma_start3A_42 = tpu.memref_squeeze %dma_start3A_41 : memref<1x80xi32, #tpu.memory_space<vmem>> -> memref<80xi32, #tpu.memory_space<vmem>>
    %dma_start3A_43 = arith.constant 0 : i32
    %dma_start3A_44 = tpu.memref_slice %arg6[%dma_start3A_43] : memref<10000xf32, #tpu.memory_space<hbm>> -> memref<10000xf32, #tpu.memory_space<hbm>>
    tpu.enqueue_indirect_dma source(%dma_start3A_44 : memref<10000xf32, #tpu.memory_space<hbm>>) target(%dma_start3A_39 : memref<80xf32, #tpu.memory_space<vmem>>) offsets(%dma_start3A_42 : memref<80xi32, #tpu.memory_space<vmem>>) semaphore(%arg21 : memref<!tpu.dma_semaphore, #tpu.memory_space<semaphore_mem>>)
    %dma_start3A_45 = arith.constant 0 : i32
    %dma_start3A_46 = arith.constant 0 : i32
    %dma_start3A_47 = arith.constant 1 : i32
    %dma_start3A_48 = arith.constant 0 : i32
    %dma_start3A_49 = tpu.memref_slice %arg19[%dma_start3A_46, %dma_start3A_47, %dma_start3A_48] : memref<2x6x80xf32, #tpu.memory_space<vmem>> -> memref<1x1x80xf32, #tpu.memory_space<vmem>>
    %dma_start3A_50 = tpu.memref_squeeze %dma_start3A_49 : memref<1x1x80xf32, #tpu.memory_space<vmem>> -> memref<80xf32, #tpu.memory_space<vmem>>
    %dma_start3A_51 = arith.constant 0 : i32
    %dma_start3A_52 = tpu.memref_slice %arg12[%dma_start3A_45, %dma_start3A_51] : memref<2x80xi32, #tpu.memory_space<vmem>> -> memref<1x80xi32, #tpu.memory_space<vmem>>
    %dma_start3A_53 = tpu.memref_squeeze %dma_start3A_52 : memref<1x80xi32, #tpu.memory_space<vmem>> -> memref<80xi32, #tpu.memory_space<vmem>>
    %dma_start3A_54 = arith.constant 0 : i32
    %dma_start3A_55 = tpu.memref_slice %arg7[%dma_start3A_54] : memref<10000xf32, #tpu.memory_space<hbm>> -> memref<10000xf32, #tpu.memory_space<hbm>>
    tpu.enqueue_indirect_dma source(%dma_start3A_55 : memref<10000xf32, #tpu.memory_space<hbm>>) target(%dma_start3A_50 : memref<80xf32, #tpu.memory_space<vmem>>) offsets(%dma_start3A_53 : memref<80xi32, #tpu.memory_space<vmem>>) semaphore(%arg21 : memref<!tpu.dma_semaphore, #tpu.memory_space<semaphore_mem>>)
    %dma_start3A_56 = arith.constant 0 : i32
    %dma_start3A_57 = arith.constant 0 : i32
    %dma_start3A_58 = arith.constant 2 : i32
    %dma_start3A_59 = arith.constant 0 : i32
    %dma_start3A_60 = tpu.memref_slice %arg19[%dma_start3A_57, %dma_start3A_58, %dma_start3A_59] : memref<2x6x80xf32, #tpu.memory_space<vmem>> -> memref<1x1x80xf32, #tpu.memory_space<vmem>>
    %dma_start3A_61 = tpu.memref_squeeze %dma_start3A_60 : memref<1x1x80xf32, #tpu.memory_space<vmem>> -> memref<80xf32, #tpu.memory_space<vmem>>
    %dma_start3A_62 = arith.constant 0 : i32
    %dma_start3A_63 = tpu.memref_slice %arg12[%dma_start3A_56, %dma_start3A_62] : memref<2x80xi32, #tpu.memory_space<vmem>> -> memref<1x80xi32, #tpu.memory_space<vmem>>
    %dma_start3A_64 = tpu.memref_squeeze %dma_start3A_63 : memref<1x80xi32, #tpu.memory_space<vmem>> -> memref<80xi32, #tpu.memory_space<vmem>>
    %dma_start3A_65 = arith.constant 0 : i32
    %dma_start3A_66 = tpu.memref_slice %arg8[%dma_start3A_65] : memref<10000xf32, #tpu.memory_space<hbm>> -> memref<10000xf32, #tpu.memory_space<hbm>>
    tpu.enqueue_indirect_dma source(%dma_start3A_66 : memref<10000xf32, #tpu.memory_space<hbm>>) target(%dma_start3A_61 : memref<80xf32, #tpu.memory_space<vmem>>) offsets(%dma_start3A_64 : memref<80xi32, #tpu.memory_space<vmem>>) semaphore(%arg21 : memref<!tpu.dma_semaphore, #tpu.memory_space<semaphore_mem>>)
    %dma_start3A_67 = arith.constant 0 : i32
    %dma_start3A_68 = arith.constant 0 : i32
    %dma_start3A_69 = arith.constant 3 : i32
    %dma_start3A_70 = arith.constant 0 : i32
    %dma_start3A_71 = tpu.memref_slice %arg19[%dma_start3A_68, %dma_start3A_69, %dma_start3A_70] : memref<2x6x80xf32, #tpu.memory_space<vmem>> -> memref<1x1x80xf32, #tpu.memory_space<vmem>>
    %dma_start3A_72 = tpu.memref_squeeze %dma_start3A_71 : memref<1x1x80xf32, #tpu.memory_space<vmem>> -> memref<80xf32, #tpu.memory_space<vmem>>
    %dma_start3A_73 = arith.constant 0 : i32
    %dma_start3A_74 = tpu.memref_slice %arg13[%dma_start3A_67, %dma_start3A_73] : memref<2x80xi32, #tpu.memory_space<vmem>> -> memref<1x80xi32, #tpu.memory_space<vmem>>
    %dma_start3A_75 = tpu.memref_squeeze %dma_start3A_74 : memref<1x80xi32, #tpu.memory_space<vmem>> -> memref<80xi32, #tpu.memory_space<vmem>>
    %dma_start3A_76 = arith.constant 0 : i32
    %dma_start3A_77 = tpu.memref_slice %arg6[%dma_start3A_76] : memref<10000xf32, #tpu.memory_space<hbm>> -> memref<10000xf32, #tpu.memory_space<hbm>>
    tpu.enqueue_indirect_dma source(%dma_start3A_77 : memref<10000xf32, #tpu.memory_space<hbm>>) target(%dma_start3A_72 : memref<80xf32, #tpu.memory_space<vmem>>) offsets(%dma_start3A_75 : memref<80xi32, #tpu.memory_space<vmem>>) semaphore(%arg21 : memref<!tpu.dma_semaphore, #tpu.memory_space<semaphore_mem>>)
    %dma_start3A_78 = arith.constant 0 : i32
    %dma_start3A_79 = arith.constant 0 : i32
    %dma_start3A_80 = arith.constant 4 : i32
    %dma_start3A_81 = arith.constant 0 : i32
    %dma_start3A_82 = tpu.memref_slice %arg19[%dma_start3A_79, %dma_start3A_80, %dma_start3A_81] : memref<2x6x80xf32, #tpu.memory_space<vmem>> -> memref<1x1x80xf32, #tpu.memory_space<vmem>>
    %dma_start3A_83 = tpu.memref_squeeze %dma_start3A_82 : memref<1x1x80xf32, #tpu.memory_space<vmem>> -> memref<80xf32, #tpu.memory_space<vmem>>
    %dma_start3A_84 = arith.constant 0 : i32
    %dma_start3A_85 = tpu.memref_slice %arg13[%dma_start3A_78, %dma_start3A_84] : memref<2x80xi32, #tpu.memory_space<vmem>> -> memref<1x80xi32, #tpu.memory_space<vmem>>
    %dma_start3A_86 = tpu.memref_squeeze %dma_start3A_85 : memref<1x80xi32, #tpu.memory_space<vmem>> -> memref<80xi32, #tpu.memory_space<vmem>>
    %dma_start3A_87 = arith.constant 0 : i32
    %dma_start3A_88 = tpu.memref_slice %arg7[%dma_start3A_87] : memref<10000xf32, #tpu.memory_space<hbm>> -> memref<10000xf32, #tpu.memory_space<hbm>>
    tpu.enqueue_indirect_dma source(%dma_start3A_88 : memref<10000xf32, #tpu.memory_space<hbm>>) target(%dma_start3A_83 : memref<80xf32, #tpu.memory_space<vmem>>) offsets(%dma_start3A_86 : memref<80xi32, #tpu.memory_space<vmem>>) semaphore(%arg21 : memref<!tpu.dma_semaphore, #tpu.memory_space<semaphore_mem>>)
    %dma_start3A_89 = arith.constant 0 : i32
    %dma_start3A_90 = arith.constant 0 : i32
    %dma_start3A_91 = arith.constant 5 : i32
    %dma_start3A_92 = arith.constant 0 : i32
    %dma_start3A_93 = tpu.memref_slice %arg19[%dma_start3A_90, %dma_start3A_91, %dma_start3A_92] : memref<2x6x80xf32, #tpu.memory_space<vmem>> -> memref<1x1x80xf32, #tpu.memory_space<vmem>>
    %dma_start3A_94 = tpu.memref_squeeze %dma_start3A_93 : memref<1x1x80xf32, #tpu.memory_space<vmem>> -> memref<80xf32, #tpu.memory_space<vmem>>
    %dma_start3A_95 = arith.constant 0 : i32
    %dma_start3A_96 = tpu.memref_slice %arg13[%dma_start3A_89, %dma_start3A_95] : memref<2x80xi32, #tpu.memory_space<vmem>> -> memref<1x80xi32, #tpu.memory_space<vmem>>
    %dma_start3A_97 = tpu.memref_squeeze %dma_start3A_96 : memref<1x80xi32, #tpu.memory_space<vmem>> -> memref<80xi32, #tpu.memory_space<vmem>>
    %dma_start3A_98 = arith.constant 0 : i32
    %dma_start3A_99 = tpu.memref_slice %arg8[%dma_start3A_98] : memref<10000xf32, #tpu.memory_space<hbm>> -> memref<10000xf32, #tpu.memory_space<hbm>>
    tpu.enqueue_indirect_dma source(%dma_start3A_99 : memref<10000xf32, #tpu.memory_space<hbm>>) target(%dma_start3A_94 : memref<80xf32, #tpu.memory_space<vmem>>) offsets(%dma_start3A_97 : memref<80xi32, #tpu.memory_space<vmem>>) semaphore(%arg21 : memref<!tpu.dma_semaphore, #tpu.memory_space<semaphore_mem>>)
    %dma_wait3A = arith.constant 0 : i32
    %dma_wait3A_100 = arith.constant 0 : i32
    %dma_wait3A_101 = arith.constant 0 : i32
    %dma_wait3A_102 = arith.constant 0 : i32
    %dma_wait3A_103 = tpu.memref_slice %arg19[%dma_wait3A_100, %dma_wait3A_101, %dma_wait3A_102] : memref<2x6x80xf32, #tpu.memory_space<vmem>> -> memref<1x1x80xf32, #tpu.memory_space<vmem>>
    %dma_wait3A_104 = tpu.memref_squeeze %dma_wait3A_103 : memref<1x1x80xf32, #tpu.memory_space<vmem>> -> memref<80xf32, #tpu.memory_space<vmem>>
    %dma_wait3A_105 = arith.constant 0 : i32
    %dma_wait3A_106 = tpu.memref_slice %arg12[%dma_wait3A, %dma_wait3A_105] : memref<2x80xi32, #tpu.memory_space<vmem>> -> memref<1x80xi32, #tpu.memory_space<vmem>>
    %dma_wait3A_107 = tpu.memref_squeeze %dma_wait3A_106 : memref<1x80xi32, #tpu.memory_space<vmem>> -> memref<80xi32, #tpu.memory_space<vmem>>
    %dma_wait3A_108 = arith.constant 0 : i32
    %dma_wait3A_109 = tpu.memref_slice %arg6[%dma_wait3A_108] : memref<10000xf32, #tpu.memory_space<hbm>> -> memref<10000xf32, #tpu.memory_space<hbm>>
    tpu.wait_indirect_dma semaphore(%arg21 : memref<!tpu.dma_semaphore, #tpu.memory_space<semaphore_mem>>) src(%dma_wait3A_109 : memref<10000xf32, #tpu.memory_space<hbm>>) dst(%dma_wait3A_104 : memref<80xf32, #tpu.memory_space<vmem>>)
    %dma_wait3A_110 = arith.constant 0 : i32
    %dma_wait3A_111 = arith.constant 0 : i32
    %dma_wait3A_112 = arith.constant 1 : i32
    %dma_wait3A_113 = arith.constant 0 : i32
    %dma_wait3A_114 = tpu.memref_slice %arg19[%dma_wait3A_111, %dma_wait3A_112, %dma_wait3A_113] : memref<2x6x80xf32, #tpu.memory_space<vmem>> -> memref<1x1x80xf32, #tpu.memory_space<vmem>>
    %dma_wait3A_115 = tpu.memref_squeeze %dma_wait3A_114 : memref<1x1x80xf32, #tpu.memory_space<vmem>> -> memref<80xf32, #tpu.memory_space<vmem>>
    %dma_wait3A_116 = arith.constant 0 : i32
    %dma_wait3A_117 = tpu.memref_slice %arg12[%dma_wait3A_110, %dma_wait3A_116] : memref<2x80xi32, #tpu.memory_space<vmem>> -> memref<1x80xi32, #tpu.memory_space<vmem>>
    %dma_wait3A_118 = tpu.memref_squeeze %dma_wait3A_117 : memref<1x80xi32, #tpu.memory_space<vmem>> -> memref<80xi32, #tpu.memory_space<vmem>>
    %dma_wait3A_119 = arith.constant 0 : i32
    %dma_wait3A_120 = tpu.memref_slice %arg7[%dma_wait3A_119] : memref<10000xf32, #tpu.memory_space<hbm>> -> memref<10000xf32, #tpu.memory_space<hbm>>
    tpu.wait_indirect_dma semaphore(%arg21 : memref<!tpu.dma_semaphore, #tpu.memory_space<semaphore_mem>>) src(%dma_wait3A_120 : memref<10000xf32, #tpu.memory_space<hbm>>) dst(%dma_wait3A_115 : memref<80xf32, #tpu.memory_space<vmem>>)
    %dma_wait3A_121 = arith.constant 0 : i32
    %dma_wait3A_122 = arith.constant 0 : i32
    %dma_wait3A_123 = arith.constant 2 : i32
    %dma_wait3A_124 = arith.constant 0 : i32
    %dma_wait3A_125 = tpu.memref_slice %arg19[%dma_wait3A_122, %dma_wait3A_123, %dma_wait3A_124] : memref<2x6x80xf32, #tpu.memory_space<vmem>> -> memref<1x1x80xf32, #tpu.memory_space<vmem>>
    %dma_wait3A_126 = tpu.memref_squeeze %dma_wait3A_125 : memref<1x1x80xf32, #tpu.memory_space<vmem>> -> memref<80xf32, #tpu.memory_space<vmem>>
    %dma_wait3A_127 = arith.constant 0 : i32
    %dma_wait3A_128 = tpu.memref_slice %arg12[%dma_wait3A_121, %dma_wait3A_127] : memref<2x80xi32, #tpu.memory_space<vmem>> -> memref<1x80xi32, #tpu.memory_space<vmem>>
    %dma_wait3A_129 = tpu.memref_squeeze %dma_wait3A_128 : memref<1x80xi32, #tpu.memory_space<vmem>> -> memref<80xi32, #tpu.memory_space<vmem>>
    %dma_wait3A_130 = arith.constant 0 : i32
    %dma_wait3A_131 = tpu.memref_slice %arg8[%dma_wait3A_130] : memref<10000xf32, #tpu.memory_space<hbm>> -> memref<10000xf32, #tpu.memory_space<hbm>>
    tpu.wait_indirect_dma semaphore(%arg21 : memref<!tpu.dma_semaphore, #tpu.memory_space<semaphore_mem>>) src(%dma_wait3A_131 : memref<10000xf32, #tpu.memory_space<hbm>>) dst(%dma_wait3A_126 : memref<80xf32, #tpu.memory_space<vmem>>)
    %dma_wait3A_132 = arith.constant 0 : i32
    %dma_wait3A_133 = arith.constant 0 : i32
    %dma_wait3A_134 = arith.constant 3 : i32
    %dma_wait3A_135 = arith.constant 0 : i32
    %dma_wait3A_136 = tpu.memref_slice %arg19[%dma_wait3A_133, %dma_wait3A_134, %dma_wait3A_135] : memref<2x6x80xf32, #tpu.memory_space<vmem>> -> memref<1x1x80xf32, #tpu.memory_space<vmem>>
    %dma_wait3A_137 = tpu.memref_squeeze %dma_wait3A_136 : memref<1x1x80xf32, #tpu.memory_space<vmem>> -> memref<80xf32, #tpu.memory_space<vmem>>
    %dma_wait3A_138 = arith.constant 0 : i32
    %dma_wait3A_139 = tpu.memref_slice %arg13[%dma_wait3A_132, %dma_wait3A_138] : memref<2x80xi32, #tpu.memory_space<vmem>> -> memref<1x80xi32, #tpu.memory_space<vmem>>
    %dma_wait3A_140 = tpu.memref_squeeze %dma_wait3A_139 : memref<1x80xi32, #tpu.memory_space<vmem>> -> memref<80xi32, #tpu.memory_space<vmem>>
    %dma_wait3A_141 = arith.constant 0 : i32
    %dma_wait3A_142 = tpu.memref_slice %arg6[%dma_wait3A_141] : memref<10000xf32, #tpu.memory_space<hbm>> -> memref<10000xf32, #tpu.memory_space<hbm>>
    tpu.wait_indirect_dma semaphore(%arg21 : memref<!tpu.dma_semaphore, #tpu.memory_space<semaphore_mem>>) src(%dma_wait3A_142 : memref<10000xf32, #tpu.memory_space<hbm>>) dst(%dma_wait3A_137 : memref<80xf32, #tpu.memory_space<vmem>>)
    %dma_wait3A_143 = arith.constant 0 : i32
    %dma_wait3A_144 = arith.constant 0 : i32
    %dma_wait3A_145 = arith.constant 4 : i32
    %dma_wait3A_146 = arith.constant 0 : i32
    %dma_wait3A_147 = tpu.memref_slice %arg19[%dma_wait3A_144, %dma_wait3A_145, %dma_wait3A_146] : memref<2x6x80xf32, #tpu.memory_space<vmem>> -> memref<1x1x80xf32, #tpu.memory_space<vmem>>
    %dma_wait3A_148 = tpu.memref_squeeze %dma_wait3A_147 : memref<1x1x80xf32, #tpu.memory_space<vmem>> -> memref<80xf32, #tpu.memory_space<vmem>>
    %dma_wait3A_149 = arith.constant 0 : i32
    %dma_wait3A_150 = tpu.memref_slice %arg13[%dma_wait3A_143, %dma_wait3A_149] : memref<2x80xi32, #tpu.memory_space<vmem>> -> memref<1x80xi32, #tpu.memory_space<vmem>>
    %dma_wait3A_151 = tpu.memref_squeeze %dma_wait3A_150 : memref<1x80xi32, #tpu.memory_space<vmem>> -> memref<80xi32, #tpu.memory_space<vmem>>
    %dma_wait3A_152 = arith.constant 0 : i32
    %dma_wait3A_153 = tpu.memref_slice %arg7[%dma_wait3A_152] : memref<10000xf32, #tpu.memory_space<hbm>> -> memref<10000xf32, #tpu.memory_space<hbm>>
    tpu.wait_indirect_dma semaphore(%arg21 : memref<!tpu.dma_semaphore, #tpu.memory_space<semaphore_mem>>) src(%dma_wait3A_153 : memref<10000xf32, #tpu.memory_space<hbm>>) dst(%dma_wait3A_148 : memref<80xf32, #tpu.memory_space<vmem>>)
    %dma_wait3A_154 = arith.constant 0 : i32
    %dma_wait3A_155 = arith.constant 0 : i32
    %dma_wait3A_156 = arith.constant 5 : i32
    %dma_wait3A_157 = arith.constant 0 : i32
    %dma_wait3A_158 = tpu.memref_slice %arg19[%dma_wait3A_155, %dma_wait3A_156, %dma_wait3A_157] : memref<2x6x80xf32, #tpu.memory_space<vmem>> -> memref<1x1x80xf32, #tpu.memory_space<vmem>>
    %dma_wait3A_159 = tpu.memref_squeeze %dma_wait3A_158 : memref<1x1x80xf32, #tpu.memory_space<vmem>> -> memref<80xf32, #tpu.memory_space<vmem>>
    %dma_wait3A_160 = arith.constant 0 : i32
    %dma_wait3A_161 = tpu.memref_slice %arg13[%dma_wait3A_154, %dma_wait3A_160] : memref<2x80xi32, #tpu.memory_space<vmem>> -> memref<1x80xi32, #tpu.memory_space<vmem>>
    %dma_wait3A_162 = tpu.memref_squeeze %dma_wait3A_161 : memref<1x80xi32, #tpu.memory_space<vmem>> -> memref<80xi32, #tpu.memory_space<vmem>>
    %dma_wait3A_163 = arith.constant 0 : i32
    %dma_wait3A_164 = tpu.memref_slice %arg8[%dma_wait3A_163] : memref<10000xf32, #tpu.memory_space<hbm>> -> memref<10000xf32, #tpu.memory_space<hbm>>
    tpu.wait_indirect_dma semaphore(%arg21 : memref<!tpu.dma_semaphore, #tpu.memory_space<semaphore_mem>>) src(%dma_wait3A_164 : memref<10000xf32, #tpu.memory_space<hbm>>) dst(%dma_wait3A_159 : memref<80xf32, #tpu.memory_space<vmem>>)
    %broadcast_in_dim3A = arith.constant 0.000000e+00 : f32
    %broadcast_in_dim3A_165 = vector.broadcast %broadcast_in_dim3A : f32 to vector<16xf32>
    %get3A = arith.constant 0 : i32
    %get3A_166 = arith.constant 3 : i32
    %get3A_167 = arith.index_cast %get3A : i32 to index
    %get3A_168 = arith.index_cast %get3A_166 : i32 to index
    %get3A_169 = arith.constant 0 : index
    %get3A_170 = tpu.vector_load %arg19[%get3A_167, %get3A_168, %get3A_169] {strides = array<i32>} : memref<2x6x80xf32, #tpu.memory_space<vmem>>, vector<1x1x16xf32>,
    %get3A_171 = vector.shape_cast %get3A_170 : vector<1x1x16xf32> to vector<16xf32>
    %get3A_172 = arith.constant 0 : i32
    %get3A_173 = arith.constant 0 : i32
    %get3A_174 = arith.index_cast %get3A_172 : i32 to index
    %get3A_175 = arith.index_cast %get3A_173 : i32 to index
    %get3A_176 = arith.constant 0 : index
    %get3A_177 = tpu.vector_load %arg19[%get3A_174, %get3A_175, %get3A_176] {strides = array<i32>} : memref<2x6x80xf32, #tpu.memory_space<vmem>>, vector<1x1x16xf32>,
    %get3A_178 = vector.shape_cast %get3A_177 : vector<1x1x16xf32> to vector<16xf32>
    %sub3A = arith.subf %get3A_171, %get3A_178 : vector<16xf32>
    %mul3A_179 = arith.mulf %sub3A, %sub3A : vector<16xf32>
    %add3A_180 = arith.addf %broadcast_in_dim3A_165, %mul3A_179 : vector<16xf32>
    %get3A_181 = arith.constant 0 : i32
    %get3A_182 = arith.constant 4 : i32
    %get3A_183 = arith.index_cast %get3A_181 : i32 to index
    %get3A_184 = arith.index_cast %get3A_182 : i32 to index
    %get3A_185 = arith.constant 0 : index
    %get3A_186 = tpu.vector_load %arg19[%get3A_183, %get3A_184, %get3A_185] {strides = array<i32>} : memref<2x6x80xf32, #tpu.memory_space<vmem>>, vector<1x1x16xf32>,
    %get3A_187 = vector.shape_cast %get3A_186 : vector<1x1x16xf32> to vector<16xf32>
    %get3A_188 = arith.constant 0 : i32
    %get3A_189 = arith.constant 1 : i32
    %get3A_190 = arith.index_cast %get3A_188 : i32 to index
    %get3A_191 = arith.index_cast %get3A_189 : i32 to index
    %get3A_192 = arith.constant 0 : index
    %get3A_193 = tpu.vector_load %arg19[%get3A_190, %get3A_191, %get3A_192] {strides = array<i32>} : memref<2x6x80xf32, #tpu.memory_space<vmem>>, vector<1x1x16xf32>,
    %get3A_194 = vector.shape_cast %get3A_193 : vector<1x1x16xf32> to vector<16xf32>
    %sub3A_195 = arith.subf %get3A_187, %get3A_194 : vector<16xf32>
    %mul3A_196 = arith.mulf %sub3A_195, %sub3A_195 : vector<16xf32>
    %add3A_197 = arith.addf %add3A_180, %mul3A_196 : vector<16xf32>
    %get3A_198 = arith.constant 0 : i32
    %get3A_199 = arith.constant 5 : i32
    %get3A_200 = arith.index_cast %get3A_198 : i32 to index
    %get3A_201 = arith.index_cast %get3A_199 : i32 to index
    %get3A_202 = arith.constant 0 : index
    %get3A_203 = tpu.vector_load %arg19[%get3A_200, %get3A_201, %get3A_202] {strides = array<i32>} : memref<2x6x80xf32, #tpu.memory_space<vmem>>, vector<1x1x16xf32>,
    %get3A_204 = vector.shape_cast %get3A_203 : vector<1x1x16xf32> to vector<16xf32>
    %get3A_205 = arith.constant 0 : i32
    %get3A_206 = arith.constant 2 : i32
    %get3A_207 = arith.index_cast %get3A_205 : i32 to index
    %get3A_208 = arith.index_cast %get3A_206 : i32 to index
    %get3A_209 = arith.constant 0 : index
    %get3A_210 = tpu.vector_load %arg19[%get3A_207, %get3A_208, %get3A_209] {strides = array<i32>} : memref<2x6x80xf32, #tpu.memory_space<vmem>>, vector<1x1x16xf32>,
    %get3A_211 = vector.shape_cast %get3A_210 : vector<1x1x16xf32> to vector<16xf32>
    %sub3A_212 = arith.subf %get3A_204, %get3A_211 : vector<16xf32>
    %mul3A_213 = arith.mulf %sub3A_212, %sub3A_212 : vector<16xf32>
    %add3A_214 = arith.addf %add3A_197, %mul3A_213 : vector<16xf32>
    %swap3A = arith.constant 0 : i32
    %swap3A_215 = arith.index_cast %swap3A : i32 to index
    %swap3A_216 = arith.constant 0 : index
    %swap3A_217 = tpu.vector_load %arg20[%swap3A_215, %swap3A_216] {strides = array<i32>} : memref<2x80xf32, #tpu.memory_space<vmem>>, vector<1x16xf32>,
    %swap3A_218 = vector.shape_cast %swap3A_217 : vector<1x16xf32> to vector<16xf32>
    %swap3A_219 = vector.shape_cast %add3A_214 : vector<16xf32> to vector<1x16xf32>
    tpu.vector_store %arg20[%swap3A_215, %swap3A_216], %swap3A_219 {strides = array<i32>} : memref<2x80xf32, #tpu.memory_space<vmem>>, vector<1x16xf32>,
    %broadcast_in_dim3A_220 = arith.constant 0.000000e+00 : f32
    %broadcast_in_dim3A_221 = vector.broadcast %broadcast_in_dim3A_220 : f32 to vector<16xf32>
    %get3A_222 = arith.constant 0 : i32
    %get3A_223 = arith.constant 3 : i32
    %get3A_224 = arith.index_cast %get3A_222 : i32 to index
    %get3A_225 = arith.index_cast %get3A_223 : i32 to index
    %get3A_226 = arith.constant 16 : index
    %get3A_227 = tpu.vector_load %arg19[%get3A_224, %get3A_225, %get3A_226] {strides = array<i32>} : memref<2x6x80xf32, #tpu.memory_space<vmem>>, vector<1x1x16xf32>,
    %get3A_228 = vector.shape_cast %get3A_227 : vector<1x1x16xf32> to vector<16xf32>
    %get3A_229 = arith.constant 0 : i32
    %get3A_230 = arith.constant 0 : i32
    %get3A_231 = arith.index_cast %get3A_229 : i32 to index
    %get3A_232 = arith.index_cast %get3A_230 : i32 to index
    %get3A_233 = arith.constant 16 : index
    %get3A_234 = tpu.vector_load %arg19[%get3A_231, %get3A_232, %get3A_233] {strides = array<i32>} : memref<2x6x80xf32, #tpu.memory_space<vmem>>, vector<1x1x16xf32>,
    %get3A_235 = vector.shape_cast %get3A_234 : vector<1x1x16xf32> to vector<16xf32>
    %sub3A_236 = arith.subf %get3A_228, %get3A_235 : vector<16xf32>
    %mul3A_237 = arith.mulf %sub3A_236, %sub3A_236 : vector<16xf32>
    %add3A_238 = arith.addf %broadcast_in_dim3A_221, %mul3A_237 : vector<16xf32>
    %get3A_239 = arith.constant 0 : i32
    %get3A_240 = arith.constant 4 : i32
    %get3A_241 = arith.index_cast %get3A_239 : i32 to index
    %get3A_242 = arith.index_cast %get3A_240 : i32 to index
    %get3A_243 = arith.constant 16 : index
    %get3A_244 = tpu.vector_load %arg19[%get3A_241, %get3A_242, %get3A_243] {strides = array<i32>} : memref<2x6x80xf32, #tpu.memory_space<vmem>>, vector<1x1x16xf32>,
    %get3A_245 = vector.shape_cast %get3A_244 : vector<1x1x16xf32> to vector<16xf32>
    %get3A_246 = arith.constant 0 : i32
    %get3A_247 = arith.constant 1 : i32
    %get3A_248 = arith.index_cast %get3A_246 : i32 to index
    %get3A_249 = arith.index_cast %get3A_247 : i32 to index
    %get3A_250 = arith.constant 16 : index
    %get3A_251 = tpu.vector_load %arg19[%get3A_248, %get3A_249, %get3A_250] {strides = array<i32>} : memref<2x6x80xf32, #tpu.memory_space<vmem>>, vector<1x1x16xf32>,
    %get3A_252 = vector.shape_cast %get3A_251 : vector<1x1x16xf32> to vector<16xf32>
    %sub3A_253 = arith.subf %get3A_245, %get3A_252 : vector<16xf32>
    %mul3A_254 = arith.mulf %sub3A_253, %sub3A_253 : vector<16xf32>
    %add3A_255 = arith.addf %add3A_238, %mul3A_254 : vector<16xf32>
    %get3A_256 = arith.constant 0 : i32
    %get3A_257 = arith.constant 5 : i32
    %get3A_258 = arith.index_cast %get3A_256 : i32 to index
    %get3A_259 = arith.index_cast %get3A_257 : i32 to index
    %get3A_260 = arith.constant 16 : index
    %get3A_261 = tpu.vector_load %arg19[%get3A_258, %get3A_259, %get3A_260] {strides = array<i32>} : memref<2x6x80xf32, #tpu.memory_space<vmem>>, vector<1x1x16xf32>,
    %get3A_262 = vector.shape_cast %get3A_261 : vector<1x1x16xf32> to vector<16xf32>
    %get3A_263 = arith.constant 0 : i32
    %get3A_264 = arith.constant 2 : i32
    %get3A_265 = arith.index_cast %get3A_263 : i32 to index
    %get3A_266 = arith.index_cast %get3A_264 : i32 to index
    %get3A_267 = arith.constant 16 : index
    %get3A_268 = tpu.vector_load %arg19[%get3A_265, %get3A_266, %get3A_267] {strides = array<i32>} : memref<2x6x80xf32, #tpu.memory_space<vmem>>, vector<1x1x16xf32>,
    %get3A_269 = vector.shape_cast %get3A_268 : vector<1x1x16xf32> to vector<16xf32>
    %sub3A_270 = arith.subf %get3A_262, %get3A_269 : vector<16xf32>
    %mul3A_271 = arith.mulf %sub3A_270, %sub3A_270 : vector<16xf32>
    %add3A_272 = arith.addf %add3A_255, %mul3A_271 : vector<16xf32>
    %swap3A_273 = arith.constant 0 : i32
    %swap3A_274 = arith.index_cast %swap3A_273 : i32 to index
    %swap3A_275 = arith.constant 16 : index
    %swap3A_276 = tpu.vector_load %arg20[%swap3A_274, %swap3A_275] {strides = array<i32>} : memref<2x80xf32, #tpu.memory_space<vmem>>, vector<1x16xf32>,
    %swap3A_277 = vector.shape_cast %swap3A_276 : vector<1x16xf32> to vector<16xf32>
    %swap3A_278 = vector.shape_cast %add3A_272 : vector<16xf32> to vector<1x16xf32>
    tpu.vector_store %arg20[%swap3A_274, %swap3A_275], %swap3A_278 {strides = array<i32>} : memref<2x80xf32, #tpu.memory_space<vmem>>, vector<1x16xf32>,
    %broadcast_in_dim3A_279 = arith.constant 0.000000e+00 : f32
    %broadcast_in_dim3A_280 = vector.broadcast %broadcast_in_dim3A_279 : f32 to vector<16xf32>
    %get3A_281 = arith.constant 0 : i32
    %get3A_282 = arith.constant 3 : i32
    %get3A_283 = arith.index_cast %get3A_281 : i32 to index
    %get3A_284 = arith.index_cast %get3A_282 : i32 to index
    %get3A_285 = arith.constant 32 : index
    %get3A_286 = tpu.vector_load %arg19[%get3A_283, %get3A_284, %get3A_285] {strides = array<i32>} : memref<2x6x80xf32, #tpu.memory_space<vmem>>, vector<1x1x16xf32>,
    %get3A_287 = vector.shape_cast %get3A_286 : vector<1x1x16xf32> to vector<16xf32>
    %get3A_288 = arith.constant 0 : i32
    %get3A_289 = arith.constant 0 : i32
    %get3A_290 = arith.index_cast %get3A_288 : i32 to index
    %get3A_291 = arith.index_cast %get3A_289 : i32 to index
    %get3A_292 = arith.constant 32 : index
    %get3A_293 = tpu.vector_load %arg19[%get3A_290, %get3A_291, %get3A_292] {strides = array<i32>} : memref<2x6x80xf32, #tpu.memory_space<vmem>>, vector<1x1x16xf32>,
    %get3A_294 = vector.shape_cast %get3A_293 : vector<1x1x16xf32> to vector<16xf32>
    %sub3A_295 = arith.subf %get3A_287, %get3A_294 : vector<16xf32>
    %mul3A_296 = arith.mulf %sub3A_295, %sub3A_295 : vector<16xf32>
    %add3A_297 = arith.addf %broadcast_in_dim3A_280, %mul3A_296 : vector<16xf32>
    %get3A_298 = arith.constant 0 : i32
    %get3A_299 = arith.constant 4 : i32
    %get3A_300 = arith.index_cast %get3A_298 : i32 to index
    %get3A_301 = arith.index_cast %get3A_299 : i32 to index
    %get3A_302 = arith.constant 32 : index
    %get3A_303 = tpu.vector_load %arg19[%get3A_300, %get3A_301, %get3A_302] {strides = array<i32>} : memref<2x6x80xf32, #tpu.memory_space<vmem>>, vector<1x1x16xf32>,
    %get3A_304 = vector.shape_cast %get3A_303 : vector<1x1x16xf32> to vector<16xf32>
    %get3A_305 = arith.constant 0 : i32
    %get3A_306 = arith.constant 1 : i32
    %get3A_307 = arith.index_cast %get3A_305 : i32 to index
    %get3A_308 = arith.index_cast %get3A_306 : i32 to index
    %get3A_309 = arith.constant 32 : index
    %get3A_310 = tpu.vector_load %arg19[%get3A_307, %get3A_308, %get3A_309] {strides = array<i32>} : memref<2x6x80xf32, #tpu.memory_space<vmem>>, vector<1x1x16xf32>,
    %get3A_311 = vector.shape_cast %get3A_310 : vector<1x1x16xf32> to vector<16xf32>
    %sub3A_312 = arith.subf %get3A_304, %get3A_311 : vector<16xf32>
    %mul3A_313 = arith.mulf %sub3A_312, %sub3A_312 : vector<16xf32>
    %add3A_314 = arith.addf %add3A_297, %mul3A_313 : vector<16xf32>
    %get3A_315 = arith.constant 0 : i32
    %get3A_316 = arith.constant 5 : i32
    %get3A_317 = arith.index_cast %get3A_315 : i32 to index
    %get3A_318 = arith.index_cast %get3A_316 : i32 to index
    %get3A_319 = arith.constant 32 : index
    %get3A_320 = tpu.vector_load %arg19[%get3A_317, %get3A_318, %get3A_319] {strides = array<i32>} : memref<2x6x80xf32, #tpu.memory_space<vmem>>, vector<1x1x16xf32>,
    %get3A_321 = vector.shape_cast %get3A_320 : vector<1x1x16xf32> to vector<16xf32>
    %get3A_322 = arith.constant 0 : i32
    %get3A_323 = arith.constant 2 : i32
    %get3A_324 = arith.index_cast %get3A_322 : i32 to index
    %get3A_325 = arith.index_cast %get3A_323 : i32 to index
    %get3A_326 = arith.constant 32 : index
    %get3A_327 = tpu.vector_load %arg19[%get3A_324, %get3A_325, %get3A_326] {strides = array<i32>} : memref<2x6x80xf32, #tpu.memory_space<vmem>>, vector<1x1x16xf32>,
    %get3A_328 = vector.shape_cast %get3A_327 : vector<1x1x16xf32> to vector<16xf32>
    %sub3A_329 = arith.subf %get3A_321, %get3A_328 : vector<16xf32>
    %mul3A_330 = arith.mulf %sub3A_329, %sub3A_329 : vector<16xf32>
    %add3A_331 = arith.addf %add3A_314, %mul3A_330 : vector<16xf32>
    %swap3A_332 = arith.constant 0 : i32
    %swap3A_333 = arith.index_cast %swap3A_332 : i32 to index
    %swap3A_334 = arith.constant 32 : index
    %swap3A_335 = tpu.vector_load %arg20[%swap3A_333, %swap3A_334] {strides = array<i32>} : memref<2x80xf32, #tpu.memory_space<vmem>>, vector<1x16xf32>,
    %swap3A_336 = vector.shape_cast %swap3A_335 : vector<1x16xf32> to vector<16xf32>
    %swap3A_337 = vector.shape_cast %add3A_331 : vector<16xf32> to vector<1x16xf32>
    tpu.vector_store %arg20[%swap3A_333, %swap3A_334], %swap3A_337 {strides = array<i32>} : memref<2x80xf32, #tpu.memory_space<vmem>>, vector<1x16xf32>,
    %broadcast_in_dim3A_338 = arith.constant 0.000000e+00 : f32
    %broadcast_in_dim3A_339 = vector.broadcast %broadcast_in_dim3A_338 : f32 to vector<16xf32>
    %get3A_340 = arith.constant 0 : i32
    %get3A_341 = arith.constant 3 : i32
    %get3A_342 = arith.index_cast %get3A_340 : i32 to index
    %get3A_343 = arith.index_cast %get3A_341 : i32 to index
    %get3A_344 = arith.constant 48 : index
    %get3A_345 = tpu.vector_load %arg19[%get3A_342, %get3A_343, %get3A_344] {strides = array<i32>} : memref<2x6x80xf32, #tpu.memory_space<vmem>>, vector<1x1x16xf32>,
    %get3A_346 = vector.shape_cast %get3A_345 : vector<1x1x16xf32> to vector<16xf32>
    %get3A_347 = arith.constant 0 : i32
    %get3A_348 = arith.constant 0 : i32
    %get3A_349 = arith.index_cast %get3A_347 : i32 to index
    %get3A_350 = arith.index_cast %get3A_348 : i32 to index
    %get3A_351 = arith.constant 48 : index
    %get3A_352 = tpu.vector_load %arg19[%get3A_349, %get3A_350, %get3A_351] {strides = array<i32>} : memref<2x6x80xf32, #tpu.memory_space<vmem>>, vector<1x1x16xf32>,
    %get3A_353 = vector.shape_cast %get3A_352 : vector<1x1x16xf32> to vector<16xf32>
    %sub3A_354 = arith.subf %get3A_346, %get3A_353 : vector<16xf32>
    %mul3A_355 = arith.mulf %sub3A_354, %sub3A_354 : vector<16xf32>
    %add3A_356 = arith.addf %broadcast_in_dim3A_339, %mul3A_355 : vector<16xf32>
    %get3A_357 = arith.constant 0 : i32
    %get3A_358 = arith.constant 4 : i32
    %get3A_359 = arith.index_cast %get3A_357 : i32 to index
    %get3A_360 = arith.index_cast %get3A_358 : i32 to index
    %get3A_361 = arith.constant 48 : index
    %get3A_362 = tpu.vector_load %arg19[%get3A_359, %get3A_360, %get3A_361] {strides = array<i32>} : memref<2x6x80xf32, #tpu.memory_space<vmem>>, vector<1x1x16xf32>,
    %get3A_363 = vector.shape_cast %get3A_362 : vector<1x1x16xf32> to vector<16xf32>
    %get3A_364 = arith.constant 0 : i32
    %get3A_365 = arith.constant 1 : i32
    %get3A_366 = arith.index_cast %get3A_364 : i32 to index
    %get3A_367 = arith.index_cast %get3A_365 : i32 to index
    %get3A_368 = arith.constant 48 : index
    %get3A_369 = tpu.vector_load %arg19[%get3A_366, %get3A_367, %get3A_368] {strides = array<i32>} : memref<2x6x80xf32, #tpu.memory_space<vmem>>, vector<1x1x16xf32>,
    %get3A_370 = vector.shape_cast %get3A_369 : vector<1x1x16xf32> to vector<16xf32>
    %sub3A_371 = arith.subf %get3A_363, %get3A_370 : vector<16xf32>
    %mul3A_372 = arith.mulf %sub3A_371, %sub3A_371 : vector<16xf32>
    %add3A_373 = arith.addf %add3A_356, %mul3A_372 : vector<16xf32>
    %get3A_374 = arith.constant 0 : i32
    %get3A_375 = arith.constant 5 : i32
    %get3A_376 = arith.index_cast %get3A_374 : i32 to index
    %get3A_377 = arith.index_cast %get3A_375 : i32 to index
    %get3A_378 = arith.constant 48 : index
    %get3A_379 = tpu.vector_load %arg19[%get3A_376, %get3A_377, %get3A_378] {strides = array<i32>} : memref<2x6x80xf32, #tpu.memory_space<vmem>>, vector<1x1x16xf32>,
    %get3A_380 = vector.shape_cast %get3A_379 : vector<1x1x16xf32> to vector<16xf32>
    %get3A_381 = arith.constant 0 : i32
    %get3A_382 = arith.constant 2 : i32
    %get3A_383 = arith.index_cast %get3A_381 : i32 to index
    %get3A_384 = arith.index_cast %get3A_382 : i32 to index
    %get3A_385 = arith.constant 48 : index
    %get3A_386 = tpu.vector_load %arg19[%get3A_383, %get3A_384, %get3A_385] {strides = array<i32>} : memref<2x6x80xf32, #tpu.memory_space<vmem>>, vector<1x1x16xf32>,
    %get3A_387 = vector.shape_cast %get3A_386 : vector<1x1x16xf32> to vector<16xf32>
    %sub3A_388 = arith.subf %get3A_380, %get3A_387 : vector<16xf32>
    %mul3A_389 = arith.mulf %sub3A_388, %sub3A_388 : vector<16xf32>
    %add3A_390 = arith.addf %add3A_373, %mul3A_389 : vector<16xf32>
    %swap3A_391 = arith.constant 0 : i32
    %swap3A_392 = arith.index_cast %swap3A_391 : i32 to index
    %swap3A_393 = arith.constant 48 : index
    %swap3A_394 = tpu.vector_load %arg20[%swap3A_392, %swap3A_393] {strides = array<i32>} : memref<2x80xf32, #tpu.memory_space<vmem>>, vector<1x16xf32>,
    %swap3A_395 = vector.shape_cast %swap3A_394 : vector<1x16xf32> to vector<16xf32>
    %swap3A_396 = vector.shape_cast %add3A_390 : vector<16xf32> to vector<1x16xf32>
    tpu.vector_store %arg20[%swap3A_392, %swap3A_393], %swap3A_396 {strides = array<i32>} : memref<2x80xf32, #tpu.memory_space<vmem>>, vector<1x16xf32>,
    %broadcast_in_dim3A_397 = arith.constant 0.000000e+00 : f32
    %broadcast_in_dim3A_398 = vector.broadcast %broadcast_in_dim3A_397 : f32 to vector<16xf32>
    %get3A_399 = arith.constant 0 : i32
    %get3A_400 = arith.constant 3 : i32
    %get3A_401 = arith.index_cast %get3A_399 : i32 to index
    %get3A_402 = arith.index_cast %get3A_400 : i32 to index
    %get3A_403 = arith.constant 64 : index
    %get3A_404 = tpu.vector_load %arg19[%get3A_401, %get3A_402, %get3A_403] {strides = array<i32>} : memref<2x6x80xf32, #tpu.memory_space<vmem>>, vector<1x1x16xf32>,
    %get3A_405 = vector.shape_cast %get3A_404 : vector<1x1x16xf32> to vector<16xf32>
    %get3A_406 = arith.constant 0 : i32
    %get3A_407 = arith.constant 0 : i32
    %get3A_408 = arith.index_cast %get3A_406 : i32 to index
    %get3A_409 = arith.index_cast %get3A_407 : i32 to index
    %get3A_410 = arith.constant 64 : index
    %get3A_411 = tpu.vector_load %arg19[%get3A_408, %get3A_409, %get3A_410] {strides = array<i32>} : memref<2x6x80xf32, #tpu.memory_space<vmem>>, vector<1x1x16xf32>,
    %get3A_412 = vector.shape_cast %get3A_411 : vector<1x1x16xf32> to vector<16xf32>
    %sub3A_413 = arith.subf %get3A_405, %get3A_412 : vector<16xf32>
    %mul3A_414 = arith.mulf %sub3A_413, %sub3A_413 : vector<16xf32>
    %add3A_415 = arith.addf %broadcast_in_dim3A_398, %mul3A_414 : vector<16xf32>
    %get3A_416 = arith.constant 0 : i32
    %get3A_417 = arith.constant 4 : i32
    %get3A_418 = arith.index_cast %get3A_416 : i32 to index
    %get3A_419 = arith.index_cast %get3A_417 : i32 to index
    %get3A_420 = arith.constant 64 : index
    %get3A_421 = tpu.vector_load %arg19[%get3A_418, %get3A_419, %get3A_420] {strides = array<i32>} : memref<2x6x80xf32, #tpu.memory_space<vmem>>, vector<1x1x16xf32>,
    %get3A_422 = vector.shape_cast %get3A_421 : vector<1x1x16xf32> to vector<16xf32>
    %get3A_423 = arith.constant 0 : i32
    %get3A_424 = arith.constant 1 : i32
    %get3A_425 = arith.index_cast %get3A_423 : i32 to index
    %get3A_426 = arith.index_cast %get3A_424 : i32 to index
    %get3A_427 = arith.constant 64 : index
    %get3A_428 = tpu.vector_load %arg19[%get3A_425, %get3A_426, %get3A_427] {strides = array<i32>} : memref<2x6x80xf32, #tpu.memory_space<vmem>>, vector<1x1x16xf32>,
    %get3A_429 = vector.shape_cast %get3A_428 : vector<1x1x16xf32> to vector<16xf32>
    %sub3A_430 = arith.subf %get3A_422, %get3A_429 : vector<16xf32>
    %mul3A_431 = arith.mulf %sub3A_430, %sub3A_430 : vector<16xf32>
    %add3A_432 = arith.addf %add3A_415, %mul3A_431 : vector<16xf32>
    %get3A_433 = arith.constant 0 : i32
    %get3A_434 = arith.constant 5 : i32
    %get3A_435 = arith.index_cast %get3A_433 : i32 to index
    %get3A_436 = arith.index_cast %get3A_434 : i32 to index
    %get3A_437 = arith.constant 64 : index
    %get3A_438 = tpu.vector_load %arg19[%get3A_435, %get3A_436, %get3A_437] {strides = array<i32>} : memref<2x6x80xf32, #tpu.memory_space<vmem>>, vector<1x1x16xf32>,
    %get3A_439 = vector.shape_cast %get3A_438 : vector<1x1x16xf32> to vector<16xf32>
    %get3A_440 = arith.constant 0 : i32
    %get3A_441 = arith.constant 2 : i32
    %get3A_442 = arith.index_cast %get3A_440 : i32 to index
    %get3A_443 = arith.index_cast %get3A_441 : i32 to index
    %get3A_444 = arith.constant 64 : index
    %get3A_445 = tpu.vector_load %arg19[%get3A_442, %get3A_443, %get3A_444] {strides = array<i32>} : memref<2x6x80xf32, #tpu.memory_space<vmem>>, vector<1x1x16xf32>,
    %get3A_446 = vector.shape_cast %get3A_445 : vector<1x1x16xf32> to vector<16xf32>
    %sub3A_447 = arith.subf %get3A_439, %get3A_446 : vector<16xf32>
    %mul3A_448 = arith.mulf %sub3A_447, %sub3A_447 : vector<16xf32>
    %add3A_449 = arith.addf %add3A_432, %mul3A_448 : vector<16xf32>
    %swap3A_450 = arith.constant 0 : i32
    %swap3A_451 = arith.index_cast %swap3A_450 : i32 to index
    %swap3A_452 = arith.constant 64 : index
    %swap3A_453 = tpu.vector_load %arg20[%swap3A_451, %swap3A_452] {strides = array<i32>} : memref<2x80xf32, #tpu.memory_space<vmem>>, vector<1x16xf32>,
    %swap3A_454 = vector.shape_cast %swap3A_453 : vector<1x16xf32> to vector<16xf32>
    %swap3A_455 = vector.shape_cast %add3A_449 : vector<16xf32> to vector<1x16xf32>
    tpu.vector_store %arg20[%swap3A_451, %swap3A_452], %swap3A_455 {strides = array<i32>} : memref<2x80xf32, #tpu.memory_space<vmem>>, vector<1x16xf32>,
    %dma_wait3A_456 = arith.constant 0 : i32
    %dma_wait3A_457 = arith.constant 0 : i32
    %dma_wait3A_458 = arith.constant 0 : i32
    %dma_wait3A_459 = arith.constant 0 : i32
    %dma_wait3A_460 = tpu.memref_slice %arg14[%dma_wait3A_457, %dma_wait3A_458, %dma_wait3A_459] : memref<2x80x128xf32, #tpu.memory_space<vmem>> -> memref<1x80x128xf32, #tpu.memory_space<vmem>>
    %dma_wait3A_461 = tpu.memref_squeeze %dma_wait3A_460 : memref<1x80x128xf32, #tpu.memory_space<vmem>> -> memref<80x128xf32, #tpu.memory_space<vmem>>
    %dma_wait3A_462 = arith.constant 0 : i32
    %dma_wait3A_463 = tpu.memref_slice %arg12[%dma_wait3A_456, %dma_wait3A_462] : memref<2x80xi32, #tpu.memory_space<vmem>> -> memref<1x80xi32, #tpu.memory_space<vmem>>
    %dma_wait3A_464 = tpu.memref_squeeze %dma_wait3A_463 : memref<1x80xi32, #tpu.memory_space<vmem>> -> memref<80xi32, #tpu.memory_space<vmem>>
    %dma_wait3A_465 = arith.constant 0 : i32
    %dma_wait3A_466 = arith.constant 0 : i32
    %dma_wait3A_467 = tpu.memref_slice %arg2[%dma_wait3A_465, %dma_wait3A_466] : memref<10000x128xf32, #tpu.memory_space<hbm>> -> memref<10000x128xf32, #tpu.memory_space<hbm>>
    tpu.wait_indirect_dma semaphore(%arg16 : memref<!tpu.dma_semaphore, #tpu.memory_space<semaphore_mem>>) src(%dma_wait3A_467 : memref<10000x128xf32, #tpu.memory_space<hbm>>) dst(%dma_wait3A_461 : memref<80x128xf32, #tpu.memory_space<vmem>>)
    %dma_wait3A_468 = arith.constant 0 : i32
    %dma_wait3A_469 = arith.constant 0 : i32
    %dma_wait3A_470 = arith.constant 0 : i32
    %dma_wait3A_471 = arith.constant 0 : i32
    %dma_wait3A_472 = tpu.memref_slice %arg15[%dma_wait3A_469, %dma_wait3A_470, %dma_wait3A_471] : memref<2x80x128xf32, #tpu.memory_space<vmem>> -> memref<1x80x128xf32, #tpu.memory_space<vmem>>
    %dma_wait3A_473 = tpu.memref_squeeze %dma_wait3A_472 : memref<1x80x128xf32, #tpu.memory_space<vmem>> -> memref<80x128xf32, #tpu.memory_space<vmem>>
    %dma_wait3A_474 = arith.constant 0 : i32
    %dma_wait3A_475 = tpu.memref_slice %arg13[%dma_wait3A_468, %dma_wait3A_474] : memref<2x80xi32, #tpu.memory_space<vmem>> -> memref<1x80xi32, #tpu.memory_space<vmem>>
    %dma_wait3A_476 = tpu.memref_squeeze %dma_wait3A_475 : memref<1x80xi32, #tpu.memory_space<vmem>> -> memref<80xi32, #tpu.memory_space<vmem>>
    %dma_wait3A_477 = arith.constant 0 : i32
    %dma_wait3A_478 = arith.constant 0 : i32
    %dma_wait3A_479 = tpu.memref_slice %arg3[%dma_wait3A_477, %dma_wait3A_478] : memref<10000x128xf32, #tpu.memory_space<hbm>> -> memref<10000x128xf32, #tpu.memory_space<hbm>>
    tpu.wait_indirect_dma semaphore(%arg17 : memref<!tpu.dma_semaphore, #tpu.memory_space<semaphore_mem>>) src(%dma_wait3A_479 : memref<10000x128xf32, #tpu.memory_space<hbm>>) dst(%dma_wait3A_473 : memref<80x128xf32, #tpu.memory_space<vmem>>)
    %dma_start3A_480 = arith.constant 0 : i32
    %dma_start3A_481 = arith.constant 0 : i32
    %dma_start3A_482 = arith.constant 0 : i32
    %dma_start3A_483 = tpu.memref_slice %arg14[%dma_start3A_480, %dma_start3A_481, %dma_start3A_482] : memref<2x80x128xf32, #tpu.memory_space<vmem>> -> memref<1x80x128xf32, #tpu.memory_space<vmem>>
    %dma_start3A_484 = tpu.memref_squeeze %dma_start3A_483 : memref<1x80x128xf32, #tpu.memory_space<vmem>> -> memref<80x128xf32, #tpu.memory_space<vmem>>
    %dma_start3A_485 = arith.constant 0 : i32
    %dma_start3A_486 = tpu.memref_slice %arg9[%add3A_9, %dma_start3A_485] : memref<320000x128xf32, #tpu.memory_space<hbm>> -> memref<80x128xf32, #tpu.memory_space<hbm>>
    %dma_start3A_487 = arith.constant 0 : i32
    %dma_start3A_488 = tpu.memref_slice %arg9[%add3A_9, %dma_start3A_487] : memref<320000x128xf32, #tpu.memory_space<hbm>> -> memref<80x128xf32, #tpu.memory_space<hbm>>
    %dma_start3A_489 = arith.constant 0 : i32
    %dma_start3A_490 = arith.constant 0 : i32
    %dma_start3A_491 = tpu.memref_slice %arg14[%dma_start3A_480, %dma_start3A_489, %dma_start3A_490] : memref<2x80x128xf32, #tpu.memory_space<vmem>> -> memref<1x80x128xf32, #tpu.memory_space<vmem>>
    %dma_start3A_492 = tpu.memref_squeeze %dma_start3A_491 : memref<1x80x128xf32, #tpu.memory_space<vmem>> -> memref<80x128xf32, #tpu.memory_space<vmem>>
    tpu.enqueue_dma source(%dma_start3A_492 : memref<80x128xf32, #tpu.memory_space<vmem>>) target(%dma_start3A_488 : memref<80x128xf32, #tpu.memory_space<hbm>>) target_semaphore(%arg18 : memref<!tpu.dma_semaphore, #tpu.memory_space<semaphore_mem>>)
    %dma_start3A_493 = arith.constant 0 : i32
    %dma_start3A_494 = arith.constant 0 : i32
    %dma_start3A_495 = arith.constant 0 : i32
    %dma_start3A_496 = tpu.memref_slice %arg15[%dma_start3A_493, %dma_start3A_494, %dma_start3A_495] : memref<2x80x128xf32, #tpu.memory_space<vmem>> -> memref<1x80x128xf32, #tpu.memory_space<vmem>>
    %dma_start3A_497 = tpu.memref_squeeze %dma_start3A_496 : memref<1x80x128xf32, #tpu.memory_space<vmem>> -> memref<80x128xf32, #tpu.memory_space<vmem>>
    %dma_start3A_498 = arith.constant 0 : i32
    %dma_start3A_499 = tpu.memref_slice %arg10[%add3A_9, %dma_start3A_498] : memref<320000x128xf32, #tpu.memory_space<hbm>> -> memref<80x128xf32, #tpu.memory_space<hbm>>
    %dma_start3A_500 = arith.constant 0 : i32
    %dma_start3A_501 = tpu.memref_slice %arg10[%add3A_9, %dma_start3A_500] : memref<320000x128xf32, #tpu.memory_space<hbm>> -> memref<80x128xf32, #tpu.memory_space<hbm>>
    %dma_start3A_502 = arith.constant 0 : i32
    %dma_start3A_503 = arith.constant 0 : i32
    %dma_start3A_504 = tpu.memref_slice %arg15[%dma_start3A_493, %dma_start3A_502, %dma_start3A_503] : memref<2x80x128xf32, #tpu.memory_space<vmem>> -> memref<1x80x128xf32, #tpu.memory_space<vmem>>
    %dma_start3A_505 = tpu.memref_squeeze %dma_start3A_504 : memref<1x80x128xf32, #tpu.memory_space<vmem>> -> memref<80x128xf32, #tpu.memory_space<vmem>>
    tpu.enqueue_dma source(%dma_start3A_505 : memref<80x128xf32, #tpu.memory_space<vmem>>) target(%dma_start3A_501 : memref<80x128xf32, #tpu.memory_space<hbm>>) target_semaphore(%arg18 : memref<!tpu.dma_semaphore, #tpu.memory_space<semaphore_mem>>)
    %dma_start3A_506 = arith.constant 0 : i32
    %dma_start3A_507 = arith.constant 0 : i32
    %dma_start3A_508 = tpu.memref_slice %arg20[%dma_start3A_506, %dma_start3A_507] : memref<2x80xf32, #tpu.memory_space<vmem>> -> memref<1x80xf32, #tpu.memory_space<vmem>>
    %dma_start3A_509 = tpu.memref_squeeze %dma_start3A_508 : memref<1x80xf32, #tpu.memory_space<vmem>> -> memref<80xf32, #tpu.memory_space<vmem>>
    %dma_start3A_510 = tpu.memref_slice %arg11[%add3A_9] : memref<320000xf32, #tpu.memory_space<hbm>> -> memref<80xf32, #tpu.memory_space<hbm>>
    %dma_start3A_511 = tpu.memref_slice %arg11[%add3A_9] : memref<320000xf32, #tpu.memory_space<hbm>> -> memref<80xf32, #tpu.memory_space<hbm>>
    %dma_start3A_512 = arith.constant 0 : i32
    %dma_start3A_513 = tpu.memref_slice %arg20[%dma_start3A_506, %dma_start3A_512] : memref<2x80xf32, #tpu.memory_space<vmem>> -> memref<1x80xf32, #tpu.memory_space<vmem>>
    %dma_start3A_514 = tpu.memref_squeeze %dma_start3A_513 : memref<1x80xf32, #tpu.memory_space<vmem>> -> memref<80xf32, #tpu.memory_space<vmem>>
    tpu.enqueue_dma source(%dma_start3A_514 : memref<80xf32, #tpu.memory_space<vmem>>) target(%dma_start3A_511 : memref<80xf32, #tpu.memory_space<hbm>>) target_semaphore(%arg18 : memref<!tpu.dma_semaphore, #tpu.memory_space<semaphore_mem>>)
    %dma_wait3A_515 = arith.constant 0 : i32
    %dma_wait3A_516 = arith.constant 0 : i32
    %dma_wait3A_517 = arith.constant 0 : i32
    %dma_wait3A_518 = tpu.memref_slice %arg14[%dma_wait3A_515, %dma_wait3A_516, %dma_wait3A_517] : memref<2x80x128xf32, #tpu.memory_space<vmem>> -> memref<1x80x128xf32, #tpu.memory_space<vmem>>
    %dma_wait3A_519 = tpu.memref_squeeze %dma_wait3A_518 : memref<1x80x128xf32, #tpu.memory_space<vmem>> -> memref<80x128xf32, #tpu.memory_space<vmem>>
    %dma_wait3A_520 = arith.constant 0 : i32
    %dma_wait3A_521 = tpu.memref_slice %arg9[%add3A_9, %dma_wait3A_520] : memref<320000x128xf32, #tpu.memory_space<hbm>> -> memref<80x128xf32, #tpu.memory_space<hbm>>
    %dma_wait3A_522 = arith.constant 0 : i32
    %dma_wait3A_523 = tpu.memref_slice %arg9[%add3A_9, %dma_wait3A_522] : memref<320000x128xf32, #tpu.memory_space<hbm>> -> memref<80x128xf32, #tpu.memory_space<hbm>>
    %dma_wait3A_524 = arith.constant 0 : i32
    %dma_wait3A_525 = arith.constant 0 : i32
    %dma_wait3A_526 = tpu.memref_slice %arg14[%dma_wait3A_515, %dma_wait3A_524, %dma_wait3A_525] : memref<2x80x128xf32, #tpu.memory_space<vmem>> -> memref<1x80x128xf32, #tpu.memory_space<vmem>>
    %dma_wait3A_527 = tpu.memref_squeeze %dma_wait3A_526 : memref<1x80x128xf32, #tpu.memory_space<vmem>> -> memref<80x128xf32, #tpu.memory_space<vmem>>
    tpu.wait_dma2 semaphore(%arg18 : memref<!tpu.dma_semaphore, #tpu.memory_space<semaphore_mem>>) src(%dma_wait3A_527 : memref<80x128xf32, #tpu.memory_space<vmem>>) dst(%dma_wait3A_523 : memref<80x128xf32, #tpu.memory_space<hbm>>)
    %dma_wait3A_528 = arith.constant 0 : i32
    %dma_wait3A_529 = arith.constant 0 : i32
    %dma_wait3A_530 = arith.constant 0 : i32
    %dma_wait3A_531 = tpu.memref_slice %arg15[%dma_wait3A_528, %dma_wait3A_529, %dma_wait3A_530] : memref<2x80x128xf32, #tpu.memory_space<vmem>> -> memref<1x80x128xf32, #tpu.memory_space<vmem>>
    %dma_wait3A_532 = tpu.memref_squeeze %dma_wait3A_531 : memref<1x80x128xf32, #tpu.memory_space<vmem>> -> memref<80x128xf32, #tpu.memory_space<vmem>>
    %dma_wait3A_533 = arith.constant 0 : i32
    %dma_wait3A_534 = tpu.memref_slice %arg10[%add3A_9, %dma_wait3A_533] : memref<320000x128xf32, #tpu.memory_space<hbm>> -> memref<80x128xf32, #tpu.memory_space<hbm>>
    %dma_wait3A_535 = arith.constant 0 : i32
    %dma_wait3A_536 = tpu.memref_slice %arg10[%add3A_9, %dma_wait3A_535] : memref<320000x128xf32, #tpu.memory_space<hbm>> -> memref<80x128xf32, #tpu.memory_space<hbm>>
    %dma_wait3A_537 = arith.constant 0 : i32
    %dma_wait3A_538 = arith.constant 0 : i32
    %dma_wait3A_539 = tpu.memref_slice %arg15[%dma_wait3A_528, %dma_wait3A_537, %dma_wait3A_538] : memref<2x80x128xf32, #tpu.memory_space<vmem>> -> memref<1x80x128xf32, #tpu.memory_space<vmem>>
    %dma_wait3A_540 = tpu.memref_squeeze %dma_wait3A_539 : memref<1x80x128xf32, #tpu.memory_space<vmem>> -> memref<80x128xf32, #tpu.memory_space<vmem>>
    tpu.wait_dma2 semaphore(%arg18 : memref<!tpu.dma_semaphore, #tpu.memory_space<semaphore_mem>>) src(%dma_wait3A_540 : memref<80x128xf32, #tpu.memory_space<vmem>>) dst(%dma_wait3A_536 : memref<80x128xf32, #tpu.memory_space<hbm>>)
    %dma_wait3A_541 = arith.constant 0 : i32
    %dma_wait3A_542 = arith.constant 0 : i32
    %dma_wait3A_543 = tpu.memref_slice %arg20[%dma_wait3A_541, %dma_wait3A_542] : memref<2x80xf32, #tpu.memory_space<vmem>> -> memref<1x80xf32, #tpu.memory_space<vmem>>
    %dma_wait3A_544 = tpu.memref_squeeze %dma_wait3A_543 : memref<1x80xf32, #tpu.memory_space<vmem>> -> memref<80xf32, #tpu.memory_space<vmem>>
    %dma_wait3A_545 = tpu.memref_slice %arg11[%add3A_9] : memref<320000xf32, #tpu.memory_space<hbm>> -> memref<80xf32, #tpu.memory_space<hbm>>
    %dma_wait3A_546 = tpu.memref_slice %arg11[%add3A_9] : memref<320000xf32, #tpu.memory_space<hbm>> -> memref<80xf32, #tpu.memory_space<hbm>>
    %dma_wait3A_547 = arith.constant 0 : i32
    %dma_wait3A_548 = tpu.memref_slice %arg20[%dma_wait3A_541, %dma_wait3A_547] : memref<2x80xf32, #tpu.memory_space<vmem>> -> memref<1x80xf32, #tpu.memory_space<vmem>>
    %dma_wait3A_549 = tpu.memref_squeeze %dma_wait3A_548 : memref<1x80xf32, #tpu.memory_space<vmem>> -> memref<80xf32, #tpu.memory_space<vmem>>
    tpu.wait_dma2 semaphore(%arg18 : memref<!tpu.dma_semaphore, #tpu.memory_space<semaphore_mem>>) src(%dma_wait3A_549 : memref<80xf32, #tpu.memory_space<vmem>>) dst(%dma_wait3A_546 : memref<80xf32, #tpu.memory_space<hbm>>)
    return
  }
}

#map = affine_map<(d0, d1) -> (0, 0)>
#map1 = affine_map<(d0, d1) -> (0)>
#map2 = affine_map<(d0, d1) -> (0, 0, 0)>
module attributes {stable_mosaic.version = 14 : i64} {
  func.func @k(%arg0: i32, %arg1: i32, %arg2: memref<320000x128xf32, #tpu.memory_space<hbm>>, %arg3: memref<320000xi32, #tpu.memory_space<hbm>>, %arg4: memref<80x128xf32, #tpu.memory_space<hbm>>, %arg5: memref<2x10000x128xf32, #tpu.memory_space<hbm>>, %arg6: memref<2x80xi32, #tpu.memory_space<vmem>>, %arg7: memref<2x80x128xf32, #tpu.memory_space<vmem>>, %arg8: memref<80x128xf32, #tpu.memory_space<vmem>>, %arg9: memref<10000x128xf32, #tpu.memory_space<vmem_shared>>, %arg10: memref<!tpu.dma_semaphore, #tpu.memory_space<semaphore_mem>>) attributes {dimension_semantics = [#tpu.dimension_semantics<core_parallel>, #tpu.dimension_semantics<subcore_parallel>], iteration_bounds = array<i64: 2, 16>, scalar_prefetch = 0 : i64, scratch_operands = 5 : i64, tpu.core_type = #tpu.core_type<sc_vector_subcore>, window_params = [{transform_indices = #map}, {transform_indices = #map1}, {transform_indices = #map}, {transform_indices = #map2}]} {
    %mul3A = arith.constant 16 : i32
    %mul3A_0 = arith.muli %arg0, %mul3A : i32
    %add3A = arith.addi %mul3A_0, %arg1 : i32
    %mul3A_1 = arith.constant 10000 : i32
    %mul3A_2 = arith.muli %add3A, %mul3A_1 : i32
    %sub3A = arith.constant 124 : i32
    %sub3A_3 = arith.subi %sub3A, %arg1 : i32
    %jit3A = arith.constant 16 : i32
    %div3A = arith.divsi %sub3A_3, %jit3A : i32
    %sign3A = arith.constant 0 : i32
    %sign3A_4 = arith.cmpi sgt, %sub3A_3, %sign3A : i32
    %sign3A_5 = arith.extui %sign3A_4 : i1 to i32
    %sign3A_6 = arith.constant 0 : i32
    %sign3A_7 = arith.cmpi slt, %sub3A_3, %sign3A_6 : i32
    %sign3A_8 = arith.extui %sign3A_7 : i1 to i32
    %sign3A_9 = arith.subi %sign3A_5, %sign3A_8 : i32
    %sign3A_10 = arith.constant 0 : i32
    %sign3A_11 = arith.cmpi sgt, %jit3A, %sign3A_10 : i32
    %sign3A_12 = arith.extui %sign3A_11 : i1 to i32
    %sign3A_13 = arith.constant 0 : i32
    %sign3A_14 = arith.cmpi slt, %jit3A, %sign3A_13 : i32
    %sign3A_15 = arith.extui %sign3A_14 : i1 to i32
    %sign3A_16 = arith.subi %sign3A_12, %sign3A_15 : i32
    %ne3A = arith.cmpi ne, %sign3A_9, %sign3A_16 : i32
    %rem3A = arith.remsi %sub3A_3, %jit3A : i32
    %ne3A_17 = arith.constant 0 : i32
    %ne3A_18 = arith.cmpi ne, %rem3A, %ne3A_17 : i32
    %and3A = arith.andi %ne3A, %ne3A_18 : i1
    %sub3A_19 = arith.constant 1 : i32
    %sub3A_20 = arith.subi %div3A, %sub3A_19 : i32
    %select_n3A = arith.select %and3A, %sub3A_20, %div3A : i32
    %add3A_21 = arith.constant 1 : i32
    %add3A_22 = arith.addi %select_n3A, %add3A_21 : i32
    "tpu.region"() ({
      %run_scoped3A_93 = tpu.sem_alloc : memref<!tpu.dma_semaphore, #tpu.memory_space<semaphore_mem>>
      tpu.enqueue_dma source(%arg4 : memref<80x128xf32, #tpu.memory_space<hbm>>) target(%arg8 : memref<80x128xf32, #tpu.memory_space<vmem>>) target_semaphore(%run_scoped3A_93 : memref<!tpu.dma_semaphore, #tpu.memory_space<semaphore_mem>>)
      tpu.wait_dma2 semaphore(%run_scoped3A_93 : memref<!tpu.dma_semaphore, #tpu.memory_space<semaphore_mem>>) src(%arg4 : memref<80x128xf32, #tpu.memory_space<hbm>>) dst(%arg8 : memref<80x128xf32, #tpu.memory_space<vmem>>)
      tpu.yield
    }) : () -> ()
    %while3A = arith.constant 0 : i32
    %while3A_23 = arith.constant 0 : i32
    %while3A_24 = arith.subi %add3A_22, %while3A_23 : i32
    %while3A_25 = arith.addi %while3A_23, %while3A_24 : i32
    %while3A_26 = arith.constant 1 : i32
    %while3A_27 = arith.divsi %while3A_24, %while3A_26 : i32
    %while3A_28 = arith.muli %while3A_27, %while3A_26 : i32
    %while3A_29 = arith.addi %while3A_23, %while3A_28 : i32
    %while3A_30 = arith.constant 1 : i32
    scf.for %while3A_93 = %while3A_23 to %while3A_29 step %while3A_30  : i32 {
      %mul3A_94 = arith.constant 16 : i32
      %mul3A_95 = arith.muli %while3A_93, %mul3A_94 : i32
      %add3A_96 = arith.addi %arg1, %mul3A_95 : i32
      %mul3A_97 = arith.constant 80 : i32
      %mul3A_98 = arith.muli %add3A_96, %mul3A_97 : i32
      "tpu.region"() ({
        %run_scoped3A_99 = tpu.sem_alloc : memref<!tpu.dma_semaphore, #tpu.memory_space<semaphore_mem>>
        %dma_start3A_100 = arith.constant 0 : i32
        %dma_start3A_101 = tpu.memref_slice %arg9[%mul3A_98, %dma_start3A_100] : memref<10000x128xf32, #tpu.memory_space<vmem_shared>> -> memref<80x128xf32, #tpu.memory_space<vmem_shared>>
        %dma_start3A_102 = arith.constant 0 : i32
        %dma_start3A_103 = tpu.memref_slice %arg9[%mul3A_98, %dma_start3A_102] : memref<10000x128xf32, #tpu.memory_space<vmem_shared>> -> memref<80x128xf32, #tpu.memory_space<vmem_shared>>
        tpu.enqueue_dma source(%arg8 : memref<80x128xf32, #tpu.memory_space<vmem>>) target(%dma_start3A_103 : memref<80x128xf32, #tpu.memory_space<vmem_shared>>) target_semaphore(%run_scoped3A_99 : memref<!tpu.dma_semaphore, #tpu.memory_space<semaphore_mem>>)
        %dma_wait3A_104 = arith.constant 0 : i32
        %dma_wait3A_105 = tpu.memref_slice %arg9[%mul3A_98, %dma_wait3A_104] : memref<10000x128xf32, #tpu.memory_space<vmem_shared>> -> memref<80x128xf32, #tpu.memory_space<vmem_shared>>
        %dma_wait3A_106 = arith.constant 0 : i32
        %dma_wait3A_107 = tpu.memref_slice %arg9[%mul3A_98, %dma_wait3A_106] : memref<10000x128xf32, #tpu.memory_space<vmem_shared>> -> memref<80x128xf32, #tpu.memory_space<vmem_shared>>
        tpu.wait_dma2 semaphore(%run_scoped3A_99 : memref<!tpu.dma_semaphore, #tpu.memory_space<semaphore_mem>>) src(%arg8 : memref<80x128xf32, #tpu.memory_space<vmem>>) dst(%dma_wait3A_107 : memref<80x128xf32, #tpu.memory_space<vmem_shared>>)
        tpu.yield
      }) : () -> ()
    }
    %while3A_31 = arith.constant 1 : i32
    scf.for %while3A_93 = %while3A_29 to %while3A_25 step %while3A_31  : i32 {
      %mul3A_94 = arith.constant 16 : i32
      %mul3A_95 = arith.muli %while3A_93, %mul3A_94 : i32
      %add3A_96 = arith.addi %arg1, %mul3A_95 : i32
      %mul3A_97 = arith.constant 80 : i32
      %mul3A_98 = arith.muli %add3A_96, %mul3A_97 : i32
      "tpu.region"() ({
        %run_scoped3A_99 = tpu.sem_alloc : memref<!tpu.dma_semaphore, #tpu.memory_space<semaphore_mem>>
        %dma_start3A_100 = arith.constant 0 : i32
        %dma_start3A_101 = tpu.memref_slice %arg9[%mul3A_98, %dma_start3A_100] : memref<10000x128xf32, #tpu.memory_space<vmem_shared>> -> memref<80x128xf32, #tpu.memory_space<vmem_shared>>
        %dma_start3A_102 = arith.constant 0 : i32
        %dma_start3A_103 = tpu.memref_slice %arg9[%mul3A_98, %dma_start3A_102] : memref<10000x128xf32, #tpu.memory_space<vmem_shared>> -> memref<80x128xf32, #tpu.memory_space<vmem_shared>>
        tpu.enqueue_dma source(%arg8 : memref<80x128xf32, #tpu.memory_space<vmem>>) target(%dma_start3A_103 : memref<80x128xf32, #tpu.memory_space<vmem_shared>>) target_semaphore(%run_scoped3A_99 : memref<!tpu.dma_semaphore, #tpu.memory_space<semaphore_mem>>)
        %dma_wait3A_104 = arith.constant 0 : i32
        %dma_wait3A_105 = tpu.memref_slice %arg9[%mul3A_98, %dma_wait3A_104] : memref<10000x128xf32, #tpu.memory_space<vmem_shared>> -> memref<80x128xf32, #tpu.memory_space<vmem_shared>>
        %dma_wait3A_106 = arith.constant 0 : i32
        %dma_wait3A_107 = tpu.memref_slice %arg9[%mul3A_98, %dma_wait3A_106] : memref<10000x128xf32, #tpu.memory_space<vmem_shared>> -> memref<80x128xf32, #tpu.memory_space<vmem_shared>>
        tpu.wait_dma2 semaphore(%run_scoped3A_99 : memref<!tpu.dma_semaphore, #tpu.memory_space<semaphore_mem>>) src(%arg8 : memref<80x128xf32, #tpu.memory_space<vmem>>) dst(%dma_wait3A_107 : memref<80x128xf32, #tpu.memory_space<vmem_shared>>)
        tpu.yield
      }) : () -> ()
    }
    %barrier3A = arith.constant 0 : index
    tpu.barrier barrier_id(%barrier3A)
    %add3A_32 = arith.constant 0 : i32
    %add3A_33 = arith.addi %mul3A_2, %add3A_32 : i32
    %dma_start3A = arith.constant 0 : i32
    %dma_start3A_34 = arith.constant 0 : i32
    %dma_start3A_35 = tpu.memref_slice %arg6[%dma_start3A, %dma_start3A_34] : memref<2x80xi32, #tpu.memory_space<vmem>> -> memref<1x80xi32, #tpu.memory_space<vmem>>
    %dma_start3A_36 = tpu.memref_squeeze %dma_start3A_35 : memref<1x80xi32, #tpu.memory_space<vmem>> -> memref<80xi32, #tpu.memory_space<vmem>>
    %dma_start3A_37 = tpu.memref_slice %arg3[%add3A_33] : memref<320000xi32, #tpu.memory_space<hbm>> -> memref<80xi32, #tpu.memory_space<hbm>>
    %dma_start3A_38 = arith.constant 0 : i32
    %dma_start3A_39 = tpu.memref_slice %arg6[%dma_start3A, %dma_start3A_38] : memref<2x80xi32, #tpu.memory_space<vmem>> -> memref<1x80xi32, #tpu.memory_space<vmem>>
    %dma_start3A_40 = tpu.memref_squeeze %dma_start3A_39 : memref<1x80xi32, #tpu.memory_space<vmem>> -> memref<80xi32, #tpu.memory_space<vmem>>
    %dma_start3A_41 = tpu.memref_slice %arg3[%add3A_33] : memref<320000xi32, #tpu.memory_space<hbm>> -> memref<80xi32, #tpu.memory_space<hbm>>
    tpu.enqueue_dma source(%dma_start3A_41 : memref<80xi32, #tpu.memory_space<hbm>>) target(%dma_start3A_40 : memref<80xi32, #tpu.memory_space<vmem>>) target_semaphore(%arg10 : memref<!tpu.dma_semaphore, #tpu.memory_space<semaphore_mem>>)
    %dma_start3A_42 = arith.constant 0 : i32
    %dma_start3A_43 = arith.constant 0 : i32
    %dma_start3A_44 = arith.constant 0 : i32
    %dma_start3A_45 = tpu.memref_slice %arg7[%dma_start3A_42, %dma_start3A_43, %dma_start3A_44] : memref<2x80x128xf32, #tpu.memory_space<vmem>> -> memref<1x80x128xf32, #tpu.memory_space<vmem>>
    %dma_start3A_46 = tpu.memref_squeeze %dma_start3A_45 : memref<1x80x128xf32, #tpu.memory_space<vmem>> -> memref<80x128xf32, #tpu.memory_space<vmem>>
    %dma_start3A_47 = arith.constant 0 : i32
    %dma_start3A_48 = tpu.memref_slice %arg2[%add3A_33, %dma_start3A_47] : memref<320000x128xf32, #tpu.memory_space<hbm>> -> memref<80x128xf32, #tpu.memory_space<hbm>>
    %dma_start3A_49 = arith.constant 0 : i32
    %dma_start3A_50 = arith.constant 0 : i32
    %dma_start3A_51 = tpu.memref_slice %arg7[%dma_start3A_42, %dma_start3A_49, %dma_start3A_50] : memref<2x80x128xf32, #tpu.memory_space<vmem>> -> memref<1x80x128xf32, #tpu.memory_space<vmem>>
    %dma_start3A_52 = tpu.memref_squeeze %dma_start3A_51 : memref<1x80x128xf32, #tpu.memory_space<vmem>> -> memref<80x128xf32, #tpu.memory_space<vmem>>
    %dma_start3A_53 = arith.constant 0 : i32
    %dma_start3A_54 = tpu.memref_slice %arg2[%add3A_33, %dma_start3A_53] : memref<320000x128xf32, #tpu.memory_space<hbm>> -> memref<80x128xf32, #tpu.memory_space<hbm>>
    tpu.enqueue_dma source(%dma_start3A_54 : memref<80x128xf32, #tpu.memory_space<hbm>>) target(%dma_start3A_52 : memref<80x128xf32, #tpu.memory_space<vmem>>) target_semaphore(%arg10 : memref<!tpu.dma_semaphore, #tpu.memory_space<semaphore_mem>>)
    %dma_wait3A = arith.constant 0 : i32
    %dma_wait3A_55 = arith.constant 0 : i32
    %dma_wait3A_56 = tpu.memref_slice %arg6[%dma_wait3A, %dma_wait3A_55] : memref<2x80xi32, #tpu.memory_space<vmem>> -> memref<1x80xi32, #tpu.memory_space<vmem>>
    %dma_wait3A_57 = tpu.memref_squeeze %dma_wait3A_56 : memref<1x80xi32, #tpu.memory_space<vmem>> -> memref<80xi32, #tpu.memory_space<vmem>>
    %dma_wait3A_58 = tpu.memref_slice %arg3[%add3A_33] : memref<320000xi32, #tpu.memory_space<hbm>> -> memref<80xi32, #tpu.memory_space<hbm>>
    %dma_wait3A_59 = arith.constant 0 : i32
    %dma_wait3A_60 = tpu.memref_slice %arg6[%dma_wait3A, %dma_wait3A_59] : memref<2x80xi32, #tpu.memory_space<vmem>> -> memref<1x80xi32, #tpu.memory_space<vmem>>
    %dma_wait3A_61 = tpu.memref_squeeze %dma_wait3A_60 : memref<1x80xi32, #tpu.memory_space<vmem>> -> memref<80xi32, #tpu.memory_space<vmem>>
    %dma_wait3A_62 = tpu.memref_slice %arg3[%add3A_33] : memref<320000xi32, #tpu.memory_space<hbm>> -> memref<80xi32, #tpu.memory_space<hbm>>
    tpu.wait_dma2 semaphore(%arg10 : memref<!tpu.dma_semaphore, #tpu.memory_space<semaphore_mem>>) src(%dma_wait3A_62 : memref<80xi32, #tpu.memory_space<hbm>>) dst(%dma_wait3A_61 : memref<80xi32, #tpu.memory_space<vmem>>)
    %dma_wait3A_63 = arith.constant 0 : i32
    %dma_wait3A_64 = arith.constant 0 : i32
    %dma_wait3A_65 = arith.constant 0 : i32
    %dma_wait3A_66 = tpu.memref_slice %arg7[%dma_wait3A_63, %dma_wait3A_64, %dma_wait3A_65] : memref<2x80x128xf32, #tpu.memory_space<vmem>> -> memref<1x80x128xf32, #tpu.memory_space<vmem>>
    %dma_wait3A_67 = tpu.memref_squeeze %dma_wait3A_66 : memref<1x80x128xf32, #tpu.memory_space<vmem>> -> memref<80x128xf32, #tpu.memory_space<vmem>>
    %dma_wait3A_68 = arith.constant 0 : i32
    %dma_wait3A_69 = tpu.memref_slice %arg2[%add3A_33, %dma_wait3A_68] : memref<320000x128xf32, #tpu.memory_space<hbm>> -> memref<80x128xf32, #tpu.memory_space<hbm>>
    %dma_wait3A_70 = arith.constant 0 : i32
    %dma_wait3A_71 = arith.constant 0 : i32
    %dma_wait3A_72 = tpu.memref_slice %arg7[%dma_wait3A_63, %dma_wait3A_70, %dma_wait3A_71] : memref<2x80x128xf32, #tpu.memory_space<vmem>> -> memref<1x80x128xf32, #tpu.memory_space<vmem>>
    %dma_wait3A_73 = tpu.memref_squeeze %dma_wait3A_72 : memref<1x80x128xf32, #tpu.memory_space<vmem>> -> memref<80x128xf32, #tpu.memory_space<vmem>>
    %dma_wait3A_74 = arith.constant 0 : i32
    %dma_wait3A_75 = tpu.memref_slice %arg2[%add3A_33, %dma_wait3A_74] : memref<320000x128xf32, #tpu.memory_space<hbm>> -> memref<80x128xf32, #tpu.memory_space<hbm>>
    tpu.wait_dma2 semaphore(%arg10 : memref<!tpu.dma_semaphore, #tpu.memory_space<semaphore_mem>>) src(%dma_wait3A_75 : memref<80x128xf32, #tpu.memory_space<hbm>>) dst(%dma_wait3A_73 : memref<80x128xf32, #tpu.memory_space<vmem>>)
    %scan3A = arith.constant 0 : i32
    %scan3A_76 = arith.constant 0 : i32
    %scan3A_77 = arith.constant 62 : i32
    %scan3A_78 = arith.addi %scan3A_76, %scan3A_77 : i32
    %scan3A_79 = arith.constant 1 : i32
    scf.for %scan3A_93 = %scan3A_76 to %scan3A_78 step %scan3A_79  : i32 {
      %mul3A_94 = arith.constant 2 : i32
      %mul3A_95 = arith.muli %mul3A_94, %scan3A_93 : i32
      %add3A_96 = arith.constant 1 : i32
      %add3A_97 = arith.addi %mul3A_95, %add3A_96 : i32
      %mul3A_98 = arith.constant 80 : i32
      %mul3A_99 = arith.muli %add3A_97, %mul3A_98 : i32
      %add3A_100 = arith.addi %mul3A_2, %mul3A_99 : i32
      %dma_start3A_101 = arith.constant 1 : i32
      %dma_start3A_102 = arith.constant 0 : i32
      %dma_start3A_103 = tpu.memref_slice %arg6[%dma_start3A_101, %dma_start3A_102] : memref<2x80xi32, #tpu.memory_space<vmem>> -> memref<1x80xi32, #tpu.memory_space<vmem>>
      %dma_start3A_104 = tpu.memref_squeeze %dma_start3A_103 : memref<1x80xi32, #tpu.memory_space<vmem>> -> memref<80xi32, #tpu.memory_space<vmem>>
      %dma_start3A_105 = tpu.memref_slice %arg3[%add3A_100] : memref<320000xi32, #tpu.memory_space<hbm>> -> memref<80xi32, #tpu.memory_space<hbm>>
      %dma_start3A_106 = arith.constant 0 : i32
      %dma_start3A_107 = tpu.memref_slice %arg6[%dma_start3A_101, %dma_start3A_106] : memref<2x80xi32, #tpu.memory_space<vmem>> -> memref<1x80xi32, #tpu.memory_space<vmem>>
      %dma_start3A_108 = tpu.memref_squeeze %dma_start3A_107 : memref<1x80xi32, #tpu.memory_space<vmem>> -> memref<80xi32, #tpu.memory_space<vmem>>
      %dma_start3A_109 = tpu.memref_slice %arg3[%add3A_100] : memref<320000xi32, #tpu.memory_space<hbm>> -> memref<80xi32, #tpu.memory_space<hbm>>
      tpu.enqueue_dma source(%dma_start3A_109 : memref<80xi32, #tpu.memory_space<hbm>>) target(%dma_start3A_108 : memref<80xi32, #tpu.memory_space<vmem>>) target_semaphore(%arg10 : memref<!tpu.dma_semaphore, #tpu.memory_space<semaphore_mem>>)
      %dma_start3A_110 = arith.constant 1 : i32
      %dma_start3A_111 = arith.constant 0 : i32
      %dma_start3A_112 = arith.constant 0 : i32
      %dma_start3A_113 = tpu.memref_slice %arg7[%dma_start3A_110, %dma_start3A_111, %dma_start3A_112] : memref<2x80x128xf32, #tpu.memory_space<vmem>> -> memref<1x80x128xf32, #tpu.memory_space<vmem>>
      %dma_start3A_114 = tpu.memref_squeeze %dma_start3A_113 : memref<1x80x128xf32, #tpu.memory_space<vmem>> -> memref<80x128xf32, #tpu.memory_space<vmem>>
      %dma_start3A_115 = arith.constant 0 : i32
      %dma_start3A_116 = tpu.memref_slice %arg2[%add3A_100, %dma_start3A_115] : memref<320000x128xf32, #tpu.memory_space<hbm>> -> memref<80x128xf32, #tpu.memory_space<hbm>>
      %dma_start3A_117 = arith.constant 0 : i32
      %dma_start3A_118 = arith.constant 0 : i32
      %dma_start3A_119 = tpu.memref_slice %arg7[%dma_start3A_110, %dma_start3A_117, %dma_start3A_118] : memref<2x80x128xf32, #tpu.memory_space<vmem>> -> memref<1x80x128xf32, #tpu.memory_space<vmem>>
      %dma_start3A_120 = tpu.memref_squeeze %dma_start3A_119 : memref<1x80x128xf32, #tpu.memory_space<vmem>> -> memref<80x128xf32, #tpu.memory_space<vmem>>
      %dma_start3A_121 = arith.constant 0 : i32
      %dma_start3A_122 = tpu.memref_slice %arg2[%add3A_100, %dma_start3A_121] : memref<320000x128xf32, #tpu.memory_space<hbm>> -> memref<80x128xf32, #tpu.memory_space<hbm>>
      tpu.enqueue_dma source(%dma_start3A_122 : memref<80x128xf32, #tpu.memory_space<hbm>>) target(%dma_start3A_120 : memref<80x128xf32, #tpu.memory_space<vmem>>) target_semaphore(%arg10 : memref<!tpu.dma_semaphore, #tpu.memory_space<semaphore_mem>>)
      %run_scoped3A_123 = arith.constant 0 : i32
      %run_scoped3A_124 = arith.constant 0 : i32
      "tpu.region"() ({
        %run_scoped3A_200 = tpu.sem_alloc : memref<!tpu.dma_semaphore, #tpu.memory_space<semaphore_mem>>
        %dma_start3A_201 = arith.constant 0 : i32
        %dma_start3A_202 = arith.constant 0 : i32
        %dma_start3A_203 = tpu.memref_slice %arg7[%run_scoped3A_123, %dma_start3A_201, %dma_start3A_202] : memref<2x80x128xf32, #tpu.memory_space<vmem>> -> memref<1x80x128xf32, #tpu.memory_space<vmem>>
        %dma_start3A_204 = tpu.memref_squeeze %dma_start3A_203 : memref<1x80x128xf32, #tpu.memory_space<vmem>> -> memref<80x128xf32, #tpu.memory_space<vmem>>
        %dma_start3A_205 = arith.constant 0 : i32
        %dma_start3A_206 = tpu.memref_slice %arg6[%run_scoped3A_124, %dma_start3A_205] : memref<2x80xi32, #tpu.memory_space<vmem>> -> memref<1x80xi32, #tpu.memory_space<vmem>>
        %dma_start3A_207 = tpu.memref_squeeze %dma_start3A_206 : memref<1x80xi32, #tpu.memory_space<vmem>> -> memref<80xi32, #tpu.memory_space<vmem>>
        %dma_start3A_208 = arith.constant 0 : i32
        %dma_start3A_209 = arith.constant 0 : i32
        %dma_start3A_210 = tpu.memref_slice %arg9[%dma_start3A_208, %dma_start3A_209] : memref<10000x128xf32, #tpu.memory_space<vmem_shared>> -> memref<10000x128xf32, #tpu.memory_space<vmem_shared>>
        tpu.enqueue_indirect_dma source(%dma_start3A_204 : memref<80x128xf32, #tpu.memory_space<vmem>>) target(%dma_start3A_210 : memref<10000x128xf32, #tpu.memory_space<vmem_shared>>) offsets(%dma_start3A_207 : memref<80xi32, #tpu.memory_space<vmem>>) semaphore(%run_scoped3A_200 : memref<!tpu.dma_semaphore, #tpu.memory_space<semaphore_mem>>) {add = true}
        %dma_wait3A_211 = arith.constant 0 : i32
        %dma_wait3A_212 = arith.constant 0 : i32
        %dma_wait3A_213 = tpu.memref_slice %arg7[%run_scoped3A_123, %dma_wait3A_211, %dma_wait3A_212] : memref<2x80x128xf32, #tpu.memory_space<vmem>> -> memref<1x80x128xf32, #tpu.memory_space<vmem>>
        %dma_wait3A_214 = tpu.memref_squeeze %dma_wait3A_213 : memref<1x80x128xf32, #tpu.memory_space<vmem>> -> memref<80x128xf32, #tpu.memory_space<vmem>>
        %dma_wait3A_215 = arith.constant 0 : i32
        %dma_wait3A_216 = tpu.memref_slice %arg6[%run_scoped3A_124, %dma_wait3A_215] : memref<2x80xi32, #tpu.memory_space<vmem>> -> memref<1x80xi32, #tpu.memory_space<vmem>>
        %dma_wait3A_217 = tpu.memref_squeeze %dma_wait3A_216 : memref<1x80xi32, #tpu.memory_space<vmem>> -> memref<80xi32, #tpu.memory_space<vmem>>
        %dma_wait3A_218 = arith.constant 0 : i32
        %dma_wait3A_219 = arith.constant 0 : i32
        %dma_wait3A_220 = tpu.memref_slice %arg9[%dma_wait3A_218, %dma_wait3A_219] : memref<10000x128xf32, #tpu.memory_space<vmem_shared>> -> memref<10000x128xf32, #tpu.memory_space<vmem_shared>>
        tpu.wait_indirect_dma semaphore(%run_scoped3A_200 : memref<!tpu.dma_semaphore, #tpu.memory_space<semaphore_mem>>) src(%dma_wait3A_214 : memref<80x128xf32, #tpu.memory_space<vmem>>) dst(%dma_wait3A_220 : memref<10000x128xf32, #tpu.memory_space<vmem_shared>>)
        tpu.yield
      }) : () -> ()
      %dma_wait3A_125 = arith.constant 1 : i32
      %dma_wait3A_126 = arith.constant 0 : i32
      %dma_wait3A_127 = tpu.memref_slice %arg6[%dma_wait3A_125, %dma_wait3A_126] : memref<2x80xi32, #tpu.memory_space<vmem>> -> memref<1x80xi32, #tpu.memory_space<vmem>>
      %dma_wait3A_128 = tpu.memref_squeeze %dma_wait3A_127 : memref<1x80xi32, #tpu.memory_space<vmem>> -> memref<80xi32, #tpu.memory_space<vmem>>
      %dma_wait3A_129 = tpu.memref_slice %arg3[%add3A_100] : memref<320000xi32, #tpu.memory_space<hbm>> -> memref<80xi32, #tpu.memory_space<hbm>>
      %dma_wait3A_130 = arith.constant 0 : i32
      %dma_wait3A_131 = tpu.memref_slice %arg6[%dma_wait3A_125, %dma_wait3A_130] : memref<2x80xi32, #tpu.memory_space<vmem>> -> memref<1x80xi32, #tpu.memory_space<vmem>>
      %dma_wait3A_132 = tpu.memref_squeeze %dma_wait3A_131 : memref<1x80xi32, #tpu.memory_space<vmem>> -> memref<80xi32, #tpu.memory_space<vmem>>
      %dma_wait3A_133 = tpu.memref_slice %arg3[%add3A_100] : memref<320000xi32, #tpu.memory_space<hbm>> -> memref<80xi32, #tpu.memory_space<hbm>>
      tpu.wait_dma2 semaphore(%arg10 : memref<!tpu.dma_semaphore, #tpu.memory_space<semaphore_mem>>) src(%dma_wait3A_133 : memref<80xi32, #tpu.memory_space<hbm>>) dst(%dma_wait3A_132 : memref<80xi32, #tpu.memory_space<vmem>>)
      %dma_wait3A_134 = arith.constant 1 : i32
      %dma_wait3A_135 = arith.constant 0 : i32
      %dma_wait3A_136 = arith.constant 0 : i32
      %dma_wait3A_137 = tpu.memref_slice %arg7[%dma_wait3A_134, %dma_wait3A_135, %dma_wait3A_136] : memref<2x80x128xf32, #tpu.memory_space<vmem>> -> memref<1x80x128xf32, #tpu.memory_space<vmem>>
      %dma_wait3A_138 = tpu.memref_squeeze %dma_wait3A_137 : memref<1x80x128xf32, #tpu.memory_space<vmem>> -> memref<80x128xf32, #tpu.memory_space<vmem>>
      %dma_wait3A_139 = arith.constant 0 : i32
      %dma_wait3A_140 = tpu.memref_slice %arg2[%add3A_100, %dma_wait3A_139] : memref<320000x128xf32, #tpu.memory_space<hbm>> -> memref<80x128xf32, #tpu.memory_space<hbm>>
      %dma_wait3A_141 = arith.constant 0 : i32
      %dma_wait3A_142 = arith.constant 0 : i32
      %dma_wait3A_143 = tpu.memref_slice %arg7[%dma_wait3A_134, %dma_wait3A_141, %dma_wait3A_142] : memref<2x80x128xf32, #tpu.memory_space<vmem>> -> memref<1x80x128xf32, #tpu.memory_space<vmem>>
      %dma_wait3A_144 = tpu.memref_squeeze %dma_wait3A_143 : memref<1x80x128xf32, #tpu.memory_space<vmem>> -> memref<80x128xf32, #tpu.memory_space<vmem>>
      %dma_wait3A_145 = arith.constant 0 : i32
      %dma_wait3A_146 = tpu.memref_slice %arg2[%add3A_100, %dma_wait3A_145] : memref<320000x128xf32, #tpu.memory_space<hbm>> -> memref<80x128xf32, #tpu.memory_space<hbm>>
      tpu.wait_dma2 semaphore(%arg10 : memref<!tpu.dma_semaphore, #tpu.memory_space<semaphore_mem>>) src(%dma_wait3A_146 : memref<80x128xf32, #tpu.memory_space<hbm>>) dst(%dma_wait3A_144 : memref<80x128xf32, #tpu.memory_space<vmem>>)
      %mul3A_147 = arith.constant 2 : i32
      %mul3A_148 = arith.muli %mul3A_147, %scan3A_93 : i32
      %add3A_149 = arith.constant 2 : i32
      %add3A_150 = arith.addi %mul3A_148, %add3A_149 : i32
      %mul3A_151 = arith.constant 80 : i32
      %mul3A_152 = arith.muli %add3A_150, %mul3A_151 : i32
      %add3A_153 = arith.addi %mul3A_2, %mul3A_152 : i32
      %dma_start3A_154 = arith.constant 0 : i32
      %dma_start3A_155 = arith.constant 0 : i32
      %dma_start3A_156 = tpu.memref_slice %arg6[%dma_start3A_154, %dma_start3A_155] : memref<2x80xi32, #tpu.memory_space<vmem>> -> memref<1x80xi32, #tpu.memory_space<vmem>>
      %dma_start3A_157 = tpu.memref_squeeze %dma_start3A_156 : memref<1x80xi32, #tpu.memory_space<vmem>> -> memref<80xi32, #tpu.memory_space<vmem>>
      %dma_start3A_158 = tpu.memref_slice %arg3[%add3A_153] : memref<320000xi32, #tpu.memory_space<hbm>> -> memref<80xi32, #tpu.memory_space<hbm>>
      %dma_start3A_159 = arith.constant 0 : i32
      %dma_start3A_160 = tpu.memref_slice %arg6[%dma_start3A_154, %dma_start3A_159] : memref<2x80xi32, #tpu.memory_space<vmem>> -> memref<1x80xi32, #tpu.memory_space<vmem>>
      %dma_start3A_161 = tpu.memref_squeeze %dma_start3A_160 : memref<1x80xi32, #tpu.memory_space<vmem>> -> memref<80xi32, #tpu.memory_space<vmem>>
      %dma_start3A_162 = tpu.memref_slice %arg3[%add3A_153] : memref<320000xi32, #tpu.memory_space<hbm>> -> memref<80xi32, #tpu.memory_space<hbm>>
      tpu.enqueue_dma source(%dma_start3A_162 : memref<80xi32, #tpu.memory_space<hbm>>) target(%dma_start3A_161 : memref<80xi32, #tpu.memory_space<vmem>>) target_semaphore(%arg10 : memref<!tpu.dma_semaphore, #tpu.memory_space<semaphore_mem>>)
      %dma_start3A_163 = arith.constant 0 : i32
      %dma_start3A_164 = arith.constant 0 : i32
      %dma_start3A_165 = arith.constant 0 : i32
      %dma_start3A_166 = tpu.memref_slice %arg7[%dma_start3A_163, %dma_start3A_164, %dma_start3A_165] : memref<2x80x128xf32, #tpu.memory_space<vmem>> -> memref<1x80x128xf32, #tpu.memory_space<vmem>>
      %dma_start3A_167 = tpu.memref_squeeze %dma_start3A_166 : memref<1x80x128xf32, #tpu.memory_space<vmem>> -> memref<80x128xf32, #tpu.memory_space<vmem>>
      %dma_start3A_168 = arith.constant 0 : i32
      %dma_start3A_169 = tpu.memref_slice %arg2[%add3A_153, %dma_start3A_168] : memref<320000x128xf32, #tpu.memory_space<hbm>> -> memref<80x128xf32, #tpu.memory_space<hbm>>
      %dma_start3A_170 = arith.constant 0 : i32
      %dma_start3A_171 = arith.constant 0 : i32
      %dma_start3A_172 = tpu.memref_slice %arg7[%dma_start3A_163, %dma_start3A_170, %dma_start3A_171] : memref<2x80x128xf32, #tpu.memory_space<vmem>> -> memref<1x80x128xf32, #tpu.memory_space<vmem>>
      %dma_start3A_173 = tpu.memref_squeeze %dma_start3A_172 : memref<1x80x128xf32, #tpu.memory_space<vmem>> -> memref<80x128xf32, #tpu.memory_space<vmem>>
      %dma_start3A_174 = arith.constant 0 : i32
      %dma_start3A_175 = tpu.memref_slice %arg2[%add3A_153, %dma_start3A_174] : memref<320000x128xf32, #tpu.memory_space<hbm>> -> memref<80x128xf32, #tpu.memory_space<hbm>>
      tpu.enqueue_dma source(%dma_start3A_175 : memref<80x128xf32, #tpu.memory_space<hbm>>) target(%dma_start3A_173 : memref<80x128xf32, #tpu.memory_space<vmem>>) target_semaphore(%arg10 : memref<!tpu.dma_semaphore, #tpu.memory_space<semaphore_mem>>)
      %run_scoped3A_176 = arith.constant 1 : i32
      %run_scoped3A_177 = arith.constant 1 : i32
      "tpu.region"() ({
        %run_scoped3A_200 = tpu.sem_alloc : memref<!tpu.dma_semaphore, #tpu.memory_space<semaphore_mem>>
        %dma_start3A_201 = arith.constant 0 : i32
        %dma_start3A_202 = arith.constant 0 : i32
        %dma_start3A_203 = tpu.memref_slice %arg7[%run_scoped3A_176, %dma_start3A_201, %dma_start3A_202] : memref<2x80x128xf32, #tpu.memory_space<vmem>> -> memref<1x80x128xf32, #tpu.memory_space<vmem>>
        %dma_start3A_204 = tpu.memref_squeeze %dma_start3A_203 : memref<1x80x128xf32, #tpu.memory_space<vmem>> -> memref<80x128xf32, #tpu.memory_space<vmem>>
        %dma_start3A_205 = arith.constant 0 : i32
        %dma_start3A_206 = tpu.memref_slice %arg6[%run_scoped3A_177, %dma_start3A_205] : memref<2x80xi32, #tpu.memory_space<vmem>> -> memref<1x80xi32, #tpu.memory_space<vmem>>
        %dma_start3A_207 = tpu.memref_squeeze %dma_start3A_206 : memref<1x80xi32, #tpu.memory_space<vmem>> -> memref<80xi32, #tpu.memory_space<vmem>>
        %dma_start3A_208 = arith.constant 0 : i32
        %dma_start3A_209 = arith.constant 0 : i32
        %dma_start3A_210 = tpu.memref_slice %arg9[%dma_start3A_208, %dma_start3A_209] : memref<10000x128xf32, #tpu.memory_space<vmem_shared>> -> memref<10000x128xf32, #tpu.memory_space<vmem_shared>>
        tpu.enqueue_indirect_dma source(%dma_start3A_204 : memref<80x128xf32, #tpu.memory_space<vmem>>) target(%dma_start3A_210 : memref<10000x128xf32, #tpu.memory_space<vmem_shared>>) offsets(%dma_start3A_207 : memref<80xi32, #tpu.memory_space<vmem>>) semaphore(%run_scoped3A_200 : memref<!tpu.dma_semaphore, #tpu.memory_space<semaphore_mem>>) {add = true}
        %dma_wait3A_211 = arith.constant 0 : i32
        %dma_wait3A_212 = arith.constant 0 : i32
        %dma_wait3A_213 = tpu.memref_slice %arg7[%run_scoped3A_176, %dma_wait3A_211, %dma_wait3A_212] : memref<2x80x128xf32, #tpu.memory_space<vmem>> -> memref<1x80x128xf32, #tpu.memory_space<vmem>>
        %dma_wait3A_214 = tpu.memref_squeeze %dma_wait3A_213 : memref<1x80x128xf32, #tpu.memory_space<vmem>> -> memref<80x128xf32, #tpu.memory_space<vmem>>
        %dma_wait3A_215 = arith.constant 0 : i32
        %dma_wait3A_216 = tpu.memref_slice %arg6[%run_scoped3A_177, %dma_wait3A_215] : memref<2x80xi32, #tpu.memory_space<vmem>> -> memref<1x80xi32, #tpu.memory_space<vmem>>
        %dma_wait3A_217 = tpu.memref_squeeze %dma_wait3A_216 : memref<1x80xi32, #tpu.memory_space<vmem>> -> memref<80xi32, #tpu.memory_space<vmem>>
        %dma_wait3A_218 = arith.constant 0 : i32
        %dma_wait3A_219 = arith.constant 0 : i32
        %dma_wait3A_220 = tpu.memref_slice %arg9[%dma_wait3A_218, %dma_wait3A_219] : memref<10000x128xf32, #tpu.memory_space<vmem_shared>> -> memref<10000x128xf32, #tpu.memory_space<vmem_shared>>
        tpu.wait_indirect_dma semaphore(%run_scoped3A_200 : memref<!tpu.dma_semaphore, #tpu.memory_space<semaphore_mem>>) src(%dma_wait3A_214 : memref<80x128xf32, #tpu.memory_space<vmem>>) dst(%dma_wait3A_220 : memref<10000x128xf32, #tpu.memory_space<vmem_shared>>)
        tpu.yield
      }) : () -> ()
      %dma_wait3A_178 = arith.constant 0 : i32
      %dma_wait3A_179 = arith.constant 0 : i32
      %dma_wait3A_180 = tpu.memref_slice %arg6[%dma_wait3A_178, %dma_wait3A_179] : memref<2x80xi32, #tpu.memory_space<vmem>> -> memref<1x80xi32, #tpu.memory_space<vmem>>
      %dma_wait3A_181 = tpu.memref_squeeze %dma_wait3A_180 : memref<1x80xi32, #tpu.memory_space<vmem>> -> memref<80xi32, #tpu.memory_space<vmem>>
      %dma_wait3A_182 = tpu.memref_slice %arg3[%add3A_153] : memref<320000xi32, #tpu.memory_space<hbm>> -> memref<80xi32, #tpu.memory_space<hbm>>
      %dma_wait3A_183 = arith.constant 0 : i32
      %dma_wait3A_184 = tpu.memref_slice %arg6[%dma_wait3A_178, %dma_wait3A_183] : memref<2x80xi32, #tpu.memory_space<vmem>> -> memref<1x80xi32, #tpu.memory_space<vmem>>
      %dma_wait3A_185 = tpu.memref_squeeze %dma_wait3A_184 : memref<1x80xi32, #tpu.memory_space<vmem>> -> memref<80xi32, #tpu.memory_space<vmem>>
      %dma_wait3A_186 = tpu.memref_slice %arg3[%add3A_153] : memref<320000xi32, #tpu.memory_space<hbm>> -> memref<80xi32, #tpu.memory_space<hbm>>
      tpu.wait_dma2 semaphore(%arg10 : memref<!tpu.dma_semaphore, #tpu.memory_space<semaphore_mem>>) src(%dma_wait3A_186 : memref<80xi32, #tpu.memory_space<hbm>>) dst(%dma_wait3A_185 : memref<80xi32, #tpu.memory_space<vmem>>)
      %dma_wait3A_187 = arith.constant 0 : i32
      %dma_wait3A_188 = arith.constant 0 : i32
      %dma_wait3A_189 = arith.constant 0 : i32
      %dma_wait3A_190 = tpu.memref_slice %arg7[%dma_wait3A_187, %dma_wait3A_188, %dma_wait3A_189] : memref<2x80x128xf32, #tpu.memory_space<vmem>> -> memref<1x80x128xf32, #tpu.memory_space<vmem>>
      %dma_wait3A_191 = tpu.memref_squeeze %dma_wait3A_190 : memref<1x80x128xf32, #tpu.memory_space<vmem>> -> memref<80x128xf32, #tpu.memory_space<vmem>>
      %dma_wait3A_192 = arith.constant 0 : i32
      %dma_wait3A_193 = tpu.memref_slice %arg2[%add3A_153, %dma_wait3A_192] : memref<320000x128xf32, #tpu.memory_space<hbm>> -> memref<80x128xf32, #tpu.memory_space<hbm>>
      %dma_wait3A_194 = arith.constant 0 : i32
      %dma_wait3A_195 = arith.constant 0 : i32
      %dma_wait3A_196 = tpu.memref_slice %arg7[%dma_wait3A_187, %dma_wait3A_194, %dma_wait3A_195] : memref<2x80x128xf32, #tpu.memory_space<vmem>> -> memref<1x80x128xf32, #tpu.memory_space<vmem>>
      %dma_wait3A_197 = tpu.memref_squeeze %dma_wait3A_196 : memref<1x80x128xf32, #tpu.memory_space<vmem>> -> memref<80x128xf32, #tpu.memory_space<vmem>>
      %dma_wait3A_198 = arith.constant 0 : i32
      %dma_wait3A_199 = tpu.memref_slice %arg2[%add3A_153, %dma_wait3A_198] : memref<320000x128xf32, #tpu.memory_space<hbm>> -> memref<80x128xf32, #tpu.memory_space<hbm>>
      tpu.wait_dma2 semaphore(%arg10 : memref<!tpu.dma_semaphore, #tpu.memory_space<semaphore_mem>>) src(%dma_wait3A_199 : memref<80x128xf32, #tpu.memory_space<hbm>>) dst(%dma_wait3A_197 : memref<80x128xf32, #tpu.memory_space<vmem>>)
    }
    %scan3A_80 = arith.constant 62 : i32
    %run_scoped3A = arith.constant 0 : i32
    %run_scoped3A_81 = arith.constant 0 : i32
    "tpu.region"() ({
      %run_scoped3A_93 = tpu.sem_alloc : memref<!tpu.dma_semaphore, #tpu.memory_space<semaphore_mem>>
      %dma_start3A_94 = arith.constant 0 : i32
      %dma_start3A_95 = arith.constant 0 : i32
      %dma_start3A_96 = tpu.memref_slice %arg7[%run_scoped3A, %dma_start3A_94, %dma_start3A_95] : memref<2x80x128xf32, #tpu.memory_space<vmem>> -> memref<1x80x128xf32, #tpu.memory_space<vmem>>
      %dma_start3A_97 = tpu.memref_squeeze %dma_start3A_96 : memref<1x80x128xf32, #tpu.memory_space<vmem>> -> memref<80x128xf32, #tpu.memory_space<vmem>>
      %dma_start3A_98 = arith.constant 0 : i32
      %dma_start3A_99 = tpu.memref_slice %arg6[%run_scoped3A_81, %dma_start3A_98] : memref<2x80xi32, #tpu.memory_space<vmem>> -> memref<1x80xi32, #tpu.memory_space<vmem>>
      %dma_start3A_100 = tpu.memref_squeeze %dma_start3A_99 : memref<1x80xi32, #tpu.memory_space<vmem>> -> memref<80xi32, #tpu.memory_space<vmem>>
      %dma_start3A_101 = arith.constant 0 : i32
      %dma_start3A_102 = arith.constant 0 : i32
      %dma_start3A_103 = tpu.memref_slice %arg9[%dma_start3A_101, %dma_start3A_102] : memref<10000x128xf32, #tpu.memory_space<vmem_shared>> -> memref<10000x128xf32, #tpu.memory_space<vmem_shared>>
      tpu.enqueue_indirect_dma source(%dma_start3A_97 : memref<80x128xf32, #tpu.memory_space<vmem>>) target(%dma_start3A_103 : memref<10000x128xf32, #tpu.memory_space<vmem_shared>>) offsets(%dma_start3A_100 : memref<80xi32, #tpu.memory_space<vmem>>) semaphore(%run_scoped3A_93 : memref<!tpu.dma_semaphore, #tpu.memory_space<semaphore_mem>>) {add = true}
      %dma_wait3A_104 = arith.constant 0 : i32
      %dma_wait3A_105 = arith.constant 0 : i32
      %dma_wait3A_106 = tpu.memref_slice %arg7[%run_scoped3A, %dma_wait3A_104, %dma_wait3A_105] : memref<2x80x128xf32, #tpu.memory_space<vmem>> -> memref<1x80x128xf32, #tpu.memory_space<vmem>>
      %dma_wait3A_107 = tpu.memref_squeeze %dma_wait3A_106 : memref<1x80x128xf32, #tpu.memory_space<vmem>> -> memref<80x128xf32, #tpu.memory_space<vmem>>
      %dma_wait3A_108 = arith.constant 0 : i32
      %dma_wait3A_109 = tpu.memref_slice %arg6[%run_scoped3A_81, %dma_wait3A_108] : memref<2x80xi32, #tpu.memory_space<vmem>> -> memref<1x80xi32, #tpu.memory_space<vmem>>
      %dma_wait3A_110 = tpu.memref_squeeze %dma_wait3A_109 : memref<1x80xi32, #tpu.memory_space<vmem>> -> memref<80xi32, #tpu.memory_space<vmem>>
      %dma_wait3A_111 = arith.constant 0 : i32
      %dma_wait3A_112 = arith.constant 0 : i32
      %dma_wait3A_113 = tpu.memref_slice %arg9[%dma_wait3A_111, %dma_wait3A_112] : memref<10000x128xf32, #tpu.memory_space<vmem_shared>> -> memref<10000x128xf32, #tpu.memory_space<vmem_shared>>
      tpu.wait_indirect_dma semaphore(%run_scoped3A_93 : memref<!tpu.dma_semaphore, #tpu.memory_space<semaphore_mem>>) src(%dma_wait3A_107 : memref<80x128xf32, #tpu.memory_space<vmem>>) dst(%dma_wait3A_113 : memref<10000x128xf32, #tpu.memory_space<vmem_shared>>)
      tpu.yield
    }) : () -> ()
    %barrier3A_82 = arith.constant 0 : index
    tpu.barrier barrier_id(%barrier3A_82)
    %while3A_83 = arith.constant 0 : i32
    %while3A_84 = arith.constant 0 : i32
    %while3A_85 = arith.subi %add3A_22, %while3A_84 : i32
    %while3A_86 = arith.addi %while3A_84, %while3A_85 : i32
    %while3A_87 = arith.constant 1 : i32
    %while3A_88 = arith.divsi %while3A_85, %while3A_87 : i32
    %while3A_89 = arith.muli %while3A_88, %while3A_87 : i32
    %while3A_90 = arith.addi %while3A_84, %while3A_89 : i32
    %while3A_91 = arith.constant 1 : i32
    scf.for %while3A_93 = %while3A_84 to %while3A_90 step %while3A_91  : i32 {
      %mul3A_94 = arith.constant 16 : i32
      %mul3A_95 = arith.muli %while3A_93, %mul3A_94 : i32
      %add3A_96 = arith.addi %arg1, %mul3A_95 : i32
      %mul3A_97 = arith.constant 80 : i32
      %mul3A_98 = arith.muli %add3A_96, %mul3A_97 : i32
      "tpu.region"() ({
        %run_scoped3A_99 = tpu.sem_alloc : memref<!tpu.dma_semaphore, #tpu.memory_space<semaphore_mem>>
        %dma_start3A_100 = arith.constant 0 : i32
        %dma_start3A_101 = tpu.memref_slice %arg9[%mul3A_98, %dma_start3A_100] : memref<10000x128xf32, #tpu.memory_space<vmem_shared>> -> memref<80x128xf32, #tpu.memory_space<vmem_shared>>
        %dma_start3A_102 = arith.constant 0 : i32
        %dma_start3A_103 = tpu.memref_slice %arg9[%mul3A_98, %dma_start3A_102] : memref<10000x128xf32, #tpu.memory_space<vmem_shared>> -> memref<80x128xf32, #tpu.memory_space<vmem_shared>>
        tpu.enqueue_dma source(%dma_start3A_103 : memref<80x128xf32, #tpu.memory_space<vmem_shared>>) target(%arg8 : memref<80x128xf32, #tpu.memory_space<vmem>>) target_semaphore(%run_scoped3A_99 : memref<!tpu.dma_semaphore, #tpu.memory_space<semaphore_mem>>)
        %dma_wait3A_104 = arith.constant 0 : i32
        %dma_wait3A_105 = tpu.memref_slice %arg9[%mul3A_98, %dma_wait3A_104] : memref<10000x128xf32, #tpu.memory_space<vmem_shared>> -> memref<80x128xf32, #tpu.memory_space<vmem_shared>>
        %dma_wait3A_106 = arith.constant 0 : i32
        %dma_wait3A_107 = tpu.memref_slice %arg9[%mul3A_98, %dma_wait3A_106] : memref<10000x128xf32, #tpu.memory_space<vmem_shared>> -> memref<80x128xf32, #tpu.memory_space<vmem_shared>>
        tpu.wait_dma2 semaphore(%run_scoped3A_99 : memref<!tpu.dma_semaphore, #tpu.memory_space<semaphore_mem>>) src(%dma_wait3A_107 : memref<80x128xf32, #tpu.memory_space<vmem_shared>>) dst(%arg8 : memref<80x128xf32, #tpu.memory_space<vmem>>)
        tpu.yield
      }) : () -> ()
      "tpu.region"() ({
        %run_scoped3A_99 = tpu.sem_alloc : memref<!tpu.dma_semaphore, #tpu.memory_space<semaphore_mem>>
        %dma_start3A_100 = arith.constant 0 : i32
        %dma_start3A_101 = tpu.memref_slice %arg5[%arg0, %mul3A_98, %dma_start3A_100] : memref<2x10000x128xf32, #tpu.memory_space<hbm>> -> memref<1x80x128xf32, #tpu.memory_space<hbm>>
        %dma_start3A_102 = tpu.memref_squeeze %dma_start3A_101 : memref<1x80x128xf32, #tpu.memory_space<hbm>> -> memref<80x128xf32, #tpu.memory_space<hbm>>
        %dma_start3A_103 = arith.constant 0 : i32
        %dma_start3A_104 = tpu.memref_slice %arg5[%arg0, %mul3A_98, %dma_start3A_103] : memref<2x10000x128xf32, #tpu.memory_space<hbm>> -> memref<1x80x128xf32, #tpu.memory_space<hbm>>
        %dma_start3A_105 = tpu.memref_squeeze %dma_start3A_104 : memref<1x80x128xf32, #tpu.memory_space<hbm>> -> memref<80x128xf32, #tpu.memory_space<hbm>>
        tpu.enqueue_dma source(%arg8 : memref<80x128xf32, #tpu.memory_space<vmem>>) target(%dma_start3A_105 : memref<80x128xf32, #tpu.memory_space<hbm>>) target_semaphore(%run_scoped3A_99 : memref<!tpu.dma_semaphore, #tpu.memory_space<semaphore_mem>>)
        %dma_wait3A_106 = arith.constant 0 : i32
        %dma_wait3A_107 = tpu.memref_slice %arg5[%arg0, %mul3A_98, %dma_wait3A_106] : memref<2x10000x128xf32, #tpu.memory_space<hbm>> -> memref<1x80x128xf32, #tpu.memory_space<hbm>>
        %dma_wait3A_108 = tpu.memref_squeeze %dma_wait3A_107 : memref<1x80x128xf32, #tpu.memory_space<hbm>> -> memref<80x128xf32, #tpu.memory_space<hbm>>
        %dma_wait3A_109 = arith.constant 0 : i32
        %dma_wait3A_110 = tpu.memref_slice %arg5[%arg0, %mul3A_98, %dma_wait3A_109] : memref<2x10000x128xf32, #tpu.memory_space<hbm>> -> memref<1x80x128xf32, #tpu.memory_space<hbm>>
        %dma_wait3A_111 = tpu.memref_squeeze %dma_wait3A_110 : memref<1x80x128xf32, #tpu.memory_space<hbm>> -> memref<80x128xf32, #tpu.memory_space<hbm>>
        tpu.wait_dma2 semaphore(%run_scoped3A_99 : memref<!tpu.dma_semaphore, #tpu.memory_space<semaphore_mem>>) src(%arg8 : memref<80x128xf32, #tpu.memory_space<vmem>>) dst(%dma_wait3A_111 : memref<80x128xf32, #tpu.memory_space<hbm>>)
        tpu.yield
      }) : () -> ()
    }
    %while3A_92 = arith.constant 1 : i32
    scf.for %while3A_93 = %while3A_90 to %while3A_86 step %while3A_92  : i32 {
      %mul3A_94 = arith.constant 16 : i32
      %mul3A_95 = arith.muli %while3A_93, %mul3A_94 : i32
      %add3A_96 = arith.addi %arg1, %mul3A_95 : i32
      %mul3A_97 = arith.constant 80 : i32
      %mul3A_98 = arith.muli %add3A_96, %mul3A_97 : i32
      "tpu.region"() ({
        %run_scoped3A_99 = tpu.sem_alloc : memref<!tpu.dma_semaphore, #tpu.memory_space<semaphore_mem>>
        %dma_start3A_100 = arith.constant 0 : i32
        %dma_start3A_101 = tpu.memref_slice %arg9[%mul3A_98, %dma_start3A_100] : memref<10000x128xf32, #tpu.memory_space<vmem_shared>> -> memref<80x128xf32, #tpu.memory_space<vmem_shared>>
        %dma_start3A_102 = arith.constant 0 : i32
        %dma_start3A_103 = tpu.memref_slice %arg9[%mul3A_98, %dma_start3A_102] : memref<10000x128xf32, #tpu.memory_space<vmem_shared>> -> memref<80x128xf32, #tpu.memory_space<vmem_shared>>
        tpu.enqueue_dma source(%dma_start3A_103 : memref<80x128xf32, #tpu.memory_space<vmem_shared>>) target(%arg8 : memref<80x128xf32, #tpu.memory_space<vmem>>) target_semaphore(%run_scoped3A_99 : memref<!tpu.dma_semaphore, #tpu.memory_space<semaphore_mem>>)
        %dma_wait3A_104 = arith.constant 0 : i32
        %dma_wait3A_105 = tpu.memref_slice %arg9[%mul3A_98, %dma_wait3A_104] : memref<10000x128xf32, #tpu.memory_space<vmem_shared>> -> memref<80x128xf32, #tpu.memory_space<vmem_shared>>
        %dma_wait3A_106 = arith.constant 0 : i32
        %dma_wait3A_107 = tpu.memref_slice %arg9[%mul3A_98, %dma_wait3A_106] : memref<10000x128xf32, #tpu.memory_space<vmem_shared>> -> memref<80x128xf32, #tpu.memory_space<vmem_shared>>
        tpu.wait_dma2 semaphore(%run_scoped3A_99 : memref<!tpu.dma_semaphore, #tpu.memory_space<semaphore_mem>>) src(%dma_wait3A_107 : memref<80x128xf32, #tpu.memory_space<vmem_shared>>) dst(%arg8 : memref<80x128xf32, #tpu.memory_space<vmem>>)
        tpu.yield
      }) : () -> ()
      "tpu.region"() ({
        %run_scoped3A_99 = tpu.sem_alloc : memref<!tpu.dma_semaphore, #tpu.memory_space<semaphore_mem>>
        %dma_start3A_100 = arith.constant 0 : i32
        %dma_start3A_101 = tpu.memref_slice %arg5[%arg0, %mul3A_98, %dma_start3A_100] : memref<2x10000x128xf32, #tpu.memory_space<hbm>> -> memref<1x80x128xf32, #tpu.memory_space<hbm>>
        %dma_start3A_102 = tpu.memref_squeeze %dma_start3A_101 : memref<1x80x128xf32, #tpu.memory_space<hbm>> -> memref<80x128xf32, #tpu.memory_space<hbm>>
        %dma_start3A_103 = arith.constant 0 : i32
        %dma_start3A_104 = tpu.memref_slice %arg5[%arg0, %mul3A_98, %dma_start3A_103] : memref<2x10000x128xf32, #tpu.memory_space<hbm>> -> memref<1x80x128xf32, #tpu.memory_space<hbm>>
        %dma_start3A_105 = tpu.memref_squeeze %dma_start3A_104 : memref<1x80x128xf32, #tpu.memory_space<hbm>> -> memref<80x128xf32, #tpu.memory_space<hbm>>
        tpu.enqueue_dma source(%arg8 : memref<80x128xf32, #tpu.memory_space<vmem>>) target(%dma_start3A_105 : memref<80x128xf32, #tpu.memory_space<hbm>>) target_semaphore(%run_scoped3A_99 : memref<!tpu.dma_semaphore, #tpu.memory_space<semaphore_mem>>)
        %dma_wait3A_106 = arith.constant 0 : i32
        %dma_wait3A_107 = tpu.memref_slice %arg5[%arg0, %mul3A_98, %dma_wait3A_106] : memref<2x10000x128xf32, #tpu.memory_space<hbm>> -> memref<1x80x128xf32, #tpu.memory_space<hbm>>
        %dma_wait3A_108 = tpu.memref_squeeze %dma_wait3A_107 : memref<1x80x128xf32, #tpu.memory_space<hbm>> -> memref<80x128xf32, #tpu.memory_space<hbm>>
        %dma_wait3A_109 = arith.constant 0 : i32
        %dma_wait3A_110 = tpu.memref_slice %arg5[%arg0, %mul3A_98, %dma_wait3A_109] : memref<2x10000x128xf32, #tpu.memory_space<hbm>> -> memref<1x80x128xf32, #tpu.memory_space<hbm>>
        %dma_wait3A_111 = tpu.memref_squeeze %dma_wait3A_110 : memref<1x80x128xf32, #tpu.memory_space<hbm>> -> memref<80x128xf32, #tpu.memory_space<hbm>>
        tpu.wait_dma2 semaphore(%run_scoped3A_99 : memref<!tpu.dma_semaphore, #tpu.memory_space<semaphore_mem>>) src(%arg8 : memref<80x128xf32, #tpu.memory_space<vmem>>) dst(%dma_wait3A_111 : memref<80x128xf32, #tpu.memory_space<hbm>>)
        tpu.yield
      }) : () -> ()
    }
    return
  }
}

#map = affine_map<(d0, d1) -> (0, 0)>
#map1 = affine_map<(d0, d1) -> (0)>
module attributes {stable_mosaic.version = 14 : i64} {
  func.func @k(%arg0: i32, %arg1: i32, %arg2: memref<10000x128xf32, #tpu.memory_space<hbm>>, %arg3: memref<10000x128xf32, #tpu.memory_space<hbm>>, %arg4: memref<320000xi32, #tpu.memory_space<hbm>>, %arg5: memref<320000xi32, #tpu.memory_space<hbm>>, %arg6: memref<320000x128xf32, #tpu.memory_space<hbm>>, %arg7: memref<320000x128xf32, #tpu.memory_space<hbm>>, %arg8: memref<2x80xi32, #tpu.memory_space<vmem>>, %arg9: memref<2x80xi32, #tpu.memory_space<vmem>>, %arg10: memref<2x80x128xf32, #tpu.memory_space<vmem>>, %arg11: memref<2x80x128xf32, #tpu.memory_space<vmem>>, %arg12: memref<!tpu.dma_semaphore, #tpu.memory_space<semaphore_mem>>, %arg13: memref<!tpu.dma_semaphore, #tpu.memory_space<semaphore_mem>>, %arg14: memref<!tpu.dma_semaphore, #tpu.memory_space<semaphore_mem>>) attributes {dimension_semantics = [#tpu.dimension_semantics<core_parallel>, #tpu.dimension_semantics<subcore_parallel>], iteration_bounds = array<i64: 2, 16>, scalar_prefetch = 0 : i64, scratch_operands = 7 : i64, tpu.core_type = #tpu.core_type<sc_vector_subcore>, window_params = [{transform_indices = #map}, {transform_indices = #map}, {transform_indices = #map1}, {transform_indices = #map1}, {transform_indices = #map}, {transform_indices = #map}]} {
    %mul3A = arith.constant 16 : i32
    %mul3A_0 = arith.muli %arg0, %mul3A : i32
    %add3A = arith.addi %mul3A_0, %arg1 : i32
    %mul3A_1 = arith.constant 10000 : i32
    %mul3A_2 = arith.muli %add3A, %mul3A_1 : i32
    %scan3A = arith.constant 0 : i32
    %scan3A_3 = arith.constant 0 : i32
    %scan3A_4 = arith.constant 62 : i32
    %scan3A_5 = arith.addi %scan3A_3, %scan3A_4 : i32
    %scan3A_6 = arith.constant 1 : i32
    scf.for %scan3A_109 = %scan3A_3 to %scan3A_5 step %scan3A_6  : i32 {
      %mul3A_110 = arith.constant 2 : i32
      %mul3A_111 = arith.muli %mul3A_110, %scan3A_109 : i32
      %mul3A_112 = arith.constant 80 : i32
      %mul3A_113 = arith.muli %mul3A_111, %mul3A_112 : i32
      %add3A_114 = arith.addi %mul3A_2, %mul3A_113 : i32
      %add3A_115 = arith.constant 80 : i32
      %add3A_116 = arith.addi %add3A_114, %add3A_115 : i32
      %run_scoped3A_117 = arith.constant 0 : i32
      "tpu.region"() ({
        %run_scoped3A_321 = tpu.sem_alloc : memref<!tpu.dma_semaphore, #tpu.memory_space<semaphore_mem>>
        %dma_start3A_322 = arith.constant 0 : i32
        %dma_start3A_323 = tpu.memref_slice %arg8[%run_scoped3A_117, %dma_start3A_322] : memref<2x80xi32, #tpu.memory_space<vmem>> -> memref<1x80xi32, #tpu.memory_space<vmem>>
        %dma_start3A_324 = tpu.memref_squeeze %dma_start3A_323 : memref<1x80xi32, #tpu.memory_space<vmem>> -> memref<80xi32, #tpu.memory_space<vmem>>
        %dma_start3A_325 = tpu.memref_slice %arg4[%add3A_114] : memref<320000xi32, #tpu.memory_space<hbm>> -> memref<80xi32, #tpu.memory_space<hbm>>
        %dma_start3A_326 = arith.constant 0 : i32
        %dma_start3A_327 = tpu.memref_slice %arg8[%run_scoped3A_117, %dma_start3A_326] : memref<2x80xi32, #tpu.memory_space<vmem>> -> memref<1x80xi32, #tpu.memory_space<vmem>>
        %dma_start3A_328 = tpu.memref_squeeze %dma_start3A_327 : memref<1x80xi32, #tpu.memory_space<vmem>> -> memref<80xi32, #tpu.memory_space<vmem>>
        %dma_start3A_329 = tpu.memref_slice %arg4[%add3A_114] : memref<320000xi32, #tpu.memory_space<hbm>> -> memref<80xi32, #tpu.memory_space<hbm>>
        tpu.enqueue_dma source(%dma_start3A_329 : memref<80xi32, #tpu.memory_space<hbm>>) target(%dma_start3A_328 : memref<80xi32, #tpu.memory_space<vmem>>) target_semaphore(%run_scoped3A_321 : memref<!tpu.dma_semaphore, #tpu.memory_space<semaphore_mem>>)
        %dma_wait3A_330 = arith.constant 0 : i32
        %dma_wait3A_331 = tpu.memref_slice %arg8[%run_scoped3A_117, %dma_wait3A_330] : memref<2x80xi32, #tpu.memory_space<vmem>> -> memref<1x80xi32, #tpu.memory_space<vmem>>
        %dma_wait3A_332 = tpu.memref_squeeze %dma_wait3A_331 : memref<1x80xi32, #tpu.memory_space<vmem>> -> memref<80xi32, #tpu.memory_space<vmem>>
        %dma_wait3A_333 = tpu.memref_slice %arg4[%add3A_114] : memref<320000xi32, #tpu.memory_space<hbm>> -> memref<80xi32, #tpu.memory_space<hbm>>
        %dma_wait3A_334 = arith.constant 0 : i32
        %dma_wait3A_335 = tpu.memref_slice %arg8[%run_scoped3A_117, %dma_wait3A_334] : memref<2x80xi32, #tpu.memory_space<vmem>> -> memref<1x80xi32, #tpu.memory_space<vmem>>
        %dma_wait3A_336 = tpu.memref_squeeze %dma_wait3A_335 : memref<1x80xi32, #tpu.memory_space<vmem>> -> memref<80xi32, #tpu.memory_space<vmem>>
        %dma_wait3A_337 = tpu.memref_slice %arg4[%add3A_114] : memref<320000xi32, #tpu.memory_space<hbm>> -> memref<80xi32, #tpu.memory_space<hbm>>
        tpu.wait_dma2 semaphore(%run_scoped3A_321 : memref<!tpu.dma_semaphore, #tpu.memory_space<semaphore_mem>>) src(%dma_wait3A_337 : memref<80xi32, #tpu.memory_space<hbm>>) dst(%dma_wait3A_336 : memref<80xi32, #tpu.memory_space<vmem>>)
        tpu.yield
      }) : () -> ()
      %run_scoped3A_118 = arith.constant 0 : i32
      "tpu.region"() ({
        %run_scoped3A_321 = tpu.sem_alloc : memref<!tpu.dma_semaphore, #tpu.memory_space<semaphore_mem>>
        %dma_start3A_322 = arith.constant 0 : i32
        %dma_start3A_323 = tpu.memref_slice %arg9[%run_scoped3A_118, %dma_start3A_322] : memref<2x80xi32, #tpu.memory_space<vmem>> -> memref<1x80xi32, #tpu.memory_space<vmem>>
        %dma_start3A_324 = tpu.memref_squeeze %dma_start3A_323 : memref<1x80xi32, #tpu.memory_space<vmem>> -> memref<80xi32, #tpu.memory_space<vmem>>
        %dma_start3A_325 = tpu.memref_slice %arg5[%add3A_114] : memref<320000xi32, #tpu.memory_space<hbm>> -> memref<80xi32, #tpu.memory_space<hbm>>
        %dma_start3A_326 = arith.constant 0 : i32
        %dma_start3A_327 = tpu.memref_slice %arg9[%run_scoped3A_118, %dma_start3A_326] : memref<2x80xi32, #tpu.memory_space<vmem>> -> memref<1x80xi32, #tpu.memory_space<vmem>>
        %dma_start3A_328 = tpu.memref_squeeze %dma_start3A_327 : memref<1x80xi32, #tpu.memory_space<vmem>> -> memref<80xi32, #tpu.memory_space<vmem>>
        %dma_start3A_329 = tpu.memref_slice %arg5[%add3A_114] : memref<320000xi32, #tpu.memory_space<hbm>> -> memref<80xi32, #tpu.memory_space<hbm>>
        tpu.enqueue_dma source(%dma_start3A_329 : memref<80xi32, #tpu.memory_space<hbm>>) target(%dma_start3A_328 : memref<80xi32, #tpu.memory_space<vmem>>) target_semaphore(%run_scoped3A_321 : memref<!tpu.dma_semaphore, #tpu.memory_space<semaphore_mem>>)
        %dma_wait3A_330 = arith.constant 0 : i32
        %dma_wait3A_331 = tpu.memref_slice %arg9[%run_scoped3A_118, %dma_wait3A_330] : memref<2x80xi32, #tpu.memory_space<vmem>> -> memref<1x80xi32, #tpu.memory_space<vmem>>
        %dma_wait3A_332 = tpu.memref_squeeze %dma_wait3A_331 : memref<1x80xi32, #tpu.memory_space<vmem>> -> memref<80xi32, #tpu.memory_space<vmem>>
        %dma_wait3A_333 = tpu.memref_slice %arg5[%add3A_114] : memref<320000xi32, #tpu.memory_space<hbm>> -> memref<80xi32, #tpu.memory_space<hbm>>
        %dma_wait3A_334 = arith.constant 0 : i32
        %dma_wait3A_335 = tpu.memref_slice %arg9[%run_scoped3A_118, %dma_wait3A_334] : memref<2x80xi32, #tpu.memory_space<vmem>> -> memref<1x80xi32, #tpu.memory_space<vmem>>
        %dma_wait3A_336 = tpu.memref_squeeze %dma_wait3A_335 : memref<1x80xi32, #tpu.memory_space<vmem>> -> memref<80xi32, #tpu.memory_space<vmem>>
        %dma_wait3A_337 = tpu.memref_slice %arg5[%add3A_114] : memref<320000xi32, #tpu.memory_space<hbm>> -> memref<80xi32, #tpu.memory_space<hbm>>
        tpu.wait_dma2 semaphore(%run_scoped3A_321 : memref<!tpu.dma_semaphore, #tpu.memory_space<semaphore_mem>>) src(%dma_wait3A_337 : memref<80xi32, #tpu.memory_space<hbm>>) dst(%dma_wait3A_336 : memref<80xi32, #tpu.memory_space<vmem>>)
        tpu.yield
      }) : () -> ()
      %dma_start3A_119 = arith.constant 0 : i32
      %dma_start3A_120 = arith.constant 0 : i32
      %dma_start3A_121 = arith.constant 0 : i32
      %dma_start3A_122 = arith.constant 0 : i32
      %dma_start3A_123 = tpu.memref_slice %arg10[%dma_start3A_120, %dma_start3A_121, %dma_start3A_122] : memref<2x80x128xf32, #tpu.memory_space<vmem>> -> memref<1x80x128xf32, #tpu.memory_space<vmem>>
      %dma_start3A_124 = tpu.memref_squeeze %dma_start3A_123 : memref<1x80x128xf32, #tpu.memory_space<vmem>> -> memref<80x128xf32, #tpu.memory_space<vmem>>
      %dma_start3A_125 = arith.constant 0 : i32
      %dma_start3A_126 = tpu.memref_slice %arg8[%dma_start3A_119, %dma_start3A_125] : memref<2x80xi32, #tpu.memory_space<vmem>> -> memref<1x80xi32, #tpu.memory_space<vmem>>
      %dma_start3A_127 = tpu.memref_squeeze %dma_start3A_126 : memref<1x80xi32, #tpu.memory_space<vmem>> -> memref<80xi32, #tpu.memory_space<vmem>>
      %dma_start3A_128 = arith.constant 0 : i32
      %dma_start3A_129 = arith.constant 0 : i32
      %dma_start3A_130 = tpu.memref_slice %arg2[%dma_start3A_128, %dma_start3A_129] : memref<10000x128xf32, #tpu.memory_space<hbm>> -> memref<10000x128xf32, #tpu.memory_space<hbm>>
      tpu.enqueue_indirect_dma source(%dma_start3A_130 : memref<10000x128xf32, #tpu.memory_space<hbm>>) target(%dma_start3A_124 : memref<80x128xf32, #tpu.memory_space<vmem>>) offsets(%dma_start3A_127 : memref<80xi32, #tpu.memory_space<vmem>>) semaphore(%arg12 : memref<!tpu.dma_semaphore, #tpu.memory_space<semaphore_mem>>)
      %dma_start3A_131 = arith.constant 0 : i32
      %dma_start3A_132 = arith.constant 0 : i32
      %dma_start3A_133 = arith.constant 0 : i32
      %dma_start3A_134 = arith.constant 0 : i32
      %dma_start3A_135 = tpu.memref_slice %arg11[%dma_start3A_132, %dma_start3A_133, %dma_start3A_134] : memref<2x80x128xf32, #tpu.memory_space<vmem>> -> memref<1x80x128xf32, #tpu.memory_space<vmem>>
      %dma_start3A_136 = tpu.memref_squeeze %dma_start3A_135 : memref<1x80x128xf32, #tpu.memory_space<vmem>> -> memref<80x128xf32, #tpu.memory_space<vmem>>
      %dma_start3A_137 = arith.constant 0 : i32
      %dma_start3A_138 = tpu.memref_slice %arg9[%dma_start3A_131, %dma_start3A_137] : memref<2x80xi32, #tpu.memory_space<vmem>> -> memref<1x80xi32, #tpu.memory_space<vmem>>
      %dma_start3A_139 = tpu.memref_squeeze %dma_start3A_138 : memref<1x80xi32, #tpu.memory_space<vmem>> -> memref<80xi32, #tpu.memory_space<vmem>>
      %dma_start3A_140 = arith.constant 0 : i32
      %dma_start3A_141 = arith.constant 0 : i32
      %dma_start3A_142 = tpu.memref_slice %arg3[%dma_start3A_140, %dma_start3A_141] : memref<10000x128xf32, #tpu.memory_space<hbm>> -> memref<10000x128xf32, #tpu.memory_space<hbm>>
      tpu.enqueue_indirect_dma source(%dma_start3A_142 : memref<10000x128xf32, #tpu.memory_space<hbm>>) target(%dma_start3A_136 : memref<80x128xf32, #tpu.memory_space<vmem>>) offsets(%dma_start3A_139 : memref<80xi32, #tpu.memory_space<vmem>>) semaphore(%arg13 : memref<!tpu.dma_semaphore, #tpu.memory_space<semaphore_mem>>)
      %run_scoped3A_143 = arith.constant 1 : i32
      "tpu.region"() ({
        %run_scoped3A_321 = tpu.sem_alloc : memref<!tpu.dma_semaphore, #tpu.memory_space<semaphore_mem>>
        %dma_start3A_322 = arith.constant 0 : i32
        %dma_start3A_323 = tpu.memref_slice %arg8[%run_scoped3A_143, %dma_start3A_322] : memref<2x80xi32, #tpu.memory_space<vmem>> -> memref<1x80xi32, #tpu.memory_space<vmem>>
        %dma_start3A_324 = tpu.memref_squeeze %dma_start3A_323 : memref<1x80xi32, #tpu.memory_space<vmem>> -> memref<80xi32, #tpu.memory_space<vmem>>
        %dma_start3A_325 = tpu.memref_slice %arg4[%add3A_116] : memref<320000xi32, #tpu.memory_space<hbm>> -> memref<80xi32, #tpu.memory_space<hbm>>
        %dma_start3A_326 = arith.constant 0 : i32
        %dma_start3A_327 = tpu.memref_slice %arg8[%run_scoped3A_143, %dma_start3A_326] : memref<2x80xi32, #tpu.memory_space<vmem>> -> memref<1x80xi32, #tpu.memory_space<vmem>>
        %dma_start3A_328 = tpu.memref_squeeze %dma_start3A_327 : memref<1x80xi32, #tpu.memory_space<vmem>> -> memref<80xi32, #tpu.memory_space<vmem>>
        %dma_start3A_329 = tpu.memref_slice %arg4[%add3A_116] : memref<320000xi32, #tpu.memory_space<hbm>> -> memref<80xi32, #tpu.memory_space<hbm>>
        tpu.enqueue_dma source(%dma_start3A_329 : memref<80xi32, #tpu.memory_space<hbm>>) target(%dma_start3A_328 : memref<80xi32, #tpu.memory_space<vmem>>) target_semaphore(%run_scoped3A_321 : memref<!tpu.dma_semaphore, #tpu.memory_space<semaphore_mem>>)
        %dma_wait3A_330 = arith.constant 0 : i32
        %dma_wait3A_331 = tpu.memref_slice %arg8[%run_scoped3A_143, %dma_wait3A_330] : memref<2x80xi32, #tpu.memory_space<vmem>> -> memref<1x80xi32, #tpu.memory_space<vmem>>
        %dma_wait3A_332 = tpu.memref_squeeze %dma_wait3A_331 : memref<1x80xi32, #tpu.memory_space<vmem>> -> memref<80xi32, #tpu.memory_space<vmem>>
        %dma_wait3A_333 = tpu.memref_slice %arg4[%add3A_116] : memref<320000xi32, #tpu.memory_space<hbm>> -> memref<80xi32, #tpu.memory_space<hbm>>
        %dma_wait3A_334 = arith.constant 0 : i32
        %dma_wait3A_335 = tpu.memref_slice %arg8[%run_scoped3A_143, %dma_wait3A_334] : memref<2x80xi32, #tpu.memory_space<vmem>> -> memref<1x80xi32, #tpu.memory_space<vmem>>
        %dma_wait3A_336 = tpu.memref_squeeze %dma_wait3A_335 : memref<1x80xi32, #tpu.memory_space<vmem>> -> memref<80xi32, #tpu.memory_space<vmem>>
        %dma_wait3A_337 = tpu.memref_slice %arg4[%add3A_116] : memref<320000xi32, #tpu.memory_space<hbm>> -> memref<80xi32, #tpu.memory_space<hbm>>
        tpu.wait_dma2 semaphore(%run_scoped3A_321 : memref<!tpu.dma_semaphore, #tpu.memory_space<semaphore_mem>>) src(%dma_wait3A_337 : memref<80xi32, #tpu.memory_space<hbm>>) dst(%dma_wait3A_336 : memref<80xi32, #tpu.memory_space<vmem>>)
        tpu.yield
      }) : () -> ()
      %run_scoped3A_144 = arith.constant 1 : i32
      "tpu.region"() ({
        %run_scoped3A_321 = tpu.sem_alloc : memref<!tpu.dma_semaphore, #tpu.memory_space<semaphore_mem>>
        %dma_start3A_322 = arith.constant 0 : i32
        %dma_start3A_323 = tpu.memref_slice %arg9[%run_scoped3A_144, %dma_start3A_322] : memref<2x80xi32, #tpu.memory_space<vmem>> -> memref<1x80xi32, #tpu.memory_space<vmem>>
        %dma_start3A_324 = tpu.memref_squeeze %dma_start3A_323 : memref<1x80xi32, #tpu.memory_space<vmem>> -> memref<80xi32, #tpu.memory_space<vmem>>
        %dma_start3A_325 = tpu.memref_slice %arg5[%add3A_116] : memref<320000xi32, #tpu.memory_space<hbm>> -> memref<80xi32, #tpu.memory_space<hbm>>
        %dma_start3A_326 = arith.constant 0 : i32
        %dma_start3A_327 = tpu.memref_slice %arg9[%run_scoped3A_144, %dma_start3A_326] : memref<2x80xi32, #tpu.memory_space<vmem>> -> memref<1x80xi32, #tpu.memory_space<vmem>>
        %dma_start3A_328 = tpu.memref_squeeze %dma_start3A_327 : memref<1x80xi32, #tpu.memory_space<vmem>> -> memref<80xi32, #tpu.memory_space<vmem>>
        %dma_start3A_329 = tpu.memref_slice %arg5[%add3A_116] : memref<320000xi32, #tpu.memory_space<hbm>> -> memref<80xi32, #tpu.memory_space<hbm>>
        tpu.enqueue_dma source(%dma_start3A_329 : memref<80xi32, #tpu.memory_space<hbm>>) target(%dma_start3A_328 : memref<80xi32, #tpu.memory_space<vmem>>) target_semaphore(%run_scoped3A_321 : memref<!tpu.dma_semaphore, #tpu.memory_space<semaphore_mem>>)
        %dma_wait3A_330 = arith.constant 0 : i32
        %dma_wait3A_331 = tpu.memref_slice %arg9[%run_scoped3A_144, %dma_wait3A_330] : memref<2x80xi32, #tpu.memory_space<vmem>> -> memref<1x80xi32, #tpu.memory_space<vmem>>
        %dma_wait3A_332 = tpu.memref_squeeze %dma_wait3A_331 : memref<1x80xi32, #tpu.memory_space<vmem>> -> memref<80xi32, #tpu.memory_space<vmem>>
        %dma_wait3A_333 = tpu.memref_slice %arg5[%add3A_116] : memref<320000xi32, #tpu.memory_space<hbm>> -> memref<80xi32, #tpu.memory_space<hbm>>
        %dma_wait3A_334 = arith.constant 0 : i32
        %dma_wait3A_335 = tpu.memref_slice %arg9[%run_scoped3A_144, %dma_wait3A_334] : memref<2x80xi32, #tpu.memory_space<vmem>> -> memref<1x80xi32, #tpu.memory_space<vmem>>
        %dma_wait3A_336 = tpu.memref_squeeze %dma_wait3A_335 : memref<1x80xi32, #tpu.memory_space<vmem>> -> memref<80xi32, #tpu.memory_space<vmem>>
        %dma_wait3A_337 = tpu.memref_slice %arg5[%add3A_116] : memref<320000xi32, #tpu.memory_space<hbm>> -> memref<80xi32, #tpu.memory_space<hbm>>
        tpu.wait_dma2 semaphore(%run_scoped3A_321 : memref<!tpu.dma_semaphore, #tpu.memory_space<semaphore_mem>>) src(%dma_wait3A_337 : memref<80xi32, #tpu.memory_space<hbm>>) dst(%dma_wait3A_336 : memref<80xi32, #tpu.memory_space<vmem>>)
        tpu.yield
      }) : () -> ()
      %dma_start3A_145 = arith.constant 1 : i32
      %dma_start3A_146 = arith.constant 1 : i32
      %dma_start3A_147 = arith.constant 0 : i32
      %dma_start3A_148 = arith.constant 0 : i32
      %dma_start3A_149 = tpu.memref_slice %arg10[%dma_start3A_146, %dma_start3A_147, %dma_start3A_148] : memref<2x80x128xf32, #tpu.memory_space<vmem>> -> memref<1x80x128xf32, #tpu.memory_space<vmem>>
      %dma_start3A_150 = tpu.memref_squeeze %dma_start3A_149 : memref<1x80x128xf32, #tpu.memory_space<vmem>> -> memref<80x128xf32, #tpu.memory_space<vmem>>
      %dma_start3A_151 = arith.constant 0 : i32
      %dma_start3A_152 = tpu.memref_slice %arg8[%dma_start3A_145, %dma_start3A_151] : memref<2x80xi32, #tpu.memory_space<vmem>> -> memref<1x80xi32, #tpu.memory_space<vmem>>
      %dma_start3A_153 = tpu.memref_squeeze %dma_start3A_152 : memref<1x80xi32, #tpu.memory_space<vmem>> -> memref<80xi32, #tpu.memory_space<vmem>>
      %dma_start3A_154 = arith.constant 0 : i32
      %dma_start3A_155 = arith.constant 0 : i32
      %dma_start3A_156 = tpu.memref_slice %arg2[%dma_start3A_154, %dma_start3A_155] : memref<10000x128xf32, #tpu.memory_space<hbm>> -> memref<10000x128xf32, #tpu.memory_space<hbm>>
      tpu.enqueue_indirect_dma source(%dma_start3A_156 : memref<10000x128xf32, #tpu.memory_space<hbm>>) target(%dma_start3A_150 : memref<80x128xf32, #tpu.memory_space<vmem>>) offsets(%dma_start3A_153 : memref<80xi32, #tpu.memory_space<vmem>>) semaphore(%arg12 : memref<!tpu.dma_semaphore, #tpu.memory_space<semaphore_mem>>)
      %dma_start3A_157 = arith.constant 1 : i32
      %dma_start3A_158 = arith.constant 1 : i32
      %dma_start3A_159 = arith.constant 0 : i32
      %dma_start3A_160 = arith.constant 0 : i32
      %dma_start3A_161 = tpu.memref_slice %arg11[%dma_start3A_158, %dma_start3A_159, %dma_start3A_160] : memref<2x80x128xf32, #tpu.memory_space<vmem>> -> memref<1x80x128xf32, #tpu.memory_space<vmem>>
      %dma_start3A_162 = tpu.memref_squeeze %dma_start3A_161 : memref<1x80x128xf32, #tpu.memory_space<vmem>> -> memref<80x128xf32, #tpu.memory_space<vmem>>
      %dma_start3A_163 = arith.constant 0 : i32
      %dma_start3A_164 = tpu.memref_slice %arg9[%dma_start3A_157, %dma_start3A_163] : memref<2x80xi32, #tpu.memory_space<vmem>> -> memref<1x80xi32, #tpu.memory_space<vmem>>
      %dma_start3A_165 = tpu.memref_squeeze %dma_start3A_164 : memref<1x80xi32, #tpu.memory_space<vmem>> -> memref<80xi32, #tpu.memory_space<vmem>>
      %dma_start3A_166 = arith.constant 0 : i32
      %dma_start3A_167 = arith.constant 0 : i32
      %dma_start3A_168 = tpu.memref_slice %arg3[%dma_start3A_166, %dma_start3A_167] : memref<10000x128xf32, #tpu.memory_space<hbm>> -> memref<10000x128xf32, #tpu.memory_space<hbm>>
      tpu.enqueue_indirect_dma source(%dma_start3A_168 : memref<10000x128xf32, #tpu.memory_space<hbm>>) target(%dma_start3A_162 : memref<80x128xf32, #tpu.memory_space<vmem>>) offsets(%dma_start3A_165 : memref<80xi32, #tpu.memory_space<vmem>>) semaphore(%arg13 : memref<!tpu.dma_semaphore, #tpu.memory_space<semaphore_mem>>)
      %dma_wait3A_169 = arith.constant 0 : i32
      %dma_wait3A_170 = arith.constant 0 : i32
      %dma_wait3A_171 = arith.constant 0 : i32
      %dma_wait3A_172 = arith.constant 0 : i32
      %dma_wait3A_173 = tpu.memref_slice %arg10[%dma_wait3A_170, %dma_wait3A_171, %dma_wait3A_172] : memref<2x80x128xf32, #tpu.memory_space<vmem>> -> memref<1x80x128xf32, #tpu.memory_space<vmem>>
      %dma_wait3A_174 = tpu.memref_squeeze %dma_wait3A_173 : memref<1x80x128xf32, #tpu.memory_space<vmem>> -> memref<80x128xf32, #tpu.memory_space<vmem>>
      %dma_wait3A_175 = arith.constant 0 : i32
      %dma_wait3A_176 = tpu.memref_slice %arg8[%dma_wait3A_169, %dma_wait3A_175] : memref<2x80xi32, #tpu.memory_space<vmem>> -> memref<1x80xi32, #tpu.memory_space<vmem>>
      %dma_wait3A_177 = tpu.memref_squeeze %dma_wait3A_176 : memref<1x80xi32, #tpu.memory_space<vmem>> -> memref<80xi32, #tpu.memory_space<vmem>>
      %dma_wait3A_178 = arith.constant 0 : i32
      %dma_wait3A_179 = arith.constant 0 : i32
      %dma_wait3A_180 = tpu.memref_slice %arg2[%dma_wait3A_178, %dma_wait3A_179] : memref<10000x128xf32, #tpu.memory_space<hbm>> -> memref<10000x128xf32, #tpu.memory_space<hbm>>
      tpu.wait_indirect_dma semaphore(%arg12 : memref<!tpu.dma_semaphore, #tpu.memory_space<semaphore_mem>>) src(%dma_wait3A_180 : memref<10000x128xf32, #tpu.memory_space<hbm>>) dst(%dma_wait3A_174 : memref<80x128xf32, #tpu.memory_space<vmem>>)
      %dma_wait3A_181 = arith.constant 0 : i32
      %dma_wait3A_182 = arith.constant 0 : i32
      %dma_wait3A_183 = arith.constant 0 : i32
      %dma_wait3A_184 = arith.constant 0 : i32
      %dma_wait3A_185 = tpu.memref_slice %arg11[%dma_wait3A_182, %dma_wait3A_183, %dma_wait3A_184] : memref<2x80x128xf32, #tpu.memory_space<vmem>> -> memref<1x80x128xf32, #tpu.memory_space<vmem>>
      %dma_wait3A_186 = tpu.memref_squeeze %dma_wait3A_185 : memref<1x80x128xf32, #tpu.memory_space<vmem>> -> memref<80x128xf32, #tpu.memory_space<vmem>>
      %dma_wait3A_187 = arith.constant 0 : i32
      %dma_wait3A_188 = tpu.memref_slice %arg9[%dma_wait3A_181, %dma_wait3A_187] : memref<2x80xi32, #tpu.memory_space<vmem>> -> memref<1x80xi32, #tpu.memory_space<vmem>>
      %dma_wait3A_189 = tpu.memref_squeeze %dma_wait3A_188 : memref<1x80xi32, #tpu.memory_space<vmem>> -> memref<80xi32, #tpu.memory_space<vmem>>
      %dma_wait3A_190 = arith.constant 0 : i32
      %dma_wait3A_191 = arith.constant 0 : i32
      %dma_wait3A_192 = tpu.memref_slice %arg3[%dma_wait3A_190, %dma_wait3A_191] : memref<10000x128xf32, #tpu.memory_space<hbm>> -> memref<10000x128xf32, #tpu.memory_space<hbm>>
      tpu.wait_indirect_dma semaphore(%arg13 : memref<!tpu.dma_semaphore, #tpu.memory_space<semaphore_mem>>) src(%dma_wait3A_192 : memref<10000x128xf32, #tpu.memory_space<hbm>>) dst(%dma_wait3A_186 : memref<80x128xf32, #tpu.memory_space<vmem>>)
      %dma_start3A_193 = arith.constant 0 : i32
      %dma_start3A_194 = arith.constant 0 : i32
      %dma_start3A_195 = arith.constant 0 : i32
      %dma_start3A_196 = tpu.memref_slice %arg10[%dma_start3A_193, %dma_start3A_194, %dma_start3A_195] : memref<2x80x128xf32, #tpu.memory_space<vmem>> -> memref<1x80x128xf32, #tpu.memory_space<vmem>>
      %dma_start3A_197 = tpu.memref_squeeze %dma_start3A_196 : memref<1x80x128xf32, #tpu.memory_space<vmem>> -> memref<80x128xf32, #tpu.memory_space<vmem>>
      %dma_start3A_198 = arith.constant 0 : i32
      %dma_start3A_199 = tpu.memref_slice %arg6[%add3A_114, %dma_start3A_198] : memref<320000x128xf32, #tpu.memory_space<hbm>> -> memref<80x128xf32, #tpu.memory_space<hbm>>
      %dma_start3A_200 = arith.constant 0 : i32
      %dma_start3A_201 = tpu.memref_slice %arg6[%add3A_114, %dma_start3A_200] : memref<320000x128xf32, #tpu.memory_space<hbm>> -> memref<80x128xf32, #tpu.memory_space<hbm>>
      %dma_start3A_202 = arith.constant 0 : i32
      %dma_start3A_203 = arith.constant 0 : i32
      %dma_start3A_204 = tpu.memref_slice %arg10[%dma_start3A_193, %dma_start3A_202, %dma_start3A_203] : memref<2x80x128xf32, #tpu.memory_space<vmem>> -> memref<1x80x128xf32, #tpu.memory_space<vmem>>
      %dma_start3A_205 = tpu.memref_squeeze %dma_start3A_204 : memref<1x80x128xf32, #tpu.memory_space<vmem>> -> memref<80x128xf32, #tpu.memory_space<vmem>>
      tpu.enqueue_dma source(%dma_start3A_205 : memref<80x128xf32, #tpu.memory_space<vmem>>) target(%dma_start3A_201 : memref<80x128xf32, #tpu.memory_space<hbm>>) target_semaphore(%arg14 : memref<!tpu.dma_semaphore, #tpu.memory_space<semaphore_mem>>)
      %dma_start3A_206 = arith.constant 0 : i32
      %dma_start3A_207 = arith.constant 0 : i32
      %dma_start3A_208 = arith.constant 0 : i32
      %dma_start3A_209 = tpu.memref_slice %arg11[%dma_start3A_206, %dma_start3A_207, %dma_start3A_208] : memref<2x80x128xf32, #tpu.memory_space<vmem>> -> memref<1x80x128xf32, #tpu.memory_space<vmem>>
      %dma_start3A_210 = tpu.memref_squeeze %dma_start3A_209 : memref<1x80x128xf32, #tpu.memory_space<vmem>> -> memref<80x128xf32, #tpu.memory_space<vmem>>
      %dma_start3A_211 = arith.constant 0 : i32
      %dma_start3A_212 = tpu.memref_slice %arg7[%add3A_114, %dma_start3A_211] : memref<320000x128xf32, #tpu.memory_space<hbm>> -> memref<80x128xf32, #tpu.memory_space<hbm>>
      %dma_start3A_213 = arith.constant 0 : i32
      %dma_start3A_214 = tpu.memref_slice %arg7[%add3A_114, %dma_start3A_213] : memref<320000x128xf32, #tpu.memory_space<hbm>> -> memref<80x128xf32, #tpu.memory_space<hbm>>
      %dma_start3A_215 = arith.constant 0 : i32
      %dma_start3A_216 = arith.constant 0 : i32
      %dma_start3A_217 = tpu.memref_slice %arg11[%dma_start3A_206, %dma_start3A_215, %dma_start3A_216] : memref<2x80x128xf32, #tpu.memory_space<vmem>> -> memref<1x80x128xf32, #tpu.memory_space<vmem>>
      %dma_start3A_218 = tpu.memref_squeeze %dma_start3A_217 : memref<1x80x128xf32, #tpu.memory_space<vmem>> -> memref<80x128xf32, #tpu.memory_space<vmem>>
      tpu.enqueue_dma source(%dma_start3A_218 : memref<80x128xf32, #tpu.memory_space<vmem>>) target(%dma_start3A_214 : memref<80x128xf32, #tpu.memory_space<hbm>>) target_semaphore(%arg14 : memref<!tpu.dma_semaphore, #tpu.memory_space<semaphore_mem>>)
      %dma_wait3A_219 = arith.constant 1 : i32
      %dma_wait3A_220 = arith.constant 1 : i32
      %dma_wait3A_221 = arith.constant 0 : i32
      %dma_wait3A_222 = arith.constant 0 : i32
      %dma_wait3A_223 = tpu.memref_slice %arg10[%dma_wait3A_220, %dma_wait3A_221, %dma_wait3A_222] : memref<2x80x128xf32, #tpu.memory_space<vmem>> -> memref<1x80x128xf32, #tpu.memory_space<vmem>>
      %dma_wait3A_224 = tpu.memref_squeeze %dma_wait3A_223 : memref<1x80x128xf32, #tpu.memory_space<vmem>> -> memref<80x128xf32, #tpu.memory_space<vmem>>
      %dma_wait3A_225 = arith.constant 0 : i32
      %dma_wait3A_226 = tpu.memref_slice %arg8[%dma_wait3A_219, %dma_wait3A_225] : memref<2x80xi32, #tpu.memory_space<vmem>> -> memref<1x80xi32, #tpu.memory_space<vmem>>
      %dma_wait3A_227 = tpu.memref_squeeze %dma_wait3A_226 : memref<1x80xi32, #tpu.memory_space<vmem>> -> memref<80xi32, #tpu.memory_space<vmem>>
      %dma_wait3A_228 = arith.constant 0 : i32
      %dma_wait3A_229 = arith.constant 0 : i32
      %dma_wait3A_230 = tpu.memref_slice %arg2[%dma_wait3A_228, %dma_wait3A_229] : memref<10000x128xf32, #tpu.memory_space<hbm>> -> memref<10000x128xf32, #tpu.memory_space<hbm>>
      tpu.wait_indirect_dma semaphore(%arg12 : memref<!tpu.dma_semaphore, #tpu.memory_space<semaphore_mem>>) src(%dma_wait3A_230 : memref<10000x128xf32, #tpu.memory_space<hbm>>) dst(%dma_wait3A_224 : memref<80x128xf32, #tpu.memory_space<vmem>>)
      %dma_wait3A_231 = arith.constant 1 : i32
      %dma_wait3A_232 = arith.constant 1 : i32
      %dma_wait3A_233 = arith.constant 0 : i32
      %dma_wait3A_234 = arith.constant 0 : i32
      %dma_wait3A_235 = tpu.memref_slice %arg11[%dma_wait3A_232, %dma_wait3A_233, %dma_wait3A_234] : memref<2x80x128xf32, #tpu.memory_space<vmem>> -> memref<1x80x128xf32, #tpu.memory_space<vmem>>
      %dma_wait3A_236 = tpu.memref_squeeze %dma_wait3A_235 : memref<1x80x128xf32, #tpu.memory_space<vmem>> -> memref<80x128xf32, #tpu.memory_space<vmem>>
      %dma_wait3A_237 = arith.constant 0 : i32
      %dma_wait3A_238 = tpu.memref_slice %arg9[%dma_wait3A_231, %dma_wait3A_237] : memref<2x80xi32, #tpu.memory_space<vmem>> -> memref<1x80xi32, #tpu.memory_space<vmem>>
      %dma_wait3A_239 = tpu.memref_squeeze %dma_wait3A_238 : memref<1x80xi32, #tpu.memory_space<vmem>> -> memref<80xi32, #tpu.memory_space<vmem>>
      %dma_wait3A_240 = arith.constant 0 : i32
      %dma_wait3A_241 = arith.constant 0 : i32
      %dma_wait3A_242 = tpu.memref_slice %arg3[%dma_wait3A_240, %dma_wait3A_241] : memref<10000x128xf32, #tpu.memory_space<hbm>> -> memref<10000x128xf32, #tpu.memory_space<hbm>>
      tpu.wait_indirect_dma semaphore(%arg13 : memref<!tpu.dma_semaphore, #tpu.memory_space<semaphore_mem>>) src(%dma_wait3A_242 : memref<10000x128xf32, #tpu.memory_space<hbm>>) dst(%dma_wait3A_236 : memref<80x128xf32, #tpu.memory_space<vmem>>)
      %dma_start3A_243 = arith.constant 1 : i32
      %dma_start3A_244 = arith.constant 0 : i32
      %dma_start3A_245 = arith.constant 0 : i32
      %dma_start3A_246 = tpu.memref_slice %arg10[%dma_start3A_243, %dma_start3A_244, %dma_start3A_245] : memref<2x80x128xf32, #tpu.memory_space<vmem>> -> memref<1x80x128xf32, #tpu.memory_space<vmem>>
      %dma_start3A_247 = tpu.memref_squeeze %dma_start3A_246 : memref<1x80x128xf32, #tpu.memory_space<vmem>> -> memref<80x128xf32, #tpu.memory_space<vmem>>
      %dma_start3A_248 = arith.constant 0 : i32
      %dma_start3A_249 = tpu.memref_slice %arg6[%add3A_116, %dma_start3A_248] : memref<320000x128xf32, #tpu.memory_space<hbm>> -> memref<80x128xf32, #tpu.memory_space<hbm>>
      %dma_start3A_250 = arith.constant 0 : i32
      %dma_start3A_251 = tpu.memref_slice %arg6[%add3A_116, %dma_start3A_250] : memref<320000x128xf32, #tpu.memory_space<hbm>> -> memref<80x128xf32, #tpu.memory_space<hbm>>
      %dma_start3A_252 = arith.constant 0 : i32
      %dma_start3A_253 = arith.constant 0 : i32
      %dma_start3A_254 = tpu.memref_slice %arg10[%dma_start3A_243, %dma_start3A_252, %dma_start3A_253] : memref<2x80x128xf32, #tpu.memory_space<vmem>> -> memref<1x80x128xf32, #tpu.memory_space<vmem>>
      %dma_start3A_255 = tpu.memref_squeeze %dma_start3A_254 : memref<1x80x128xf32, #tpu.memory_space<vmem>> -> memref<80x128xf32, #tpu.memory_space<vmem>>
      tpu.enqueue_dma source(%dma_start3A_255 : memref<80x128xf32, #tpu.memory_space<vmem>>) target(%dma_start3A_251 : memref<80x128xf32, #tpu.memory_space<hbm>>) target_semaphore(%arg14 : memref<!tpu.dma_semaphore, #tpu.memory_space<semaphore_mem>>)
      %dma_start3A_256 = arith.constant 1 : i32
      %dma_start3A_257 = arith.constant 0 : i32
      %dma_start3A_258 = arith.constant 0 : i32
      %dma_start3A_259 = tpu.memref_slice %arg11[%dma_start3A_256, %dma_start3A_257, %dma_start3A_258] : memref<2x80x128xf32, #tpu.memory_space<vmem>> -> memref<1x80x128xf32, #tpu.memory_space<vmem>>
      %dma_start3A_260 = tpu.memref_squeeze %dma_start3A_259 : memref<1x80x128xf32, #tpu.memory_space<vmem>> -> memref<80x128xf32, #tpu.memory_space<vmem>>
      %dma_start3A_261 = arith.constant 0 : i32
      %dma_start3A_262 = tpu.memref_slice %arg7[%add3A_116, %dma_start3A_261] : memref<320000x128xf32, #tpu.memory_space<hbm>> -> memref<80x128xf32, #tpu.memory_space<hbm>>
      %dma_start3A_263 = arith.constant 0 : i32
      %dma_start3A_264 = tpu.memref_slice %arg7[%add3A_116, %dma_start3A_263] : memref<320000x128xf32, #tpu.memory_space<hbm>> -> memref<80x128xf32, #tpu.memory_space<hbm>>
      %dma_start3A_265 = arith.constant 0 : i32
      %dma_start3A_266 = arith.constant 0 : i32
      %dma_start3A_267 = tpu.memref_slice %arg11[%dma_start3A_256, %dma_start3A_265, %dma_start3A_266] : memref<2x80x128xf32, #tpu.memory_space<vmem>> -> memref<1x80x128xf32, #tpu.memory_space<vmem>>
      %dma_start3A_268 = tpu.memref_squeeze %dma_start3A_267 : memref<1x80x128xf32, #tpu.memory_space<vmem>> -> memref<80x128xf32, #tpu.memory_space<vmem>>
      tpu.enqueue_dma source(%dma_start3A_268 : memref<80x128xf32, #tpu.memory_space<vmem>>) target(%dma_start3A_264 : memref<80x128xf32, #tpu.memory_space<hbm>>) target_semaphore(%arg14 : memref<!tpu.dma_semaphore, #tpu.memory_space<semaphore_mem>>)
      %dma_wait3A_269 = arith.constant 0 : i32
      %dma_wait3A_270 = arith.constant 0 : i32
      %dma_wait3A_271 = arith.constant 0 : i32
      %dma_wait3A_272 = tpu.memref_slice %arg10[%dma_wait3A_269, %dma_wait3A_270, %dma_wait3A_271] : memref<2x80x128xf32, #tpu.memory_space<vmem>> -> memref<1x80x128xf32, #tpu.memory_space<vmem>>
      %dma_wait3A_273 = tpu.memref_squeeze %dma_wait3A_272 : memref<1x80x128xf32, #tpu.memory_space<vmem>> -> memref<80x128xf32, #tpu.memory_space<vmem>>
      %dma_wait3A_274 = arith.constant 0 : i32
      %dma_wait3A_275 = tpu.memref_slice %arg6[%add3A_114, %dma_wait3A_274] : memref<320000x128xf32, #tpu.memory_space<hbm>> -> memref<80x128xf32, #tpu.memory_space<hbm>>
      %dma_wait3A_276 = arith.constant 0 : i32
      %dma_wait3A_277 = tpu.memref_slice %arg6[%add3A_114, %dma_wait3A_276] : memref<320000x128xf32, #tpu.memory_space<hbm>> -> memref<80x128xf32, #tpu.memory_space<hbm>>
      %dma_wait3A_278 = arith.constant 0 : i32
      %dma_wait3A_279 = arith.constant 0 : i32
      %dma_wait3A_280 = tpu.memref_slice %arg10[%dma_wait3A_269, %dma_wait3A_278, %dma_wait3A_279] : memref<2x80x128xf32, #tpu.memory_space<vmem>> -> memref<1x80x128xf32, #tpu.memory_space<vmem>>
      %dma_wait3A_281 = tpu.memref_squeeze %dma_wait3A_280 : memref<1x80x128xf32, #tpu.memory_space<vmem>> -> memref<80x128xf32, #tpu.memory_space<vmem>>
      tpu.wait_dma2 semaphore(%arg14 : memref<!tpu.dma_semaphore, #tpu.memory_space<semaphore_mem>>) src(%dma_wait3A_281 : memref<80x128xf32, #tpu.memory_space<vmem>>) dst(%dma_wait3A_277 : memref<80x128xf32, #tpu.memory_space<hbm>>)
      %dma_wait3A_282 = arith.constant 0 : i32
      %dma_wait3A_283 = arith.constant 0 : i32
      %dma_wait3A_284 = arith.constant 0 : i32
      %dma_wait3A_285 = tpu.memref_slice %arg11[%dma_wait3A_282, %dma_wait3A_283, %dma_wait3A_284] : memref<2x80x128xf32, #tpu.memory_space<vmem>> -> memref<1x80x128xf32, #tpu.memory_space<vmem>>
      %dma_wait3A_286 = tpu.memref_squeeze %dma_wait3A_285 : memref<1x80x128xf32, #tpu.memory_space<vmem>> -> memref<80x128xf32, #tpu.memory_space<vmem>>
      %dma_wait3A_287 = arith.constant 0 : i32
      %dma_wait3A_288 = tpu.memref_slice %arg7[%add3A_114, %dma_wait3A_287] : memref<320000x128xf32, #tpu.memory_space<hbm>> -> memref<80x128xf32, #tpu.memory_space<hbm>>
      %dma_wait3A_289 = arith.constant 0 : i32
      %dma_wait3A_290 = tpu.memref_slice %arg7[%add3A_114, %dma_wait3A_289] : memref<320000x128xf32, #tpu.memory_space<hbm>> -> memref<80x128xf32, #tpu.memory_space<hbm>>
      %dma_wait3A_291 = arith.constant 0 : i32
      %dma_wait3A_292 = arith.constant 0 : i32
      %dma_wait3A_293 = tpu.memref_slice %arg11[%dma_wait3A_282, %dma_wait3A_291, %dma_wait3A_292] : memref<2x80x128xf32, #tpu.memory_space<vmem>> -> memref<1x80x128xf32, #tpu.memory_space<vmem>>
      %dma_wait3A_294 = tpu.memref_squeeze %dma_wait3A_293 : memref<1x80x128xf32, #tpu.memory_space<vmem>> -> memref<80x128xf32, #tpu.memory_space<vmem>>
      tpu.wait_dma2 semaphore(%arg14 : memref<!tpu.dma_semaphore, #tpu.memory_space<semaphore_mem>>) src(%dma_wait3A_294 : memref<80x128xf32, #tpu.memory_space<vmem>>) dst(%dma_wait3A_290 : memref<80x128xf32, #tpu.memory_space<hbm>>)
      %dma_wait3A_295 = arith.constant 1 : i32
      %dma_wait3A_296 = arith.constant 0 : i32
      %dma_wait3A_297 = arith.constant 0 : i32
      %dma_wait3A_298 = tpu.memref_slice %arg10[%dma_wait3A_295, %dma_wait3A_296, %dma_wait3A_297] : memref<2x80x128xf32, #tpu.memory_space<vmem>> -> memref<1x80x128xf32, #tpu.memory_space<vmem>>
      %dma_wait3A_299 = tpu.memref_squeeze %dma_wait3A_298 : memref<1x80x128xf32, #tpu.memory_space<vmem>> -> memref<80x128xf32, #tpu.memory_space<vmem>>
      %dma_wait3A_300 = arith.constant 0 : i32
      %dma_wait3A_301 = tpu.memref_slice %arg6[%add3A_116, %dma_wait3A_300] : memref<320000x128xf32, #tpu.memory_space<hbm>> -> memref<80x128xf32, #tpu.memory_space<hbm>>
      %dma_wait3A_302 = arith.constant 0 : i32
      %dma_wait3A_303 = tpu.memref_slice %arg6[%add3A_116, %dma_wait3A_302] : memref<320000x128xf32, #tpu.memory_space<hbm>> -> memref<80x128xf32, #tpu.memory_space<hbm>>
      %dma_wait3A_304 = arith.constant 0 : i32
      %dma_wait3A_305 = arith.constant 0 : i32
      %dma_wait3A_306 = tpu.memref_slice %arg10[%dma_wait3A_295, %dma_wait3A_304, %dma_wait3A_305] : memref<2x80x128xf32, #tpu.memory_space<vmem>> -> memref<1x80x128xf32, #tpu.memory_space<vmem>>
      %dma_wait3A_307 = tpu.memref_squeeze %dma_wait3A_306 : memref<1x80x128xf32, #tpu.memory_space<vmem>> -> memref<80x128xf32, #tpu.memory_space<vmem>>
      tpu.wait_dma2 semaphore(%arg14 : memref<!tpu.dma_semaphore, #tpu.memory_space<semaphore_mem>>) src(%dma_wait3A_307 : memref<80x128xf32, #tpu.memory_space<vmem>>) dst(%dma_wait3A_303 : memref<80x128xf32, #tpu.memory_space<hbm>>)
      %dma_wait3A_308 = arith.constant 1 : i32
      %dma_wait3A_309 = arith.constant 0 : i32
      %dma_wait3A_310 = arith.constant 0 : i32
      %dma_wait3A_311 = tpu.memref_slice %arg11[%dma_wait3A_308, %dma_wait3A_309, %dma_wait3A_310] : memref<2x80x128xf32, #tpu.memory_space<vmem>> -> memref<1x80x128xf32, #tpu.memory_space<vmem>>
      %dma_wait3A_312 = tpu.memref_squeeze %dma_wait3A_311 : memref<1x80x128xf32, #tpu.memory_space<vmem>> -> memref<80x128xf32, #tpu.memory_space<vmem>>
      %dma_wait3A_313 = arith.constant 0 : i32
      %dma_wait3A_314 = tpu.memref_slice %arg7[%add3A_116, %dma_wait3A_313] : memref<320000x128xf32, #tpu.memory_space<hbm>> -> memref<80x128xf32, #tpu.memory_space<hbm>>
      %dma_wait3A_315 = arith.constant 0 : i32
      %dma_wait3A_316 = tpu.memref_slice %arg7[%add3A_116, %dma_wait3A_315] : memref<320000x128xf32, #tpu.memory_space<hbm>> -> memref<80x128xf32, #tpu.memory_space<hbm>>
      %dma_wait3A_317 = arith.constant 0 : i32
      %dma_wait3A_318 = arith.constant 0 : i32
      %dma_wait3A_319 = tpu.memref_slice %arg11[%dma_wait3A_308, %dma_wait3A_317, %dma_wait3A_318] : memref<2x80x128xf32, #tpu.memory_space<vmem>> -> memref<1x80x128xf32, #tpu.memory_space<vmem>>
      %dma_wait3A_320 = tpu.memref_squeeze %dma_wait3A_319 : memref<1x80x128xf32, #tpu.memory_space<vmem>> -> memref<80x128xf32, #tpu.memory_space<vmem>>
      tpu.wait_dma2 semaphore(%arg14 : memref<!tpu.dma_semaphore, #tpu.memory_space<semaphore_mem>>) src(%dma_wait3A_320 : memref<80x128xf32, #tpu.memory_space<vmem>>) dst(%dma_wait3A_316 : memref<80x128xf32, #tpu.memory_space<hbm>>)
    }
    %scan3A_7 = arith.constant 62 : i32
    %add3A_8 = arith.constant 9920 : i32
    %add3A_9 = arith.addi %mul3A_2, %add3A_8 : i32
    %run_scoped3A = arith.constant 0 : i32
    "tpu.region"() ({
      %run_scoped3A_109 = tpu.sem_alloc : memref<!tpu.dma_semaphore, #tpu.memory_space<semaphore_mem>>
      %dma_start3A_110 = arith.constant 0 : i32
      %dma_start3A_111 = tpu.memref_slice %arg8[%run_scoped3A, %dma_start3A_110] : memref<2x80xi32, #tpu.memory_space<vmem>> -> memref<1x80xi32, #tpu.memory_space<vmem>>
      %dma_start3A_112 = tpu.memref_squeeze %dma_start3A_111 : memref<1x80xi32, #tpu.memory_space<vmem>> -> memref<80xi32, #tpu.memory_space<vmem>>
      %dma_start3A_113 = tpu.memref_slice %arg4[%add3A_9] : memref<320000xi32, #tpu.memory_space<hbm>> -> memref<80xi32, #tpu.memory_space<hbm>>
      %dma_start3A_114 = arith.constant 0 : i32
      %dma_start3A_115 = tpu.memref_slice %arg8[%run_scoped3A, %dma_start3A_114] : memref<2x80xi32, #tpu.memory_space<vmem>> -> memref<1x80xi32, #tpu.memory_space<vmem>>
      %dma_start3A_116 = tpu.memref_squeeze %dma_start3A_115 : memref<1x80xi32, #tpu.memory_space<vmem>> -> memref<80xi32, #tpu.memory_space<vmem>>
      %dma_start3A_117 = tpu.memref_slice %arg4[%add3A_9] : memref<320000xi32, #tpu.memory_space<hbm>> -> memref<80xi32, #tpu.memory_space<hbm>>
      tpu.enqueue_dma source(%dma_start3A_117 : memref<80xi32, #tpu.memory_space<hbm>>) target(%dma_start3A_116 : memref<80xi32, #tpu.memory_space<vmem>>) target_semaphore(%run_scoped3A_109 : memref<!tpu.dma_semaphore, #tpu.memory_space<semaphore_mem>>)
      %dma_wait3A_118 = arith.constant 0 : i32
      %dma_wait3A_119 = tpu.memref_slice %arg8[%run_scoped3A, %dma_wait3A_118] : memref<2x80xi32, #tpu.memory_space<vmem>> -> memref<1x80xi32, #tpu.memory_space<vmem>>
      %dma_wait3A_120 = tpu.memref_squeeze %dma_wait3A_119 : memref<1x80xi32, #tpu.memory_space<vmem>> -> memref<80xi32, #tpu.memory_space<vmem>>
      %dma_wait3A_121 = tpu.memref_slice %arg4[%add3A_9] : memref<320000xi32, #tpu.memory_space<hbm>> -> memref<80xi32, #tpu.memory_space<hbm>>
      %dma_wait3A_122 = arith.constant 0 : i32
      %dma_wait3A_123 = tpu.memref_slice %arg8[%run_scoped3A, %dma_wait3A_122] : memref<2x80xi32, #tpu.memory_space<vmem>> -> memref<1x80xi32, #tpu.memory_space<vmem>>
      %dma_wait3A_124 = tpu.memref_squeeze %dma_wait3A_123 : memref<1x80xi32, #tpu.memory_space<vmem>> -> memref<80xi32, #tpu.memory_space<vmem>>
      %dma_wait3A_125 = tpu.memref_slice %arg4[%add3A_9] : memref<320000xi32, #tpu.memory_space<hbm>> -> memref<80xi32, #tpu.memory_space<hbm>>
      tpu.wait_dma2 semaphore(%run_scoped3A_109 : memref<!tpu.dma_semaphore, #tpu.memory_space<semaphore_mem>>) src(%dma_wait3A_125 : memref<80xi32, #tpu.memory_space<hbm>>) dst(%dma_wait3A_124 : memref<80xi32, #tpu.memory_space<vmem>>)
      tpu.yield
    }) : () -> ()
    %run_scoped3A_10 = arith.constant 0 : i32
    "tpu.region"() ({
      %run_scoped3A_109 = tpu.sem_alloc : memref<!tpu.dma_semaphore, #tpu.memory_space<semaphore_mem>>
      %dma_start3A_110 = arith.constant 0 : i32
      %dma_start3A_111 = tpu.memref_slice %arg9[%run_scoped3A_10, %dma_start3A_110] : memref<2x80xi32, #tpu.memory_space<vmem>> -> memref<1x80xi32, #tpu.memory_space<vmem>>
      %dma_start3A_112 = tpu.memref_squeeze %dma_start3A_111 : memref<1x80xi32, #tpu.memory_space<vmem>> -> memref<80xi32, #tpu.memory_space<vmem>>
      %dma_start3A_113 = tpu.memref_slice %arg5[%add3A_9] : memref<320000xi32, #tpu.memory_space<hbm>> -> memref<80xi32, #tpu.memory_space<hbm>>
      %dma_start3A_114 = arith.constant 0 : i32
      %dma_start3A_115 = tpu.memref_slice %arg9[%run_scoped3A_10, %dma_start3A_114] : memref<2x80xi32, #tpu.memory_space<vmem>> -> memref<1x80xi32, #tpu.memory_space<vmem>>
      %dma_start3A_116 = tpu.memref_squeeze %dma_start3A_115 : memref<1x80xi32, #tpu.memory_space<vmem>> -> memref<80xi32, #tpu.memory_space<vmem>>
      %dma_start3A_117 = tpu.memref_slice %arg5[%add3A_9] : memref<320000xi32, #tpu.memory_space<hbm>> -> memref<80xi32, #tpu.memory_space<hbm>>
      tpu.enqueue_dma source(%dma_start3A_117 : memref<80xi32, #tpu.memory_space<hbm>>) target(%dma_start3A_116 : memref<80xi32, #tpu.memory_space<vmem>>) target_semaphore(%run_scoped3A_109 : memref<!tpu.dma_semaphore, #tpu.memory_space<semaphore_mem>>)
      %dma_wait3A_118 = arith.constant 0 : i32
      %dma_wait3A_119 = tpu.memref_slice %arg9[%run_scoped3A_10, %dma_wait3A_118] : memref<2x80xi32, #tpu.memory_space<vmem>> -> memref<1x80xi32, #tpu.memory_space<vmem>>
      %dma_wait3A_120 = tpu.memref_squeeze %dma_wait3A_119 : memref<1x80xi32, #tpu.memory_space<vmem>> -> memref<80xi32, #tpu.memory_space<vmem>>
      %dma_wait3A_121 = tpu.memref_slice %arg5[%add3A_9] : memref<320000xi32, #tpu.memory_space<hbm>> -> memref<80xi32, #tpu.memory_space<hbm>>
      %dma_wait3A_122 = arith.constant 0 : i32
      %dma_wait3A_123 = tpu.memref_slice %arg9[%run_scoped3A_10, %dma_wait3A_122] : memref<2x80xi32, #tpu.memory_space<vmem>> -> memref<1x80xi32, #tpu.memory_space<vmem>>
      %dma_wait3A_124 = tpu.memref_squeeze %dma_wait3A_123 : memref<1x80xi32, #tpu.memory_space<vmem>> -> memref<80xi32, #tpu.memory_space<vmem>>
      %dma_wait3A_125 = tpu.memref_slice %arg5[%add3A_9] : memref<320000xi32, #tpu.memory_space<hbm>> -> memref<80xi32, #tpu.memory_space<hbm>>
      tpu.wait_dma2 semaphore(%run_scoped3A_109 : memref<!tpu.dma_semaphore, #tpu.memory_space<semaphore_mem>>) src(%dma_wait3A_125 : memref<80xi32, #tpu.memory_space<hbm>>) dst(%dma_wait3A_124 : memref<80xi32, #tpu.memory_space<vmem>>)
      tpu.yield
    }) : () -> ()
    %dma_start3A = arith.constant 0 : i32
    %dma_start3A_11 = arith.constant 0 : i32
    %dma_start3A_12 = arith.constant 0 : i32
    %dma_start3A_13 = arith.constant 0 : i32
    %dma_start3A_14 = tpu.memref_slice %arg10[%dma_start3A_11, %dma_start3A_12, %dma_start3A_13] : memref<2x80x128xf32, #tpu.memory_space<vmem>> -> memref<1x80x128xf32, #tpu.memory_space<vmem>>
    %dma_start3A_15 = tpu.memref_squeeze %dma_start3A_14 : memref<1x80x128xf32, #tpu.memory_space<vmem>> -> memref<80x128xf32, #tpu.memory_space<vmem>>
    %dma_start3A_16 = arith.constant 0 : i32
    %dma_start3A_17 = tpu.memref_slice %arg8[%dma_start3A, %dma_start3A_16] : memref<2x80xi32, #tpu.memory_space<vmem>> -> memref<1x80xi32, #tpu.memory_space<vmem>>
    %dma_start3A_18 = tpu.memref_squeeze %dma_start3A_17 : memref<1x80xi32, #tpu.memory_space<vmem>> -> memref<80xi32, #tpu.memory_space<vmem>>
    %dma_start3A_19 = arith.constant 0 : i32
    %dma_start3A_20 = arith.constant 0 : i32
    %dma_start3A_21 = tpu.memref_slice %arg2[%dma_start3A_19, %dma_start3A_20] : memref<10000x128xf32, #tpu.memory_space<hbm>> -> memref<10000x128xf32, #tpu.memory_space<hbm>>
    tpu.enqueue_indirect_dma source(%dma_start3A_21 : memref<10000x128xf32, #tpu.memory_space<hbm>>) target(%dma_start3A_15 : memref<80x128xf32, #tpu.memory_space<vmem>>) offsets(%dma_start3A_18 : memref<80xi32, #tpu.memory_space<vmem>>) semaphore(%arg12 : memref<!tpu.dma_semaphore, #tpu.memory_space<semaphore_mem>>)
    %dma_start3A_22 = arith.constant 0 : i32
    %dma_start3A_23 = arith.constant 0 : i32
    %dma_start3A_24 = arith.constant 0 : i32
    %dma_start3A_25 = arith.constant 0 : i32
    %dma_start3A_26 = tpu.memref_slice %arg11[%dma_start3A_23, %dma_start3A_24, %dma_start3A_25] : memref<2x80x128xf32, #tpu.memory_space<vmem>> -> memref<1x80x128xf32, #tpu.memory_space<vmem>>
    %dma_start3A_27 = tpu.memref_squeeze %dma_start3A_26 : memref<1x80x128xf32, #tpu.memory_space<vmem>> -> memref<80x128xf32, #tpu.memory_space<vmem>>
    %dma_start3A_28 = arith.constant 0 : i32
    %dma_start3A_29 = tpu.memref_slice %arg9[%dma_start3A_22, %dma_start3A_28] : memref<2x80xi32, #tpu.memory_space<vmem>> -> memref<1x80xi32, #tpu.memory_space<vmem>>
    %dma_start3A_30 = tpu.memref_squeeze %dma_start3A_29 : memref<1x80xi32, #tpu.memory_space<vmem>> -> memref<80xi32, #tpu.memory_space<vmem>>
    %dma_start3A_31 = arith.constant 0 : i32
    %dma_start3A_32 = arith.constant 0 : i32
    %dma_start3A_33 = tpu.memref_slice %arg3[%dma_start3A_31, %dma_start3A_32] : memref<10000x128xf32, #tpu.memory_space<hbm>> -> memref<10000x128xf32, #tpu.memory_space<hbm>>
    tpu.enqueue_indirect_dma source(%dma_start3A_33 : memref<10000x128xf32, #tpu.memory_space<hbm>>) target(%dma_start3A_27 : memref<80x128xf32, #tpu.memory_space<vmem>>) offsets(%dma_start3A_30 : memref<80xi32, #tpu.memory_space<vmem>>) semaphore(%arg13 : memref<!tpu.dma_semaphore, #tpu.memory_space<semaphore_mem>>)
    %dma_wait3A = arith.constant 0 : i32
    %dma_wait3A_34 = arith.constant 0 : i32
    %dma_wait3A_35 = arith.constant 0 : i32
    %dma_wait3A_36 = arith.constant 0 : i32
    %dma_wait3A_37 = tpu.memref_slice %arg10[%dma_wait3A_34, %dma_wait3A_35, %dma_wait3A_36] : memref<2x80x128xf32, #tpu.memory_space<vmem>> -> memref<1x80x128xf32, #tpu.memory_space<vmem>>
    %dma_wait3A_38 = tpu.memref_squeeze %dma_wait3A_37 : memref<1x80x128xf32, #tpu.memory_space<vmem>> -> memref<80x128xf32, #tpu.memory_space<vmem>>
    %dma_wait3A_39 = arith.constant 0 : i32
    %dma_wait3A_40 = tpu.memref_slice %arg8[%dma_wait3A, %dma_wait3A_39] : memref<2x80xi32, #tpu.memory_space<vmem>> -> memref<1x80xi32, #tpu.memory_space<vmem>>
    %dma_wait3A_41 = tpu.memref_squeeze %dma_wait3A_40 : memref<1x80xi32, #tpu.memory_space<vmem>> -> memref<80xi32, #tpu.memory_space<vmem>>
    %dma_wait3A_42 = arith.constant 0 : i32
    %dma_wait3A_43 = arith.constant 0 : i32
    %dma_wait3A_44 = tpu.memref_slice %arg2[%dma_wait3A_42, %dma_wait3A_43] : memref<10000x128xf32, #tpu.memory_space<hbm>> -> memref<10000x128xf32, #tpu.memory_space<hbm>>
    tpu.wait_indirect_dma semaphore(%arg12 : memref<!tpu.dma_semaphore, #tpu.memory_space<semaphore_mem>>) src(%dma_wait3A_44 : memref<10000x128xf32, #tpu.memory_space<hbm>>) dst(%dma_wait3A_38 : memref<80x128xf32, #tpu.memory_space<vmem>>)
    %dma_wait3A_45 = arith.constant 0 : i32
    %dma_wait3A_46 = arith.constant 0 : i32
    %dma_wait3A_47 = arith.constant 0 : i32
    %dma_wait3A_48 = arith.constant 0 : i32
    %dma_wait3A_49 = tpu.memref_slice %arg11[%dma_wait3A_46, %dma_wait3A_47, %dma_wait3A_48] : memref<2x80x128xf32, #tpu.memory_space<vmem>> -> memref<1x80x128xf32, #tpu.memory_space<vmem>>
    %dma_wait3A_50 = tpu.memref_squeeze %dma_wait3A_49 : memref<1x80x128xf32, #tpu.memory_space<vmem>> -> memref<80x128xf32, #tpu.memory_space<vmem>>
    %dma_wait3A_51 = arith.constant 0 : i32
    %dma_wait3A_52 = tpu.memref_slice %arg9[%dma_wait3A_45, %dma_wait3A_51] : memref<2x80xi32, #tpu.memory_space<vmem>> -> memref<1x80xi32, #tpu.memory_space<vmem>>
    %dma_wait3A_53 = tpu.memref_squeeze %dma_wait3A_52 : memref<1x80xi32, #tpu.memory_space<vmem>> -> memref<80xi32, #tpu.memory_space<vmem>>
    %dma_wait3A_54 = arith.constant 0 : i32
    %dma_wait3A_55 = arith.constant 0 : i32
    %dma_wait3A_56 = tpu.memref_slice %arg3[%dma_wait3A_54, %dma_wait3A_55] : memref<10000x128xf32, #tpu.memory_space<hbm>> -> memref<10000x128xf32, #tpu.memory_space<hbm>>
    tpu.wait_indirect_dma semaphore(%arg13 : memref<!tpu.dma_semaphore, #tpu.memory_space<semaphore_mem>>) src(%dma_wait3A_56 : memref<10000x128xf32, #tpu.memory_space<hbm>>) dst(%dma_wait3A_50 : memref<80x128xf32, #tpu.memory_space<vmem>>)
    %dma_start3A_57 = arith.constant 0 : i32
    %dma_start3A_58 = arith.constant 0 : i32
    %dma_start3A_59 = arith.constant 0 : i32
    %dma_start3A_60 = tpu.memref_slice %arg10[%dma_start3A_57, %dma_start3A_58, %dma_start3A_59] : memref<2x80x128xf32, #tpu.memory_space<vmem>> -> memref<1x80x128xf32, #tpu.memory_space<vmem>>
    %dma_start3A_61 = tpu.memref_squeeze %dma_start3A_60 : memref<1x80x128xf32, #tpu.memory_space<vmem>> -> memref<80x128xf32, #tpu.memory_space<vmem>>
    %dma_start3A_62 = arith.constant 0 : i32
    %dma_start3A_63 = tpu.memref_slice %arg6[%add3A_9, %dma_start3A_62] : memref<320000x128xf32, #tpu.memory_space<hbm>> -> memref<80x128xf32, #tpu.memory_space<hbm>>
    %dma_start3A_64 = arith.constant 0 : i32
    %dma_start3A_65 = tpu.memref_slice %arg6[%add3A_9, %dma_start3A_64] : memref<320000x128xf32, #tpu.memory_space<hbm>> -> memref<80x128xf32, #tpu.memory_space<hbm>>
    %dma_start3A_66 = arith.constant 0 : i32
    %dma_start3A_67 = arith.constant 0 : i32
    %dma_start3A_68 = tpu.memref_slice %arg10[%dma_start3A_57, %dma_start3A_66, %dma_start3A_67] : memref<2x80x128xf32, #tpu.memory_space<vmem>> -> memref<1x80x128xf32, #tpu.memory_space<vmem>>
    %dma_start3A_69 = tpu.memref_squeeze %dma_start3A_68 : memref<1x80x128xf32, #tpu.memory_space<vmem>> -> memref<80x128xf32, #tpu.memory_space<vmem>>
    tpu.enqueue_dma source(%dma_start3A_69 : memref<80x128xf32, #tpu.memory_space<vmem>>) target(%dma_start3A_65 : memref<80x128xf32, #tpu.memory_space<hbm>>) target_semaphore(%arg14 : memref<!tpu.dma_semaphore, #tpu.memory_space<semaphore_mem>>)
    %dma_start3A_70 = arith.constant 0 : i32
    %dma_start3A_71 = arith.constant 0 : i32
    %dma_start3A_72 = arith.constant 0 : i32
    %dma_start3A_73 = tpu.memref_slice %arg11[%dma_start3A_70, %dma_start3A_71, %dma_start3A_72] : memref<2x80x128xf32, #tpu.memory_space<vmem>> -> memref<1x80x128xf32, #tpu.memory_space<vmem>>
    %dma_start3A_74 = tpu.memref_squeeze %dma_start3A_73 : memref<1x80x128xf32, #tpu.memory_space<vmem>> -> memref<80x128xf32, #tpu.memory_space<vmem>>
    %dma_start3A_75 = arith.constant 0 : i32
    %dma_start3A_76 = tpu.memref_slice %arg7[%add3A_9, %dma_start3A_75] : memref<320000x128xf32, #tpu.memory_space<hbm>> -> memref<80x128xf32, #tpu.memory_space<hbm>>
    %dma_start3A_77 = arith.constant 0 : i32
    %dma_start3A_78 = tpu.memref_slice %arg7[%add3A_9, %dma_start3A_77] : memref<320000x128xf32, #tpu.memory_space<hbm>> -> memref<80x128xf32, #tpu.memory_space<hbm>>
    %dma_start3A_79 = arith.constant 0 : i32
    %dma_start3A_80 = arith.constant 0 : i32
    %dma_start3A_81 = tpu.memref_slice %arg11[%dma_start3A_70, %dma_start3A_79, %dma_start3A_80] : memref<2x80x128xf32, #tpu.memory_space<vmem>> -> memref<1x80x128xf32, #tpu.memory_space<vmem>>
    %dma_start3A_82 = tpu.memref_squeeze %dma_start3A_81 : memref<1x80x128xf32, #tpu.memory_space<vmem>> -> memref<80x128xf32, #tpu.memory_space<vmem>>
    tpu.enqueue_dma source(%dma_start3A_82 : memref<80x128xf32, #tpu.memory_space<vmem>>) target(%dma_start3A_78 : memref<80x128xf32, #tpu.memory_space<hbm>>) target_semaphore(%arg14 : memref<!tpu.dma_semaphore, #tpu.memory_space<semaphore_mem>>)
    %dma_wait3A_83 = arith.constant 0 : i32
    %dma_wait3A_84 = arith.constant 0 : i32
    %dma_wait3A_85 = arith.constant 0 : i32
    %dma_wait3A_86 = tpu.memref_slice %arg10[%dma_wait3A_83, %dma_wait3A_84, %dma_wait3A_85] : memref<2x80x128xf32, #tpu.memory_space<vmem>> -> memref<1x80x128xf32, #tpu.memory_space<vmem>>
    %dma_wait3A_87 = tpu.memref_squeeze %dma_wait3A_86 : memref<1x80x128xf32, #tpu.memory_space<vmem>> -> memref<80x128xf32, #tpu.memory_space<vmem>>
    %dma_wait3A_88 = arith.constant 0 : i32
    %dma_wait3A_89 = tpu.memref_slice %arg6[%add3A_9, %dma_wait3A_88] : memref<320000x128xf32, #tpu.memory_space<hbm>> -> memref<80x128xf32, #tpu.memory_space<hbm>>
    %dma_wait3A_90 = arith.constant 0 : i32
    %dma_wait3A_91 = tpu.memref_slice %arg6[%add3A_9, %dma_wait3A_90] : memref<320000x128xf32, #tpu.memory_space<hbm>> -> memref<80x128xf32, #tpu.memory_space<hbm>>
    %dma_wait3A_92 = arith.constant 0 : i32
    %dma_wait3A_93 = arith.constant 0 : i32
    %dma_wait3A_94 = tpu.memref_slice %arg10[%dma_wait3A_83, %dma_wait3A_92, %dma_wait3A_93] : memref<2x80x128xf32, #tpu.memory_space<vmem>> -> memref<1x80x128xf32, #tpu.memory_space<vmem>>
    %dma_wait3A_95 = tpu.memref_squeeze %dma_wait3A_94 : memref<1x80x128xf32, #tpu.memory_space<vmem>> -> memref<80x128xf32, #tpu.memory_space<vmem>>
    tpu.wait_dma2 semaphore(%arg14 : memref<!tpu.dma_semaphore, #tpu.memory_space<semaphore_mem>>) src(%dma_wait3A_95 : memref<80x128xf32, #tpu.memory_space<vmem>>) dst(%dma_wait3A_91 : memref<80x128xf32, #tpu.memory_space<hbm>>)
    %dma_wait3A_96 = arith.constant 0 : i32
    %dma_wait3A_97 = arith.constant 0 : i32
    %dma_wait3A_98 = arith.constant 0 : i32
    %dma_wait3A_99 = tpu.memref_slice %arg11[%dma_wait3A_96, %dma_wait3A_97, %dma_wait3A_98] : memref<2x80x128xf32, #tpu.memory_space<vmem>> -> memref<1x80x128xf32, #tpu.memory_space<vmem>>
    %dma_wait3A_100 = tpu.memref_squeeze %dma_wait3A_99 : memref<1x80x128xf32, #tpu.memory_space<vmem>> -> memref<80x128xf32, #tpu.memory_space<vmem>>
    %dma_wait3A_101 = arith.constant 0 : i32
    %dma_wait3A_102 = tpu.memref_slice %arg7[%add3A_9, %dma_wait3A_101] : memref<320000x128xf32, #tpu.memory_space<hbm>> -> memref<80x128xf32, #tpu.memory_space<hbm>>
    %dma_wait3A_103 = arith.constant 0 : i32
    %dma_wait3A_104 = tpu.memref_slice %arg7[%add3A_9, %dma_wait3A_103] : memref<320000x128xf32, #tpu.memory_space<hbm>> -> memref<80x128xf32, #tpu.memory_space<hbm>>
    %dma_wait3A_105 = arith.constant 0 : i32
    %dma_wait3A_106 = arith.constant 0 : i32
    %dma_wait3A_107 = tpu.memref_slice %arg11[%dma_wait3A_96, %dma_wait3A_105, %dma_wait3A_106] : memref<2x80x128xf32, #tpu.memory_space<vmem>> -> memref<1x80x128xf32, #tpu.memory_space<vmem>>
    %dma_wait3A_108 = tpu.memref_squeeze %dma_wait3A_107 : memref<1x80x128xf32, #tpu.memory_space<vmem>> -> memref<80x128xf32, #tpu.memory_space<vmem>>
    tpu.wait_dma2 semaphore(%arg14 : memref<!tpu.dma_semaphore, #tpu.memory_space<semaphore_mem>>) src(%dma_wait3A_108 : memref<80x128xf32, #tpu.memory_space<vmem>>) dst(%dma_wait3A_104 : memref<80x128xf32, #tpu.memory_space<hbm>>)
    return
  }
}

module attributes {stable_mosaic.version = 14 : i64} {
  func.func @_prep_body(%arg0: i32, %arg1: memref<1000x128xf32, #tpu.memory_space<vmem>>, %arg2: memref<128x128xf32, #tpu.memory_space<vmem>>, %arg3: memref<1x128xf32, #tpu.memory_space<vmem>>, %arg4: memref<128x128xf32, #tpu.memory_space<vmem>>, %arg5: memref<128x128xf32, #tpu.memory_space<vmem>>, %arg6: memref<1000x128xf32, #tpu.memory_space<vmem>>, %arg7: memref<1000x128xf32, #tpu.memory_space<vmem>>, %arg8: memref<1000x128xf32, #tpu.memory_space<vmem>>) attributes {dimension_semantics = [#tpu.dimension_semantics<arbitrary>], iteration_bounds = array<i64: 10>, scalar_prefetch = 0 : i64, scratch_operands = 0 : i64, tpu.core_type = #tpu.core_type<tc>, window_params = [{transform_indices = @transform_0, window_bounds = array<i64: 1000, 128>}, {pipeline_mode = #tpu.pipeline_mode<synchronous>, transform_indices = @transform_1, window_bounds = array<i64: 128, 128>}, {pipeline_mode = #tpu.pipeline_mode<synchronous>, transform_indices = @transform_2, window_bounds = array<i64: 1, 128>}, {pipeline_mode = #tpu.pipeline_mode<synchronous>, transform_indices = @transform_3, window_bounds = array<i64: 128, 128>}, {pipeline_mode = #tpu.pipeline_mode<synchronous>, transform_indices = @transform_4, window_bounds = array<i64: 128, 128>}, {transform_indices = @transform_5, window_bounds = array<i64: 1000, 128>}, {transform_indices = @transform_6, window_bounds = array<i64: 1000, 128>}, {transform_indices = @transform_7, window_bounds = array<i64: 1000, 128>}]} {
    %get3A = arith.constant 0 : index
    %get3A_0 = arith.constant 0 : index
    %get3A_1 = vector.load %arg1[%get3A, %get3A_0] : memref<1000x128xf32, #tpu.memory_space<vmem>>, vector<1000x128xf32>
    %get3A_2 = arith.constant 0 : index
    %get3A_3 = arith.constant 0 : index
    %get3A_4 = vector.load %arg2[%get3A_2, %get3A_3] : memref<128x128xf32, #tpu.memory_space<vmem>>, vector<128x128xf32>
    %dot_general3A = arith.constant dense<0.000000e+00> : vector<1000x128xf32>
    %dot_general3A_5 = tpu.matmul %get3A_1, %get3A_4, %dot_general3A {dimension_numbers = #tpu.dot_dimension_numbers<[1], [0], [0], [1], [0, 0, 1, 1], [], []>, transpose_lhs_hint = false} : vector<1000x128xf32>, vector<128x128xf32>, vector<1000x128xf32> -> vector<1000x128xf32>
    %get3A_6 = arith.constant 0 : index
    %get3A_7 = arith.constant 0 : index
    %get3A_8 = vector.load %arg3[%get3A_6, %get3A_7] : memref<1x128xf32, #tpu.memory_space<vmem>>, vector<1x128xf32>
    %add3A = vector.broadcast %get3A_8 : vector<1x128xf32> to vector<1000x128xf32>
    %add3A_9 = arith.addf %dot_general3A_5, %add3A : vector<1000x128xf32>
    %swap3A = arith.constant 0 : index
    %swap3A_10 = arith.constant 0 : index
    %swap3A_11 = vector.load %arg6[%swap3A, %swap3A_10] : memref<1000x128xf32, #tpu.memory_space<vmem>>, vector<1000x128xf32>
    tpu.vector_store %arg6[%swap3A, %swap3A_10], %add3A_9 {strides = array<i32>} : memref<1000x128xf32, #tpu.memory_space<vmem>>, vector<1000x128xf32>,
    %get3A_12 = arith.constant 0 : index
    %get3A_13 = arith.constant 0 : index
    %get3A_14 = vector.load %arg4[%get3A_12, %get3A_13] : memref<128x128xf32, #tpu.memory_space<vmem>>, vector<128x128xf32>
    %dot_general3A_15 = arith.constant dense<0.000000e+00> : vector<1000x128xf32>
    %dot_general3A_16 = tpu.matmul %add3A_9, %get3A_14, %dot_general3A_15 {dimension_numbers = #tpu.dot_dimension_numbers<[1], [0], [0], [1], [0, 0, 1, 1], [], []>, transpose_lhs_hint = false} : vector<1000x128xf32>, vector<128x128xf32>, vector<1000x128xf32> -> vector<1000x128xf32>
    %swap3A_17 = arith.constant 0 : index
    %swap3A_18 = arith.constant 0 : index
    %swap3A_19 = vector.load %arg7[%swap3A_17, %swap3A_18] : memref<1000x128xf32, #tpu.memory_space<vmem>>, vector<1000x128xf32>
    tpu.vector_store %arg7[%swap3A_17, %swap3A_18], %dot_general3A_16 {strides = array<i32>} : memref<1000x128xf32, #tpu.memory_space<vmem>>, vector<1000x128xf32>,
    %get3A_20 = arith.constant 0 : index
    %get3A_21 = arith.constant 0 : index
    %get3A_22 = vector.load %arg5[%get3A_20, %get3A_21] : memref<128x128xf32, #tpu.memory_space<vmem>>, vector<128x128xf32>
    %dot_general3A_23 = arith.constant dense<0.000000e+00> : vector<1000x128xf32>
    %dot_general3A_24 = tpu.matmul %add3A_9, %get3A_22, %dot_general3A_23 {dimension_numbers = #tpu.dot_dimension_numbers<[1], [0], [0], [1], [0, 0, 1, 1], [], []>, transpose_lhs_hint = false} : vector<1000x128xf32>, vector<128x128xf32>, vector<1000x128xf32> -> vector<1000x128xf32>
    %swap3A_25 = arith.constant 0 : index
    %swap3A_26 = arith.constant 0 : index
    %swap3A_27 = vector.load %arg8[%swap3A_25, %swap3A_26] : memref<1000x128xf32, #tpu.memory_space<vmem>>, vector<1000x128xf32>
    tpu.vector_store %arg8[%swap3A_25, %swap3A_26], %dot_general3A_24 {strides = array<i32>} : memref<1000x128xf32, #tpu.memory_space<vmem>>, vector<1000x128xf32>,
    return
  }
  func.func @transform_0(%arg0: i32) -> (i32, i32) {
    %c0_i32 = arith.constant 0 : i32
    %c0_i32_0 = arith.constant 0 : i32
    return %arg0, %c0_i32 : i32, i32
  }
  func.func @transform_1(%arg0: i32) -> (i32, i32) {
    %c0_i32 = arith.constant 0 : i32
    %c0_i32_0 = arith.constant 0 : i32
    %c0_i32_1 = arith.constant 0 : i32
    return %c0_i32, %c0_i32_0 : i32, i32
  }
  func.func @transform_2(%arg0: i32) -> (i32, i32) {
    %c0_i32 = arith.constant 0 : i32
    %c0_i32_0 = arith.constant 0 : i32
    %c0_i32_1 = arith.constant 0 : i32
    return %c0_i32, %c0_i32_0 : i32, i32
  }
  func.func @transform_3(%arg0: i32) -> (i32, i32) {
    %c0_i32 = arith.constant 0 : i32
    %c0_i32_0 = arith.constant 0 : i32
    %c0_i32_1 = arith.constant 0 : i32
    return %c0_i32, %c0_i32_0 : i32, i32
  }
  func.func @transform_4(%arg0: i32) -> (i32, i32) {
    %c0_i32 = arith.constant 0 : i32
    %c0_i32_0 = arith.constant 0 : i32
    %c0_i32_1 = arith.constant 0 : i32
    return %c0_i32, %c0_i32_0 : i32, i32
  }
  func.func @transform_5(%arg0: i32) -> (i32, i32) {
    %c0_i32 = arith.constant 0 : i32
    %c0_i32_0 = arith.constant 0 : i32
    return %arg0, %c0_i32 : i32, i32
  }
  func.func @transform_6(%arg0: i32) -> (i32, i32) {
    %c0_i32 = arith.constant 0 : i32
    %c0_i32_0 = arith.constant 0 : i32
    return %arg0, %c0_i32 : i32, i32
  }
  func.func @transform_7(%arg0: i32) -> (i32, i32) {
    %c0_i32 = arith.constant 0 : i32
    %c0_i32_0 = arith.constant 0 : i32
    return %arg0, %c0_i32 : i32, i32
  }
}

module attributes {stable_mosaic.version = 14 : i64} {
  func.func @_passA_body(%arg0: i32, %arg1: memref<3200x128xf32, #tpu.memory_space<vmem>>, %arg2: memref<3200x128xf32, #tpu.memory_space<vmem>>, %arg3: memref<3200x3xf32, #tpu.memory_space<vmem>>, %arg4: memref<3200x13xf32, #tpu.memory_space<vmem>>, %arg5: memref<3200x1xf32, #tpu.memory_space<vmem>>, %arg6: memref<13x125xf32, #tpu.memory_space<vmem>>, %arg7: memref<1x125xf32, #tpu.memory_space<vmem>>, %arg8: memref<128x128xf32, #tpu.memory_space<vmem>>, %arg9: memref<1x128xf32, #tpu.memory_space<vmem>>, %arg10: memref<1x128xf32, #tpu.memory_space<vmem>>, %arg11: memref<3200x128xf32, #tpu.memory_space<vmem>>, %arg12: memref<3200x1xf32, #tpu.memory_space<vmem>>) attributes {dimension_semantics = [#tpu.dimension_semantics<arbitrary>], iteration_bounds = array<i64: 100>, scalar_prefetch = 0 : i64, scratch_operands = 0 : i64, tpu.core_type = #tpu.core_type<tc>, window_params = [{transform_indices = @transform_0, window_bounds = array<i64: 3200, 128>}, {transform_indices = @transform_1, window_bounds = array<i64: 3200, 128>}, {transform_indices = @transform_2, window_bounds = array<i64: 3200, 3>}, {transform_indices = @transform_3, window_bounds = array<i64: 3200, 13>}, {transform_indices = @transform_4, window_bounds = array<i64: 3200, 1>}, {pipeline_mode = #tpu.pipeline_mode<synchronous>, transform_indices = @transform_5, window_bounds = array<i64: 13, 125>}, {pipeline_mode = #tpu.pipeline_mode<synchronous>, transform_indices = @transform_6, window_bounds = array<i64: 1, 125>}, {pipeline_mode = #tpu.pipeline_mode<synchronous>, transform_indices = @transform_7, window_bounds = array<i64: 128, 128>}, {pipeline_mode = #tpu.pipeline_mode<synchronous>, transform_indices = @transform_8, window_bounds = array<i64: 1, 128>}, {pipeline_mode = #tpu.pipeline_mode<synchronous>, transform_indices = @transform_9, window_bounds = array<i64: 1, 128>}, {transform_indices = @transform_10, window_bounds = array<i64: 3200, 128>}, {transform_indices = @transform_11, window_bounds = array<i64: 3200, 1>}]} {
    %get3A = arith.constant 0 : index
    %get3A_0 = arith.constant 0 : index
    %get3A_1 = vector.load %arg5[%get3A, %get3A_0] : memref<3200x1xf32, #tpu.memory_space<vmem>>, vector<3200x1xf32>
    %add3A = arith.constant 9.99999996E-13 : f32
    %add3A_2 = vector.broadcast %add3A : f32 to vector<3200x1xf32>
    %add3A_3 = arith.addf %get3A_1, %add3A_2 : vector<3200x1xf32>
    %sqrt3A = math.sqrt %add3A_3 : vector<3200x1xf32>
    %get3A_4 = arith.constant 0 : index
    %get3A_5 = arith.constant 0 : index
    %get3A_6 = vector.load %arg3[%get3A_4, %get3A_5] : memref<3200x3xf32, #tpu.memory_space<vmem>>, vector<3200x3xf32>
    %get3A_7 = arith.constant 0 : index
    %get3A_8 = arith.constant 0 : index
    %get3A_9 = vector.load %arg4[%get3A_7, %get3A_8] : memref<3200x13xf32, #tpu.memory_space<vmem>>, vector<3200x13xf32>
    %get3A_10 = arith.constant 0 : index
    %get3A_11 = arith.constant 0 : index
    %get3A_12 = vector.load %arg6[%get3A_10, %get3A_11] : memref<13x125xf32, #tpu.memory_space<vmem>>, vector<13x125xf32>
    %dot_general3A = arith.constant dense<0.000000e+00> : vector<3200x125xf32>
    %dot_general3A_13 = tpu.matmul %get3A_9, %get3A_12, %dot_general3A {dimension_numbers = #tpu.dot_dimension_numbers<[1], [0], [0], [1], [0, 0, 1, 1], [], []>, transpose_lhs_hint = false} : vector<3200x13xf32>, vector<13x125xf32>, vector<3200x125xf32> -> vector<3200x125xf32>
    %get3A_14 = arith.constant 0 : index
    %get3A_15 = arith.constant 0 : index
    %get3A_16 = vector.load %arg7[%get3A_14, %get3A_15] : memref<1x125xf32, #tpu.memory_space<vmem>>, vector<1x125xf32>
    %add3A_17 = vector.broadcast %get3A_16 : vector<1x125xf32> to vector<3200x125xf32>
    %add3A_18 = arith.addf %dot_general3A_13, %add3A_17 : vector<3200x125xf32>
    %concatenate3A = tpu.concatenate %get3A_6, %add3A_18 in 1 : vector<3200x3xf32>, vector<3200x125xf32> -> vector<3200x128xf32>
    %get3A_19 = arith.constant 0 : index
    %get3A_20 = arith.constant 0 : index
    %get3A_21 = vector.load %arg1[%get3A_19, %get3A_20] : memref<3200x128xf32, #tpu.memory_space<vmem>>, vector<3200x128xf32>
    %get3A_22 = arith.constant 0 : index
    %get3A_23 = arith.constant 0 : index
    %get3A_24 = vector.load %arg2[%get3A_22, %get3A_23] : memref<3200x128xf32, #tpu.memory_space<vmem>>, vector<3200x128xf32>
    %add3A_25 = arith.addf %get3A_21, %get3A_24 : vector<3200x128xf32>
    %get3A_26 = arith.constant 0 : index
    %get3A_27 = arith.constant 0 : index
    %get3A_28 = vector.load %arg8[%get3A_26, %get3A_27] : memref<128x128xf32, #tpu.memory_space<vmem>>, vector<128x128xf32>
    %dot_general3A_29 = arith.constant dense<0.000000e+00> : vector<3200x128xf32>
    %dot_general3A_30 = tpu.matmul %concatenate3A, %get3A_28, %dot_general3A_29 {dimension_numbers = #tpu.dot_dimension_numbers<[1], [0], [0], [1], [0, 0, 1, 1], [], []>, transpose_lhs_hint = false} : vector<3200x128xf32>, vector<128x128xf32>, vector<3200x128xf32> -> vector<3200x128xf32>
    %add3A_31 = arith.addf %add3A_25, %dot_general3A_30 : vector<3200x128xf32>
    %convert_element_type3A = arith.truncf %sqrt3A : vector<3200x1xf32> to vector<3200x1xbf16>
    %convert_element_type3A_32 = arith.extf %convert_element_type3A : vector<3200x1xbf16> to vector<3200x1xf32>
    %get3A_33 = arith.constant 0 : index
    %get3A_34 = arith.constant 0 : index
    %get3A_35 = vector.load %arg9[%get3A_33, %get3A_34] : memref<1x128xf32, #tpu.memory_space<vmem>>, vector<1x128xf32>
    %convert_element_type3A_36 = arith.truncf %get3A_35 : vector<1x128xf32> to vector<1x128xbf16>
    %convert_element_type3A_37 = arith.extf %convert_element_type3A_36 : vector<1x128xbf16> to vector<1x128xf32>
    %mul3A = vector.broadcast %convert_element_type3A_32 : vector<3200x1xf32> to vector<3200x128xf32>
    %mul3A_38 = vector.broadcast %convert_element_type3A_37 : vector<1x128xf32> to vector<3200x128xf32>
    %mul3A_39 = arith.mulf %mul3A, %mul3A_38 : vector<3200x128xf32>
    %add3A_40 = arith.addf %add3A_31, %mul3A_39 : vector<3200x128xf32>
    %get3A_41 = arith.constant 0 : index
    %get3A_42 = arith.constant 0 : index
    %get3A_43 = vector.load %arg10[%get3A_41, %get3A_42] : memref<1x128xf32, #tpu.memory_space<vmem>>, vector<1x128xf32>
    %add3A_44 = vector.broadcast %get3A_43 : vector<1x128xf32> to vector<3200x128xf32>
    %add3A_45 = arith.addf %add3A_40, %add3A_44 : vector<3200x128xf32>
    %logistic3A = arith.negf %add3A_45 : vector<3200x128xf32>
    %logistic3A_46 = math.exp %logistic3A : vector<3200x128xf32>
    %logistic3A_47 = arith.constant 1.000000e+00 : f32
    %logistic3A_48 = vector.broadcast %logistic3A_47 : f32 to vector<3200x128xf32>
    %logistic3A_49 = arith.addf %logistic3A_48, %logistic3A_46 : vector<3200x128xf32>
    %logistic3A_50 = arith.divf %logistic3A_48, %logistic3A_49 : vector<3200x128xf32>
    %mul3A_51 = arith.mulf %add3A_45, %logistic3A_50 : vector<3200x128xf32>
    %swap3A = arith.constant 0 : index
    %swap3A_52 = arith.constant 0 : index
    %swap3A_53 = vector.load %arg11[%swap3A, %swap3A_52] : memref<3200x128xf32, #tpu.memory_space<vmem>>, vector<3200x128xf32>
    tpu.vector_store %arg11[%swap3A, %swap3A_52], %mul3A_51 {strides = array<i32>} : memref<3200x128xf32, #tpu.memory_space<vmem>>, vector<3200x128xf32>,
    %swap3A_54 = arith.constant 0 : index
    %swap3A_55 = arith.constant 0 : index
    %swap3A_56 = vector.load %arg12[%swap3A_54, %swap3A_55] : memref<3200x1xf32, #tpu.memory_space<vmem>>, vector<3200x1xf32>
    tpu.vector_store %arg12[%swap3A_54, %swap3A_55], %sqrt3A {strides = array<i32>} : memref<3200x1xf32, #tpu.memory_space<vmem>>, vector<3200x1xf32>,
    return
  }
  func.func @transform_0(%arg0: i32) -> (i32, i32) {
    %c0_i32 = arith.constant 0 : i32
    %c0_i32_0 = arith.constant 0 : i32
    return %arg0, %c0_i32 : i32, i32
  }
  func.func @transform_1(%arg0: i32) -> (i32, i32) {
    %c0_i32 = arith.constant 0 : i32
    %c0_i32_0 = arith.constant 0 : i32
    return %arg0, %c0_i32 : i32, i32
  }
  func.func @transform_2(%arg0: i32) -> (i32, i32) {
    %c0_i32 = arith.constant 0 : i32
    %c0_i32_0 = arith.constant 0 : i32
    return %arg0, %c0_i32 : i32, i32
  }
  func.func @transform_3(%arg0: i32) -> (i32, i32) {
    %c0_i32 = arith.constant 0 : i32
    %c0_i32_0 = arith.constant 0 : i32
    return %arg0, %c0_i32 : i32, i32
  }
  func.func @transform_4(%arg0: i32) -> (i32, i32) {
    %c0_i32 = arith.constant 0 : i32
    %c0_i32_0 = arith.constant 0 : i32
    return %arg0, %c0_i32 : i32, i32
  }
  func.func @transform_5(%arg0: i32) -> (i32, i32) {
    %c0_i32 = arith.constant 0 : i32
    %c0_i32_0 = arith.constant 0 : i32
    %c0_i32_1 = arith.constant 0 : i32
    return %c0_i32, %c0_i32_0 : i32, i32
  }
  func.func @transform_6(%arg0: i32) -> (i32, i32) {
    %c0_i32 = arith.constant 0 : i32
    %c0_i32_0 = arith.constant 0 : i32
    %c0_i32_1 = arith.constant 0 : i32
    return %c0_i32, %c0_i32_0 : i32, i32
  }
  func.func @transform_7(%arg0: i32) -> (i32, i32) {
    %c0_i32 = arith.constant 0 : i32
    %c0_i32_0 = arith.constant 0 : i32
    %c0_i32_1 = arith.constant 0 : i32
    return %c0_i32, %c0_i32_0 : i32, i32
  }
  func.func @transform_8(%arg0: i32) -> (i32, i32) {
    %c0_i32 = arith.constant 0 : i32
    %c0_i32_0 = arith.constant 0 : i32
    %c0_i32_1 = arith.constant 0 : i32
    return %c0_i32, %c0_i32_0 : i32, i32
  }
  func.func @transform_9(%arg0: i32) -> (i32, i32) {
    %c0_i32 = arith.constant 0 : i32
    %c0_i32_0 = arith.constant 0 : i32
    %c0_i32_1 = arith.constant 0 : i32
    return %c0_i32, %c0_i32_0 : i32, i32
  }
  func.func @transform_10(%arg0: i32) -> (i32, i32) {
    %c0_i32 = arith.constant 0 : i32
    %c0_i32_0 = arith.constant 0 : i32
    return %arg0, %c0_i32 : i32, i32
  }
  func.func @transform_11(%arg0: i32) -> (i32, i32) {
    %c0_i32 = arith.constant 0 : i32
    %c0_i32_0 = arith.constant 0 : i32
    return %arg0, %c0_i32 : i32, i32
  }
}

module attributes {stable_mosaic.version = 14 : i64} {
  func.func @_node_body(%arg0: i32, %arg1: memref<1000x128xf32, #tpu.memory_space<vmem>>, %arg2: memref<1000x128xf32, #tpu.memory_space<vmem>>, %arg3: memref<1000x128xf32, #tpu.memory_space<vmem>>, %arg4: memref<128x128xf32, #tpu.memory_space<vmem>>, %arg5: memref<128x128xf32, #tpu.memory_space<vmem>>, %arg6: memref<1x128xf32, #tpu.memory_space<vmem>>, %arg7: memref<1000x128xf32, #tpu.memory_space<vmem>>) attributes {dimension_semantics = [#tpu.dimension_semantics<arbitrary>], iteration_bounds = array<i64: 10>, scalar_prefetch = 0 : i64, scratch_operands = 0 : i64, tpu.core_type = #tpu.core_type<tc>, window_params = [{transform_indices = @transform_0, window_bounds = array<i64: 1000, 128>}, {transform_indices = @transform_1, window_bounds = array<i64: 1000, 128>}, {transform_indices = @transform_2, window_bounds = array<i64: 1000, 128>}, {pipeline_mode = #tpu.pipeline_mode<synchronous>, transform_indices = @transform_3, window_bounds = array<i64: 128, 128>}, {pipeline_mode = #tpu.pipeline_mode<synchronous>, transform_indices = @transform_4, window_bounds = array<i64: 128, 128>}, {pipeline_mode = #tpu.pipeline_mode<synchronous>, transform_indices = @transform_5, window_bounds = array<i64: 1, 128>}, {transform_indices = @transform_6, window_bounds = array<i64: 1000, 128>}]} {
    %get3A = arith.constant 0 : index
    %get3A_0 = arith.constant 0 : index
    %get3A_1 = vector.load %arg1[%get3A, %get3A_0] : memref<1000x128xf32, #tpu.memory_space<vmem>>, vector<1000x128xf32>
    %get3A_2 = arith.constant 0 : index
    %get3A_3 = arith.constant 0 : index
    %get3A_4 = vector.load %arg2[%get3A_2, %get3A_3] : memref<1000x128xf32, #tpu.memory_space<vmem>>, vector<1000x128xf32>
    %get3A_5 = arith.constant 0 : index
    %get3A_6 = arith.constant 0 : index
    %get3A_7 = vector.load %arg3[%get3A_5, %get3A_6] : memref<1000x128xf32, #tpu.memory_space<vmem>>, vector<1000x128xf32>
    %add3A = arith.addf %get3A_4, %get3A_7 : vector<1000x128xf32>
    %get3A_8 = arith.constant 0 : index
    %get3A_9 = arith.constant 0 : index
    %get3A_10 = vector.load %arg4[%get3A_8, %get3A_9] : memref<128x128xf32, #tpu.memory_space<vmem>>, vector<128x128xf32>
    %dot_general3A = arith.constant dense<0.000000e+00> : vector<1000x128xf32>
    %dot_general3A_11 = tpu.matmul %get3A_1, %get3A_10, %dot_general3A {dimension_numbers = #tpu.dot_dimension_numbers<[1], [0], [0], [1], [0, 0, 1, 1], [], []>, transpose_lhs_hint = false} : vector<1000x128xf32>, vector<128x128xf32>, vector<1000x128xf32> -> vector<1000x128xf32>
    %get3A_12 = arith.constant 0 : index
    %get3A_13 = arith.constant 0 : index
    %get3A_14 = vector.load %arg5[%get3A_12, %get3A_13] : memref<128x128xf32, #tpu.memory_space<vmem>>, vector<128x128xf32>
    %dot_general3A_15 = arith.constant dense<0.000000e+00> : vector<1000x128xf32>
    %dot_general3A_16 = tpu.matmul %add3A, %get3A_14, %dot_general3A_15 {dimension_numbers = #tpu.dot_dimension_numbers<[1], [0], [0], [1], [0, 0, 1, 1], [], []>, transpose_lhs_hint = false} : vector<1000x128xf32>, vector<128x128xf32>, vector<1000x128xf32> -> vector<1000x128xf32>
    %add3A_17 = arith.addf %dot_general3A_11, %dot_general3A_16 : vector<1000x128xf32>
    %get3A_18 = arith.constant 0 : index
    %get3A_19 = arith.constant 0 : index
    %get3A_20 = vector.load %arg6[%get3A_18, %get3A_19] : memref<1x128xf32, #tpu.memory_space<vmem>>, vector<1x128xf32>
    %add3A_21 = vector.broadcast %get3A_20 : vector<1x128xf32> to vector<1000x128xf32>
    %add3A_22 = arith.addf %add3A_17, %add3A_21 : vector<1000x128xf32>
    %logistic3A = arith.negf %add3A_22 : vector<1000x128xf32>
    %logistic3A_23 = math.exp %logistic3A : vector<1000x128xf32>
    %logistic3A_24 = arith.constant 1.000000e+00 : f32
    %logistic3A_25 = vector.broadcast %logistic3A_24 : f32 to vector<1000x128xf32>
    %logistic3A_26 = arith.addf %logistic3A_25, %logistic3A_23 : vector<1000x128xf32>
    %logistic3A_27 = arith.divf %logistic3A_25, %logistic3A_26 : vector<1000x128xf32>
    %mul3A = arith.mulf %add3A_22, %logistic3A_27 : vector<1000x128xf32>
    %add3A_28 = arith.addf %get3A_1, %mul3A : vector<1000x128xf32>
    %reduce_sum3A = arith.constant dense<0.000000e+00> : vector<1000xf32>
    %reduce_sum3A_29 = vector.multi_reduction <add>, %add3A_28, %reduce_sum3A [1] : vector<1000x128xf32> to vector<1000xf32>
    %broadcast_in_dim3A = vector.shape_cast %reduce_sum3A_29 : vector<1000xf32> to vector<1000x1xf32>
    %div3A = arith.constant 1.280000e+02 : f32
    %div3A_30 = vector.broadcast %div3A : f32 to vector<1000x1xf32>
    %div3A_31 = arith.divf %broadcast_in_dim3A, %div3A_30 : vector<1000x1xf32>
    %sub3A = vector.broadcast %div3A_31 : vector<1000x1xf32> to vector<1000x128xf32>
    %sub3A_32 = arith.subf %add3A_28, %sub3A : vector<1000x128xf32>
    %sub3A_33 = vector.broadcast %div3A_31 : vector<1000x1xf32> to vector<1000x128xf32>
    %sub3A_34 = arith.subf %add3A_28, %sub3A_33 : vector<1000x128xf32>
    %mul3A_35 = arith.mulf %sub3A_32, %sub3A_34 : vector<1000x128xf32>
    %reduce_sum3A_36 = arith.constant dense<0.000000e+00> : vector<1000xf32>
    %reduce_sum3A_37 = vector.multi_reduction <add>, %mul3A_35, %reduce_sum3A_36 [1] : vector<1000x128xf32> to vector<1000xf32>
    %broadcast_in_dim3A_38 = vector.shape_cast %reduce_sum3A_37 : vector<1000xf32> to vector<1000x1xf32>
    %div3A_39 = arith.constant 1.280000e+02 : f32
    %div3A_40 = vector.broadcast %div3A_39 : f32 to vector<1000x1xf32>
    %div3A_41 = arith.divf %broadcast_in_dim3A_38, %div3A_40 : vector<1000x1xf32>
    %sub3A_42 = vector.broadcast %div3A_31 : vector<1000x1xf32> to vector<1000x128xf32>
    %sub3A_43 = arith.subf %add3A_28, %sub3A_42 : vector<1000x128xf32>
    %add3A_44 = arith.constant 9.99999974E-6 : f32
    %add3A_45 = vector.broadcast %add3A_44 : f32 to vector<1000x1xf32>
    %add3A_46 = arith.addf %div3A_41, %add3A_45 : vector<1000x1xf32>
    %sqrt3A = math.sqrt %add3A_46 : vector<1000x1xf32>
    %div3A_47 = vector.broadcast %sqrt3A : vector<1000x1xf32> to vector<1000x128xf32>
    %div3A_48 = arith.divf %sub3A_43, %div3A_47 : vector<1000x128xf32>
    %swap3A = arith.constant 0 : index
    %swap3A_49 = arith.constant 0 : index
    %swap3A_50 = vector.load %arg7[%swap3A, %swap3A_49] : memref<1000x128xf32, #tpu.memory_space<vmem>>, vector<1000x128xf32>
    tpu.vector_store %arg7[%swap3A, %swap3A_49], %div3A_48 {strides = array<i32>} : memref<1000x128xf32, #tpu.memory_space<vmem>>, vector<1000x128xf32>,
    return
  }
  func.func @transform_0(%arg0: i32) -> (i32, i32) {
    %c0_i32 = arith.constant 0 : i32
    %c0_i32_0 = arith.constant 0 : i32
    return %arg0, %c0_i32 : i32, i32
  }
  func.func @transform_1(%arg0: i32) -> (i32, i32) {
    %c0_i32 = arith.constant 0 : i32
    %c0_i32_0 = arith.constant 0 : i32
    return %arg0, %c0_i32 : i32, i32
  }
  func.func @transform_2(%arg0: i32) -> (i32, i32) {
    %c0_i32 = arith.constant 0 : i32
    %c0_i32_0 = arith.constant 0 : i32
    return %arg0, %c0_i32 : i32, i32
  }
  func.func @transform_3(%arg0: i32) -> (i32, i32) {
    %c0_i32 = arith.constant 0 : i32
    %c0_i32_0 = arith.constant 0 : i32
    %c0_i32_1 = arith.constant 0 : i32
    return %c0_i32, %c0_i32_0 : i32, i32
  }
  func.func @transform_4(%arg0: i32) -> (i32, i32) {
    %c0_i32 = arith.constant 0 : i32
    %c0_i32_0 = arith.constant 0 : i32
    %c0_i32_1 = arith.constant 0 : i32
    return %c0_i32, %c0_i32_0 : i32, i32
  }
  func.func @transform_5(%arg0: i32) -> (i32, i32) {
    %c0_i32 = arith.constant 0 : i32
    %c0_i32_0 = arith.constant 0 : i32
    %c0_i32_1 = arith.constant 0 : i32
    return %c0_i32, %c0_i32_0 : i32, i32
  }
  func.func @transform_6(%arg0: i32) -> (i32, i32) {
    %c0_i32 = arith.constant 0 : i32
    %c0_i32_0 = arith.constant 0 : i32
    return %arg0, %c0_i32 : i32, i32
  }
}

module attributes {stable_mosaic.version = 14 : i64} {
  func.func @_passB_body(%arg0: i32, %arg1: memref<2000x128xf32, #tpu.memory_space<vmem>>, %arg2: memref<2000x128xf32, #tpu.memory_space<vmem>>, %arg3: memref<2000x3xf32, #tpu.memory_space<vmem>>, %arg4: memref<2000x13xf32, #tpu.memory_space<vmem>>, %arg5: memref<2000x1xf32, #tpu.memory_space<vmem>>, %arg6: memref<13x125xf32, #tpu.memory_space<vmem>>, %arg7: memref<1x125xf32, #tpu.memory_space<vmem>>, %arg8: memref<128x128xf32, #tpu.memory_space<vmem>>, %arg9: memref<128x128xf32, #tpu.memory_space<vmem>>, %arg10: memref<128x128xf32, #tpu.memory_space<vmem>>, %arg11: memref<1x128xf32, #tpu.memory_space<vmem>>, %arg12: memref<128x128xf32, #tpu.memory_space<vmem>>, %arg13: memref<128x128xf32, #tpu.memory_space<vmem>>, %arg14: memref<128x128xf32, #tpu.memory_space<vmem>>, %arg15: memref<1x128xf32, #tpu.memory_space<vmem>>, %arg16: memref<1x128xf32, #tpu.memory_space<vmem>>, %arg17: memref<2000x128xf32, #tpu.memory_space<vmem>>) attributes {dimension_semantics = [#tpu.dimension_semantics<arbitrary>], iteration_bounds = array<i64: 160>, scalar_prefetch = 0 : i64, scratch_operands = 0 : i64, tpu.core_type = #tpu.core_type<tc>, window_params = [{transform_indices = @transform_0, window_bounds = array<i64: 2000, 128>}, {transform_indices = @transform_1, window_bounds = array<i64: 2000, 128>}, {transform_indices = @transform_2, window_bounds = array<i64: 2000, 3>}, {transform_indices = @transform_3, window_bounds = array<i64: 2000, 13>}, {transform_indices = @transform_4, window_bounds = array<i64: 2000, 1>}, {pipeline_mode = #tpu.pipeline_mode<synchronous>, transform_indices = @transform_5, window_bounds = array<i64: 13, 125>}, {pipeline_mode = #tpu.pipeline_mode<synchronous>, transform_indices = @transform_6, window_bounds = array<i64: 1, 125>}, {pipeline_mode = #tpu.pipeline_mode<synchronous>, transform_indices = @transform_7, window_bounds = array<i64: 128, 128>}, {pipeline_mode = #tpu.pipeline_mode<synchronous>, transform_indices = @transform_8, window_bounds = array<i64: 128, 128>}, {pipeline_mode = #tpu.pipeline_mode<synchronous>, transform_indices = @transform_9, window_bounds = array<i64: 128, 128>}, {pipeline_mode = #tpu.pipeline_mode<synchronous>, transform_indices = @transform_10, window_bounds = array<i64: 1, 128>}, {pipeline_mode = #tpu.pipeline_mode<synchronous>, transform_indices = @transform_11, window_bounds = array<i64: 128, 128>}, {pipeline_mode = #tpu.pipeline_mode<synchronous>, transform_indices = @transform_12, window_bounds = array<i64: 128, 128>}, {pipeline_mode = #tpu.pipeline_mode<synchronous>, transform_indices = @transform_13, window_bounds = array<i64: 128, 128>}, {pipeline_mode = #tpu.pipeline_mode<synchronous>, transform_indices = @transform_14, window_bounds = array<i64: 1, 128>}, {pipeline_mode = #tpu.pipeline_mode<synchronous>, transform_indices = @transform_15, window_bounds = array<i64: 1, 128>}, {transform_indices = @transform_16, window_bounds = array<i64: 2000, 128>}]} {
    %get3A = arith.constant 0 : index
    %get3A_0 = arith.constant 0 : index
    %get3A_1 = vector.load %arg1[%get3A, %get3A_0] : memref<2000x128xf32, #tpu.memory_space<vmem>>, vector<2000x128xf32>
    %get3A_2 = arith.constant 0 : index
    %get3A_3 = arith.constant 0 : index
    %get3A_4 = vector.load %arg2[%get3A_2, %get3A_3] : memref<2000x128xf32, #tpu.memory_space<vmem>>, vector<2000x128xf32>
    %get3A_5 = arith.constant 0 : index
    %get3A_6 = arith.constant 0 : index
    %get3A_7 = vector.load %arg5[%get3A_5, %get3A_6] : memref<2000x1xf32, #tpu.memory_space<vmem>>, vector<2000x1xf32>
    %get3A_8 = arith.constant 0 : index
    %get3A_9 = arith.constant 0 : index
    %get3A_10 = vector.load %arg3[%get3A_8, %get3A_9] : memref<2000x3xf32, #tpu.memory_space<vmem>>, vector<2000x3xf32>
    %get3A_11 = arith.constant 0 : index
    %get3A_12 = arith.constant 0 : index
    %get3A_13 = vector.load %arg4[%get3A_11, %get3A_12] : memref<2000x13xf32, #tpu.memory_space<vmem>>, vector<2000x13xf32>
    %get3A_14 = arith.constant 0 : index
    %get3A_15 = arith.constant 0 : index
    %get3A_16 = vector.load %arg6[%get3A_14, %get3A_15] : memref<13x125xf32, #tpu.memory_space<vmem>>, vector<13x125xf32>
    %dot_general3A = arith.constant dense<0.000000e+00> : vector<2000x125xf32>
    %dot_general3A_17 = tpu.matmul %get3A_13, %get3A_16, %dot_general3A {dimension_numbers = #tpu.dot_dimension_numbers<[1], [0], [0], [1], [0, 0, 1, 1], [], []>, transpose_lhs_hint = false} : vector<2000x13xf32>, vector<13x125xf32>, vector<2000x125xf32> -> vector<2000x125xf32>
    %get3A_18 = arith.constant 0 : index
    %get3A_19 = arith.constant 0 : index
    %get3A_20 = vector.load %arg7[%get3A_18, %get3A_19] : memref<1x125xf32, #tpu.memory_space<vmem>>, vector<1x125xf32>
    %add3A = vector.broadcast %get3A_20 : vector<1x125xf32> to vector<2000x125xf32>
    %add3A_21 = arith.addf %dot_general3A_17, %add3A : vector<2000x125xf32>
    %concatenate3A = tpu.concatenate %get3A_10, %add3A_21 in 1 : vector<2000x3xf32>, vector<2000x125xf32> -> vector<2000x128xf32>
    %get3A_22 = arith.constant 0 : index
    %get3A_23 = arith.constant 0 : index
    %get3A_24 = vector.load %arg8[%get3A_22, %get3A_23] : memref<128x128xf32, #tpu.memory_space<vmem>>, vector<128x128xf32>
    %dot_general3A_25 = arith.constant dense<0.000000e+00> : vector<2000x128xf32>
    %dot_general3A_26 = tpu.matmul %get3A_1, %get3A_24, %dot_general3A_25 {dimension_numbers = #tpu.dot_dimension_numbers<[1], [0], [0], [1], [0, 0, 1, 1], [], []>, transpose_lhs_hint = false} : vector<2000x128xf32>, vector<128x128xf32>, vector<2000x128xf32> -> vector<2000x128xf32>
    %get3A_27 = arith.constant 0 : index
    %get3A_28 = arith.constant 0 : index
    %get3A_29 = vector.load %arg9[%get3A_27, %get3A_28] : memref<128x128xf32, #tpu.memory_space<vmem>>, vector<128x128xf32>
    %dot_general3A_30 = arith.constant dense<0.000000e+00> : vector<2000x128xf32>
    %dot_general3A_31 = tpu.matmul %get3A_4, %get3A_29, %dot_general3A_30 {dimension_numbers = #tpu.dot_dimension_numbers<[1], [0], [0], [1], [0, 0, 1, 1], [], []>, transpose_lhs_hint = false} : vector<2000x128xf32>, vector<128x128xf32>, vector<2000x128xf32> -> vector<2000x128xf32>
    %add3A_32 = arith.addf %dot_general3A_26, %dot_general3A_31 : vector<2000x128xf32>
    %get3A_33 = arith.constant 0 : index
    %get3A_34 = arith.constant 0 : index
    %get3A_35 = vector.load %arg10[%get3A_33, %get3A_34] : memref<128x128xf32, #tpu.memory_space<vmem>>, vector<128x128xf32>
    %dot_general3A_36 = arith.constant dense<0.000000e+00> : vector<2000x128xf32>
    %dot_general3A_37 = tpu.matmul %concatenate3A, %get3A_35, %dot_general3A_36 {dimension_numbers = #tpu.dot_dimension_numbers<[1], [0], [0], [1], [0, 0, 1, 1], [], []>, transpose_lhs_hint = false} : vector<2000x128xf32>, vector<128x128xf32>, vector<2000x128xf32> -> vector<2000x128xf32>
    %add3A_38 = arith.addf %add3A_32, %dot_general3A_37 : vector<2000x128xf32>
    %get3A_39 = arith.constant 0 : index
    %get3A_40 = arith.constant 0 : index
    %get3A_41 = vector.load %arg11[%get3A_39, %get3A_40] : memref<1x128xf32, #tpu.memory_space<vmem>>, vector<1x128xf32>
    %add3A_42 = vector.broadcast %get3A_41 : vector<1x128xf32> to vector<2000x128xf32>
    %add3A_43 = arith.addf %add3A_38, %add3A_42 : vector<2000x128xf32>
    %logistic3A = arith.negf %add3A_43 : vector<2000x128xf32>
    %logistic3A_44 = math.exp %logistic3A : vector<2000x128xf32>
    %logistic3A_45 = arith.constant 1.000000e+00 : f32
    %logistic3A_46 = vector.broadcast %logistic3A_45 : f32 to vector<2000x128xf32>
    %logistic3A_47 = arith.addf %logistic3A_46, %logistic3A_44 : vector<2000x128xf32>
    %logistic3A_48 = arith.divf %logistic3A_46, %logistic3A_47 : vector<2000x128xf32>
    %mul3A = arith.mulf %add3A_43, %logistic3A_48 : vector<2000x128xf32>
    %add3A_49 = arith.addf %concatenate3A, %mul3A : vector<2000x128xf32>
    %reduce_sum3A = arith.constant dense<0.000000e+00> : vector<2000xf32>
    %reduce_sum3A_50 = vector.multi_reduction <add>, %add3A_49, %reduce_sum3A [1] : vector<2000x128xf32> to vector<2000xf32>
    %broadcast_in_dim3A = vector.shape_cast %reduce_sum3A_50 : vector<2000xf32> to vector<2000x1xf32>
    %div3A = arith.constant 1.280000e+02 : f32
    %div3A_51 = vector.broadcast %div3A : f32 to vector<2000x1xf32>
    %div3A_52 = arith.divf %broadcast_in_dim3A, %div3A_51 : vector<2000x1xf32>
    %sub3A = vector.broadcast %div3A_52 : vector<2000x1xf32> to vector<2000x128xf32>
    %sub3A_53 = arith.subf %add3A_49, %sub3A : vector<2000x128xf32>
    %sub3A_54 = vector.broadcast %div3A_52 : vector<2000x1xf32> to vector<2000x128xf32>
    %sub3A_55 = arith.subf %add3A_49, %sub3A_54 : vector<2000x128xf32>
    %mul3A_56 = arith.mulf %sub3A_53, %sub3A_55 : vector<2000x128xf32>
    %reduce_sum3A_57 = arith.constant dense<0.000000e+00> : vector<2000xf32>
    %reduce_sum3A_58 = vector.multi_reduction <add>, %mul3A_56, %reduce_sum3A_57 [1] : vector<2000x128xf32> to vector<2000xf32>
    %broadcast_in_dim3A_59 = vector.shape_cast %reduce_sum3A_58 : vector<2000xf32> to vector<2000x1xf32>
    %div3A_60 = arith.constant 1.280000e+02 : f32
    %div3A_61 = vector.broadcast %div3A_60 : f32 to vector<2000x1xf32>
    %div3A_62 = arith.divf %broadcast_in_dim3A_59, %div3A_61 : vector<2000x1xf32>
    %sub3A_63 = vector.broadcast %div3A_52 : vector<2000x1xf32> to vector<2000x128xf32>
    %sub3A_64 = arith.subf %add3A_49, %sub3A_63 : vector<2000x128xf32>
    %add3A_65 = arith.constant 9.99999974E-6 : f32
    %add3A_66 = vector.broadcast %add3A_65 : f32 to vector<2000x1xf32>
    %add3A_67 = arith.addf %div3A_62, %add3A_66 : vector<2000x1xf32>
    %sqrt3A = math.sqrt %add3A_67 : vector<2000x1xf32>
    %div3A_68 = vector.broadcast %sqrt3A : vector<2000x1xf32> to vector<2000x128xf32>
    %div3A_69 = arith.divf %sub3A_64, %div3A_68 : vector<2000x128xf32>
    %get3A_70 = arith.constant 0 : index
    %get3A_71 = arith.constant 0 : index
    %get3A_72 = vector.load %arg12[%get3A_70, %get3A_71] : memref<128x128xf32, #tpu.memory_space<vmem>>, vector<128x128xf32>
    %dot_general3A_73 = arith.constant dense<0.000000e+00> : vector<2000x128xf32>
    %dot_general3A_74 = tpu.matmul %get3A_1, %get3A_72, %dot_general3A_73 {dimension_numbers = #tpu.dot_dimension_numbers<[1], [0], [0], [1], [0, 0, 1, 1], [], []>, transpose_lhs_hint = false} : vector<2000x128xf32>, vector<128x128xf32>, vector<2000x128xf32> -> vector<2000x128xf32>
    %get3A_75 = arith.constant 0 : index
    %get3A_76 = arith.constant 0 : index
    %get3A_77 = vector.load %arg13[%get3A_75, %get3A_76] : memref<128x128xf32, #tpu.memory_space<vmem>>, vector<128x128xf32>
    %dot_general3A_78 = arith.constant dense<0.000000e+00> : vector<2000x128xf32>
    %dot_general3A_79 = tpu.matmul %get3A_4, %get3A_77, %dot_general3A_78 {dimension_numbers = #tpu.dot_dimension_numbers<[1], [0], [0], [1], [0, 0, 1, 1], [], []>, transpose_lhs_hint = false} : vector<2000x128xf32>, vector<128x128xf32>, vector<2000x128xf32> -> vector<2000x128xf32>
    %add3A_80 = arith.addf %dot_general3A_74, %dot_general3A_79 : vector<2000x128xf32>
    %get3A_81 = arith.constant 0 : index
    %get3A_82 = arith.constant 0 : index
    %get3A_83 = vector.load %arg14[%get3A_81, %get3A_82] : memref<128x128xf32, #tpu.memory_space<vmem>>, vector<128x128xf32>
    %dot_general3A_84 = arith.constant dense<0.000000e+00> : vector<2000x128xf32>
    %dot_general3A_85 = tpu.matmul %div3A_69, %get3A_83, %dot_general3A_84 {dimension_numbers = #tpu.dot_dimension_numbers<[1], [0], [0], [1], [0, 0, 1, 1], [], []>, transpose_lhs_hint = false} : vector<2000x128xf32>, vector<128x128xf32>, vector<2000x128xf32> -> vector<2000x128xf32>
    %add3A_86 = arith.addf %add3A_80, %dot_general3A_85 : vector<2000x128xf32>
    %convert_element_type3A = arith.truncf %get3A_7 : vector<2000x1xf32> to vector<2000x1xbf16>
    %convert_element_type3A_87 = arith.extf %convert_element_type3A : vector<2000x1xbf16> to vector<2000x1xf32>
    %get3A_88 = arith.constant 0 : index
    %get3A_89 = arith.constant 0 : index
    %get3A_90 = vector.load %arg15[%get3A_88, %get3A_89] : memref<1x128xf32, #tpu.memory_space<vmem>>, vector<1x128xf32>
    %convert_element_type3A_91 = arith.truncf %get3A_90 : vector<1x128xf32> to vector<1x128xbf16>
    %convert_element_type3A_92 = arith.extf %convert_element_type3A_91 : vector<1x128xbf16> to vector<1x128xf32>
    %mul3A_93 = vector.broadcast %convert_element_type3A_87 : vector<2000x1xf32> to vector<2000x128xf32>
    %mul3A_94 = vector.broadcast %convert_element_type3A_92 : vector<1x128xf32> to vector<2000x128xf32>
    %mul3A_95 = arith.mulf %mul3A_93, %mul3A_94 : vector<2000x128xf32>
    %add3A_96 = arith.addf %add3A_86, %mul3A_95 : vector<2000x128xf32>
    %get3A_97 = arith.constant 0 : index
    %get3A_98 = arith.constant 0 : index
    %get3A_99 = vector.load %arg16[%get3A_97, %get3A_98] : memref<1x128xf32, #tpu.memory_space<vmem>>, vector<1x128xf32>
    %add3A_100 = vector.broadcast %get3A_99 : vector<1x128xf32> to vector<2000x128xf32>
    %add3A_101 = arith.addf %add3A_96, %add3A_100 : vector<2000x128xf32>
    %logistic3A_102 = arith.negf %add3A_101 : vector<2000x128xf32>
    %logistic3A_103 = math.exp %logistic3A_102 : vector<2000x128xf32>
    %logistic3A_104 = arith.constant 1.000000e+00 : f32
    %logistic3A_105 = vector.broadcast %logistic3A_104 : f32 to vector<2000x128xf32>
    %logistic3A_106 = arith.addf %logistic3A_105, %logistic3A_103 : vector<2000x128xf32>
    %logistic3A_107 = arith.divf %logistic3A_105, %logistic3A_106 : vector<2000x128xf32>
    %mul3A_108 = arith.mulf %add3A_101, %logistic3A_107 : vector<2000x128xf32>
    %swap3A = arith.constant 0 : index
    %swap3A_109 = arith.constant 0 : index
    %swap3A_110 = vector.load %arg17[%swap3A, %swap3A_109] : memref<2000x128xf32, #tpu.memory_space<vmem>>, vector<2000x128xf32>
    tpu.vector_store %arg17[%swap3A, %swap3A_109], %mul3A_108 {strides = array<i32>} : memref<2000x128xf32, #tpu.memory_space<vmem>>, vector<2000x128xf32>,
    return
  }
  func.func @transform_0(%arg0: i32) -> (i32, i32) {
    %c0_i32 = arith.constant 0 : i32
    %c0_i32_0 = arith.constant 0 : i32
    return %arg0, %c0_i32 : i32, i32
  }
  func.func @transform_1(%arg0: i32) -> (i32, i32) {
    %c0_i32 = arith.constant 0 : i32
    %c0_i32_0 = arith.constant 0 : i32
    return %arg0, %c0_i32 : i32, i32
  }
  func.func @transform_2(%arg0: i32) -> (i32, i32) {
    %c0_i32 = arith.constant 0 : i32
    %c0_i32_0 = arith.constant 0 : i32
    return %arg0, %c0_i32 : i32, i32
  }
  func.func @transform_3(%arg0: i32) -> (i32, i32) {
    %c0_i32 = arith.constant 0 : i32
    %c0_i32_0 = arith.constant 0 : i32
    return %arg0, %c0_i32 : i32, i32
  }
  func.func @transform_4(%arg0: i32) -> (i32, i32) {
    %c0_i32 = arith.constant 0 : i32
    %c0_i32_0 = arith.constant 0 : i32
    return %arg0, %c0_i32 : i32, i32
  }
  func.func @transform_5(%arg0: i32) -> (i32, i32) {
    %c0_i32 = arith.constant 0 : i32
    %c0_i32_0 = arith.constant 0 : i32
    %c0_i32_1 = arith.constant 0 : i32
    return %c0_i32, %c0_i32_0 : i32, i32
  }
  func.func @transform_6(%arg0: i32) -> (i32, i32) {
    %c0_i32 = arith.constant 0 : i32
    %c0_i32_0 = arith.constant 0 : i32
    %c0_i32_1 = arith.constant 0 : i32
    return %c0_i32, %c0_i32_0 : i32, i32
  }
  func.func @transform_7(%arg0: i32) -> (i32, i32) {
    %c0_i32 = arith.constant 0 : i32
    %c0_i32_0 = arith.constant 0 : i32
    %c0_i32_1 = arith.constant 0 : i32
    return %c0_i32, %c0_i32_0 : i32, i32
  }
  func.func @transform_8(%arg0: i32) -> (i32, i32) {
    %c0_i32 = arith.constant 0 : i32
    %c0_i32_0 = arith.constant 0 : i32
    %c0_i32_1 = arith.constant 0 : i32
    return %c0_i32, %c0_i32_0 : i32, i32
  }
  func.func @transform_9(%arg0: i32) -> (i32, i32) {
    %c0_i32 = arith.constant 0 : i32
    %c0_i32_0 = arith.constant 0 : i32
    %c0_i32_1 = arith.constant 0 : i32
    return %c0_i32, %c0_i32_0 : i32, i32
  }
  func.func @transform_10(%arg0: i32) -> (i32, i32) {
    %c0_i32 = arith.constant 0 : i32
    %c0_i32_0 = arith.constant 0 : i32
    %c0_i32_1 = arith.constant 0 : i32
    return %c0_i32, %c0_i32_0 : i32, i32
  }
  func.func @transform_11(%arg0: i32) -> (i32, i32) {
    %c0_i32 = arith.constant 0 : i32
    %c0_i32_0 = arith.constant 0 : i32
    %c0_i32_1 = arith.constant 0 : i32
    return %c0_i32, %c0_i32_0 : i32, i32
  }
  func.func @transform_12(%arg0: i32) -> (i32, i32) {
    %c0_i32 = arith.constant 0 : i32
    %c0_i32_0 = arith.constant 0 : i32
    %c0_i32_1 = arith.constant 0 : i32
    return %c0_i32, %c0_i32_0 : i32, i32
  }
  func.func @transform_13(%arg0: i32) -> (i32, i32) {
    %c0_i32 = arith.constant 0 : i32
    %c0_i32_0 = arith.constant 0 : i32
    %c0_i32_1 = arith.constant 0 : i32
    return %c0_i32, %c0_i32_0 : i32, i32
  }
  func.func @transform_14(%arg0: i32) -> (i32, i32) {
    %c0_i32 = arith.constant 0 : i32
    %c0_i32_0 = arith.constant 0 : i32
    %c0_i32_1 = arith.constant 0 : i32
    return %c0_i32, %c0_i32_0 : i32, i32
  }
  func.func @transform_15(%arg0: i32) -> (i32, i32) {
    %c0_i32 = arith.constant 0 : i32
    %c0_i32_0 = arith.constant 0 : i32
    %c0_i32_1 = arith.constant 0 : i32
    return %c0_i32, %c0_i32_0 : i32, i32
  }
  func.func @transform_16(%arg0: i32) -> (i32, i32) {
    %c0_i32 = arith.constant 0 : i32
    %c0_i32_0 = arith.constant 0 : i32
    return %arg0, %c0_i32 : i32, i32
  }
}

module attributes {stable_mosaic.version = 14 : i64} {
  func.func @_final_body(%arg0: memref<10000x128xf32, #tpu.memory_space<vmem>>, %arg1: memref<10000x128xf32, #tpu.memory_space<vmem>>, %arg2: memref<10000x128xf32, #tpu.memory_space<vmem>>, %arg3: memref<128x128xf32, #tpu.memory_space<vmem>>, %arg4: memref<128x128xf32, #tpu.memory_space<vmem>>, %arg5: memref<1x128xf32, #tpu.memory_space<vmem>>, %arg6: memref<128x64xf32, #tpu.memory_space<vmem>>, %arg7: memref<1x64xf32, #tpu.memory_space<vmem>>, %arg8: memref<64x1xf32, #tpu.memory_space<vmem>>, %arg9: memref<10000x64xf32, #tpu.memory_space<vmem>>, %arg10: memref<1x64xf32, #tpu.memory_space<vmem>>) attributes {dimension_semantics = [], scalar_prefetch = 0 : i64, scratch_operands = 0 : i64, tpu.core_type = #tpu.core_type<tc>} {
    %get3A = arith.constant 0 : index
    %get3A_0 = arith.constant 0 : index
    %get3A_1 = vector.load %arg0[%get3A, %get3A_0] : memref<10000x128xf32, #tpu.memory_space<vmem>>, vector<10000x128xf32>
    %get3A_2 = arith.constant 0 : index
    %get3A_3 = arith.constant 0 : index
    %get3A_4 = vector.load %arg1[%get3A_2, %get3A_3] : memref<10000x128xf32, #tpu.memory_space<vmem>>, vector<10000x128xf32>
    %get3A_5 = arith.constant 0 : index
    %get3A_6 = arith.constant 0 : index
    %get3A_7 = vector.load %arg2[%get3A_5, %get3A_6] : memref<10000x128xf32, #tpu.memory_space<vmem>>, vector<10000x128xf32>
    %add3A = arith.addf %get3A_4, %get3A_7 : vector<10000x128xf32>
    %get3A_8 = arith.constant 0 : index
    %get3A_9 = arith.constant 0 : index
    %get3A_10 = vector.load %arg3[%get3A_8, %get3A_9] : memref<128x128xf32, #tpu.memory_space<vmem>>, vector<128x128xf32>
    %dot_general3A = arith.constant dense<0.000000e+00> : vector<10000x128xf32>
    %dot_general3A_11 = tpu.matmul %get3A_1, %get3A_10, %dot_general3A {dimension_numbers = #tpu.dot_dimension_numbers<[1], [0], [0], [1], [0, 0, 1, 1], [], []>, transpose_lhs_hint = false} : vector<10000x128xf32>, vector<128x128xf32>, vector<10000x128xf32> -> vector<10000x128xf32>
    %get3A_12 = arith.constant 0 : index
    %get3A_13 = arith.constant 0 : index
    %get3A_14 = vector.load %arg4[%get3A_12, %get3A_13] : memref<128x128xf32, #tpu.memory_space<vmem>>, vector<128x128xf32>
    %dot_general3A_15 = arith.constant dense<0.000000e+00> : vector<10000x128xf32>
    %dot_general3A_16 = tpu.matmul %add3A, %get3A_14, %dot_general3A_15 {dimension_numbers = #tpu.dot_dimension_numbers<[1], [0], [0], [1], [0, 0, 1, 1], [], []>, transpose_lhs_hint = false} : vector<10000x128xf32>, vector<128x128xf32>, vector<10000x128xf32> -> vector<10000x128xf32>
    %add3A_17 = arith.addf %dot_general3A_11, %dot_general3A_16 : vector<10000x128xf32>
    %get3A_18 = arith.constant 0 : index
    %get3A_19 = arith.constant 0 : index
    %get3A_20 = vector.load %arg5[%get3A_18, %get3A_19] : memref<1x128xf32, #tpu.memory_space<vmem>>, vector<1x128xf32>
    %add3A_21 = vector.broadcast %get3A_20 : vector<1x128xf32> to vector<10000x128xf32>
    %add3A_22 = arith.addf %add3A_17, %add3A_21 : vector<10000x128xf32>
    %logistic3A = arith.negf %add3A_22 : vector<10000x128xf32>
    %logistic3A_23 = math.exp %logistic3A : vector<10000x128xf32>
    %logistic3A_24 = arith.constant 1.000000e+00 : f32
    %logistic3A_25 = vector.broadcast %logistic3A_24 : f32 to vector<10000x128xf32>
    %logistic3A_26 = arith.addf %logistic3A_25, %logistic3A_23 : vector<10000x128xf32>
    %logistic3A_27 = arith.divf %logistic3A_25, %logistic3A_26 : vector<10000x128xf32>
    %mul3A = arith.mulf %add3A_22, %logistic3A_27 : vector<10000x128xf32>
    %add3A_28 = arith.addf %get3A_1, %mul3A : vector<10000x128xf32>
    %reduce_sum3A = arith.constant dense<0.000000e+00> : vector<10000xf32>
    %reduce_sum3A_29 = vector.multi_reduction <add>, %add3A_28, %reduce_sum3A [1] : vector<10000x128xf32> to vector<10000xf32>
    %broadcast_in_dim3A = vector.shape_cast %reduce_sum3A_29 : vector<10000xf32> to vector<10000x1xf32>
    %div3A = arith.constant 1.280000e+02 : f32
    %div3A_30 = vector.broadcast %div3A : f32 to vector<10000x1xf32>
    %div3A_31 = arith.divf %broadcast_in_dim3A, %div3A_30 : vector<10000x1xf32>
    %sub3A = vector.broadcast %div3A_31 : vector<10000x1xf32> to vector<10000x128xf32>
    %sub3A_32 = arith.subf %add3A_28, %sub3A : vector<10000x128xf32>
    %sub3A_33 = vector.broadcast %div3A_31 : vector<10000x1xf32> to vector<10000x128xf32>
    %sub3A_34 = arith.subf %add3A_28, %sub3A_33 : vector<10000x128xf32>
    %mul3A_35 = arith.mulf %sub3A_32, %sub3A_34 : vector<10000x128xf32>
    %reduce_sum3A_36 = arith.constant dense<0.000000e+00> : vector<10000xf32>
    %reduce_sum3A_37 = vector.multi_reduction <add>, %mul3A_35, %reduce_sum3A_36 [1] : vector<10000x128xf32> to vector<10000xf32>
    %broadcast_in_dim3A_38 = vector.shape_cast %reduce_sum3A_37 : vector<10000xf32> to vector<10000x1xf32>
    %div3A_39 = arith.constant 1.280000e+02 : f32
    %div3A_40 = vector.broadcast %div3A_39 : f32 to vector<10000x1xf32>
    %div3A_41 = arith.divf %broadcast_in_dim3A_38, %div3A_40 : vector<10000x1xf32>
    %sub3A_42 = vector.broadcast %div3A_31 : vector<10000x1xf32> to vector<10000x128xf32>
    %sub3A_43 = arith.subf %add3A_28, %sub3A_42 : vector<10000x128xf32>
    %add3A_44 = arith.constant 9.99999974E-6 : f32
    %add3A_45 = vector.broadcast %add3A_44 : f32 to vector<10000x1xf32>
    %add3A_46 = arith.addf %div3A_41, %add3A_45 : vector<10000x1xf32>
    %sqrt3A = math.sqrt %add3A_46 : vector<10000x1xf32>
    %div3A_47 = vector.broadcast %sqrt3A : vector<10000x1xf32> to vector<10000x128xf32>
    %div3A_48 = arith.divf %sub3A_43, %div3A_47 : vector<10000x128xf32>
    %get3A_49 = arith.constant 0 : index
    %get3A_50 = arith.constant 0 : index
    %get3A_51 = vector.load %arg6[%get3A_49, %get3A_50] : memref<128x64xf32, #tpu.memory_space<vmem>>, vector<128x64xf32>
    %dot_general3A_52 = arith.constant dense<0.000000e+00> : vector<10000x64xf32>
    %dot_general3A_53 = tpu.matmul %div3A_48, %get3A_51, %dot_general3A_52 {dimension_numbers = #tpu.dot_dimension_numbers<[1], [0], [0], [1], [0, 0, 1, 1], [], []>, transpose_lhs_hint = false} : vector<10000x128xf32>, vector<128x64xf32>, vector<10000x64xf32> -> vector<10000x64xf32>
    %get3A_54 = arith.constant 0 : index
    %get3A_55 = arith.constant 0 : index
    %get3A_56 = vector.load %arg7[%get3A_54, %get3A_55] : memref<1x64xf32, #tpu.memory_space<vmem>>, vector<1x64xf32>
    %add3A_57 = vector.broadcast %get3A_56 : vector<1x64xf32> to vector<10000x64xf32>
    %add3A_58 = arith.addf %dot_general3A_53, %add3A_57 : vector<10000x64xf32>
    %swap3A = arith.constant 0 : index
    %swap3A_59 = arith.constant 0 : index
    %swap3A_60 = vector.load %arg9[%swap3A, %swap3A_59] : memref<10000x64xf32, #tpu.memory_space<vmem>>, vector<10000x64xf32>
    tpu.vector_store %arg9[%swap3A, %swap3A_59], %add3A_58 {strides = array<i32>} : memref<10000x64xf32, #tpu.memory_space<vmem>>, vector<10000x64xf32>,
    %get3A_61 = arith.constant 0 : index
    %get3A_62 = arith.constant 0 : index
    %get3A_63 = vector.load %arg8[%get3A_61, %get3A_62] : memref<64x1xf32, #tpu.memory_space<vmem>>, vector<64x1xf32>
    %dot_general3A_64 = arith.constant dense<0.000000e+00> : vector<10000x1xf32>
    %dot_general3A_65 = tpu.matmul %add3A_58, %get3A_63, %dot_general3A_64 {dimension_numbers = #tpu.dot_dimension_numbers<[1], [0], [0], [1], [0, 0, 1, 1], [], []>, transpose_lhs_hint = false} : vector<10000x64xf32>, vector<64x1xf32>, vector<10000x1xf32> -> vector<10000x1xf32>
    %mul3A_66 = arith.mulf %get3A_63, %get3A_63 : vector<64x1xf32>
    %reduce_sum3A_67 = vector.shape_cast %mul3A_66 : vector<64x1xf32> to vector<1x64x1xf32>
    %reduce_sum3A_68 = arith.constant dense<0.000000e+00> : vector<1xf32>
    %reduce_sum3A_69 = vector.multi_reduction <add>, %reduce_sum3A_67, %reduce_sum3A_68 [1, 2] : vector<1x64x1xf32> to vector<1xf32>
    %reduce_sum3A_70 = vector.shape_cast %reduce_sum3A_69 : vector<1xf32> to vector<1x1x1xf32>
    %reduce_sum3A_71 = vector.extract %reduce_sum3A_70[0, 0, 0] : f32 from vector<1x1x1xf32>
    %add3A_72 = arith.constant 9.99999996E-13 : f32
    %add3A_73 = arith.addf %reduce_sum3A_71, %add3A_72 : f32
    %sqrt3A_74 = math.sqrt %add3A_73 : f32
    %div3A_75 = vector.broadcast %sqrt3A_74 : f32 to vector<10000x1xf32>
    %div3A_76 = arith.divf %dot_general3A_65, %div3A_75 : vector<10000x1xf32>
    %bitcast_convert_type3A = tpu.bitcast %div3A_76 : vector<10000x1xf32> -> vector<10000x1xi32>
    %ge3A = arith.constant 0 : i32
    %ge3A_77 = vector.broadcast %ge3A : i32 to vector<10000x1xi32>
    %ge3A_78 = arith.cmpi sge, %bitcast_convert_type3A, %ge3A_77 : vector<10000x1xi32>
    %xor3A = arith.constant -2147483648 : i32
    %xor3A_79 = vector.broadcast %xor3A : i32 to vector<10000x1xi32>
    %xor3A_80 = arith.xori %bitcast_convert_type3A, %xor3A_79 : vector<10000x1xi32>
    %not3A = arith.constant dense<-1> : vector<10000x1xi32>
    %not3A_81 = arith.xori %bitcast_convert_type3A, %not3A : vector<10000x1xi32>
    %select_n3A = arith.select %ge3A_78, %xor3A_80, %not3A_81 : vector<10000x1xi1>, vector<10000x1xi32>
    %scan3A = arith.constant 0 : i32
    %scan3A_82 = arith.constant 0 : i32
    %scan3A_83 = arith.constant 32 : i32
    %scan3A_84 = arith.addi %scan3A_82, %scan3A_83 : i32
    %scan3A_85 = arith.constant 1 : i32
    %scan3A_86 = scf.for %scan3A_133 = %scan3A_82 to %scan3A_84 step %scan3A_85 iter_args(%scan3A_134 = %scan3A) -> (i32)  : i32 {
      %sub3A_135 = arith.constant 31 : i32
      %sub3A_136 = arith.subi %sub3A_135, %scan3A_133 : i32
      %shift_left3A = arith.constant 1 : i32
      %shift_left3A_137 = arith.shli %shift_left3A, %sub3A_136 : i32
      %or3A = arith.ori %scan3A_134, %shift_left3A_137 : i32
      %ge3A_138 = vector.broadcast %or3A : i32 to vector<10000x1xi32>
      %ge3A_139 = arith.cmpi uge, %select_n3A, %ge3A_138 : vector<10000x1xi32>
      %convert_element_type3A_140 = arith.extui %ge3A_139 : vector<10000x1xi1> to vector<10000x1xi32>
      %reduce_sum3A_141 = vector.shape_cast %convert_element_type3A_140 : vector<10000x1xi32> to vector<1x10000x1xi32>
      %reduce_sum3A_142 = arith.constant dense<0> : vector<1xi32>
      %reduce_sum3A_143 = vector.multi_reduction <add>, %reduce_sum3A_141, %reduce_sum3A_142 [1, 2] : vector<1x10000x1xi32> to vector<1xi32>
      %reduce_sum3A_144 = vector.shape_cast %reduce_sum3A_143 : vector<1xi32> to vector<1x1x1xi32>
      %reduce_sum3A_145 = vector.extract %reduce_sum3A_144[0, 0, 0] : i32 from vector<1x1x1xi32>
      %ge3A_146 = arith.constant 5000 : i32
      %ge3A_147 = arith.cmpi sge, %reduce_sum3A_145, %ge3A_146 : i32
      %select_n3A_148 = arith.select %ge3A_147, %or3A, %scan3A_134 : i32
      scf.yield %select_n3A_148 : i32
    }
    %scan3A_87 = arith.constant 32 : i32
    %gt3A = vector.broadcast %scan3A_86 : i32 to vector<10000x1xi32>
    %gt3A_88 = arith.cmpi ugt, %select_n3A, %gt3A : vector<10000x1xi32>
    %eq3A = vector.broadcast %scan3A_86 : i32 to vector<10000x1xi32>
    %eq3A_89 = arith.cmpi eq, %select_n3A, %eq3A : vector<10000x1xi32>
    %convert_element_type3A = arith.extui %gt3A_88 : vector<10000x1xi1> to vector<10000x1xi32>
    %reduce_sum3A_90 = vector.shape_cast %convert_element_type3A : vector<10000x1xi32> to vector<1x10000x1xi32>
    %reduce_sum3A_91 = arith.constant dense<0> : vector<1xi32>
    %reduce_sum3A_92 = vector.multi_reduction <add>, %reduce_sum3A_90, %reduce_sum3A_91 [1, 2] : vector<1x10000x1xi32> to vector<1xi32>
    %reduce_sum3A_93 = vector.shape_cast %reduce_sum3A_92 : vector<1xi32> to vector<1x1x1xi32>
    %reduce_sum3A_94 = vector.extract %reduce_sum3A_93[0, 0, 0] : i32 from vector<1x1x1xi32>
    %convert_element_type3A_95 = arith.extui %eq3A_89 : vector<10000x1xi1> to vector<10000x1xi32>
    %reduce_sum3A_96 = vector.shape_cast %convert_element_type3A_95 : vector<10000x1xi32> to vector<1x10000x1xi32>
    %reduce_sum3A_97 = arith.constant dense<0> : vector<1xi32>
    %reduce_sum3A_98 = vector.multi_reduction <add>, %reduce_sum3A_96, %reduce_sum3A_97 [1, 2] : vector<1x10000x1xi32> to vector<1xi32>
    %reduce_sum3A_99 = vector.shape_cast %reduce_sum3A_98 : vector<1xi32> to vector<1x1x1xi32>
    %reduce_sum3A_100 = vector.extract %reduce_sum3A_99[0, 0, 0] : i32 from vector<1x1x1xi32>
    %sub3A_101 = arith.constant 5000 : i32
    %sub3A_102 = arith.subi %sub3A_101, %reduce_sum3A_94 : i32
    %convert_element_type3A_103 = arith.sitofp %sub3A_102 : i32 to f32
    %tanh3A = math.tanh %div3A_76 : vector<10000x1xf32>
    %mul3A_104 = vector.broadcast %tanh3A : vector<10000x1xf32> to vector<10000x64xf32>
    %mul3A_105 = arith.mulf %add3A_58, %mul3A_104 : vector<10000x64xf32>
    %jit3A = arith.constant 0.000000e+00 : f32
    %broadcast_in_dim3A_106 = vector.shape_cast %gt3A_88 : vector<10000x1xi1> to vector<10000x1xi1>
    %broadcast_in_dim3A_107 = vector.broadcast %broadcast_in_dim3A_106 : vector<10000x1xi1> to vector<10000x64xi1>
    %broadcast_in_dim3A_108 = vector.broadcast %jit3A : f32 to vector<10000x64xf32>
    %select_n3A_109 = arith.select %broadcast_in_dim3A_107, %mul3A_105, %broadcast_in_dim3A_108 : vector<10000x64xi1>, vector<10000x64xf32>
    %reduce_sum3A_110 = arith.constant dense<0.000000e+00> : vector<64xf32>
    %reduce_sum3A_111 = vector.multi_reduction <add>, %select_n3A_109, %reduce_sum3A_110 [0] : vector<10000x64xf32> to vector<64xf32>
    %broadcast_in_dim3A_112 = vector.shape_cast %reduce_sum3A_111 : vector<64xf32> to vector<1x64xf32>
    %jit3A_113 = arith.constant 0.000000e+00 : f32
    %broadcast_in_dim3A_114 = vector.shape_cast %eq3A_89 : vector<10000x1xi1> to vector<10000x1xi1>
    %broadcast_in_dim3A_115 = vector.broadcast %broadcast_in_dim3A_114 : vector<10000x1xi1> to vector<10000x64xi1>
    %broadcast_in_dim3A_116 = vector.broadcast %jit3A_113 : f32 to vector<10000x64xf32>
    %select_n3A_117 = arith.select %broadcast_in_dim3A_115, %mul3A_105, %broadcast_in_dim3A_116 : vector<10000x64xi1>, vector<10000x64xf32>
    %reduce_sum3A_118 = arith.constant dense<0.000000e+00> : vector<64xf32>
    %reduce_sum3A_119 = vector.multi_reduction <add>, %select_n3A_117, %reduce_sum3A_118 [0] : vector<10000x64xf32> to vector<64xf32>
    %broadcast_in_dim3A_120 = vector.shape_cast %reduce_sum3A_119 : vector<64xf32> to vector<1x64xf32>
    %max3A = arith.constant 1 : i32
    %max3A_121 = arith.maxsi %reduce_sum3A_100, %max3A : i32
    %convert_element_type3A_122 = arith.sitofp %max3A_121 : i32 to f32
    %div3A_123 = arith.divf %convert_element_type3A_103, %convert_element_type3A_122 : f32
    %mul3A_124 = vector.broadcast %div3A_123 : f32 to vector<1x64xf32>
    %mul3A_125 = arith.mulf %broadcast_in_dim3A_120, %mul3A_124 : vector<1x64xf32>
    %add3A_126 = arith.addf %broadcast_in_dim3A_112, %mul3A_125 : vector<1x64xf32>
    %div3A_127 = arith.constant 5.000000e+03 : f32
    %div3A_128 = vector.broadcast %div3A_127 : f32 to vector<1x64xf32>
    %div3A_129 = arith.divf %add3A_126, %div3A_128 : vector<1x64xf32>
    %swap3A_130 = arith.constant 0 : index
    %swap3A_131 = arith.constant 0 : index
    %swap3A_132 = vector.load %arg10[%swap3A_130, %swap3A_131] : memref<1x64xf32, #tpu.memory_space<vmem>>, vector<1x64xf32>
    tpu.vector_store %arg10[%swap3A_130, %swap3A_131], %div3A_129 {strides = array<i32>} : memref<1x64xf32, #tpu.memory_space<vmem>>, vector<1x64xf32>,
    return
  }
}

</mosaic_0001>

<sc_bundles>
// kernel: kernel.11.cloned.1.call-start
scs
__scs_entry_jumppad:
0x0: {  	(pc) =	sbr.rel $0x88, $3  }
0x1: {  	(tag) =	ssettag $0x0;
	lr =	simm.s32 $0x1  }
0x2: {  	[smem:$0x3F8C] =	sst lr;
	_ =	strace $0xD0000000  }
0x3: {  	_ = 	snop  }
0x4: {  	_ = 	snop  }
0x5: {  	_ = 	snop  }
0x6: {  	_ = 	snop  }
0x7: {  	_ = 	snop  }
__scs_overlays_trampoline_lowered:
0x8: {  	[smem:$0x3F9B] =	sst s0  }
0x9: {  	[smem:$0x3F9C] =	sst s1  }
0xa: {  	[smem:$0x3F9D] =	sst s2  }
0xb: {  	[smem:$0x3F9E] =	sst s3  }
0xc: {  	[smem:$0x3F9F] =	sst s4  }
0xd: {  	[smem:$0x3FA0] =	sst s5  }
0xe: {  	[smem:$0x3FA1] =	sst s6  }
0xf: {  	[smem:$0x3FA2] =	sst s7  }
0x10: {  	[smem:$0x3FA3] =	sst s8  }
0x11: {  	[smem:$0x3FA4] =	sst s9;
	s0 =	simm.s32 @!p0 $0x0  }
0x12: {  	s1 =	sld [smem:$0x3F8A];
	s0 =	simm.s32 @p0 $0x1  }
0x13: {  	[smem:$0x3FA5] =	sst s0;
	s0 =	simm.s32 @!p1 $0x0  }
0x14: {  	s2 =	sld [smem:$0x3F89];
	s0 =	simm.s32 @p1 $0x1  }
0x15: {  	[smem:$0x3FA6] =	sst s0;
	s0 =	simm.s32 @!p2 $0x0  }
0x16: {  	s3 =	sld [smem:$0x3FDB];
	s0 =	simm.s32 @p2 $0x1  }
0x17: {  	s4 =	simm.s32 $0x1BF5;
	[smem:$0x3FA8] =	sst s0  }
0x18: {  	s0 =	sld [smem:$0x3F8B];
	_ =	swait.ge [sflag:s4], $0x0  }
0x19: {  	s7 =	sld [smem:$0x3F8C]  }
0x1a: {  	s8 =	sadd.s32 $0xFFFFE003, lr  }
0x1b: {  	s9 =	sadd.s32 $0xFFFFFEF7, lr;
	s5 =	simm.s32 $0xFFFFFFFF;
	p2 =	slt.u32 s8, $0xFFFFF086  }
0x1c: {  	p1 =	slt.u32 s9, $0xF7A;
	s5 =	simm.s32 @!p2 $0x0  }
0x1d: {  	s5 =	simm.s32 @p1 $0x1;
	p0 =	seq.s32 s7, s2  }
0x1e: {  	s7 =	smul.u32 @!p0 $0xF7A, s2;
	p2 =	seq.s32 @!p0 s5, $0x0  }
0x1f: {  	s9 =	smul.u32 $0xF7A, s1;
	s8 =	simm.s32 @!p0 $0x1BF5;
	p2 =	por !p2, p0  }
0x20: {  	[sflag:s8] =	ssyncset.s32 @!p0 $0xFFFFF086;
	s6 =	sadd.s32 @!p0 s3, s7;
	s7 =	simm.s32 @!p0 $0x108  }
0x21: {  	s3 =	sadd.s32 s3, s9;
	s6 =	sadd.s32 @!p0 $0x88, s6;
	s7 =	simm.s32 @p2 $0x1082  }
0x22: {  	[simem:s7], [sflag:s8] =	dma.local @!p0 [hbm:s6], $0xF7A  }
0x23: {  	s9 =	sor.u32 $0xD0000000, s2;
	s6 =	simm.s32 $0x108;
	_ =	swait.ge @!p0 [sflag:s8], $0x0  }
0x24: {  	s3 =	sadd.s32 $0x88, s3;
	s6 =	simm.s32 @!p1 $0x1082;
	[sflag:s4] =	ssyncset.s32 $0xFFFFF086  }
0x25: {  	[simem:s6], [sflag:s4] =	dma.local [hbm:s3], $0xF7A  }
0x26: {  	[smem:$0x3F8C] =	sst s1;
	(tag) =	ssettag s2;
	_ =	strace s9  }
0x27: {  	s1 =	sld [smem:$0x3F9C]  }
0x28: {  	s2 =	sld [smem:$0x3F9D]  }
0x29: {  	s4 =	sld [smem:$0x3F9F]  }
0x2a: {  	p0 =	seq.s32 s5, $0x0;
	s5 =	sld [smem:$0x3FA0]  }
0x2b: {  	s6 =	sld [smem:$0x3FA1]  }
0x2c: {  	s7 =	sld [smem:$0x3FA2]  }
0x2d: {  	s3 =	simm.s32 $0x108;
	s8 =	sld [smem:$0x3FA3]  }
0x2e: {  	s3 =	simm.s32 @!p0 $0x1082;
	s9 =	sld [smem:$0x3FA4]  }
0x2f: {  	lr =	sadd.s32 s0, s3;
	s0 =	sld [smem:$0x3F9B]  }
0x30: {  	s3 =	sld [smem:$0x3F9E]  }
0x31: {  	[smem:$0x3FA7] =	sst s10  }
0x32: {  	s10 =	sld [smem:$0x3FA5];
	_ =	sdelay $0x3  }
0x33: {  	p0 =	seq.s32 s10, $0x1;
	s10 =	sld [smem:$0x3FA7];
	_ =	sdelay $0x3  }
0x34: {  	[smem:$0x3FA7] =	sst s10  }
0x35: {  	s10 =	sld [smem:$0x3FA6];
	_ =	sdelay $0x3  }
0x36: {  	p1 =	seq.s32 s10, $0x1;
	s10 =	sld [smem:$0x3FA7];
	_ =	sdelay $0x3  }
0x37: {  	[smem:$0x3FA7] =	sst s10  }
0x38: {  	s10 =	sld [smem:$0x3FA8]  }
0x39: {  	_ = 	snop;
	(pc) =	sbr.ind lr, $3  }
0x3a: {  	_ = 	snop  }
0x3b: {  	_ = 	snop  }
0x3c: {  	p2 =	seq.s32 s10, $0x1;
	s10 =	sld [smem:$0x3FA7]  }
0x3d: {  	_ =	shalt  }
0x3e: {  	_ =	shalt  }
0x3f: {  	_ =	shalt  }
0x40: {  	_ =	shalt  }
0x41: {  	_ =	shalt  }
0x42: {  	_ =	shalt  }
0x43: {  	_ =	shalt  }
0x44: {  	_ =	shalt  }
0x45: {  	_ =	shalt  }
0x46: {  	_ =	shalt  }
0x47: {  	_ =	shalt  }
0x48: {  	_ =	shalt  }
0x49: {  	_ =	shalt  }
0x4a: {  	_ =	shalt  }
0x4b: {  	_ =	shalt  }
0x4c: {  	_ =	shalt  }
0x4d: {  	_ =	shalt  }
0x4e: {  	_ =	shalt  }
0x4f: {  	_ =	shalt  }
0x50: {  	_ =	shalt  }
0x51: {  	_ =	shalt  }
0x52: {  	_ =	shalt  }
0x53: {  	_ =	shalt  }
0x54: {  	_ =	shalt  }
0x55: {  	_ =	shalt  }
0x56: {  	_ =	shalt  }
0x57: {  	_ =	shalt  }
0x58: {  	_ =	shalt  }
0x59: {  	_ =	shalt  }
0x5a: {  	_ =	shalt  }
0x5b: {  	_ =	shalt  }
0x5c: {  	_ =	shalt  }
0x5d: {  	_ =	shalt  }
0x5e: {  	_ =	shalt  }
0x5f: {  	_ =	shalt  }
0x60: {  	_ =	shalt  }
0x61: {  	_ =	shalt  }
0x62: {  	_ =	shalt  }
0x63: {  	_ =	shalt  }
0x64: {  	_ =	shalt  }
0x65: {  	_ =	shalt  }
0x66: {  	_ =	shalt  }
0x67: {  	_ =	shalt  }
0x68: {  	_ =	shalt  }
0x69: {  	_ =	shalt  }
0x6a: {  	_ =	shalt  }
0x6b: {  	_ =	shalt  }
0x6c: {  	_ =	shalt  }
0x6d: {  	_ =	shalt  }
0x6e: {  	_ =	shalt  }
0x6f: {  	_ =	shalt  }
0x70: {  	_ =	shalt  }
0x71: {  	_ =	shalt  }
0x72: {  	_ =	shalt  }
0x73: {  	_ =	shalt  }
0x74: {  	_ =	shalt  }
0x75: {  	_ =	shalt  }
0x76: {  	_ =	shalt  }
0x77: {  	_ =	shalt  }
0x78: {  	_ =	shalt  }
0x79: {  	_ =	shalt  }
0x7a: {  	_ =	shalt  }
0x7b: {  	_ =	shalt  }
0x7c: {  	_ =	shalt  }
0x7d: {  	_ =	shalt  }
0x7e: {  	_ =	shalt  }
0x7f: {  	_ =	shalt  }
0x80: {  	_ =	shalt  }
0x81: {  	_ =	shalt  }
0x82: {  	_ =	shalt  }
0x83: {  	_ =	shalt  }
0x84: {  	_ =	shalt  }
0x85: {  	_ =	shalt  }
0x86: {  	_ =	shalt  }
0x87: {  	_ =	shalt  }
.Lfunc_end0:
.L_simem_size_0:
called_computation_lowered:
.L_overlay_start_0:
0x88: {  	s2 =	sld [smem:$0x3FD9]  }
0x89: {  	s3 =	sld [smem:$0x3FFE];
	_ =	sdelay $0x1  }
0x8a: {  	s1 =	srdreg.scid  }
0x8b: {  	s0 =	sand.u32 $0x1, s1  }
0x8c: {  	s14 =	sshll.u32 s0, $0xA;
	s2 =	sadd.s32 s3, s2  }
0x8d: {  	s2 =	sadd.s32 s2, s14  }
0x8e: {  	[smem:$0x3FB3] =	sst s2  }
0x8f: {  	_ = 	snop  }
0x90: {  	s2 =	sld [smem:$0x3FD0];
	_ =	sdelay $0x2  }
0x91: {  	s15 =	simm.s32 $0xA;
	s4 =	simm.s32 $0x10  }
0x92: {  	[smem:s4], [sflag:s15] =	dma.local [hbm:s2], $0x1  }
0x93: {  	_ =	swait.eq [sflag:s15], $0x1  }
0x94: {  	[sflag:s15] =	ssyncset.done $0x0  }
0x95: {  	[sflag:s15] =	ssyncadd.s32 $0xFFFFFFFF  }
0x96: {  	s16 =	sld [smem:$0x10];
	(tm) =	ssettm $0x1  }
0x97: {  	s17 =	sld [smem:$0x3FFB];
	_ =	sdelay $0x3  }
0x98: {  	_ =	strace s17  }
0x99: {  	s3 =	sld [smem:$0x3FFC];
	_ =	sdelay $0x3  }
0x9a: {  	_ =	strace s3  }
0x9b: {  	s3 =	sld [smem:$0x3FFD];
	_ =	sdelay $0x3  }
0x9c: {  	_ =	strace s3  }
0x9d: {  	_ =	strace $0x8FFFFFFF  }
0x9e: {  	s18 =	sld [smem:$0x3FDB];
	_ =	sdelay $0x1  }
0x9f: {  	s19 =	simm.s32 $_scs_section_size  }
0xa0: {  	s5 =	simm.s32 $_size__tile_overlayer_lowered;
	s6 =	simm.s32 $_tile_overlayer_lowered  }
0xa1: {  	s22 =	simm.s32 $0x1BFF;
	s21 =	sshll.u32 s6, $0x1;
	s3 =	sadd.s32 s19, s18  }
0xa2: {  	s7 =	simm.s32 $0x0;
	s20 =	sshll.u32 s5, $0x1;
	s5 =	sadd.s32 s21, s3  }
0xa3: {  	[timem:s7], [sflag:s22] =	dma.local [hbm:s5], s20  }
0xa4: {  	_ =	swait.ge [sflag:s22], s20  }
0xa5: {  	s4 =	ssub.s32 $0x0, s20;
	[sflag:s22] =	ssyncset.done $0x0  }
0xa6: {  	[sflag:s22] =	ssyncadd.s32 s4;
	_ =	sdelay $0x1  }
0xa7: {  	s23 =	simm.s32 $0x1B8B  }
0xa8: {  	_ =	swait.ge [sflag:s23], $0x1  }
0xa9: {  	[sflag:s23] =	ssyncset.done $0x0  }
0xaa: {  	s25 =	simm.s32 $0x1B8E;
	s24 =	sld [smem:$0x3FFE];
	[sflag:s23] =	ssyncadd.s32 $0xFFFFFFFF  }
0xab: {  	s26 =	simm.s32 $execute0_lowered;
	[smem:$0x3FD2] =	sst s25  }
0xac: {  	s5 =	sshll.u32 s26, $0x1;
	_ =	strace $0x80000046;
	[dreg:$0x1] =	wrdreg $0xFFFFFFFF  }
0xad: {  	s28 =	simm.s32 $_size_execute0_lowered;
	s3 =	sadd.s32 s3, s5;
	[dreg:$0x0] =	wrdreg $0x0  }
0xae: {  	s5 =	sshll.u32 s28, $0x1;
	[dreg:$0x2] =	wrdreg s3  }
0xaf: {  	[dreg:$0x3] =	wrdreg s5  }
0xb0: {  	[dreg:$0x4] =	wrdreg $0xC0  }
0xb1: {  	_ =	task [dreg:s7], $0x5FFFF  }
0xb2: {  	[dreg:$0x1] =	wrdreg $0xFFFFFFFF  }
0xb3: {  	[dreg:$0x0] =	wrdreg $0x60  }
0xb4: {  	[dreg:$0x2] =	wrdreg s24  }
0xb5: {  	[dreg:$0x3] =	wrdreg s16  }
0xb6: {  	[dreg:$0x4] =	wrdreg $0x9  }
0xb7: {  	_ =	task.clear_ibuf [dreg:s7], $0x5FFFF;
	_ =	strace $0x90000046  }
0xb8: {  	s29 =	simm.s32 $0x9;
	_ =	strace $0x80000048  }
0xb9: {  	_ =	swait.ge [sflag:s29], $0x1  }
0xba: {  	[sflag:s29] =	ssyncadd.s32 $0xFFFFFFFF  }
0xbb: {  	_ =	strace $0x90000048  }
0xbc: {  	_ =	sfence  }
0xbd: {  	s30 =	sld [smem:$0x0];
	_ =	sdelay $0x2  }
0xbe: {  	s31 =	sshll.u32 s1, $0xD;
	s1 =	sshrl.u32 s1, $0x2  }
0xbf: {  	s3 =	sand.u32 $0x4000, s31;
	s1 =	sadd.s32 s1, s30  }
0xc0: {  	s0 =	sor.u32 s3, s0;
	s1 =	sshll.u32 s1, $0x11  }
0xc1: {  	s0 =	sor.u32 s1, s0  }
0xc2: {  	s0 =	sadd.s32 $0x8F2B, s0  }
0xc3: {  	[sflag:s0] =	ssyncadd.remote.s32 $0x1  }
0xc4: {  	_ =	sfence.sel $0xFFFF  }
0xc5: {  	[dreg:$0x0] =	wrdreg $0xFFFFFFFF;
	(pc) =	sbr.abs _section_cstart, $3  }
0xc6: {  	[dreg:$0x1] =	wrdreg $0xFFFFFFFF  }
0xc7: {  	_ =	task.clear_ibuf [dreg:s7], $0x2FFFF;
	_ =	strace $0x9FFFFFFF  }
0xc8: {  	(tm) =	ssettm $0x7FFFFFFF  }
0xc9: {  	_ =	shalt  }
tec
execute0_lowered:
.L_overlay_start_1:
0x0: {  	(tag) =	ssettag $0x1  }
0x1: {  	s0 =	rddreg [dreg:$0x0]  }
0x2: {  	s2 =	rddreg [dreg:$0x1];
	s1 =	simm.s32 $0x0;
	s4 =	srdreg.scid  }
0x3: {  	s18 =	stileid.u32;
	s28 =	simm.s32 $0x80;
	s29 =	simm.s32 $0x180  }
0x4: {  	s30 =	simm.s32 $0x2A00;
	s31 =	simm.s32 $0x7A00;
	[smem:$0x7FF] =	sst s1  }
0x5: {  	s3 =	sadd.s32 $0x11000, s0;
	s8 =	sand.u32 $0x1, s4;
	s4 =	sadd.s32 $0x38200, s0  }
0x6: {  	s9 =	sadd.s32 $0x6000, s0;
	s5 =	sadd.s32 $0x10A00, s0;
	s7 =	sadd.s32 $0xFE00, s0  }
0x7: {  	s11 =	sadd.s32 $0x90400, s0;
	s12 =	sadd.s32 $0x572400, s0;
	s17 =	smul.u32 $0x2710, s18  }
0x8: {  	_ =	strace $0x80000047;
	s6 =	sshll.u32 s8, $0x4;
	s14 =	smul.u32 $0x27100, s8  }
0x9: {  	s13 =	ssub.s32 $0x2, s8;
	s8 =	smul.u32 $0x271000, s8;
	s10 =	sor.u32 s18, s6  }
0xa: {  	s6 =	sadd.s32 $0x10400, s0;
	s0 =	sadd.s32 $0x86600, s0;
	s15 =	sshrl.u32 s13, $0x1  }
0xb: {  	s10 =	smul.u32 $0x2710, s10;
	s13 =	ssub.s32 s13, s15;
	s14 =	sadd.s32 s17, s14  }
0xc: {  	s15 =	smul.u32 $0x27100, s18;
	s24 =	sshrl.u32 s14, $0x3;
	s13 =	smax.u32 s13, $0x1  }
0xd: {  	s14 =	sadd.s32 $0x50, s14;
	[dreg:$0x15] =	wrdreg s13;
	s25 =	sadd.s32 s24, s0  }
0xe: {  	s26 =	sadd.s32 s24, s2;
	s14 =	sshrl.u32 s14, $0x3;
	[dreg:$0x3] =	wrdreg s25  }
0xf: {  	s17 =	sadd.s32 s8, s12;
	[dreg:$0x4] =	wrdreg s26;
	s18 =	sadd.s32 s14, s9  }
0x10: {  	s10 =	sadd.s32 $0x26C0, s10;
	s25 =	simm.s32 $0xA880;
	[dreg:$0x8] =	wrdreg s18  }
0x11: {  	s16 =	sshrl.u32 s10, $0x3;
	s26 =	simm.s32 $0xAA80;
	[dreg:$0xe] =	wrdreg s25  }
0x12: {  	s13 =	simm.s32 $0x0;
	s20 =	sadd.s32 s9, s16;
	[dreg:$0xf] =	wrdreg s26  }
0x13: {  	s10 =	sshll.u32 s10, $0x4;
	s21 =	sadd.s32 s2, s16;
	[dreg:$0x10] =	wrdreg s20  }
0x14: {  	s22 =	sadd.s32 s11, s10;
	s10 =	sadd.s32 s12, s10;
	[dreg:$0x11] =	wrdreg s21  }
0x15: {  	s23 =	sadd.s32 s0, s16;
	s11 =	sadd.s32 s8, s11;
	[dreg:$0x12] =	wrdreg s22  }
0x16: {  	s0 =	sadd.s32 s14, s0;
	s16 =	sadd.s32 s14, s2;
	[dreg:$0x13] =	wrdreg s10  }
0x17: {  	s2 =	sadd.s32 s15, s17;
	s17 =	simm.s32 $0x100;
	[dreg:$0x14] =	wrdreg s23  }
0x18: {  	s18 =	simm.s32 $0x50;
	s25 =	simm.s32 $0xA400;
	[dreg:$0x6] =	wrdreg s0  }
0x19: {  	s26 =	simm.s32 $0xA480;
	s8 =	simm.s32 $0x2;
	[dreg:$0x7] =	wrdreg s16  }
0x1a: {  	s10 =	sadd.s32 s24, s9;
	s19 =	sadd.s32 s15, s11;
	[dreg:$0x17] =	wrdreg s2  }
0x1b: {  	s16 =	simm.s32 $0x6;
	s20 =	simm.s32 $0xA600;
	[dreg:$0x5] =	wrdreg s10  }
0x1c: {  	s21 =	simm.s32 $0xA680;
	s22 =	simm.s32 $0xA700;
	[dreg:$0x16] =	wrdreg s19  }
0x1d: {  	s23 =	simm.s32 $0xA780;
	s24 =	simm.s32 $0xA800;
	[dreg:$0x9] =	wrdreg s20  }
0x1e: {  	s0 =	simm.s32 $0x4;
	s2 =	simm.s32 $0x1;
	[dreg:$0xa] =	wrdreg s21  }
0x1f: {  	s9 =	simm.s32 $0xAA00;
	s11 =	simm.s32 $0x3;
	[dreg:$0xb] =	wrdreg s22  }
0x20: {  	s19 =	simm.s32 $0x200;
	s20 =	simm.s32 $0x5200;
	[dreg:$0xc] =	wrdreg s23  }
0x21: {  	s21 =	simm.s32 $0xA200;
	s22 =	simm.s32 $0xA280;
	[dreg:$0xd] =	wrdreg s24  }
0x22: {  	s23 =	simm.s32 $0xA300;
	s24 =	simm.s32 $0xA380;
	s10 =	simm.s32 $0x5  }
.LBB2_1:
0x23: {  	[dreg:$0x18] =	wrdreg s13  }
0x24: {  	s15 =	rddreg [dreg:$0x17]  }
0x25: {  	s14 =	rddreg [dreg:$0x16];
	s13 =	simm.s32 $0x0  }
.LBB2_2:
0x26: {  	s12 =	rddreg [dreg:$0x5]  }
0x27: {  	s12 =	sadd.s32 s13, s12  }
0x28: {  	[tilespmem:s1], [sflag:$0x6] =	stream.linear.gather [hbm4b:s12+s1], $0x50, $0x38;
	[tilespmem:$0xAB00] =	vst v63  }
0x29: {  	_ =	swait.ge [sflag:s16], $0x50  }
0x2a: {  	s12 =	rddreg [dreg:$0x4];
	[sflag:s16] =	ssyncset.done $0x0  }
0x2b: {  	[sflag:s16] =	ssyncadd.s32 $0xFFFFFFB0;
	s12 =	sadd.s32 s13, s12  }
0x2c: {  	[tilespmem:s17], [sflag:$0x6] =	stream.linear.gather [hbm4b:s12+s1], $0x50, $0x38;
	[tilespmem:$0xAB00] =	vst v63  }
0x2d: {  	_ =	swait.ge [sflag:s16], $0x50  }
0x2e: {  	[sflag:s16] =	ssyncset.done $0x0  }
0x2f: {  	[sflag:s16] =	ssyncadd.s32 $0xFFFFFFB0  }
0x30: {  	[tilespmem:s19], [sflag:$0x1] =	stream.indirect.gather [hbm4b:s3+s18], $0x80, s1, s18, $0xb8;
	[tilespmem:$0xAB00] =	vst v63  }
0x31: {  	_ = 	snop  }
0x32: {  	[tilespmem:s20], [sflag:$0x2] =	stream.indirect.gather [hbm4b:s4+s18], $0x80, s17, s18, $0xb8;
	[tilespmem:$0xAB00] =	vst v63  }
0x33: {  	_ = 	snop  }
0x34: {  	[tilespmem:s21], [sflag:$0x4] =	stream.indirect.gather [hbm4b:s5+s18], $0x1, s1, s18, $0xb8;
	[tilespmem:$0xAB00] =	vst v63  }
0x35: {  	_ = 	snop  }
0x36: {  	[tilespmem:s22], [sflag:$0x4] =	stream.indirect.gather [hbm4b:s6+s18], $0x1, s1, s18, $0xb8;
	[tilespmem:$0xAB00] =	vst v63  }
0x37: {  	_ = 	snop  }
0x38: {  	[tilespmem:s23], [sflag:$0x4] =	stream.indirect.gather [hbm4b:s7+s18], $0x1, s1, s18, $0xb8;
	[tilespmem:$0xAB00] =	vst v63  }
0x39: {  	_ = 	snop  }
0x3a: {  	[tilespmem:s24], [sflag:$0x4] =	stream.indirect.gather [hbm4b:s5+s18], $0x1, s17, s18, $0xb8;
	[tilespmem:$0xAB00] =	vst v63  }
0x3b: {  	_ = 	snop  }
0x3c: {  	[tilespmem:s25], [sflag:$0x4] =	stream.indirect.gather [hbm4b:s6+s18], $0x1, s17, s18, $0xb8;
	[tilespmem:$0xAB00] =	vst v63  }
0x3d: {  	s21 =	rddreg [dreg:$0x8]  }
0x3e: {  	[tilespmem:s26], [sflag:$0x4] =	stream.indirect.gather [hbm4b:s7+s18], $0x1, s17, s18, $0xb8;
	[tilespmem:$0xAB00] =	vst v63  }
0x3f: {  	s12 =	sadd.s32 s13, s21  }
0x40: {  	[tilespmem:s28], [sflag:$0x6] =	stream.linear.gather [hbm4b:s12+s1], $0x50, $0x38;
	[tilespmem:$0xAB00] =	vst v63  }
0x41: {  	_ =	swait.ge [sflag:s16], $0x50  }
0x42: {  	s22 =	rddreg [dreg:$0x7];
	[sflag:s16] =	ssyncset.done $0x0  }
0x43: {  	[sflag:s16] =	ssyncadd.s32 $0xFFFFFFB0;
	s12 =	sadd.s32 s13, s22  }
0x44: {  	[tilespmem:s29], [sflag:$0x6] =	stream.linear.gather [hbm4b:s12+s1], $0x50, $0x38;
	[tilespmem:$0xAB00] =	vst v63  }
0x45: {  	_ =	swait.ge [sflag:s16], $0x50  }
0x46: {  	[sflag:s16] =	ssyncset.done $0x0  }
0x47: {  	[sflag:s16] =	ssyncadd.s32 $0xFFFFFFB0  }
0x48: {  	[tilespmem:s30], [sflag:$0x1] =	stream.indirect.gather [hbm4b:s3+s18], $0x80, s28, s18, $0xb8;
	[tilespmem:$0xAB00] =	vst v63  }
0x49: {  	_ = 	snop  }
0x4a: {  	[tilespmem:s31], [sflag:$0x2] =	stream.indirect.gather [hbm4b:s4+s18], $0x80, s29, s18, $0xb8;
	[tilespmem:$0xAB00] =	vst v63  }
0x4b: {  	s21 =	rddreg [dreg:$0x9]  }
0x4c: {  	[tilespmem:s21], [sflag:$0x5] =	stream.indirect.gather [hbm4b:s5+s18], $0x1, s28, s18, $0xb8;
	[tilespmem:$0xAB00] =	vst v63  }
0x4d: {  	s22 =	rddreg [dreg:$0xa]  }
0x4e: {  	[tilespmem:s22], [sflag:$0x5] =	stream.indirect.gather [hbm4b:s6+s18], $0x1, s28, s18, $0xb8;
	[tilespmem:$0xAB00] =	vst v63  }
0x4f: {  	s12 =	rddreg [dreg:$0xb]  }
0x50: {  	[tilespmem:s12], [sflag:$0x5] =	stream.indirect.gather [hbm4b:s7+s18], $0x1, s28, s18, $0xb8;
	[tilespmem:$0xAB00] =	vst v63  }
0x51: {  	s22 =	rddreg [dreg:$0xc]  }
0x52: {  	[tilespmem:s22], [sflag:$0x5] =	stream.indirect.gather [hbm4b:s5+s18], $0x1, s29, s18, $0xb8;
	[tilespmem:$0xAB00] =	vst v63  }
0x53: {  	s12 =	rddreg [dreg:$0xd]  }
0x54: {  	[tilespmem:s12], [sflag:$0x5] =	stream.indirect.gather [hbm4b:s6+s18], $0x1, s29, s18, $0xb8;
	[tilespmem:$0xAB00] =	vst v63  }
0x55: {  	s22 =	rddreg [dreg:$0xe]  }
0x56: {  	[tilespmem:s22], [sflag:$0x5] =	stream.indirect.gather [hbm4b:s7+s18], $0x1, s29, s18, $0xb8;
	[tilespmem:$0xAB00] =	vst v63  }
0x57: {  	_ =	swait.ge [sflag:s0], $0x50  }
0x58: {  	[sflag:s0] =	ssyncset.done $0x0  }
0x59: {  	[sflag:s0] =	ssyncadd.s32 $0xFFFFFFB0  }
0x5a: {  	_ =	swait.ge [sflag:s0], $0x50  }
0x5b: {  	[sflag:s0] =	ssyncset.done $0x0  }
0x5c: {  	[sflag:s0] =	ssyncadd.s32 $0xFFFFFFB0  }
0x5d: {  	_ =	swait.ge [sflag:s0], $0x50  }
0x5e: {  	[sflag:s0] =	ssyncset.done $0x0  }
0x5f: {  	[sflag:s0] =	ssyncadd.s32 $0xFFFFFFB0  }
0x60: {  	_ =	swait.ge [sflag:s0], $0x50  }
0x61: {  	[sflag:s0] =	ssyncset.done $0x0  }
0x62: {  	[sflag:s0] =	ssyncadd.s32 $0xFFFFFFB0  }
0x63: {  	_ =	swait.ge [sflag:s0], $0x50  }
0x64: {  	[sflag:s0] =	ssyncset.done $0x0  }
0x65: {  	[sflag:s0] =	ssyncadd.s32 $0xFFFFFFB0  }
0x66: {  	_ =	swait.ge [sflag:s0], $0x50  }
0x67: {  	[sflag:s0] =	ssyncset.done $0x0  }
0x68: {  	[sflag:s0] =	ssyncadd.s32 $0xFFFFFFB0  }
0x69: {  	v0 =	vld [tilespmem:$0xA380]  }
0x6a: {  	v1 =	vld [tilespmem:$0xA200]  }
0x6b: {  	v2 =	vld [tilespmem:$0xA400]  }
0x6c: {  	v3 =	vld [tilespmem:$0xA280]  }
0x6d: {  	v4 =	vld [tilespmem:$0xA480]  }
0x6e: {  	v5 =	vld [tilespmem:$0xA300]  }
0x6f: {  	v6 =	vld [tilespmem:$0xA390]  }
0x70: {  	v7 =	vld [tilespmem:$0xA210]  }
0x71: {  	v8 =	vld [tilespmem:$0xA410]  }
0x72: {  	v9 =	vld [tilespmem:$0xA290]  }
0x73: {  	v10 =	vld [tilespmem:$0xA490]  }
0x74: {  	v11 =	vld [tilespmem:$0xA310]  }
0x75: {  	v12 =	vld [tilespmem:$0xA3A0]  }
0x76: {  	v13 =	vld [tilespmem:$0xA220]  }
0x77: {  	v14 =	vld [tilespmem:$0xA420]  }
0x78: {  	v15 =	vld [tilespmem:$0xA2A0]  }
0x79: {  	v16 =	vld [tilespmem:$0xA4A0]  }
0x7a: {  	v17 =	vld [tilespmem:$0xA320]  }
0x7b: {  	v18 =	vld [tilespmem:$0xA3B0]  }
0x7c: {  	v19 =	vld [tilespmem:$0xA230]  }
0x7d: {  	v28 =	vld [tilespmem:$0xA430]  }
0x7e: {  	v29 =	vld [tilespmem:$0xA2B0]  }
0x7f: {  	v20 =	vld [tilespmem:$0xA4B0]  }
0x80: {  	v21 =	vld [tilespmem:$0xA330]  }
0x81: {  	v31 =	vld [tilespmem:$0xA3C0]  }
0x82: {  	v34 =	vld [tilespmem:$0xA240];
	v0 =	vsub.f32 v0, v1  }
0x83: {  	v37 =	vld [tilespmem:$0xA440];
	v27 =	vsub.f32 v2, v3;
	v30 =	vsub.f32 v4, v5  }
0x84: {  	v38 =	vld [tilespmem:$0xA2C0];
	v32 =	vsub.f32 v6, v7;
	v33 =	vsub.f32 v8, v9  }
0x85: {  	v41 =	vld [tilespmem:$0xA4C0];
	v35 =	vsub.f32 v12, v13;
	v36 =	vsub.f32 v14, v15  }
0x86: {  	v43 =	vld [tilespmem:$0xA340];
	v42 =	vsub.f32 v10, v11;
	v44 =	vsub.f32 v16, v17  }
0x87: {  	v45 =	vsub.f32 v18, v19;
	v2 =	vsub.f32 v28, v29  }
0x88: {  	v4 =	vsub.f32 v31, v34;
	v0 =	vmul.f32 v0, v0;
	v1 =	vmul.f32 v27, v27  }
0x89: {  	v47 =	vsub.f32 v37, v38;
	v5 =	vmul.f32 v32, v32;
	v6 =	vmul.f32 v33, v33  }
0x8a: {  	v49 =	vsub.f32 v20, v21;
	v39 =	vmul.f32 v35, v35;
	v40 =	vmul.f32 v36, v36  }
0x8b: {  	v9 =	vsub.f32 v41, v43;
	v48 =	vmul.f32 v45, v45;
	v2 =	vmul.f32 v2, v2  }
0x8c: {  	v4 =	vmul.f32 v4, v4;
	v0 =	vadd.f32 v1, v0;
	v1 =	vmul.f32 v30, v30  }
0x8d: {  	v7 =	vmul.f32 v47, v47;
	v5 =	vadd.f32 v6, v5;
	v6 =	vmul.f32 v42, v42  }
0x8e: {  	v50 =	vmul.f32 v49, v49;
	v2 =	vadd.f32 v2, v48;
	v0 =	vadd.f32 v1, v0  }
0x8f: {  	v53 =	vmul.f32 v9, v9;
	v52 =	vadd.f32 v7, v4;
	v5 =	vadd.f32 v6, v5  }
0x90: {  	v46 =	vmul.f32 v44, v44;
	v1 =	vadd.f32 v40, v39;
	v2 =	vadd.f32 v50, v2;
	[tilespmem:$0xAA00] =	vst v0  }
0x91: {  	v54 =	vadd.f32 v53, v52;
	[tilespmem:$0xAA10] =	vst v5  }
0x92: {  	v51 =	vadd.f32 v46, v1;
	[tilespmem:$0xAA30] =	vst v2  }
0x93: {  	[tilespmem:$0xAA40] =	vst v54  }
0x94: {  	[tilespmem:$0xAA20] =	vst v51  }
0x95: {  	_ =	swait.ge [sflag:s2], $0x2800  }
0x96: {  	[sflag:s2] =	ssyncset.done $0x0  }
0x97: {  	[sflag:s2] =	ssyncadd.s32 $0xFFFFD800  }
0x98: {  	_ =	swait.ge [sflag:s8], $0x2800  }
0x99: {  	[sflag:s8] =	ssyncset.done $0x0  }
0x9a: {  	[sflag:s8] =	ssyncadd.s32 $0xFFFFD800  }
0x9b: {  	[hbm4b:s14+s1] =	stream.linear.scatter [tilespmem:s19], [sflag:$0x3], $0x2800, $0x38;
	[tilespmem:$0xAB00] =	vst v63  }
0x9c: {  	s21 =	rddreg [dreg:$0x3]  }
0x9d: {  	[hbm4b:s15+s1] =	stream.linear.scatter [tilespmem:s20], [sflag:$0x3], $0x2800, $0x38;
	[tilespmem:$0xAB00] =	vst v63  }
0x9e: {  	s12 =	sadd.s32 s13, s21  }
0x9f: {  	[hbm4b:s12+s1] =	stream.linear.scatter [tilespmem:s9], [sflag:$0x3], $0x50, $0x38;
	[tilespmem:$0xAB00] =	vst v63  }
0xa0: {  	_ =	swait.ge [sflag:s10], $0x50  }
0xa1: {  	[sflag:s10] =	ssyncset.done $0x0  }
0xa2: {  	[sflag:s10] =	ssyncadd.s32 $0xFFFFFFB0  }
0xa3: {  	_ =	swait.ge [sflag:s10], $0x50  }
0xa4: {  	[sflag:s10] =	ssyncset.done $0x0  }
0xa5: {  	[sflag:s10] =	ssyncadd.s32 $0xFFFFFFB0  }
0xa6: {  	_ =	swait.ge [sflag:s10], $0x50  }
0xa7: {  	[sflag:s10] =	ssyncset.done $0x0  }
0xa8: {  	[sflag:s10] =	ssyncadd.s32 $0xFFFFFFB0  }
0xa9: {  	_ =	swait.ge [sflag:s10], $0x50  }
0xaa: {  	[sflag:s10] =	ssyncset.done $0x0  }
0xab: {  	[sflag:s10] =	ssyncadd.s32 $0xFFFFFFB0  }
0xac: {  	_ =	swait.ge [sflag:s10], $0x50  }
0xad: {  	[sflag:s10] =	ssyncset.done $0x0  }
0xae: {  	[sflag:s10] =	ssyncadd.s32 $0xFFFFFFB0  }
0xaf: {  	_ =	swait.ge [sflag:s10], $0x50  }
0xb0: {  	[sflag:s10] =	ssyncset.done $0x0  }
0xb1: {  	[sflag:s10] =	ssyncadd.s32 $0xFFFFFFB0  }
0xb2: {  	v55 =	vld [tilespmem:$0xA780]  }
0xb3: {  	v56 =	vld [tilespmem:$0xA600]  }
0xb4: {  	v57 =	vld [tilespmem:$0xA800]  }
0xb5: {  	v58 =	vld [tilespmem:$0xA680]  }
0xb6: {  	v59 =	vld [tilespmem:$0xA880]  }
0xb7: {  	v60 =	vld [tilespmem:$0xA700]  }
0xb8: {  	v61 =	vld [tilespmem:$0xA790]  }
0xb9: {  	v62 =	vld [tilespmem:$0xA610]  }
0xba: {  	v63 =	vld [tilespmem:$0xA810]  }
0xbb: {  	v24 =	vld [tilespmem:$0xA690]  }
0xbc: {  	v25 =	vld [tilespmem:$0xA890]  }
0xbd: {  	v26 =	vld [tilespmem:$0xA710]  }
0xbe: {  	v27 =	vld [tilespmem:$0xA7A0]  }
0xbf: {  	v28 =	vld [tilespmem:$0xA620]  }
0xc0: {  	v29 =	vld [tilespmem:$0xA820]  }
0xc1: {  	v30 =	vld [tilespmem:$0xA6A0]  }
0xc2: {  	v31 =	vld [tilespmem:$0xA8A0]  }
0xc3: {  	v32 =	vld [tilespmem:$0xA720]  }
0xc4: {  	v33 =	vld [tilespmem:$0xA7B0]  }
0xc5: {  	v34 =	vld [tilespmem:$0xA630]  }
0xc6: {  	v35 =	vld [tilespmem:$0xA830]  }
0xc7: {  	v36 =	vld [tilespmem:$0xA6B0]  }
0xc8: {  	v38 =	vld [tilespmem:$0xA8B0]  }
0xc9: {  	v43 =	vld [tilespmem:$0xA7C0]  }
0xca: {  	v46 =	vld [tilespmem:$0xA640];
	v0 =	vsub.f32 v55, v56;
	v37 =	vsub.f32 v57, v58  }
0xcb: {  	v49 =	vld [tilespmem:$0xA840];
	v39 =	vsub.f32 v59, v60;
	v40 =	vsub.f32 v61, v62  }
0xcc: {  	v50 =	vld [tilespmem:$0xA6C0];
	v42 =	vsub.f32 v63, v24;
	v44 =	vsub.f32 v27, v28  }
0xcd: {  	v41 =	vld [tilespmem:$0xA730];
	v45 =	vsub.f32 v29, v30;
	v52 =	vsub.f32 v25, v26  }
0xce: {  	v54 =	vsub.f32 v31, v32;
	v55 =	vsub.f32 v33, v34;
	v0 =	vmul.f32 v0, v0  }
0xcf: {  	v51 =	vld [tilespmem:$0xA8C0];
	v56 =	vsub.f32 v35, v36;
	v1 =	vmul.f32 v37, v37;
	v3 =	vmul.f32 v39, v39  }
0xd0: {  	v53 =	vld [tilespmem:$0xA740];
	v7 =	vsub.f32 v43, v46;
	v47 =	vmul.f32 v40, v40;
	v48 =	vmul.f32 v42, v42  }
0xd1: {  	v6 =	vsub.f32 v49, v50;
	v8 =	vmul.f32 v44, v44;
	v9 =	vmul.f32 v45, v45  }
0xd2: {  	v2 =	vsub.f32 v38, v41;
	v4 =	vmul.f32 v52, v52;
	v10 =	vmul.f32 v54, v54  }
0xd3: {  	v57 =	vmul.f32 v55, v55;
	v58 =	vmul.f32 v56, v56;
	v0 =	vadd.f32 v1, v0  }
0xd4: {  	v7 =	vmul.f32 v7, v7;
	v1 =	vadd.f32 v48, v47;
	v8 =	vadd.f32 v9, v8  }
0xd5: {  	v6 =	vmul.f32 v6, v6;
	v0 =	vadd.f32 v3, v0;
	v3 =	vsub.f32 v51, v53  }
0xd6: {  	v2 =	vmul.f32 v2, v2;
	v59 =	vadd.f32 v58, v57;
	v1 =	vadd.f32 v4, v1  }
0xd7: {  	v61 =	vadd.f32 v6, v7;
	v60 =	vadd.f32 v10, v8;
	[tilespmem:$0xAA80] =	vst v0;
	v3 =	vmul.f32 v3, v3  }
0xd8: {  	v62 =	vadd.f32 v2, v59;
	[tilespmem:$0xAA90] =	vst v1  }
0xd9: {  	[tilespmem:$0xAAA0] =	vst v60;
	v63 =	vadd.f32 v3, v61  }
0xda: {  	[tilespmem:$0xAAB0] =	vst v62  }
0xdb: {  	[tilespmem:$0xAAC0] =	vst v63  }
0xdc: {  	_ =	swait.ge [sflag:s2], $0x2800  }
0xdd: {  	[sflag:s2] =	ssyncset.done $0x0  }
0xde: {  	[sflag:s2] =	ssyncadd.s32 $0xFFFFD800  }
0xdf: {  	_ =	swait.ge [sflag:s8], $0x2800  }
0xe0: {  	[sflag:s8] =	ssyncset.done $0x0  }
0xe1: {  	s22 =	sadd.s32 $0x500, s14;
	[sflag:s8] =	ssyncadd.s32 $0xFFFFD800  }
0xe2: {  	[hbm4b:s22+s1] =	stream.linear.scatter [tilespmem:s30], [sflag:$0x3], $0x2800, $0x38;
	[tilespmem:$0xAB00] =	vst v63  }
0xe3: {  	s21 =	sadd.s32 $0x500, s15;
	s12 =	rddreg [dreg:$0x6]  }
0xe4: {  	[hbm4b:s21+s1] =	stream.linear.scatter [tilespmem:s31], [sflag:$0x3], $0x2800, $0x38;
	[tilespmem:$0xAB00] =	vst v63  }
0xe5: {  	s12 =	sadd.s32 s13, s12;
	s22 =	rddreg [dreg:$0xf]  }
0xe6: {  	[hbm4b:s12+s1] =	stream.linear.scatter [tilespmem:s22], [sflag:$0x3], $0x50, $0x38;
	[tilespmem:$0xAB00] =	vst v63  }
0xe7: {  	_ =	swait.ge [sflag:s11], $0x2800  }
0xe8: {  	[sflag:s11] =	ssyncset.done $0x0  }
0xe9: {  	[sflag:s11] =	ssyncadd.s32 $0xFFFFD800  }
0xea: {  	_ =	swait.ge [sflag:s11], $0x2800  }
0xeb: {  	[sflag:s11] =	ssyncset.done $0x0  }
0xec: {  	[sflag:s11] =	ssyncadd.s32 $0xFFFFD800  }
0xed: {  	_ =	swait.ge [sflag:s11], $0x50  }
0xee: {  	[sflag:s11] =	ssyncset.done $0x0  }
0xef: {  	[sflag:s11] =	ssyncadd.s32 $0xFFFFFFB0  }
0xf0: {  	_ =	swait.ge [sflag:s11], $0x2800  }
0xf1: {  	[sflag:s11] =	ssyncset.done $0x0  }
0xf2: {  	[sflag:s11] =	ssyncadd.s32 $0xFFFFD800  }
0xf3: {  	p0 =	sne.s32 s13, $0x4C4;
	_ =	swait.ge [sflag:s11], $0x2800  }
.Ltmp0:
0xf4: {  	[sflag:s11] =	ssyncset.done $0x0;
	(pc) =	sbr.rel @p0 .LBB2_2-.Ltmp0, $4  }
0xf5: {  	[sflag:s11] =	ssyncadd.s32 $0xFFFFD800  }
0xf6: {  	s14 =	sadd.s32 $0xA00, s14;
	_ =	swait.ge [sflag:s11], $0x50  }
0xf7: {  	s15 =	sadd.s32 $0xA00, s15;
	s13 =	sadd.s32 $0x14, s13;
	[sflag:s11] =	ssyncset.done $0x0  }
0xf8: {  	s21 =	simm.s32 $0xA200;
	s22 =	simm.s32 $0xA280;
	[sflag:s11] =	ssyncadd.s32 $0xFFFFFFB0  }
0xf9: {  	s12 =	rddreg [dreg:$0x10]  }
0xfa: {  	[tilespmem:s1], [sflag:$0x6] =	stream.linear.gather [hbm4b:s12+s1], $0x50, $0x38;
	[tilespmem:$0xAB00] =	vst v63  }
0xfb: {  	_ =	swait.ge [sflag:s16], $0x50  }
0xfc: {  	[sflag:s16] =	ssyncset.done $0x0  }
0xfd: {  	s14 =	rddreg [dreg:$0x11];
	[sflag:s16] =	ssyncadd.s32 $0xFFFFFFB0  }
0xfe: {  	[tilespmem:s17], [sflag:$0x6] =	stream.linear.gather [hbm4b:s14+s1], $0x50, $0x38;
	[tilespmem:$0xAB00] =	vst v63  }
0xff: {  	_ =	swait.ge [sflag:s16], $0x50  }
0x100: {  	[sflag:s16] =	ssyncset.done $0x0  }
0x101: {  	[sflag:s16] =	ssyncadd.s32 $0xFFFFFFB0  }
0x102: {  	[tilespmem:s19], [sflag:$0x1] =	stream.indirect.gather [hbm4b:s3+s18], $0x80, s1, s18, $0xb8;
	[tilespmem:$0xAB00] =	vst v63  }
0x103: {  	_ = 	snop  }
0x104: {  	[tilespmem:s20], [sflag:$0x2] =	stream.indirect.gather [hbm4b:s4+s18], $0x80, s17, s18, $0xb8;
	[tilespmem:$0xAB00] =	vst v63  }
0x105: {  	_ = 	snop  }
0x106: {  	[tilespmem:s21], [sflag:$0x4] =	stream.indirect.gather [hbm4b:s5+s18], $0x1, s1, s18, $0xb8;
	[tilespmem:$0xAB00] =	vst v63  }
0x107: {  	_ = 	snop  }
0x108: {  	[tilespmem:s22], [sflag:$0x4] =	stream.indirect.gather [hbm4b:s6+s18], $0x1, s1, s18, $0xb8;
	[tilespmem:$0xAB00] =	vst v63  }
0x109: {  	_ = 	snop  }
0x10a: {  	[tilespmem:s23], [sflag:$0x4] =	stream.indirect.gather [hbm4b:s7+s18], $0x1, s1, s18, $0xb8;
	[tilespmem:$0xAB00] =	vst v63  }
0x10b: {  	_ = 	snop  }
0x10c: {  	[tilespmem:s24], [sflag:$0x4] =	stream.indirect.gather [hbm4b:s5+s18], $0x1, s17, s18, $0xb8;
	[tilespmem:$0xAB00] =	vst v63  }
0x10d: {  	_ = 	snop  }
0x10e: {  	[tilespmem:s25], [sflag:$0x4] =	stream.indirect.gather [hbm4b:s6+s18], $0x1, s17, s18, $0xb8;
	[tilespmem:$0xAB00] =	vst v63  }
0x10f: {  	_ = 	snop  }
0x110: {  	[tilespmem:s26], [sflag:$0x4] =	stream.indirect.gather [hbm4b:s7+s18], $0x1, s17, s18, $0xb8;
	[tilespmem:$0xAB00] =	vst v63  }
0x111: {  	_ =	swait.ge [sflag:s0], $0x50  }
0x112: {  	[sflag:s0] =	ssyncset.done $0x0  }
0x113: {  	[sflag:s0] =	ssyncadd.s32 $0xFFFFFFB0  }
0x114: {  	_ =	swait.ge [sflag:s0], $0x50  }
0x115: {  	[sflag:s0] =	ssyncset.done $0x0  }
0x116: {  	[sflag:s0] =	ssyncadd.s32 $0xFFFFFFB0  }
0x117: {  	_ =	swait.ge [sflag:s0], $0x50  }
0x118: {  	[sflag:s0] =	ssyncset.done $0x0  }
0x119: {  	[sflag:s0] =	ssyncadd.s32 $0xFFFFFFB0  }
0x11a: {  	_ =	swait.ge [sflag:s0], $0x50  }
0x11b: {  	[sflag:s0] =	ssyncset.done $0x0  }
0x11c: {  	[sflag:s0] =	ssyncadd.s32 $0xFFFFFFB0  }
0x11d: {  	_ =	swait.ge [sflag:s0], $0x50  }
0x11e: {  	[sflag:s0] =	ssyncset.done $0x0  }
0x11f: {  	[sflag:s0] =	ssyncadd.s32 $0xFFFFFFB0  }
0x120: {  	_ =	swait.ge [sflag:s0], $0x50  }
0x121: {  	[sflag:s0] =	ssyncset.done $0x0  }
0x122: {  	[sflag:s0] =	ssyncadd.s32 $0xFFFFFFB0  }
0x123: {  	v0 =	vld [tilespmem:$0xA380]  }
0x124: {  	v1 =	vld [tilespmem:$0xA200]  }
0x125: {  	v2 =	vld [tilespmem:$0xA400]  }
0x126: {  	v3 =	vld [tilespmem:$0xA280]  }
0x127: {  	v4 =	vld [tilespmem:$0xA480]  }
0x128: {  	v5 =	vld [tilespmem:$0xA300]  }
0x129: {  	v6 =	vld [tilespmem:$0xA390]  }
0x12a: {  	v7 =	vld [tilespmem:$0xA210]  }
0x12b: {  	v8 =	vld [tilespmem:$0xA410]  }
0x12c: {  	v9 =	vld [tilespmem:$0xA290]  }
0x12d: {  	v10 =	vld [tilespmem:$0xA490]  }
0x12e: {  	v11 =	vld [tilespmem:$0xA310]  }
0x12f: {  	v12 =	vld [tilespmem:$0xA3A0]  }
0x130: {  	v13 =	vld [tilespmem:$0xA220]  }
0x131: {  	v14 =	vld [tilespmem:$0xA420]  }
0x132: {  	v15 =	vld [tilespmem:$0xA2A0]  }
0x133: {  	v16 =	vld [tilespmem:$0xA4A0]  }
0x134: {  	v17 =	vld [tilespmem:$0xA320]  }
0x135: {  	v18 =	vld [tilespmem:$0xA3B0]  }
0x136: {  	v19 =	vld [tilespmem:$0xA230]  }
0x137: {  	v20 =	vld [tilespmem:$0xA430]  }
0x138: {  	v21 =	vld [tilespmem:$0xA2B0]  }
0x139: {  	v38 =	vld [tilespmem:$0xA4B0]  }
0x13a: {  	v43 =	vld [tilespmem:$0xA3C0]  }
0x13b: {  	v46 =	vld [tilespmem:$0xA240];
	v0 =	vsub.f32 v0, v1;
	v37 =	vsub.f32 v2, v3  }
0x13c: {  	v49 =	vld [tilespmem:$0xA440];
	v39 =	vsub.f32 v4, v5;
	v40 =	vsub.f32 v6, v7  }
0x13d: {  	v50 =	vld [tilespmem:$0xA2C0];
	v42 =	vsub.f32 v8, v9;
	v44 =	vsub.f32 v12, v13  }
0x13e: {  	v41 =	vld [tilespmem:$0xA330];
	v45 =	vsub.f32 v14, v15;
	v52 =	vsub.f32 v10, v11  }
0x13f: {  	v54 =	vsub.f32 v16, v17;
	v55 =	vsub.f32 v18, v19;
	v0 =	vmul.f32 v0, v0  }
0x140: {  	v51 =	vld [tilespmem:$0xA4C0];
	v56 =	vsub.f32 v20, v21;
	v1 =	vmul.f32 v37, v37;
	v3 =	vmul.f32 v39, v39  }
0x141: {  	v53 =	vld [tilespmem:$0xA340];
	v7 =	vsub.f32 v43, v46;
	v47 =	vmul.f32 v40, v40;
	v48 =	vmul.f32 v42, v42  }
0x142: {  	v6 =	vsub.f32 v49, v50;
	v8 =	vmul.f32 v44, v44;
	v9 =	vmul.f32 v45, v45  }
0x143: {  	v2 =	vsub.f32 v38, v41;
	v4 =	vmul.f32 v52, v52;
	v10 =	vmul.f32 v54, v54  }
0x144: {  	v57 =	vmul.f32 v55, v55;
	v58 =	vmul.f32 v56, v56;
	v0 =	vadd.f32 v1, v0  }
0x145: {  	v7 =	vmul.f32 v7, v7;
	v1 =	vadd.f32 v48, v47;
	v8 =	vadd.f32 v9, v8  }
0x146: {  	v6 =	vmul.f32 v6, v6;
	v0 =	vadd.f32 v3, v0;
	v3 =	vsub.f32 v51, v53  }
0x147: {  	v2 =	vmul.f32 v2, v2;
	v59 =	vadd.f32 v58, v57;
	v1 =	vadd.f32 v4, v1  }
0x148: {  	v61 =	vadd.f32 v6, v7;
	v60 =	vadd.f32 v10, v8;
	[tilespmem:$0xAA00] =	vst v0;
	v3 =	vmul.f32 v3, v3  }
0x149: {  	v62 =	vadd.f32 v2, v59;
	[tilespmem:$0xAA10] =	vst v1  }
0x14a: {  	[tilespmem:$0xAA20] =	vst v60;
	v63 =	vadd.f32 v3, v61  }
0x14b: {  	[tilespmem:$0xAA30] =	vst v62  }
0x14c: {  	[tilespmem:$0xAA40] =	vst v63  }
0x14d: {  	_ =	swait.ge [sflag:s2], $0x2800  }
0x14e: {  	[sflag:s2] =	ssyncset.done $0x0  }
0x14f: {  	[sflag:s2] =	ssyncadd.s32 $0xFFFFD800  }
0x150: {  	_ =	swait.ge [sflag:s8], $0x2800  }
0x151: {  	[sflag:s8] =	ssyncset.done $0x0  }
0x152: {  	s15 =	rddreg [dreg:$0x12];
	[sflag:s8] =	ssyncadd.s32 $0xFFFFD800  }
0x153: {  	[hbm4b:s15+s1] =	stream.linear.scatter [tilespmem:s19], [sflag:$0x3], $0x2800, $0x38;
	[tilespmem:$0xAB00] =	vst v63  }
0x154: {  	s13 =	rddreg [dreg:$0x13]  }
0x155: {  	[hbm4b:s13+s1] =	stream.linear.scatter [tilespmem:s20], [sflag:$0x3], $0x2800, $0x38;
	[tilespmem:$0xAB00] =	vst v63  }
0x156: {  	s14 =	rddreg [dreg:$0x14]  }
0x157: {  	[hbm4b:s14+s1] =	stream.linear.scatter [tilespmem:s9], [sflag:$0x3], $0x50, $0x38;
	[tilespmem:$0xAB00] =	vst v63  }
0x158: {  	_ =	swait.ge [sflag:s11], $0x2800  }
0x159: {  	[sflag:s11] =	ssyncset.done $0x0  }
0x15a: {  	[sflag:s11] =	ssyncadd.s32 $0xFFFFD800  }
0x15b: {  	_ =	swait.ge [sflag:s11], $0x2800  }
0x15c: {  	[sflag:s11] =	ssyncset.done $0x0  }
0x15d: {  	[sflag:s11] =	ssyncadd.s32 $0xFFFFD800  }
0x15e: {  	_ =	swait.ge [sflag:s11], $0x50  }
0x15f: {  	s13 =	rddreg [dreg:$0x18]  }
0x160: {  	s15 =	rddreg [dreg:$0x15];
	s13 =	sadd.s32 $0x1, s13  }
0x161: {  	p0 =	sne.s32 s13, s15  }
.Ltmp1:
0x162: {  	_ = 	snop;
	(pc) =	sbr.rel @p0 .LBB2_1-.Ltmp1, $3  }
0x163: {  	_ =	sdelay $0x1  }
0x164: {  	[sflag:s11] =	ssyncset.done $0x0  }
0x165: {  	[sflag:s11] =	ssyncadd.s32 $0xFFFFFFB0  }
0x166: {  	_ =	sfence.sel $0x180000  }
0x167: {  	[bflag:$0x0] =	sbarrier.arrive $0xFFFF  }
0x168: {  	_ =	strace $0x90000047  }
0x169: {  	s0 =	stileid.u32;
	[bflag:$0x2] =	sbarrier.arrive $0xFFFF  }
0x16a: {  	p0 =	sne.s32 s0, $0x0;
	s0 =	rddreg [dreg:$0x2]  }
0x16b: {  	s0 =	sadd.s32 @!p0 $0x100000, s0  }
0x16c: {  	[sflag:s0] =	ssyncadd.tile.s32 @!p0 $0x1;
	_ =	shalt  }
.Lfunc_end2:
_tile_overlayer_lowered:
.L_overlay_start_2:
0x16d: {  	(tag) =	ssettag $0x2  }
0x16e: {  	s0 =	rddreg [dreg:$0x0];
	s2 =	stileid.u32  }
0x16f: {  	s1 =	rddreg [dreg:$0x1];
	p0 =	sne.s32 s2, $0x0  }
0x170: {  	s3 =	rddreg [dreg:$0x2];
	[bflag:$0x3] =	sbarrier.arrive $0xFFFF;
	s2 =	simm.s32 @!p0 $0x1C06  }
0x171: {  	[timem:s3], [sflag:s2] =	dma.local @!p0 [hbm:s0], s1  }
0x172: {  	s0 =	simm.s32 @!p0 $0x6  }
0x173: {  	_ =	swait.ge @!p0 [sflag:s0], s1  }
0x174: {  	s1 =	ssub.s32 @!p0 $0x0, s1;
	[sflag:s0] =	ssyncset.done @!p0 $0x0  }
0x175: {  	[sflag:s0] =	ssyncadd.s32 @!p0 s1  }
0x176: {  	[bflag:$0x3] =	sbarrier.arrive $0xFFFF  }
0x177: {  	_ =	shalt  }

// kernel: kernel.14.cloned.1.call-start
scs
__scs_entry_jumppad:
0x0: {  	(pc) =	sbr.rel $0x88, $3  }
0x1: {  	(tag) =	ssettag $0x0;
	lr =	simm.s32 $0x1  }
0x2: {  	[smem:$0x3F8C] =	sst lr;
	_ =	strace $0xD0000000  }
0x3: {  	_ = 	snop  }
0x4: {  	_ = 	snop  }
0x5: {  	_ = 	snop  }
0x6: {  	_ = 	snop  }
0x7: {  	_ = 	snop  }
__scs_overlays_trampoline_lowered:
0x8: {  	[smem:$0x3F9B] =	sst s0  }
0x9: {  	[smem:$0x3F9C] =	sst s1  }
0xa: {  	[smem:$0x3F9D] =	sst s2  }
0xb: {  	[smem:$0x3F9E] =	sst s3  }
0xc: {  	[smem:$0x3F9F] =	sst s4  }
0xd: {  	[smem:$0x3FA0] =	sst s5  }
0xe: {  	[smem:$0x3FA1] =	sst s6  }
0xf: {  	[smem:$0x3FA2] =	sst s7  }
0x10: {  	[smem:$0x3FA3] =	sst s8  }
0x11: {  	[smem:$0x3FA4] =	sst s9;
	s0 =	simm.s32 @!p0 $0x0  }
0x12: {  	s1 =	sld [smem:$0x3F8A];
	s0 =	simm.s32 @p0 $0x1  }
0x13: {  	[smem:$0x3FA5] =	sst s0;
	s0 =	simm.s32 @!p1 $0x0  }
0x14: {  	s2 =	sld [smem:$0x3F89];
	s0 =	simm.s32 @p1 $0x1  }
0x15: {  	[smem:$0x3FA6] =	sst s0;
	s0 =	simm.s32 @!p2 $0x0  }
0x16: {  	s3 =	sld [smem:$0x3FDB];
	s0 =	simm.s32 @p2 $0x1  }
0x17: {  	s4 =	simm.s32 $0x1BF5;
	[smem:$0x3FA8] =	sst s0  }
0x18: {  	s0 =	sld [smem:$0x3F8B];
	_ =	swait.ge [sflag:s4], $0x0  }
0x19: {  	s7 =	sld [smem:$0x3F8C]  }
0x1a: {  	s8 =	sadd.s32 $0xFFFFE003, lr  }
0x1b: {  	s9 =	sadd.s32 $0xFFFFFEF7, lr;
	s5 =	simm.s32 $0xFFFFFFFF;
	p2 =	slt.u32 s8, $0xFFFFF086  }
0x1c: {  	p1 =	slt.u32 s9, $0xF7A;
	s5 =	simm.s32 @!p2 $0x0  }
0x1d: {  	s5 =	simm.s32 @p1 $0x1;
	p0 =	seq.s32 s7, s2  }
0x1e: {  	s7 =	smul.u32 @!p0 $0xF7A, s2;
	p2 =	seq.s32 @!p0 s5, $0x0  }
0x1f: {  	s9 =	smul.u32 $0xF7A, s1;
	s8 =	simm.s32 @!p0 $0x1BF5;
	p2 =	por !p2, p0  }
0x20: {  	[sflag:s8] =	ssyncset.s32 @!p0 $0xFFFFF086;
	s6 =	sadd.s32 @!p0 s3, s7;
	s7 =	simm.s32 @!p0 $0x108  }
0x21: {  	s3 =	sadd.s32 s3, s9;
	s6 =	sadd.s32 @!p0 $0x88, s6;
	s7 =	simm.s32 @p2 $0x1082  }
0x22: {  	[simem:s7], [sflag:s8] =	dma.local @!p0 [hbm:s6], $0xF7A  }
0x23: {  	s9 =	sor.u32 $0xD0000000, s2;
	s6 =	simm.s32 $0x108;
	_ =	swait.ge @!p0 [sflag:s8], $0x0  }
0x24: {  	s3 =	sadd.s32 $0x88, s3;
	s6 =	simm.s32 @!p1 $0x1082;
	[sflag:s4] =	ssyncset.s32 $0xFFFFF086  }
0x25: {  	[simem:s6], [sflag:s4] =	dma.local [hbm:s3], $0xF7A  }
0x26: {  	[smem:$0x3F8C] =	sst s1;
	(tag) =	ssettag s2;
	_ =	strace s9  }
0x27: {  	s1 =	sld [smem:$0x3F9C]  }
0x28: {  	s2 =	sld [smem:$0x3F9D]  }
0x29: {  	s4 =	sld [smem:$0x3F9F]  }
0x2a: {  	p0 =	seq.s32 s5, $0x0;
	s5 =	sld [smem:$0x3FA0]  }
0x2b: {  	s6 =	sld [smem:$0x3FA1]  }
0x2c: {  	s7 =	sld [smem:$0x3FA2]  }
0x2d: {  	s3 =	simm.s32 $0x108;
	s8 =	sld [smem:$0x3FA3]  }
0x2e: {  	s3 =	simm.s32 @!p0 $0x1082;
	s9 =	sld [smem:$0x3FA4]  }
0x2f: {  	lr =	sadd.s32 s0, s3;
	s0 =	sld [smem:$0x3F9B]  }
0x30: {  	s3 =	sld [smem:$0x3F9E]  }
0x31: {  	[smem:$0x3FA7] =	sst s10  }
0x32: {  	s10 =	sld [smem:$0x3FA5];
	_ =	sdelay $0x3  }
0x33: {  	p0 =	seq.s32 s10, $0x1;
	s10 =	sld [smem:$0x3FA7];
	_ =	sdelay $0x3  }
0x34: {  	[smem:$0x3FA7] =	sst s10  }
0x35: {  	s10 =	sld [smem:$0x3FA6];
	_ =	sdelay $0x3  }
0x36: {  	p1 =	seq.s32 s10, $0x1;
	s10 =	sld [smem:$0x3FA7];
	_ =	sdelay $0x3  }
0x37: {  	[smem:$0x3FA7] =	sst s10  }
0x38: {  	s10 =	sld [smem:$0x3FA8]  }
0x39: {  	_ = 	snop;
	(pc) =	sbr.ind lr, $3  }
0x3a: {  	_ = 	snop  }
0x3b: {  	_ = 	snop  }
0x3c: {  	p2 =	seq.s32 s10, $0x1;
	s10 =	sld [smem:$0x3FA7]  }
0x3d: {  	_ =	shalt  }
0x3e: {  	_ =	shalt  }
0x3f: {  	_ =	shalt  }
0x40: {  	_ =	shalt  }
0x41: {  	_ =	shalt  }
0x42: {  	_ =	shalt  }
0x43: {  	_ =	shalt  }
0x44: {  	_ =	shalt  }
0x45: {  	_ =	shalt  }
0x46: {  	_ =	shalt  }
0x47: {  	_ =	shalt  }
0x48: {  	_ =	shalt  }
0x49: {  	_ =	shalt  }
0x4a: {  	_ =	shalt  }
0x4b: {  	_ =	shalt  }
0x4c: {  	_ =	shalt  }
0x4d: {  	_ =	shalt  }
0x4e: {  	_ =	shalt  }
0x4f: {  	_ =	shalt  }
0x50: {  	_ =	shalt  }
0x51: {  	_ =	shalt  }
0x52: {  	_ =	shalt  }
0x53: {  	_ =	shalt  }
0x54: {  	_ =	shalt  }
0x55: {  	_ =	shalt  }
0x56: {  	_ =	shalt  }
0x57: {  	_ =	shalt  }
0x58: {  	_ =	shalt  }
0x59: {  	_ =	shalt  }
0x5a: {  	_ =	shalt  }
0x5b: {  	_ =	shalt  }
0x5c: {  	_ =	shalt  }
0x5d: {  	_ =	shalt  }
0x5e: {  	_ =	shalt  }
0x5f: {  	_ =	shalt  }
0x60: {  	_ =	shalt  }
0x61: {  	_ =	shalt  }
0x62: {  	_ =	shalt  }
0x63: {  	_ =	shalt  }
0x64: {  	_ =	shalt  }
0x65: {  	_ =	shalt  }
0x66: {  	_ =	shalt  }
0x67: {  	_ =	shalt  }
0x68: {  	_ =	shalt  }
0x69: {  	_ =	shalt  }
0x6a: {  	_ =	shalt  }
0x6b: {  	_ =	shalt  }
0x6c: {  	_ =	shalt  }
0x6d: {  	_ =	shalt  }
0x6e: {  	_ =	shalt  }
0x6f: {  	_ =	shalt  }
0x70: {  	_ =	shalt  }
0x71: {  	_ =	shalt  }
0x72: {  	_ =	shalt  }
0x73: {  	_ =	shalt  }
0x74: {  	_ =	shalt  }
0x75: {  	_ =	shalt  }
0x76: {  	_ =	shalt  }
0x77: {  	_ =	shalt  }
0x78: {  	_ =	shalt  }
0x79: {  	_ =	shalt  }
0x7a: {  	_ =	shalt  }
0x7b: {  	_ =	shalt  }
0x7c: {  	_ =	shalt  }
0x7d: {  	_ =	shalt  }
0x7e: {  	_ =	shalt  }
0x7f: {  	_ =	shalt  }
0x80: {  	_ =	shalt  }
0x81: {  	_ =	shalt  }
0x82: {  	_ =	shalt  }
0x83: {  	_ =	shalt  }
0x84: {  	_ =	shalt  }
0x85: {  	_ =	shalt  }
0x86: {  	_ =	shalt  }
0x87: {  	_ =	shalt  }
.Lfunc_end0:
.L_simem_size_0:
called_computation.1_lowered:
.L_overlay_start_0:
0x88: {  	s2 =	sld [smem:$0x3FD9]  }
0x89: {  	s3 =	sld [smem:$0x3FFE];
	_ =	sdelay $0x1  }
0x8a: {  	s1 =	srdreg.scid  }
0x8b: {  	s0 =	sand.u32 $0x1, s1  }
0x8c: {  	s14 =	sshll.u32 s0, $0xA;
	s2 =	sadd.s32 s3, s2  }
0x8d: {  	s2 =	sadd.s32 s2, s14  }
0x8e: {  	[smem:$0x3FB3] =	sst s2  }
0x8f: {  	_ = 	snop  }
0x90: {  	s2 =	sld [smem:$0x3FD0];
	_ =	sdelay $0x2  }
0x91: {  	s15 =	simm.s32 $0xA;
	s4 =	simm.s32 $0x10  }
0x92: {  	[smem:s4], [sflag:s15] =	dma.local [hbm:s2], $0x1  }
0x93: {  	_ =	swait.eq [sflag:s15], $0x1  }
0x94: {  	[sflag:s15] =	ssyncset.done $0x0  }
0x95: {  	[sflag:s15] =	ssyncadd.s32 $0xFFFFFFFF  }
0x96: {  	s16 =	sld [smem:$0x10];
	(tm) =	ssettm $0x1  }
0x97: {  	s17 =	sld [smem:$0x3FFB];
	_ =	sdelay $0x3  }
0x98: {  	_ =	strace s17  }
0x99: {  	s3 =	sld [smem:$0x3FFC];
	_ =	sdelay $0x3  }
0x9a: {  	_ =	strace s3  }
0x9b: {  	s3 =	sld [smem:$0x3FFD];
	_ =	sdelay $0x3  }
0x9c: {  	_ =	strace s3  }
0x9d: {  	_ =	strace $0x8FFFFFFF  }
0x9e: {  	s18 =	sld [smem:$0x3FDB];
	_ =	sdelay $0x1  }
0x9f: {  	s19 =	simm.s32 $_scs_section_size  }
0xa0: {  	s5 =	simm.s32 $_size__tile_overlayer_lowered;
	s6 =	simm.s32 $_tile_overlayer_lowered  }
0xa1: {  	s22 =	simm.s32 $0x1BFF;
	s21 =	sshll.u32 s6, $0x1;
	s3 =	sadd.s32 s19, s18  }
0xa2: {  	s7 =	simm.s32 $0x0;
	s20 =	sshll.u32 s5, $0x1;
	s5 =	sadd.s32 s21, s3  }
0xa3: {  	[timem:s7], [sflag:s22] =	dma.local [hbm:s5], s20  }
0xa4: {  	_ =	swait.ge [sflag:s22], s20  }
0xa5: {  	s4 =	ssub.s32 $0x0, s20;
	[sflag:s22] =	ssyncset.done $0x0  }
0xa6: {  	[sflag:s22] =	ssyncadd.s32 s4;
	_ =	sdelay $0x1  }
0xa7: {  	s23 =	simm.s32 $0x1B8B  }
0xa8: {  	_ =	swait.ge [sflag:s23], $0x1  }
0xa9: {  	[sflag:s23] =	ssyncset.done $0x0  }
0xaa: {  	s25 =	simm.s32 $0x1B8E;
	s24 =	sld [smem:$0x3FFE];
	[sflag:s23] =	ssyncadd.s32 $0xFFFFFFFF  }
0xab: {  	s26 =	simm.s32 $execute0_lowered;
	[smem:$0x3FD2] =	sst s25  }
0xac: {  	s5 =	sshll.u32 s26, $0x1;
	_ =	strace $0x80000049;
	[dreg:$0x1] =	wrdreg $0xFFFFFFFF  }
0xad: {  	s28 =	simm.s32 $_size_execute0_lowered;
	s3 =	sadd.s32 s3, s5;
	[dreg:$0x0] =	wrdreg $0x0  }
0xae: {  	s5 =	sshll.u32 s28, $0x1;
	[dreg:$0x2] =	wrdreg s3  }
0xaf: {  	[dreg:$0x3] =	wrdreg s5  }
0xb0: {  	[dreg:$0x4] =	wrdreg $0xC0  }
0xb1: {  	_ =	task [dreg:s7], $0x5FFFF  }
0xb2: {  	[dreg:$0x1] =	wrdreg $0xFFFFFFFF  }
0xb3: {  	[dreg:$0x0] =	wrdreg $0x60  }
0xb4: {  	[dreg:$0x2] =	wrdreg s24  }
0xb5: {  	[dreg:$0x3] =	wrdreg s16  }
0xb6: {  	[dreg:$0x4] =	wrdreg $0x79000  }
0xb7: {  	[dreg:$0x5] =	wrdreg $0x9  }
0xb8: {  	_ =	task.clear_ibuf [dreg:s7], $0x6FFFF;
	_ =	strace $0x90000049  }
0xb9: {  	s29 =	simm.s32 $0x9;
	_ =	strace $0x8000004B  }
0xba: {  	_ =	swait.ge [sflag:s29], $0x1  }
0xbb: {  	[sflag:s29] =	ssyncadd.s32 $0xFFFFFFFF  }
0xbc: {  	_ =	strace $0x9000004B  }
0xbd: {  	_ =	sfence  }
0xbe: {  	s30 =	sld [smem:$0x0];
	_ =	sdelay $0x2  }
0xbf: {  	s31 =	sshll.u32 s1, $0xD;
	s1 =	sshrl.u32 s1, $0x2  }
0xc0: {  	s3 =	sand.u32 $0x4000, s31;
	s1 =	sadd.s32 s1, s30  }
0xc1: {  	s0 =	sor.u32 s3, s0;
	s1 =	sshll.u32 s1, $0x11  }
0xc2: {  	s0 =	sor.u32 s1, s0  }
0xc3: {  	s0 =	sadd.s32 $0x8F2B, s0  }
0xc4: {  	[sflag:s0] =	ssyncadd.remote.s32 $0x1  }
0xc5: {  	_ =	sfence.sel $0xFFFF  }
0xc6: {  	[dreg:$0x0] =	wrdreg $0xFFFFFFFF;
	(pc) =	sbr.abs _section_cstart, $3  }
0xc7: {  	[dreg:$0x1] =	wrdreg $0xFFFFFFFF  }
0xc8: {  	_ =	task.clear_ibuf [dreg:s7], $0x2FFFF;
	_ =	strace $0x9FFFFFFF  }
0xc9: {  	(tm) =	ssettm $0x7FFFFFFF  }
tec
execute0_lowered:
.L_overlay_start_1:
0x0: {  	(tag) =	ssettag $0x1  }
0x1: {  	s6 =	rddreg [dreg:$0x0]  }
0x2: {  	s1 =	rddreg [dreg:$0x1]  }
0x3: {  	s2 =	rddreg [dreg:$0x2];
	s3 =	srdreg.scid  }
0x4: {  	s0 =	rddreg [dreg:$0x3];
	s4 =	simm.s32 $0x0;
	s9 =	sand.u32 $0x1, s3  }
0x5: {  	s17 =	simm.s32 $0x100;
	s3 =	stileid.u32;
	s7 =	smul.u32 $0x138800, s9  }
0x6: {  	s18 =	simm.s32 $0x1;
	s19 =	simm.s32 $0x80;
	s8 =	smul.u32 $0x2800, s3  }
0x7: {  	s20 =	simm.s32 $0x2900;
	s21 =	simm.s32 $0x50;
	s24 =	smul.u32 $0xA000, s3  }
0x8: {  	s22 =	simm.s32 $0x0;
	[smem:$0x7FF] =	sst s4;
	s28 =	smul.u32 $0x27100, s9  }
0x9: {  	s11 =	sadd.s32 $0x18FA400, s6;
	s5 =	sadd.s32 $0x5800, s6;
	s16 =	smul.u32 $0x2710, s3  }
0xa: {  	_ =	strace $0x8000004A;
	s10 =	sshll.u32 s9, $0x4;
	s29 =	smul.u32 $0x271000, s9  }
0xb: {  	s23 =	ssub.s32 $0x2, s9;
	s30 =	smul.u32 $0x27100, s3;
	s10 =	sor.u32 s3, s10  }
0xc: {  	s25 =	ssub.s32 $0x7C, s3;
	s13 =	sshrl.u32 s23, $0x1;
	s12 =	smul.u32 $0x2710, s10  }
0xd: {  	s15 =	sshrl.u32 s25, $0x4;
	s7 =	sadd.s32 s8, s7;
	s10 =	smul.u32 $0x27100, s10  }
0xe: {  	s8 =	ssub.s32 s23, s13;
	s9 =	sadd.s32 $0x1, s15;
	s13 =	sshrl.u32 s24, $0x2  }
0xf: {  	s15 =	simm.s32 $0x5100;
	s7 =	sshrl.u32 s7, $0x3;
	s8 =	smax.u32 s8, $0x1  }
0x10: {  	s14 =	sadd.s32 s7, s6;
	s26 =	sshrl.u32 s12, $0x3;
	s7 =	sadd.s32 s11, s10  }
0x11: {  	s12 =	sadd.s32 s16, s28;
	s11 =	sadd.s32 s29, s11;
	s10 =	sadd.s32 s13, s2  }
0x12: {  	s6 =	sadd.s32 s1, s26;
	s16 =	sadd.s32 $0x50, s12;
	s11 =	sadd.s32 s30, s11  }
0x13: {  	s12 =	sadd.s32 $0xA0, s12;
	s14 =	sadd.s32 $0xFE00, s14;
	s31 =	sshrl.u32 s16, $0x3  }
0x14: {  	s11 =	sadd.s32 $0xA00, s11;
	s16 =	simm.s32 $0x2;
	s13 =	sadd.s32 s31, s1  }
.LBB2_1:
0x15: {  	[tilespmem:s15], [sflag:$0x2] =	stream.linear.gather [hbm4b:s5+s4], $0x2800, $0x38;
	[tilespmem:$0x1B180] =	vst v63  }
0x16: {  	p0 =	sne.s32 s9, $0x1;
	_ =	swait.ge [sflag:s16], $0x2800  }
.Ltmp0:
0x17: {  	[sflag:s16] =	ssyncset.done $0x0;
	(pc) =	sbr.rel @!p0 .LBB2_3-.Ltmp0, $4  }
0x18: {  	[sflag:s16] =	ssyncadd.s32 $0xFFFFD800  }
0x19: {  	[spmem:s10] =	stream.linear.scatter [tilespmem:s15], [sflag:$0x2], $0x2800, $0x38;
	[tilespmem:$0x1B180] =	vst v63  }
0x1a: {  	_ =	swait.ge [sflag:s16], $0x2800  }
0x1b: {  	s23 =	sadd.s32 $0xFFFFFFFF, s9;
	s24 =	smov.u32 s10;
	[sflag:s16] =	ssyncset.done $0x0  }
.LBB2_2:
0x1c: {  	p1 =	sne.s32 s23, $0x1;
	[sflag:s16] =	ssyncadd.s32 $0xFFFFD800;
	s24 =	sadd.s32 $0x28000, s24  }
.Ltmp1:
0x1d: {  	s23 =	sadd.s32 $0xFFFFFFFF, s23;
	(pc) =	sbr.rel @p1 .LBB2_2-.Ltmp1, $4  }
0x1e: {  	_ = 	snop  }
0x1f: {  	[spmem:s24] =	stream.linear.scatter [tilespmem:s15], [sflag:$0x2], $0x2800, $0x38;
	[tilespmem:$0x1B180] =	vst v63  }
0x20: {  	_ =	swait.ge [sflag:s16], $0x2800  }
0x21: {  	[sflag:s16] =	ssyncset.done $0x0  }
.LBB2_3:
0x22: {  	[sflag:s16] =	ssyncadd.s32 $0xFFFFD800  }
0x23: {  	s23 =	simm.s32 $0x0;
	[bflag:$0x0] =	sbarrier.arrive $0xFFFF  }
0x24: {  	[tilespmem:s23], [sflag:$0x1] =	stream.linear.gather [hbm4b:s6+s23], $0x50, $0x38;
	[tilespmem:$0x1B180] =	vst v63  }
0x25: {  	_ = 	snop  }
0x26: {  	[tilespmem:s17], [sflag:$0x1] =	stream.linear.gather [hbm4b:s7+s23], $0x2800, $0x38;
	[tilespmem:$0x1B180] =	vst v63  }
0x27: {  	_ =	swait.ge [sflag:s18], $0x50  }
0x28: {  	[sflag:s18] =	ssyncset.done $0x0  }
0x29: {  	[sflag:s18] =	ssyncadd.s32 $0xFFFFFFB0  }
0x2a: {  	_ =	swait.ge [sflag:s18], $0x2800  }
0x2b: {  	[sflag:s18] =	ssyncset.done $0x0  }
0x2c: {  	s29 =	sadd.s32 $0x0, s13;
	[sflag:s18] =	ssyncadd.s32 $0xFFFFD800  }
0x2d: {  	[tilespmem:s19], [sflag:$0x1] =	stream.linear.gather [hbm4b:s29+s4], $0x50, $0x38;
	[tilespmem:$0x1B180] =	vst v63  }
0x2e: {  	s30 =	sadd.s32 $0xFFFFFB00, s11  }
0x2f: {  	[tilespmem:s20], [sflag:$0x1] =	stream.linear.gather [hbm4b:s30+s4], $0x2800, $0x38;
	[tilespmem:$0x1B180] =	vst v63  }
0x30: {  	_ = 	snop  }
0x31: {  	[spmem:s2] =	stream.indirect.scatter.add.f32 [tilespmem:s17], [sflag:$0x2], $0x80, s4, s21, $0xb8;
	[tilespmem:$0x1B180] =	vst v63  }
0x32: {  	_ =	swait.ge [sflag:s16], $0x2800  }
0x33: {  	[sflag:s16] =	ssyncset.done $0x0  }
0x34: {  	[sflag:s16] =	ssyncadd.s32 $0xFFFFD800  }
0x35: {  	_ =	swait.ge [sflag:s18], $0x50  }
0x36: {  	[sflag:s18] =	ssyncset.done $0x0  }
0x37: {  	[sflag:s18] =	ssyncadd.s32 $0xFFFFFFB0  }
0x38: {  	_ =	swait.ge [sflag:s18], $0x2800  }
0x39: {  	s31 =	sshrl.u32 s12, $0x3;
	[sflag:s18] =	ssyncset.done $0x0  }
0x3a: {  	s23 =	sadd.s32 s1, s31;
	[sflag:s18] =	ssyncadd.s32 $0xFFFFD800  }
0x3b: {  	[tilespmem:s4], [sflag:$0x1] =	stream.linear.gather [hbm4b:s23+s4], $0x50, $0x38;
	[tilespmem:$0x1B180] =	vst v63  }
0x3c: {  	_ = 	snop  }
0x3d: {  	[tilespmem:s17], [sflag:$0x1] =	stream.linear.gather [hbm4b:s11+s4], $0x2800, $0x38;
	[tilespmem:$0x1B180] =	vst v63  }
0x3e: {  	_ = 	snop  }
0x3f: {  	[spmem:s2] =	stream.indirect.scatter.add.f32 [tilespmem:s20], [sflag:$0x2], $0x80, s19, s21, $0xb8;
	[tilespmem:$0x1B180] =	vst v63  }
0x40: {  	_ =	swait.ge [sflag:s16], $0x2800  }
0x41: {  	[sflag:s16] =	ssyncset.done $0x0  }
0x42: {  	[sflag:s16] =	ssyncadd.s32 $0xFFFFD800  }
0x43: {  	_ =	swait.ge [sflag:s18], $0x50  }
0x44: {  	[sflag:s18] =	ssyncset.done $0x0  }
0x45: {  	[sflag:s18] =	ssyncadd.s32 $0xFFFFFFB0  }
0x46: {  	s25 =	simm.s32 $0x14;
	s26 =	simm.s32 $0x28;
	_ =	swait.ge [sflag:s18], $0x2800  }
0x47: {  	s24 =	sadd.s32 $0xA0, s12;
	s23 =	sadd.s32 $0xA00, s11;
	[sflag:s18] =	ssyncset.done $0x0  }
.LBB2_4:
0x48: {  	s28 =	sadd.s32 s25, s13  }
0x49: {  	[sflag:s18] =	ssyncadd.s32 $0xFFFFD800;
	s25 =	smov.u32 s26;
	s29 =	sadd.s32 $0x14, s26  }
0x4a: {  	[tilespmem:s19], [sflag:$0x1] =	stream.linear.gather [hbm4b:s28+s4], $0x50, $0x38;
	[tilespmem:$0x1B180] =	vst v63  }
0x4b: {  	p1 =	sne.s32 s26, $0x4C4;
	s26 =	sadd.s32 $0xFFFFFB00, s23  }
0x4c: {  	[tilespmem:s20], [sflag:$0x1] =	stream.linear.gather [hbm4b:s26+s4], $0x2800, $0x38;
	[tilespmem:$0x1B180] =	vst v63  }
0x4d: {  	_ = 	snop  }
0x4e: {  	[spmem:s2] =	stream.indirect.scatter.add.f32 [tilespmem:s17], [sflag:$0x2], $0x80, s4, s21, $0xb8;
	[tilespmem:$0x1B180] =	vst v63  }
0x4f: {  	_ =	swait.ge [sflag:s16], $0x2800  }
0x50: {  	[sflag:s16] =	ssyncset.done $0x0  }
0x51: {  	[sflag:s16] =	ssyncadd.s32 $0xFFFFD800  }
0x52: {  	_ =	swait.ge [sflag:s18], $0x50  }
0x53: {  	[sflag:s18] =	ssyncset.done $0x0  }
0x54: {  	[sflag:s18] =	ssyncadd.s32 $0xFFFFFFB0  }
0x55: {  	_ =	swait.ge [sflag:s18], $0x2800  }
0x56: {  	s26 =	sshrl.u32 s24, $0x3;
	[sflag:s18] =	ssyncset.done $0x0  }
0x57: {  	s26 =	sadd.s32 s1, s26;
	[sflag:s18] =	ssyncadd.s32 $0xFFFFD800  }
0x58: {  	[tilespmem:s4], [sflag:$0x1] =	stream.linear.gather [hbm4b:s26+s4], $0x50, $0x38;
	[tilespmem:$0x1B180] =	vst v63  }
0x59: {  	_ = 	snop  }
0x5a: {  	[tilespmem:s17], [sflag:$0x1] =	stream.linear.gather [hbm4b:s23+s4], $0x2800, $0x38;
	[tilespmem:$0x1B180] =	vst v63  }
0x5b: {  	_ = 	snop  }
0x5c: {  	[spmem:s2] =	stream.indirect.scatter.add.f32 [tilespmem:s20], [sflag:$0x2], $0x80, s19, s21, $0xb8;
	[tilespmem:$0x1B180] =	vst v63  }
0x5d: {  	_ =	swait.ge [sflag:s16], $0x2800  }
0x5e: {  	[sflag:s16] =	ssyncset.done $0x0  }
0x5f: {  	[sflag:s16] =	ssyncadd.s32 $0xFFFFD800  }
.Ltmp2:
0x60: {  	_ =	swait.ge [sflag:s18], $0x50;
	(pc) =	sbr.rel @p1 .LBB2_4-.Ltmp2, $4  }
0x61: {  	[sflag:s18] =	ssyncset.done $0x0  }
0x62: {  	[sflag:s18] =	ssyncadd.s32 $0xFFFFFFB0  }
0x63: {  	s24 =	sadd.s32 $0xA0, s24;
	_ =	swait.ge [sflag:s18], $0x2800  }
0x64: {  	s26 =	smov.u32 s29;
	s23 =	sadd.s32 $0xA00, s23;
	[sflag:s18] =	ssyncset.done $0x0  }
0x65: {  	s25 =	sadd.s32 s25, s13;
	[sflag:s18] =	ssyncadd.s32 $0xFFFFD800  }
0x66: {  	[tilespmem:s19], [sflag:$0x1] =	stream.linear.gather [hbm4b:s25+s4], $0x50, $0x38;
	[tilespmem:$0x1B180] =	vst v63  }
0x67: {  	s31 =	sadd.s32 $0xFFFFFB00, s23  }
0x68: {  	[tilespmem:s20], [sflag:$0x1] =	stream.linear.gather [hbm4b:s31+s4], $0x2800, $0x38;
	[tilespmem:$0x1B180] =	vst v63  }
0x69: {  	_ = 	snop  }
0x6a: {  	[spmem:s2] =	stream.indirect.scatter.add.f32 [tilespmem:s17], [sflag:$0x2], $0x80, s4, s21, $0xb8;
	[tilespmem:$0x1B180] =	vst v63  }
0x6b: {  	_ =	swait.ge [sflag:s16], $0x2800  }
0x6c: {  	[sflag:s16] =	ssyncset.done $0x0  }
0x6d: {  	[sflag:s16] =	ssyncadd.s32 $0xFFFFD800  }
0x6e: {  	_ =	swait.ge [sflag:s18], $0x50  }
0x6f: {  	[sflag:s18] =	ssyncset.done $0x0  }
0x70: {  	[sflag:s18] =	ssyncadd.s32 $0xFFFFFFB0  }
0x71: {  	_ =	swait.ge [sflag:s18], $0x2800  }
0x72: {  	s24 =	sshrl.u32 s24, $0x3;
	[sflag:s18] =	ssyncset.done $0x0  }
0x73: {  	s24 =	sadd.s32 s1, s24;
	[sflag:s18] =	ssyncadd.s32 $0xFFFFD800  }
0x74: {  	[tilespmem:s4], [sflag:$0x1] =	stream.linear.gather [hbm4b:s24+s4], $0x50, $0x38;
	[tilespmem:$0x1B180] =	vst v63  }
0x75: {  	_ = 	snop  }
0x76: {  	[tilespmem:s17], [sflag:$0x1] =	stream.linear.gather [hbm4b:s23+s4], $0x2800, $0x38;
	[tilespmem:$0x1B180] =	vst v63  }
0x77: {  	_ = 	snop  }
0x78: {  	[spmem:s2] =	stream.indirect.scatter.add.f32 [tilespmem:s20], [sflag:$0x2], $0x80, s19, s21, $0xb8;
	[tilespmem:$0x1B180] =	vst v63  }
0x79: {  	_ =	swait.ge [sflag:s16], $0x2800  }
0x7a: {  	[sflag:s16] =	ssyncset.done $0x0  }
0x7b: {  	[sflag:s16] =	ssyncadd.s32 $0xFFFFD800  }
0x7c: {  	_ =	swait.ge [sflag:s18], $0x50  }
0x7d: {  	[sflag:s18] =	ssyncset.done $0x0  }
0x7e: {  	[sflag:s18] =	ssyncadd.s32 $0xFFFFFFB0  }
0x7f: {  	_ =	swait.ge [sflag:s18], $0x2800  }
0x80: {  	[sflag:s18] =	ssyncset.done $0x0  }
0x81: {  	[sflag:s18] =	ssyncadd.s32 $0xFFFFD800  }
0x82: {  	[spmem:s2] =	stream.indirect.scatter.add.f32 [tilespmem:s17], [sflag:$0x2], $0x80, s4, s21, $0xb8;
	[tilespmem:$0x1B180] =	vst v63  }
0x83: {  	_ =	swait.ge [sflag:s16], $0x2800  }
0x84: {  	[sflag:s16] =	ssyncset.done $0x0  }
0x85: {  	[sflag:s16] =	ssyncadd.s32 $0xFFFFD800  }
0x86: {  	[bflag:$0x0] =	sbarrier.arrive $0xFFFF  }
0x87: {  	[tilespmem:s15], [sflag:$0x2] =	stream.linear.gather [spmem:s10], $0x2800, $0x38;
	[tilespmem:$0x1B180] =	vst v63  }
0x88: {  	_ =	swait.ge [sflag:s16], $0x2800  }
.Ltmp3:
0x89: {  	[sflag:s16] =	ssyncset.done $0x0;
	(pc) =	sbr.rel @!p0 .LBB2_7-.Ltmp3, $4  }
0x8a: {  	[sflag:s16] =	ssyncadd.s32 $0xFFFFD800  }
0x8b: {  	[hbm4b:s14+s4] =	stream.linear.scatter [tilespmem:s15], [sflag:$0x2], $0x2800, $0x38;
	[tilespmem:$0x1B180] =	vst v63  }
0x8c: {  	s25 =	smov.u32 s14;
	_ =	swait.ge [sflag:s16], $0x2800  }
0x8d: {  	s24 =	smov.u32 s10;
	s23 =	sadd.s32 $0xFFFFFFFF, s9;
	[sflag:s16] =	ssyncset.done $0x0  }
.LBB2_6:
0x8e: {  	[sflag:s16] =	ssyncadd.s32 $0xFFFFD800;
	s24 =	sadd.s32 $0x28000, s24;
	s25 =	sadd.s32 $0x5000, s25  }
0x8f: {  	[tilespmem:s15], [sflag:$0x2] =	stream.linear.gather [spmem:s24], $0x2800, $0x38;
	[tilespmem:$0x1B180] =	vst v63  }
0x90: {  	p0 =	sne.s32 s23, $0x1;
	s23 =	sadd.s32 $0xFFFFFFFF, s23;
	_ =	swait.ge [sflag:s16], $0x2800  }
.Ltmp4:
0x91: {  	[sflag:s16] =	ssyncset.done $0x0;
	(pc) =	sbr.rel @p0 .LBB2_6-.Ltmp4, $4  }
0x92: {  	[sflag:s16] =	ssyncadd.s32 $0xFFFFD800  }
0x93: {  	[hbm4b:s25+s4] =	stream.linear.scatter [tilespmem:s15], [sflag:$0x2], $0x2800, $0x38;
	[tilespmem:$0x1B180] =	vst v63  }
0x94: {  	_ =	swait.ge [sflag:s16], $0x2800  }
0x95: {  	[sflag:s16] =	ssyncset.done $0x0  }
.LBB2_7:
0x96: {  	s22 =	sadd.s32 $0x1, s22  }
0x97: {  	p0 =	sne.s32 s22, s8  }
.Ltmp5:
0x98: {  	_ = 	snop;
	(pc) =	sbr.rel @p0 .LBB2_1-.Ltmp5, $2  }
0x99: {  	_ =	sdelay $0x2  }
0x9a: {  	[sflag:s16] =	ssyncadd.s32 $0xFFFFD800  }
0x9b: {  	_ =	sfence.sel $0x180000  }
0x9c: {  	[bflag:$0x0] =	sbarrier.arrive $0xFFFF  }
0x9d: {  	p0 =	sne.s32 s3, $0x0;
	_ =	strace $0x9000004A  }
0x9e: {  	s0 =	sadd.s32 @!p0 $0x100000, s0;
	[bflag:$0x2] =	sbarrier.arrive $0xFFFF  }
0x9f: {  	[sflag:s0] =	ssyncadd.tile.s32 @!p0 $0x1;
	_ =	shalt  }
.Lfunc_end2:
_tile_overlayer_lowered:
.L_overlay_start_2:
0xa0: {  	(tag) =	ssettag $0x2  }
0xa1: {  	s0 =	rddreg [dreg:$0x0];
	s2 =	stileid.u32  }
0xa2: {  	s1 =	rddreg [dreg:$0x1];
	p0 =	sne.s32 s2, $0x0  }
0xa3: {  	s3 =	rddreg [dreg:$0x2];
	[bflag:$0x3] =	sbarrier.arrive $0xFFFF;
	s2 =	simm.s32 @!p0 $0x1C02  }
0xa4: {  	[timem:s3], [sflag:s2] =	dma.local @!p0 [hbm:s0], s1  }
0xa5: {  	s0 =	simm.s32 @!p0 $0x2  }
0xa6: {  	_ =	swait.ge @!p0 [sflag:s0], s1  }
0xa7: {  	s1 =	ssub.s32 @!p0 $0x0, s1;
	[sflag:s0] =	ssyncset.done @!p0 $0x0  }
0xa8: {  	[sflag:s0] =	ssyncadd.s32 @!p0 s1  }
0xa9: {  	[bflag:$0x3] =	sbarrier.arrive $0xFFFF  }
0xaa: {  	_ =	shalt  }

// kernel: kernel.17.cloned.1.call-start
scs
__scs_entry_jumppad:
0x0: {  	(pc) =	sbr.rel $0x88, $3  }
0x1: {  	(tag) =	ssettag $0x0;
	lr =	simm.s32 $0x1  }
0x2: {  	[smem:$0x3F8C] =	sst lr;
	_ =	strace $0xD0000000  }
0x3: {  	_ = 	snop  }
0x4: {  	_ = 	snop  }
0x5: {  	_ = 	snop  }
0x6: {  	_ = 	snop  }
0x7: {  	_ = 	snop  }
__scs_overlays_trampoline_lowered:
0x8: {  	[smem:$0x3F9B] =	sst s0  }
0x9: {  	[smem:$0x3F9C] =	sst s1  }
0xa: {  	[smem:$0x3F9D] =	sst s2  }
0xb: {  	[smem:$0x3F9E] =	sst s3  }
0xc: {  	[smem:$0x3F9F] =	sst s4  }
0xd: {  	[smem:$0x3FA0] =	sst s5  }
0xe: {  	[smem:$0x3FA1] =	sst s6  }
0xf: {  	[smem:$0x3FA2] =	sst s7  }
0x10: {  	[smem:$0x3FA3] =	sst s8  }
0x11: {  	[smem:$0x3FA4] =	sst s9;
	s0 =	simm.s32 @!p0 $0x0  }
0x12: {  	s1 =	sld [smem:$0x3F8A];
	s0 =	simm.s32 @p0 $0x1  }
0x13: {  	[smem:$0x3FA5] =	sst s0;
	s0 =	simm.s32 @!p1 $0x0  }
0x14: {  	s2 =	sld [smem:$0x3F89];
	s0 =	simm.s32 @p1 $0x1  }
0x15: {  	[smem:$0x3FA6] =	sst s0;
	s0 =	simm.s32 @!p2 $0x0  }
0x16: {  	s3 =	sld [smem:$0x3FDB];
	s0 =	simm.s32 @p2 $0x1  }
0x17: {  	s4 =	simm.s32 $0x1BF5;
	[smem:$0x3FA8] =	sst s0  }
0x18: {  	s0 =	sld [smem:$0x3F8B];
	_ =	swait.ge [sflag:s4], $0x0  }
0x19: {  	s7 =	sld [smem:$0x3F8C]  }
0x1a: {  	s8 =	sadd.s32 $0xFFFFE003, lr  }
0x1b: {  	s9 =	sadd.s32 $0xFFFFFEF7, lr;
	s5 =	simm.s32 $0xFFFFFFFF;
	p2 =	slt.u32 s8, $0xFFFFF086  }
0x1c: {  	p1 =	slt.u32 s9, $0xF7A;
	s5 =	simm.s32 @!p2 $0x0  }
0x1d: {  	s5 =	simm.s32 @p1 $0x1;
	p0 =	seq.s32 s7, s2  }
0x1e: {  	s7 =	smul.u32 @!p0 $0xF7A, s2;
	p2 =	seq.s32 @!p0 s5, $0x0  }
0x1f: {  	s9 =	smul.u32 $0xF7A, s1;
	s8 =	simm.s32 @!p0 $0x1BF5;
	p2 =	por !p2, p0  }
0x20: {  	[sflag:s8] =	ssyncset.s32 @!p0 $0xFFFFF086;
	s6 =	sadd.s32 @!p0 s3, s7;
	s7 =	simm.s32 @!p0 $0x108  }
0x21: {  	s3 =	sadd.s32 s3, s9;
	s6 =	sadd.s32 @!p0 $0x88, s6;
	s7 =	simm.s32 @p2 $0x1082  }
0x22: {  	[simem:s7], [sflag:s8] =	dma.local @!p0 [hbm:s6], $0xF7A  }
0x23: {  	s9 =	sor.u32 $0xD0000000, s2;
	s6 =	simm.s32 $0x108;
	_ =	swait.ge @!p0 [sflag:s8], $0x0  }
0x24: {  	s3 =	sadd.s32 $0x88, s3;
	s6 =	simm.s32 @!p1 $0x1082;
	[sflag:s4] =	ssyncset.s32 $0xFFFFF086  }
0x25: {  	[simem:s6], [sflag:s4] =	dma.local [hbm:s3], $0xF7A  }
0x26: {  	[smem:$0x3F8C] =	sst s1;
	(tag) =	ssettag s2;
	_ =	strace s9  }
0x27: {  	s1 =	sld [smem:$0x3F9C]  }
0x28: {  	s2 =	sld [smem:$0x3F9D]  }
0x29: {  	s4 =	sld [smem:$0x3F9F]  }
0x2a: {  	p0 =	seq.s32 s5, $0x0;
	s5 =	sld [smem:$0x3FA0]  }
0x2b: {  	s6 =	sld [smem:$0x3FA1]  }
0x2c: {  	s7 =	sld [smem:$0x3FA2]  }
0x2d: {  	s3 =	simm.s32 $0x108;
	s8 =	sld [smem:$0x3FA3]  }
0x2e: {  	s3 =	simm.s32 @!p0 $0x1082;
	s9 =	sld [smem:$0x3FA4]  }
0x2f: {  	lr =	sadd.s32 s0, s3;
	s0 =	sld [smem:$0x3F9B]  }
0x30: {  	s3 =	sld [smem:$0x3F9E]  }
0x31: {  	[smem:$0x3FA7] =	sst s10  }
0x32: {  	s10 =	sld [smem:$0x3FA5];
	_ =	sdelay $0x3  }
0x33: {  	p0 =	seq.s32 s10, $0x1;
	s10 =	sld [smem:$0x3FA7];
	_ =	sdelay $0x3  }
0x34: {  	[smem:$0x3FA7] =	sst s10  }
0x35: {  	s10 =	sld [smem:$0x3FA6];
	_ =	sdelay $0x3  }
0x36: {  	p1 =	seq.s32 s10, $0x1;
	s10 =	sld [smem:$0x3FA7];
	_ =	sdelay $0x3  }
0x37: {  	[smem:$0x3FA7] =	sst s10  }
0x38: {  	s10 =	sld [smem:$0x3FA8]  }
0x39: {  	_ = 	snop;
	(pc) =	sbr.ind lr, $3  }
0x3a: {  	_ = 	snop  }
0x3b: {  	_ = 	snop  }
0x3c: {  	p2 =	seq.s32 s10, $0x1;
	s10 =	sld [smem:$0x3FA7]  }
0x3d: {  	_ =	shalt  }
0x3e: {  	_ =	shalt  }
0x3f: {  	_ =	shalt  }
0x40: {  	_ =	shalt  }
0x41: {  	_ =	shalt  }
0x42: {  	_ =	shalt  }
0x43: {  	_ =	shalt  }
0x44: {  	_ =	shalt  }
0x45: {  	_ =	shalt  }
0x46: {  	_ =	shalt  }
0x47: {  	_ =	shalt  }
0x48: {  	_ =	shalt  }
0x49: {  	_ =	shalt  }
0x4a: {  	_ =	shalt  }
0x4b: {  	_ =	shalt  }
0x4c: {  	_ =	shalt  }
0x4d: {  	_ =	shalt  }
0x4e: {  	_ =	shalt  }
0x4f: {  	_ =	shalt  }
0x50: {  	_ =	shalt  }
0x51: {  	_ =	shalt  }
0x52: {  	_ =	shalt  }
0x53: {  	_ =	shalt  }
0x54: {  	_ =	shalt  }
0x55: {  	_ =	shalt  }
0x56: {  	_ =	shalt  }
0x57: {  	_ =	shalt  }
0x58: {  	_ =	shalt  }
0x59: {  	_ =	shalt  }
0x5a: {  	_ =	shalt  }
0x5b: {  	_ =	shalt  }
0x5c: {  	_ =	shalt  }
0x5d: {  	_ =	shalt  }
0x5e: {  	_ =	shalt  }
0x5f: {  	_ =	shalt  }
0x60: {  	_ =	shalt  }
0x61: {  	_ =	shalt  }
0x62: {  	_ =	shalt  }
0x63: {  	_ =	shalt  }
0x64: {  	_ =	shalt  }
0x65: {  	_ =	shalt  }
0x66: {  	_ =	shalt  }
0x67: {  	_ =	shalt  }
0x68: {  	_ =	shalt  }
0x69: {  	_ =	shalt  }
0x6a: {  	_ =	shalt  }
0x6b: {  	_ =	shalt  }
0x6c: {  	_ =	shalt  }
0x6d: {  	_ =	shalt  }
0x6e: {  	_ =	shalt  }
0x6f: {  	_ =	shalt  }
0x70: {  	_ =	shalt  }
0x71: {  	_ =	shalt  }
0x72: {  	_ =	shalt  }
0x73: {  	_ =	shalt  }
0x74: {  	_ =	shalt  }
0x75: {  	_ =	shalt  }
0x76: {  	_ =	shalt  }
0x77: {  	_ =	shalt  }
0x78: {  	_ =	shalt  }
0x79: {  	_ =	shalt  }
0x7a: {  	_ =	shalt  }
0x7b: {  	_ =	shalt  }
0x7c: {  	_ =	shalt  }
0x7d: {  	_ =	shalt  }
0x7e: {  	_ =	shalt  }
0x7f: {  	_ =	shalt  }
0x80: {  	_ =	shalt  }
0x81: {  	_ =	shalt  }
0x82: {  	_ =	shalt  }
0x83: {  	_ =	shalt  }
0x84: {  	_ =	shalt  }
0x85: {  	_ =	shalt  }
0x86: {  	_ =	shalt  }
0x87: {  	_ =	shalt  }
.Lfunc_end0:
.L_simem_size_0:
called_computation.2_lowered:
.L_overlay_start_0:
0x88: {  	s2 =	sld [smem:$0x3FD9]  }
0x89: {  	s3 =	sld [smem:$0x3FFE];
	_ =	sdelay $0x1  }
0x8a: {  	s1 =	srdreg.scid  }
0x8b: {  	s0 =	sand.u32 $0x1, s1  }
0x8c: {  	s14 =	sshll.u32 s0, $0xA;
	s2 =	sadd.s32 s3, s2  }
0x8d: {  	s2 =	sadd.s32 s2, s14  }
0x8e: {  	[smem:$0x3FB3] =	sst s2  }
0x8f: {  	_ = 	snop  }
0x90: {  	s2 =	sld [smem:$0x3FD0];
	_ =	sdelay $0x2  }
0x91: {  	s15 =	simm.s32 $0xA;
	s4 =	simm.s32 $0x10  }
0x92: {  	[smem:s4], [sflag:s15] =	dma.local [hbm:s2], $0x1  }
0x93: {  	_ =	swait.eq [sflag:s15], $0x1  }
0x94: {  	[sflag:s15] =	ssyncset.done $0x0  }
0x95: {  	[sflag:s15] =	ssyncadd.s32 $0xFFFFFFFF  }
0x96: {  	s16 =	sld [smem:$0x10];
	(tm) =	ssettm $0x1  }
0x97: {  	s17 =	sld [smem:$0x3FFB];
	_ =	sdelay $0x3  }
0x98: {  	_ =	strace s17  }
0x99: {  	s3 =	sld [smem:$0x3FFC];
	_ =	sdelay $0x3  }
0x9a: {  	_ =	strace s3  }
0x9b: {  	s3 =	sld [smem:$0x3FFD];
	_ =	sdelay $0x3  }
0x9c: {  	_ =	strace s3  }
0x9d: {  	_ =	strace $0x8FFFFFFF  }
0x9e: {  	s18 =	sld [smem:$0x3FDB];
	_ =	sdelay $0x1  }
0x9f: {  	s19 =	simm.s32 $_scs_section_size  }
0xa0: {  	s5 =	simm.s32 $_size__tile_overlayer_lowered;
	s6 =	simm.s32 $_tile_overlayer_lowered  }
0xa1: {  	s22 =	simm.s32 $0x1BFF;
	s21 =	sshll.u32 s6, $0x1;
	s3 =	sadd.s32 s19, s18  }
0xa2: {  	s7 =	simm.s32 $0x0;
	s20 =	sshll.u32 s5, $0x1;
	s5 =	sadd.s32 s21, s3  }
0xa3: {  	[timem:s7], [sflag:s22] =	dma.local [hbm:s5], s20  }
0xa4: {  	_ =	swait.ge [sflag:s22], s20  }
0xa5: {  	s4 =	ssub.s32 $0x0, s20;
	[sflag:s22] =	ssyncset.done $0x0  }
0xa6: {  	[sflag:s22] =	ssyncadd.s32 s4;
	_ =	sdelay $0x1  }
0xa7: {  	s23 =	simm.s32 $0x1B8B  }
0xa8: {  	_ =	swait.ge [sflag:s23], $0x1  }
0xa9: {  	[sflag:s23] =	ssyncset.done $0x0  }
0xaa: {  	s25 =	simm.s32 $0x1B8E;
	s24 =	sld [smem:$0x3FFE];
	[sflag:s23] =	ssyncadd.s32 $0xFFFFFFFF  }
0xab: {  	s26 =	simm.s32 $execute0_lowered;
	[smem:$0x3FD2] =	sst s25  }
0xac: {  	s5 =	sshll.u32 s26, $0x1;
	_ =	strace $0x8000004C;
	[dreg:$0x1] =	wrdreg $0xFFFFFFFF  }
0xad: {  	s28 =	simm.s32 $_size_execute0_lowered;
	s3 =	sadd.s32 s3, s5;
	[dreg:$0x0] =	wrdreg $0x0  }
0xae: {  	s5 =	sshll.u32 s28, $0x1;
	[dreg:$0x2] =	wrdreg s3  }
0xaf: {  	[dreg:$0x3] =	wrdreg s5  }
0xb0: {  	[dreg:$0x4] =	wrdreg $0xC0  }
0xb1: {  	_ =	task [dreg:s7], $0x5FFFF  }
0xb2: {  	[dreg:$0x1] =	wrdreg $0xFFFFFFFF  }
0xb3: {  	[dreg:$0x0] =	wrdreg $0x60  }
0xb4: {  	[dreg:$0x2] =	wrdreg s24  }
0xb5: {  	[dreg:$0x3] =	wrdreg s16  }
0xb6: {  	[dreg:$0x4] =	wrdreg $0x9  }
0xb7: {  	_ =	task.clear_ibuf [dreg:s7], $0x5FFFF;
	_ =	strace $0x9000004C  }
0xb8: {  	s29 =	simm.s32 $0x9;
	_ =	strace $0x8000004E  }
0xb9: {  	_ =	swait.ge [sflag:s29], $0x1  }
0xba: {  	[sflag:s29] =	ssyncadd.s32 $0xFFFFFFFF  }
0xbb: {  	_ =	strace $0x9000004E  }
0xbc: {  	_ =	sfence  }
0xbd: {  	s30 =	sld [smem:$0x0];
	_ =	sdelay $0x2  }
0xbe: {  	s31 =	sshll.u32 s1, $0xD;
	s1 =	sshrl.u32 s1, $0x2  }
0xbf: {  	s3 =	sand.u32 $0x4000, s31;
	s1 =	sadd.s32 s1, s30  }
0xc0: {  	s0 =	sor.u32 s3, s0;
	s1 =	sshll.u32 s1, $0x11  }
0xc1: {  	s0 =	sor.u32 s1, s0  }
0xc2: {  	s0 =	sadd.s32 $0x8F2B, s0  }
0xc3: {  	[sflag:s0] =	ssyncadd.remote.s32 $0x1  }
0xc4: {  	_ =	sfence.sel $0xFFFF  }
0xc5: {  	[dreg:$0x0] =	wrdreg $0xFFFFFFFF;
	(pc) =	sbr.abs _section_cstart, $3  }
0xc6: {  	[dreg:$0x1] =	wrdreg $0xFFFFFFFF  }
0xc7: {  	_ =	task.clear_ibuf [dreg:s7], $0x2FFFF;
	_ =	strace $0x9FFFFFFF  }
0xc8: {  	(tm) =	ssettm $0x7FFFFFFF  }
0xc9: {  	_ =	shalt  }
tec
execute0_lowered:
.L_overlay_start_1:
0x0: {  	(tag) =	ssettag $0x1  }
0x1: {  	s0 =	rddreg [dreg:$0x0]  }
0x2: {  	s1 =	rddreg [dreg:$0x1]  }
0x3: {  	s2 =	srdreg.scid;
	s3 =	simm.s32 $0x0;
	s14 =	stileid.u32  }
0x4: {  	s15 =	simm.s32 $0x4;
	s16 =	simm.s32 $0x100;
	s17 =	simm.s32 $0x50  }
0x5: {  	s18 =	simm.s32 $0x200;
	s19 =	simm.s32 $0x5200;
	s20 =	simm.s32 $0x80  }
0x6: {  	s21 =	simm.s32 $0x180;
	s22 =	simm.s32 $0x2A00;
	s23 =	simm.s32 $0x7A00  }
0x7: {  	s24 =	simm.s32 $0x1;
	s25 =	simm.s32 $0x2;
	s28 =	simm.s32 $0x0  }
0x8: {  	s2 =	sand.u32 $0x1, s2;
	[smem:$0x7FF] =	sst s3;
	s13 =	smul.u32 $0x2710, s14  }
0x9: {  	s11 =	sadd.s32 $0x143F600, s0;
	s4 =	sshll.u32 s2, $0x4;
	s12 =	smul.u32 $0x271000, s2  }
0xa: {  	_ =	strace $0x8000004D;
	s7 =	ssub.s32 $0x2, s2;
	s2 =	smul.u32 $0x27100, s2  }
0xb: {  	s5 =	sor.u32 s14, s4;
	s4 =	sadd.s32 $0x1418400, s0;
	s14 =	smul.u32 $0x27100, s14  }
0xc: {  	s8 =	sshrl.u32 s7, $0x1;
	s6 =	smul.u32 $0x2710, s5;
	s5 =	sadd.s32 $0x6000, s0  }
0xd: {  	s0 =	sadd.s32 $0xFE00, s0;
	s10 =	ssub.s32 s7, s8;
	s2 =	sadd.s32 s13, s2  }
0xe: {  	s10 =	smax.u32 s10, $0x1;
	s31 =	sadd.s32 $0x50, s2;
	s9 =	sadd.s32 $0x26C0, s6  }
0xf: {  	s13 =	sshrl.u32 s2, $0x3;
	s26 =	sshrl.u32 s9, $0x3;
	s9 =	sshll.u32 s9, $0x4  }
0x10: {  	s29 =	sadd.s32 s5, s26;
	s30 =	sadd.s32 s1, s26;
	s8 =	sadd.s32 s11, s9  }
0x11: {  	s9 =	sadd.s32 s0, s9;
	s11 =	sadd.s32 s12, s11;
	[dreg:$0x3] =	wrdreg s29  }
0x12: {  	s0 =	sadd.s32 s12, s0;
	s26 =	simm.s32 $0x3;
	[dreg:$0x4] =	wrdreg s30  }
0x13: {  	s11 =	sadd.s32 s14, s11;
	s12 =	sadd.s32 s14, s0;
	s14 =	sshrl.u32 s31, $0x3  }
.LBB2_1:
0x14: {  	s0 =	sadd.s32 s5, s13  }
0x15: {  	[tilespmem:s3], [sflag:$0x4] =	stream.linear.gather [hbm4b:s0+s3], $0x50, $0x38;
	[tilespmem:$0xA200] =	vst v63  }
0x16: {  	_ =	swait.ge [sflag:s15], $0x50  }
0x17: {  	[sflag:s15] =	ssyncset.done $0x0  }
0x18: {  	s6 =	sadd.s32 s1, s13;
	[sflag:s15] =	ssyncadd.s32 $0xFFFFFFB0  }
0x19: {  	[tilespmem:s16], [sflag:$0x4] =	stream.linear.gather [hbm4b:s6+s3], $0x50, $0x38;
	[tilespmem:$0xA200] =	vst v63  }
0x1a: {  	_ =	swait.ge [sflag:s15], $0x50  }
0x1b: {  	[sflag:s15] =	ssyncset.done $0x0  }
0x1c: {  	[sflag:s15] =	ssyncadd.s32 $0xFFFFFFB0  }
0x1d: {  	[tilespmem:s18], [sflag:$0x1] =	stream.indirect.gather [hbm4b:s4+s17], $0x80, s3, s17, $0xb8;
	[tilespmem:$0xA200] =	vst v63  }
0x1e: {  	_ = 	snop  }
0x1f: {  	[tilespmem:s19], [sflag:$0x2] =	stream.indirect.gather [hbm4b:s4+s17], $0x80, s16, s17, $0xb8;
	[tilespmem:$0xA200] =	vst v63  }
0x20: {  	s7 =	sadd.s32 s5, s14  }
0x21: {  	[tilespmem:s20], [sflag:$0x4] =	stream.linear.gather [hbm4b:s7+s3], $0x50, $0x38;
	[tilespmem:$0xA200] =	vst v63  }
0x22: {  	_ =	swait.ge [sflag:s15], $0x50  }
0x23: {  	[sflag:s15] =	ssyncset.done $0x0  }
0x24: {  	s2 =	sadd.s32 s1, s14;
	[sflag:s15] =	ssyncadd.s32 $0xFFFFFFB0  }
0x25: {  	[tilespmem:s21], [sflag:$0x4] =	stream.linear.gather [hbm4b:s2+s3], $0x50, $0x38;
	[tilespmem:$0xA200] =	vst v63  }
0x26: {  	_ =	swait.ge [sflag:s15], $0x50  }
0x27: {  	[sflag:s15] =	ssyncset.done $0x0  }
0x28: {  	[sflag:s15] =	ssyncadd.s32 $0xFFFFFFB0  }
0x29: {  	[tilespmem:s22], [sflag:$0x1] =	stream.indirect.gather [hbm4b:s4+s17], $0x80, s20, s17, $0xb8;
	[tilespmem:$0xA200] =	vst v63  }
0x2a: {  	_ = 	snop  }
0x2b: {  	[tilespmem:s23], [sflag:$0x2] =	stream.indirect.gather [hbm4b:s4+s17], $0x80, s21, s17, $0xb8;
	[tilespmem:$0xA200] =	vst v63  }
0x2c: {  	_ =	swait.ge [sflag:s24], $0x2800  }
0x2d: {  	[sflag:s24] =	ssyncset.done $0x0  }
0x2e: {  	[sflag:s24] =	ssyncadd.s32 $0xFFFFD800  }
0x2f: {  	_ =	swait.ge [sflag:s25], $0x2800  }
0x30: {  	[sflag:s25] =	ssyncset.done $0x0  }
0x31: {  	s6 =	sadd.s32 $0x0, s11;
	[sflag:s25] =	ssyncadd.s32 $0xFFFFD800  }
0x32: {  	[hbm4b:s6+s3] =	stream.linear.scatter [tilespmem:s18], [sflag:$0x3], $0x2800, $0x38;
	[tilespmem:$0xA200] =	vst v63  }
0x33: {  	s2 =	sadd.s32 $0x0, s12  }
0x34: {  	[hbm4b:s2+s3] =	stream.linear.scatter [tilespmem:s19], [sflag:$0x3], $0x2800, $0x38;
	[tilespmem:$0xA200] =	vst v63  }
0x35: {  	_ =	swait.ge [sflag:s24], $0x2800  }
0x36: {  	[sflag:s24] =	ssyncset.done $0x0  }
0x37: {  	[sflag:s24] =	ssyncadd.s32 $0xFFFFD800  }
0x38: {  	_ =	swait.ge [sflag:s25], $0x2800  }
0x39: {  	[sflag:s25] =	ssyncset.done $0x0  }
0x3a: {  	s0 =	sadd.s32 $0x500, s6;
	[sflag:s25] =	ssyncadd.s32 $0xFFFFD800  }
0x3b: {  	[hbm4b:s0+s3] =	stream.linear.scatter [tilespmem:s22], [sflag:$0x3], $0x2800, $0x38;
	[tilespmem:$0xA200] =	vst v63  }
0x3c: {  	s7 =	sadd.s32 $0x500, s2  }
0x3d: {  	[hbm4b:s7+s3] =	stream.linear.scatter [tilespmem:s23], [sflag:$0x3], $0x2800, $0x38;
	[tilespmem:$0xA200] =	vst v63  }
0x3e: {  	_ =	swait.ge [sflag:s26], $0x2800  }
0x3f: {  	[sflag:s26] =	ssyncset.done $0x0  }
0x40: {  	[sflag:s26] =	ssyncadd.s32 $0xFFFFD800  }
0x41: {  	_ =	swait.ge [sflag:s26], $0x2800  }
0x42: {  	[sflag:s26] =	ssyncset.done $0x0  }
0x43: {  	[sflag:s26] =	ssyncadd.s32 $0xFFFFD800  }
0x44: {  	_ =	swait.ge [sflag:s26], $0x2800  }
0x45: {  	[sflag:s26] =	ssyncset.done $0x0  }
0x46: {  	[sflag:s26] =	ssyncadd.s32 $0xFFFFD800  }
0x47: {  	s29 =	simm.s32 $0xA00;
	s30 =	sadd.s32 $0x14, s5;
	_ =	swait.ge [sflag:s26], $0x2800  }
0x48: {  	s31 =	smov.u32 s1;
	s0 =	simm.s32 $0x1400;
	[sflag:s26] =	ssyncset.done $0x0  }
.LBB2_2:
0x49: {  	s6 =	sadd.s32 s30, s13  }
0x4a: {  	[sflag:s26] =	ssyncadd.s32 $0xFFFFD800;
	s31 =	sadd.s32 $0x14, s31;
	s2 =	smov.u32 s0  }
0x4b: {  	[tilespmem:s3], [sflag:$0x4] =	stream.linear.gather [hbm4b:s6+s3], $0x50, $0x38;
	[tilespmem:$0xA200] =	vst v63  }
0x4c: {  	p0 =	sne.s32 s0, $0x26200;
	s0 =	sadd.s32 $0xA00, s0;
	_ =	swait.ge [sflag:s15], $0x50  }
0x4d: {  	[sflag:s15] =	ssyncset.done $0x0  }
0x4e: {  	s6 =	sadd.s32 s31, s13;
	[sflag:s15] =	ssyncadd.s32 $0xFFFFFFB0  }
0x4f: {  	[tilespmem:s16], [sflag:$0x4] =	stream.linear.gather [hbm4b:s6+s3], $0x50, $0x38;
	[tilespmem:$0xA200] =	vst v63  }
0x50: {  	_ =	swait.ge [sflag:s15], $0x50  }
0x51: {  	[sflag:s15] =	ssyncset.done $0x0  }
0x52: {  	[sflag:s15] =	ssyncadd.s32 $0xFFFFFFB0  }
0x53: {  	[tilespmem:s18], [sflag:$0x1] =	stream.indirect.gather [hbm4b:s4+s17], $0x80, s3, s17, $0xb8;
	[tilespmem:$0xA200] =	vst v63  }
0x54: {  	_ = 	snop  }
0x55: {  	[tilespmem:s19], [sflag:$0x2] =	stream.indirect.gather [hbm4b:s4+s17], $0x80, s16, s17, $0xb8;
	[tilespmem:$0xA200] =	vst v63  }
0x56: {  	s6 =	sadd.s32 s30, s14  }
0x57: {  	[tilespmem:s20], [sflag:$0x4] =	stream.linear.gather [hbm4b:s6+s3], $0x50, $0x38;
	[tilespmem:$0xA200] =	vst v63  }
0x58: {  	_ =	swait.ge [sflag:s15], $0x50  }
0x59: {  	[sflag:s15] =	ssyncset.done $0x0  }
0x5a: {  	s6 =	sadd.s32 s31, s14;
	[sflag:s15] =	ssyncadd.s32 $0xFFFFFFB0  }
0x5b: {  	[tilespmem:s21], [sflag:$0x4] =	stream.linear.gather [hbm4b:s6+s3], $0x50, $0x38;
	[tilespmem:$0xA200] =	vst v63  }
0x5c: {  	_ =	swait.ge [sflag:s15], $0x50  }
0x5d: {  	[sflag:s15] =	ssyncset.done $0x0  }
0x5e: {  	[sflag:s15] =	ssyncadd.s32 $0xFFFFFFB0  }
0x5f: {  	[tilespmem:s22], [sflag:$0x1] =	stream.indirect.gather [hbm4b:s4+s17], $0x80, s20, s17, $0xb8;
	[tilespmem:$0xA200] =	vst v63  }
0x60: {  	_ = 	snop  }
0x61: {  	[tilespmem:s23], [sflag:$0x2] =	stream.indirect.gather [hbm4b:s4+s17], $0x80, s21, s17, $0xb8;
	[tilespmem:$0xA200] =	vst v63  }
0x62: {  	_ =	swait.ge [sflag:s24], $0x2800  }
0x63: {  	[sflag:s24] =	ssyncset.done $0x0  }
0x64: {  	[sflag:s24] =	ssyncadd.s32 $0xFFFFD800  }
0x65: {  	_ =	swait.ge [sflag:s25], $0x2800  }
0x66: {  	[sflag:s25] =	ssyncset.done $0x0  }
0x67: {  	s6 =	sadd.s32 s29, s11;
	[sflag:s25] =	ssyncadd.s32 $0xFFFFD800  }
0x68: {  	[hbm4b:s6+s3] =	stream.linear.scatter [tilespmem:s18], [sflag:$0x3], $0x2800, $0x38;
	[tilespmem:$0xA200] =	vst v63  }
0x69: {  	s7 =	sadd.s32 s29, s12;
	s29 =	smov.u32 s2  }
0x6a: {  	[hbm4b:s7+s3] =	stream.linear.scatter [tilespmem:s19], [sflag:$0x3], $0x2800, $0x38;
	[tilespmem:$0xA200] =	vst v63  }
0x6b: {  	_ =	swait.ge [sflag:s24], $0x2800  }
0x6c: {  	[sflag:s24] =	ssyncset.done $0x0  }
0x6d: {  	[sflag:s24] =	ssyncadd.s32 $0xFFFFD800  }
0x6e: {  	_ =	swait.ge [sflag:s25], $0x2800  }
0x6f: {  	[sflag:s25] =	ssyncset.done $0x0  }
0x70: {  	s2 =	sadd.s32 $0x500, s6;
	[sflag:s25] =	ssyncadd.s32 $0xFFFFD800  }
0x71: {  	[hbm4b:s2+s3] =	stream.linear.scatter [tilespmem:s22], [sflag:$0x3], $0x2800, $0x38;
	[tilespmem:$0xA200] =	vst v63  }
0x72: {  	s2 =	sadd.s32 $0x500, s7  }
0x73: {  	[hbm4b:s2+s3] =	stream.linear.scatter [tilespmem:s23], [sflag:$0x3], $0x2800, $0x38;
	[tilespmem:$0xA200] =	vst v63  }
0x74: {  	_ =	swait.ge [sflag:s26], $0x2800  }
0x75: {  	[sflag:s26] =	ssyncset.done $0x0  }
0x76: {  	[sflag:s26] =	ssyncadd.s32 $0xFFFFD800  }
0x77: {  	_ =	swait.ge [sflag:s26], $0x2800  }
0x78: {  	[sflag:s26] =	ssyncset.done $0x0  }
0x79: {  	[sflag:s26] =	ssyncadd.s32 $0xFFFFD800  }
.Ltmp0:
0x7a: {  	_ =	swait.ge [sflag:s26], $0x2800;
	(pc) =	sbr.rel @p0 .LBB2_2-.Ltmp0, $4  }
0x7b: {  	[sflag:s26] =	ssyncset.done $0x0  }
0x7c: {  	[sflag:s26] =	ssyncadd.s32 $0xFFFFD800  }
0x7d: {  	_ =	swait.ge [sflag:s26], $0x2800  }
0x7e: {  	s30 =	sadd.s32 $0x14, s30;
	[sflag:s26] =	ssyncset.done $0x0  }
0x7f: {  	s0 =	sadd.s32 s30, s13;
	[sflag:s26] =	ssyncadd.s32 $0xFFFFD800  }
0x80: {  	[tilespmem:s3], [sflag:$0x4] =	stream.linear.gather [hbm4b:s0+s3], $0x50, $0x38;
	[tilespmem:$0xA200] =	vst v63  }
0x81: {  	_ =	swait.ge [sflag:s15], $0x50  }
0x82: {  	s7 =	sadd.s32 $0x14, s31;
	[sflag:s15] =	ssyncset.done $0x0  }
0x83: {  	s2 =	sadd.s32 s7, s13;
	[sflag:s15] =	ssyncadd.s32 $0xFFFFFFB0  }
0x84: {  	[tilespmem:s16], [sflag:$0x4] =	stream.linear.gather [hbm4b:s2+s3], $0x50, $0x38;
	[tilespmem:$0xA200] =	vst v63  }
0x85: {  	_ =	swait.ge [sflag:s15], $0x50  }
0x86: {  	[sflag:s15] =	ssyncset.done $0x0  }
0x87: {  	[sflag:s15] =	ssyncadd.s32 $0xFFFFFFB0  }
0x88: {  	[tilespmem:s18], [sflag:$0x1] =	stream.indirect.gather [hbm4b:s4+s17], $0x80, s3, s17, $0xb8;
	[tilespmem:$0xA200] =	vst v63  }
0x89: {  	_ = 	snop  }
0x8a: {  	[tilespmem:s19], [sflag:$0x2] =	stream.indirect.gather [hbm4b:s4+s17], $0x80, s16, s17, $0xb8;
	[tilespmem:$0xA200] =	vst v63  }
0x8b: {  	s31 =	sadd.s32 s30, s14  }
0x8c: {  	[tilespmem:s20], [sflag:$0x4] =	stream.linear.gather [hbm4b:s31+s3], $0x50, $0x38;
	[tilespmem:$0xA200] =	vst v63  }
0x8d: {  	_ =	swait.ge [sflag:s15], $0x50  }
0x8e: {  	[sflag:s15] =	ssyncset.done $0x0  }
0x8f: {  	s0 =	sadd.s32 s7, s14;
	[sflag:s15] =	ssyncadd.s32 $0xFFFFFFB0  }
0x90: {  	[tilespmem:s21], [sflag:$0x4] =	stream.linear.gather [hbm4b:s0+s3], $0x50, $0x38;
	[tilespmem:$0xA200] =	vst v63  }
0x91: {  	_ =	swait.ge [sflag:s15], $0x50  }
0x92: {  	[sflag:s15] =	ssyncset.done $0x0  }
0x93: {  	[sflag:s15] =	ssyncadd.s32 $0xFFFFFFB0  }
0x94: {  	[tilespmem:s22], [sflag:$0x1] =	stream.indirect.gather [hbm4b:s4+s17], $0x80, s20, s17, $0xb8;
	[tilespmem:$0xA200] =	vst v63  }
0x95: {  	_ = 	snop  }
0x96: {  	[tilespmem:s23], [sflag:$0x2] =	stream.indirect.gather [hbm4b:s4+s17], $0x80, s21, s17, $0xb8;
	[tilespmem:$0xA200] =	vst v63  }
0x97: {  	_ =	swait.ge [sflag:s24], $0x2800  }
0x98: {  	[sflag:s24] =	ssyncset.done $0x0  }
0x99: {  	[sflag:s24] =	ssyncadd.s32 $0xFFFFD800  }
0x9a: {  	_ =	swait.ge [sflag:s25], $0x2800  }
0x9b: {  	[sflag:s25] =	ssyncset.done $0x0  }
0x9c: {  	s6 =	sadd.s32 s29, s11;
	[sflag:s25] =	ssyncadd.s32 $0xFFFFD800  }
0x9d: {  	[hbm4b:s6+s3] =	stream.linear.scatter [tilespmem:s18], [sflag:$0x3], $0x2800, $0x38;
	[tilespmem:$0xA200] =	vst v63  }
0x9e: {  	s7 =	sadd.s32 s29, s12  }
0x9f: {  	[hbm4b:s7+s3] =	stream.linear.scatter [tilespmem:s19], [sflag:$0x3], $0x2800, $0x38;
	[tilespmem:$0xA200] =	vst v63  }
0xa0: {  	_ =	swait.ge [sflag:s24], $0x2800  }
0xa1: {  	[sflag:s24] =	ssyncset.done $0x0  }
0xa2: {  	[sflag:s24] =	ssyncadd.s32 $0xFFFFD800  }
0xa3: {  	_ =	swait.ge [sflag:s25], $0x2800  }
0xa4: {  	[sflag:s25] =	ssyncset.done $0x0  }
0xa5: {  	s0 =	sadd.s32 $0x500, s6;
	[sflag:s25] =	ssyncadd.s32 $0xFFFFD800  }
0xa6: {  	[hbm4b:s0+s3] =	stream.linear.scatter [tilespmem:s22], [sflag:$0x3], $0x2800, $0x38;
	[tilespmem:$0xA200] =	vst v63  }
0xa7: {  	s29 =	sadd.s32 $0x500, s7  }
0xa8: {  	[hbm4b:s29+s3] =	stream.linear.scatter [tilespmem:s23], [sflag:$0x3], $0x2800, $0x38;
	[tilespmem:$0xA200] =	vst v63  }
0xa9: {  	_ =	swait.ge [sflag:s26], $0x2800  }
0xaa: {  	[sflag:s26] =	ssyncset.done $0x0  }
0xab: {  	[sflag:s26] =	ssyncadd.s32 $0xFFFFD800  }
0xac: {  	_ =	swait.ge [sflag:s26], $0x2800  }
0xad: {  	[sflag:s26] =	ssyncset.done $0x0  }
0xae: {  	[sflag:s26] =	ssyncadd.s32 $0xFFFFD800  }
0xaf: {  	_ =	swait.ge [sflag:s26], $0x2800  }
0xb0: {  	[sflag:s26] =	ssyncset.done $0x0  }
0xb1: {  	[sflag:s26] =	ssyncadd.s32 $0xFFFFD800  }
0xb2: {  	_ =	swait.ge [sflag:s26], $0x2800  }
0xb3: {  	[sflag:s26] =	ssyncset.done $0x0  }
0xb4: {  	s30 =	rddreg [dreg:$0x3];
	[sflag:s26] =	ssyncadd.s32 $0xFFFFD800  }
0xb5: {  	[tilespmem:s3], [sflag:$0x4] =	stream.linear.gather [hbm4b:s30+s3], $0x50, $0x38;
	[tilespmem:$0xA200] =	vst v63  }
0xb6: {  	_ =	swait.ge [sflag:s15], $0x50  }
0xb7: {  	[sflag:s15] =	ssyncset.done $0x0  }
0xb8: {  	s31 =	rddreg [dreg:$0x4];
	[sflag:s15] =	ssyncadd.s32 $0xFFFFFFB0  }
0xb9: {  	[tilespmem:s16], [sflag:$0x4] =	stream.linear.gather [hbm4b:s31+s3], $0x50, $0x38;
	[tilespmem:$0xA200] =	vst v63  }
0xba: {  	_ =	swait.ge [sflag:s15], $0x50  }
0xbb: {  	[sflag:s15] =	ssyncset.done $0x0  }
0xbc: {  	[sflag:s15] =	ssyncadd.s32 $0xFFFFFFB0  }
0xbd: {  	[tilespmem:s18], [sflag:$0x1] =	stream.indirect.gather [hbm4b:s4+s17], $0x80, s3, s17, $0xb8;
	[tilespmem:$0xA200] =	vst v63  }
0xbe: {  	_ = 	snop  }
0xbf: {  	[tilespmem:s19], [sflag:$0x2] =	stream.indirect.gather [hbm4b:s4+s17], $0x80, s16, s17, $0xb8;
	[tilespmem:$0xA200] =	vst v63  }
0xc0: {  	_ =	swait.ge [sflag:s24], $0x2800  }
0xc1: {  	[sflag:s24] =	ssyncset.done $0x0  }
0xc2: {  	[sflag:s24] =	ssyncadd.s32 $0xFFFFD800  }
0xc3: {  	_ =	swait.ge [sflag:s25], $0x2800  }
0xc4: {  	[sflag:s25] =	ssyncset.done $0x0  }
0xc5: {  	[sflag:s25] =	ssyncadd.s32 $0xFFFFD800  }
0xc6: {  	[hbm4b:s8+s3] =	stream.linear.scatter [tilespmem:s18], [sflag:$0x3], $0x2800, $0x38;
	[tilespmem:$0xA200] =	vst v63  }
0xc7: {  	s28 =	sadd.s32 $0x1, s28  }
0xc8: {  	[hbm4b:s9+s3] =	stream.linear.scatter [tilespmem:s19], [sflag:$0x3], $0x2800, $0x38;
	[tilespmem:$0xA200] =	vst v63  }
0xc9: {  	p0 =	sne.s32 s28, s10;
	_ =	swait.ge [sflag:s26], $0x2800  }
.Ltmp1:
0xca: {  	[sflag:s26] =	ssyncset.done $0x0;
	(pc) =	sbr.rel @p0 .LBB2_1-.Ltmp1, $4  }
0xcb: {  	[sflag:s26] =	ssyncadd.s32 $0xFFFFD800  }
0xcc: {  	_ =	swait.ge [sflag:s26], $0x2800  }
0xcd: {  	[sflag:s26] =	ssyncset.done $0x0  }
0xce: {  	[sflag:s26] =	ssyncadd.s32 $0xFFFFD800  }
0xcf: {  	_ =	sfence.sel $0x180000  }
0xd0: {  	[bflag:$0x0] =	sbarrier.arrive $0xFFFF  }
0xd1: {  	_ =	strace $0x9000004D  }
0xd2: {  	s0 =	stileid.u32;
	[bflag:$0x2] =	sbarrier.arrive $0xFFFF  }
0xd3: {  	p0 =	sne.s32 s0, $0x0;
	s0 =	rddreg [dreg:$0x2]  }
0xd4: {  	s0 =	sadd.s32 @!p0 $0x100000, s0  }
0xd5: {  	[sflag:s0] =	ssyncadd.tile.s32 @!p0 $0x1;
	_ =	shalt  }
.Lfunc_end2:
_tile_overlayer_lowered:
.L_overlay_start_2:
0xd6: {  	(tag) =	ssettag $0x2  }
0xd7: {  	s0 =	rddreg [dreg:$0x0];
	s2 =	stileid.u32  }
0xd8: {  	s1 =	rddreg [dreg:$0x1];
	p0 =	sne.s32 s2, $0x0  }
0xd9: {  	s3 =	rddreg [dreg:$0x2];
	[bflag:$0x3] =	sbarrier.arrive $0xFFFF;
	s2 =	simm.s32 @!p0 $0x1C04  }
0xda: {  	[timem:s3], [sflag:s2] =	dma.local @!p0 [hbm:s0], s1  }
0xdb: {  	s0 =	simm.s32 @!p0 $0x4  }
0xdc: {  	_ =	swait.ge @!p0 [sflag:s0], s1  }
0xdd: {  	s1 =	ssub.s32 @!p0 $0x0, s1;
	[sflag:s0] =	ssyncset.done @!p0 $0x0  }
0xde: {  	[sflag:s0] =	ssyncadd.s32 @!p0 s1  }
0xdf: {  	[bflag:$0x3] =	sbarrier.arrive $0xFFFF  }
0xe0: {  	_ =	shalt  }

// kernel: kernel.20.cloned.1.call-start
scs
__scs_entry_jumppad:
0x0: {  	(pc) =	sbr.rel $0x88, $3  }
0x1: {  	(tag) =	ssettag $0x0;
	lr =	simm.s32 $0x1  }
0x2: {  	[smem:$0x3F8C] =	sst lr;
	_ =	strace $0xD0000000  }
0x3: {  	_ = 	snop  }
0x4: {  	_ = 	snop  }
0x5: {  	_ = 	snop  }
0x6: {  	_ = 	snop  }
0x7: {  	_ = 	snop  }
__scs_overlays_trampoline_lowered:
0x8: {  	[smem:$0x3F9B] =	sst s0  }
0x9: {  	[smem:$0x3F9C] =	sst s1  }
0xa: {  	[smem:$0x3F9D] =	sst s2  }
0xb: {  	[smem:$0x3F9E] =	sst s3  }
0xc: {  	[smem:$0x3F9F] =	sst s4  }
0xd: {  	[smem:$0x3FA0] =	sst s5  }
0xe: {  	[smem:$0x3FA1] =	sst s6  }
0xf: {  	[smem:$0x3FA2] =	sst s7  }
0x10: {  	[smem:$0x3FA3] =	sst s8  }
0x11: {  	[smem:$0x3FA4] =	sst s9;
	s0 =	simm.s32 @!p0 $0x0  }
0x12: {  	s1 =	sld [smem:$0x3F8A];
	s0 =	simm.s32 @p0 $0x1  }
0x13: {  	[smem:$0x3FA5] =	sst s0;
	s0 =	simm.s32 @!p1 $0x0  }
0x14: {  	s2 =	sld [smem:$0x3F89];
	s0 =	simm.s32 @p1 $0x1  }
0x15: {  	[smem:$0x3FA6] =	sst s0;
	s0 =	simm.s32 @!p2 $0x0  }
0x16: {  	s3 =	sld [smem:$0x3FDB];
	s0 =	simm.s32 @p2 $0x1  }
0x17: {  	s4 =	simm.s32 $0x1BF5;
	[smem:$0x3FA8] =	sst s0  }
0x18: {  	s0 =	sld [smem:$0x3F8B];
	_ =	swait.ge [sflag:s4], $0x0  }
0x19: {  	s7 =	sld [smem:$0x3F8C]  }
0x1a: {  	s8 =	sadd.s32 $0xFFFFE003, lr  }
0x1b: {  	s9 =	sadd.s32 $0xFFFFFEF7, lr;
	s5 =	simm.s32 $0xFFFFFFFF;
	p2 =	slt.u32 s8, $0xFFFFF086  }
0x1c: {  	p1 =	slt.u32 s9, $0xF7A;
	s5 =	simm.s32 @!p2 $0x0  }
0x1d: {  	s5 =	simm.s32 @p1 $0x1;
	p0 =	seq.s32 s7, s2  }
0x1e: {  	s7 =	smul.u32 @!p0 $0xF7A, s2;
	p2 =	seq.s32 @!p0 s5, $0x0  }
0x1f: {  	s9 =	smul.u32 $0xF7A, s1;
	s8 =	simm.s32 @!p0 $0x1BF5;
	p2 =	por !p2, p0  }
0x20: {  	[sflag:s8] =	ssyncset.s32 @!p0 $0xFFFFF086;
	s6 =	sadd.s32 @!p0 s3, s7;
	s7 =	simm.s32 @!p0 $0x108  }
0x21: {  	s3 =	sadd.s32 s3, s9;
	s6 =	sadd.s32 @!p0 $0x88, s6;
	s7 =	simm.s32 @p2 $0x1082  }
0x22: {  	[simem:s7], [sflag:s8] =	dma.local @!p0 [hbm:s6], $0xF7A  }
0x23: {  	s9 =	sor.u32 $0xD0000000, s2;
	s6 =	simm.s32 $0x108;
	_ =	swait.ge @!p0 [sflag:s8], $0x0  }
0x24: {  	s3 =	sadd.s32 $0x88, s3;
	s6 =	simm.s32 @!p1 $0x1082;
	[sflag:s4] =	ssyncset.s32 $0xFFFFF086  }
0x25: {  	[simem:s6], [sflag:s4] =	dma.local [hbm:s3], $0xF7A  }
0x26: {  	[smem:$0x3F8C] =	sst s1;
	(tag) =	ssettag s2;
	_ =	strace s9  }
0x27: {  	s1 =	sld [smem:$0x3F9C]  }
0x28: {  	s2 =	sld [smem:$0x3F9D]  }
0x29: {  	s4 =	sld [smem:$0x3F9F]  }
0x2a: {  	p0 =	seq.s32 s5, $0x0;
	s5 =	sld [smem:$0x3FA0]  }
0x2b: {  	s6 =	sld [smem:$0x3FA1]  }
0x2c: {  	s7 =	sld [smem:$0x3FA2]  }
0x2d: {  	s3 =	simm.s32 $0x108;
	s8 =	sld [smem:$0x3FA3]  }
0x2e: {  	s3 =	simm.s32 @!p0 $0x1082;
	s9 =	sld [smem:$0x3FA4]  }
0x2f: {  	lr =	sadd.s32 s0, s3;
	s0 =	sld [smem:$0x3F9B]  }
0x30: {  	s3 =	sld [smem:$0x3F9E]  }
0x31: {  	[smem:$0x3FA7] =	sst s10  }
0x32: {  	s10 =	sld [smem:$0x3FA5];
	_ =	sdelay $0x3  }
0x33: {  	p0 =	seq.s32 s10, $0x1;
	s10 =	sld [smem:$0x3FA7];
	_ =	sdelay $0x3  }
0x34: {  	[smem:$0x3FA7] =	sst s10  }
0x35: {  	s10 =	sld [smem:$0x3FA6];
	_ =	sdelay $0x3  }
0x36: {  	p1 =	seq.s32 s10, $0x1;
	s10 =	sld [smem:$0x3FA7];
	_ =	sdelay $0x3  }
0x37: {  	[smem:$0x3FA7] =	sst s10  }
0x38: {  	s10 =	sld [smem:$0x3FA8]  }
0x39: {  	_ = 	snop;
	(pc) =	sbr.ind lr, $3  }
0x3a: {  	_ = 	snop  }
0x3b: {  	_ = 	snop  }
0x3c: {  	p2 =	seq.s32 s10, $0x1;
	s10 =	sld [smem:$0x3FA7]  }
0x3d: {  	_ =	shalt  }
0x3e: {  	_ =	shalt  }
0x3f: {  	_ =	shalt  }
0x40: {  	_ =	shalt  }
0x41: {  	_ =	shalt  }
0x42: {  	_ =	shalt  }
0x43: {  	_ =	shalt  }
0x44: {  	_ =	shalt  }
0x45: {  	_ =	shalt  }
0x46: {  	_ =	shalt  }
0x47: {  	_ =	shalt  }
0x48: {  	_ =	shalt  }
0x49: {  	_ =	shalt  }
0x4a: {  	_ =	shalt  }
0x4b: {  	_ =	shalt  }
0x4c: {  	_ =	shalt  }
0x4d: {  	_ =	shalt  }
0x4e: {  	_ =	shalt  }
0x4f: {  	_ =	shalt  }
0x50: {  	_ =	shalt  }
0x51: {  	_ =	shalt  }
0x52: {  	_ =	shalt  }
0x53: {  	_ =	shalt  }
0x54: {  	_ =	shalt  }
0x55: {  	_ =	shalt  }
0x56: {  	_ =	shalt  }
0x57: {  	_ =	shalt  }
0x58: {  	_ =	shalt  }
0x59: {  	_ =	shalt  }
0x5a: {  	_ =	shalt  }
0x5b: {  	_ =	shalt  }
0x5c: {  	_ =	shalt  }
0x5d: {  	_ =	shalt  }
0x5e: {  	_ =	shalt  }
0x5f: {  	_ =	shalt  }
0x60: {  	_ =	shalt  }
0x61: {  	_ =	shalt  }
0x62: {  	_ =	shalt  }
0x63: {  	_ =	shalt  }
0x64: {  	_ =	shalt  }
0x65: {  	_ =	shalt  }
0x66: {  	_ =	shalt  }
0x67: {  	_ =	shalt  }
0x68: {  	_ =	shalt  }
0x69: {  	_ =	shalt  }
0x6a: {  	_ =	shalt  }
0x6b: {  	_ =	shalt  }
0x6c: {  	_ =	shalt  }
0x6d: {  	_ =	shalt  }
0x6e: {  	_ =	shalt  }
0x6f: {  	_ =	shalt  }
0x70: {  	_ =	shalt  }
0x71: {  	_ =	shalt  }
0x72: {  	_ =	shalt  }
0x73: {  	_ =	shalt  }
0x74: {  	_ =	shalt  }
0x75: {  	_ =	shalt  }
0x76: {  	_ =	shalt  }
0x77: {  	_ =	shalt  }
0x78: {  	_ =	shalt  }
0x79: {  	_ =	shalt  }
0x7a: {  	_ =	shalt  }
0x7b: {  	_ =	shalt  }
0x7c: {  	_ =	shalt  }
0x7d: {  	_ =	shalt  }
0x7e: {  	_ =	shalt  }
0x7f: {  	_ =	shalt  }
0x80: {  	_ =	shalt  }
0x81: {  	_ =	shalt  }
0x82: {  	_ =	shalt  }
0x83: {  	_ =	shalt  }
0x84: {  	_ =	shalt  }
0x85: {  	_ =	shalt  }
0x86: {  	_ =	shalt  }
0x87: {  	_ =	shalt  }
.Lfunc_end0:
.L_simem_size_0:
called_computation.3_lowered:
.L_overlay_start_0:
0x88: {  	s2 =	sld [smem:$0x3FD9]  }
0x89: {  	s3 =	sld [smem:$0x3FFE];
	_ =	sdelay $0x1  }
0x8a: {  	s1 =	srdreg.scid  }
0x8b: {  	s0 =	sand.u32 $0x1, s1  }
0x8c: {  	s14 =	sshll.u32 s0, $0xA;
	s2 =	sadd.s32 s3, s2  }
0x8d: {  	s2 =	sadd.s32 s2, s14  }
0x8e: {  	[smem:$0x3FB3] =	sst s2  }
0x8f: {  	_ = 	snop  }
0x90: {  	s2 =	sld [smem:$0x3FD0];
	_ =	sdelay $0x2  }
0x91: {  	s15 =	simm.s32 $0xA;
	s4 =	simm.s32 $0x10  }
0x92: {  	[smem:s4], [sflag:s15] =	dma.local [hbm:s2], $0x1  }
0x93: {  	_ =	swait.eq [sflag:s15], $0x1  }
0x94: {  	[sflag:s15] =	ssyncset.done $0x0  }
0x95: {  	[sflag:s15] =	ssyncadd.s32 $0xFFFFFFFF  }
0x96: {  	s16 =	sld [smem:$0x10];
	(tm) =	ssettm $0x1  }
0x97: {  	s17 =	sld [smem:$0x3FFB];
	_ =	sdelay $0x3  }
0x98: {  	_ =	strace s17  }
0x99: {  	s3 =	sld [smem:$0x3FFC];
	_ =	sdelay $0x3  }
0x9a: {  	_ =	strace s3  }
0x9b: {  	s3 =	sld [smem:$0x3FFD];
	_ =	sdelay $0x3  }
0x9c: {  	_ =	strace s3  }
0x9d: {  	_ =	strace $0x8FFFFFFF  }
0x9e: {  	s18 =	sld [smem:$0x3FDB];
	_ =	sdelay $0x1  }
0x9f: {  	s19 =	simm.s32 $_scs_section_size  }
0xa0: {  	s5 =	simm.s32 $_size__tile_overlayer_lowered;
	s6 =	simm.s32 $_tile_overlayer_lowered  }
0xa1: {  	s22 =	simm.s32 $0x1BFF;
	s21 =	sshll.u32 s6, $0x1;
	s3 =	sadd.s32 s19, s18  }
0xa2: {  	s7 =	simm.s32 $0x0;
	s20 =	sshll.u32 s5, $0x1;
	s5 =	sadd.s32 s21, s3  }
0xa3: {  	[timem:s7], [sflag:s22] =	dma.local [hbm:s5], s20  }
0xa4: {  	_ =	swait.ge [sflag:s22], s20  }
0xa5: {  	s4 =	ssub.s32 $0x0, s20;
	[sflag:s22] =	ssyncset.done $0x0  }
0xa6: {  	[sflag:s22] =	ssyncadd.s32 s4;
	_ =	sdelay $0x1  }
0xa7: {  	s23 =	simm.s32 $0x1B8B  }
0xa8: {  	_ =	swait.ge [sflag:s23], $0x1  }
0xa9: {  	[sflag:s23] =	ssyncset.done $0x0  }
0xaa: {  	s25 =	simm.s32 $0x1B8E;
	s24 =	sld [smem:$0x3FFE];
	[sflag:s23] =	ssyncadd.s32 $0xFFFFFFFF  }
0xab: {  	s26 =	simm.s32 $execute0_lowered;
	[smem:$0x3FD2] =	sst s25  }
0xac: {  	s5 =	sshll.u32 s26, $0x1;
	_ =	strace $0x8000004F;
	[dreg:$0x1] =	wrdreg $0xFFFFFFFF  }
0xad: {  	s28 =	simm.s32 $_size_execute0_lowered;
	s3 =	sadd.s32 s3, s5;
	[dreg:$0x0] =	wrdreg $0x0  }
0xae: {  	s5 =	sshll.u32 s28, $0x1;
	[dreg:$0x2] =	wrdreg s3  }
0xaf: {  	[dreg:$0x3] =	wrdreg s5  }
0xb0: {  	[dreg:$0x4] =	wrdreg $0xC0  }
0xb1: {  	_ =	task [dreg:s7], $0x5FFFF  }
0xb2: {  	[dreg:$0x1] =	wrdreg $0xFFFFFFFF  }
0xb3: {  	[dreg:$0x0] =	wrdreg $0x60  }
0xb4: {  	[dreg:$0x2] =	wrdreg s24  }
0xb5: {  	[dreg:$0x3] =	wrdreg s16  }
0xb6: {  	[dreg:$0x4] =	wrdreg $0x79000  }
0xb7: {  	[dreg:$0x5] =	wrdreg $0x9  }
0xb8: {  	_ =	task.clear_ibuf [dreg:s7], $0x6FFFF;
	_ =	strace $0x9000004F  }
0xb9: {  	s29 =	simm.s32 $0x9;
	_ =	strace $0x80000051  }
0xba: {  	_ =	swait.ge [sflag:s29], $0x1  }
0xbb: {  	[sflag:s29] =	ssyncadd.s32 $0xFFFFFFFF  }
0xbc: {  	_ =	strace $0x90000051  }
0xbd: {  	_ =	sfence  }
0xbe: {  	s30 =	sld [smem:$0x0];
	_ =	sdelay $0x2  }
0xbf: {  	s31 =	sshll.u32 s1, $0xD;
	s1 =	sshrl.u32 s1, $0x2  }
0xc0: {  	s3 =	sand.u32 $0x4000, s31;
	s1 =	sadd.s32 s1, s30  }
0xc1: {  	s0 =	sor.u32 s3, s0;
	s1 =	sshll.u32 s1, $0x11  }
0xc2: {  	s0 =	sor.u32 s1, s0  }
0xc3: {  	s0 =	sadd.s32 $0x8F2B, s0  }
0xc4: {  	[sflag:s0] =	ssyncadd.remote.s32 $0x1  }
0xc5: {  	_ =	sfence.sel $0xFFFF  }
0xc6: {  	[dreg:$0x0] =	wrdreg $0xFFFFFFFF;
	(pc) =	sbr.abs _section_cstart, $3  }
0xc7: {  	[dreg:$0x1] =	wrdreg $0xFFFFFFFF  }
0xc8: {  	_ =	task.clear_ibuf [dreg:s7], $0x2FFFF;
	_ =	strace $0x9FFFFFFF  }
0xc9: {  	(tm) =	ssettm $0x7FFFFFFF  }
tec
execute0_lowered:
.L_overlay_start_1:
0x0: {  	(tag) =	ssettag $0x1  }
0x1: {  	s6 =	rddreg [dreg:$0x0]  }
0x2: {  	s1 =	rddreg [dreg:$0x1]  }
0x3: {  	s2 =	rddreg [dreg:$0x2];
	s3 =	srdreg.scid  }
0x4: {  	s0 =	rddreg [dreg:$0x3];
	s4 =	simm.s32 $0x0;
	s9 =	sand.u32 $0x1, s3  }
0x5: {  	s17 =	simm.s32 $0x100;
	s3 =	stileid.u32;
	s7 =	smul.u32 $0x138800, s9  }
0x6: {  	s18 =	simm.s32 $0x1;
	s19 =	simm.s32 $0x80;
	s8 =	smul.u32 $0x2800, s3  }
0x7: {  	s20 =	simm.s32 $0x2900;
	s21 =	simm.s32 $0x50;
	s24 =	smul.u32 $0xA000, s3  }
0x8: {  	s22 =	simm.s32 $0x0;
	[smem:$0x7FF] =	sst s4;
	s28 =	smul.u32 $0x27100, s9  }
0x9: {  	s11 =	sadd.s32 $0x4F1E00, s6;
	s5 =	sadd.s32 $0x5800, s6;
	s16 =	smul.u32 $0x2710, s3  }
0xa: {  	_ =	strace $0x80000050;
	s10 =	sshll.u32 s9, $0x4;
	s29 =	smul.u32 $0x271000, s9  }
0xb: {  	s23 =	ssub.s32 $0x2, s9;
	s30 =	smul.u32 $0x27100, s3;
	s10 =	sor.u32 s3, s10  }
0xc: {  	s25 =	ssub.s32 $0x7C, s3;
	s13 =	sshrl.u32 s23, $0x1;
	s12 =	smul.u32 $0x2710, s10  }
0xd: {  	s15 =	sshrl.u32 s25, $0x4;
	s7 =	sadd.s32 s8, s7;
	s10 =	smul.u32 $0x27100, s10  }
0xe: {  	s8 =	ssub.s32 s23, s13;
	s9 =	sadd.s32 $0x1, s15;
	s13 =	sshrl.u32 s24, $0x2  }
0xf: {  	s15 =	simm.s32 $0x5100;
	s7 =	sshrl.u32 s7, $0x3;
	s8 =	smax.u32 s8, $0x1  }
0x10: {  	s14 =	sadd.s32 s7, s6;
	s26 =	sshrl.u32 s12, $0x3;
	s7 =	sadd.s32 s11, s10  }
0x11: {  	s12 =	sadd.s32 s16, s28;
	s11 =	sadd.s32 s29, s11;
	s10 =	sadd.s32 s13, s2  }
0x12: {  	s6 =	sadd.s32 s1, s26;
	s16 =	sadd.s32 $0x50, s12;
	s11 =	sadd.s32 s30, s11  }
0x13: {  	s12 =	sadd.s32 $0xA0, s12;
	s14 =	sadd.s32 $0x5E00, s14;
	s31 =	sshrl.u32 s16, $0x3  }
0x14: {  	s11 =	sadd.s32 $0xA00, s11;
	s16 =	simm.s32 $0x2;
	s13 =	sadd.s32 s31, s1  }
.LBB2_1:
0x15: {  	[tilespmem:s15], [sflag:$0x2] =	stream.linear.gather [hbm4b:s5+s4], $0x2800, $0x38;
	[tilespmem:$0x1B180] =	vst v63  }
0x16: {  	p0 =	sne.s32 s9, $0x1;
	_ =	swait.ge [sflag:s16], $0x2800  }
.Ltmp0:
0x17: {  	[sflag:s16] =	ssyncset.done $0x0;
	(pc) =	sbr.rel @!p0 .LBB2_3-.Ltmp0, $4  }
0x18: {  	[sflag:s16] =	ssyncadd.s32 $0xFFFFD800  }
0x19: {  	[spmem:s10] =	stream.linear.scatter [tilespmem:s15], [sflag:$0x2], $0x2800, $0x38;
	[tilespmem:$0x1B180] =	vst v63  }
0x1a: {  	_ =	swait.ge [sflag:s16], $0x2800  }
0x1b: {  	s23 =	sadd.s32 $0xFFFFFFFF, s9;
	s24 =	smov.u32 s10;
	[sflag:s16] =	ssyncset.done $0x0  }
.LBB2_2:
0x1c: {  	p1 =	sne.s32 s23, $0x1;
	[sflag:s16] =	ssyncadd.s32 $0xFFFFD800;
	s24 =	sadd.s32 $0x28000, s24  }
.Ltmp1:
0x1d: {  	s23 =	sadd.s32 $0xFFFFFFFF, s23;
	(pc) =	sbr.rel @p1 .LBB2_2-.Ltmp1, $4  }
0x1e: {  	_ = 	snop  }
0x1f: {  	[spmem:s24] =	stream.linear.scatter [tilespmem:s15], [sflag:$0x2], $0x2800, $0x38;
	[tilespmem:$0x1B180] =	vst v63  }
0x20: {  	_ =	swait.ge [sflag:s16], $0x2800  }
0x21: {  	[sflag:s16] =	ssyncset.done $0x0  }
.LBB2_3:
0x22: {  	[sflag:s16] =	ssyncadd.s32 $0xFFFFD800  }
0x23: {  	s23 =	simm.s32 $0x0;
	[bflag:$0x0] =	sbarrier.arrive $0xFFFF  }
0x24: {  	[tilespmem:s23], [sflag:$0x1] =	stream.linear.gather [hbm4b:s6+s23], $0x50, $0x38;
	[tilespmem:$0x1B180] =	vst v63  }
0x25: {  	_ = 	snop  }
0x26: {  	[tilespmem:s17], [sflag:$0x1] =	stream.linear.gather [hbm4b:s7+s23], $0x2800, $0x38;
	[tilespmem:$0x1B180] =	vst v63  }
0x27: {  	_ =	swait.ge [sflag:s18], $0x50  }
0x28: {  	[sflag:s18] =	ssyncset.done $0x0  }
0x29: {  	[sflag:s18] =	ssyncadd.s32 $0xFFFFFFB0  }
0x2a: {  	_ =	swait.ge [sflag:s18], $0x2800  }
0x2b: {  	[sflag:s18] =	ssyncset.done $0x0  }
0x2c: {  	s29 =	sadd.s32 $0x0, s13;
	[sflag:s18] =	ssyncadd.s32 $0xFFFFD800  }
0x2d: {  	[tilespmem:s19], [sflag:$0x1] =	stream.linear.gather [hbm4b:s29+s4], $0x50, $0x38;
	[tilespmem:$0x1B180] =	vst v63  }
0x2e: {  	s30 =	sadd.s32 $0xFFFFFB00, s11  }
0x2f: {  	[tilespmem:s20], [sflag:$0x1] =	stream.linear.gather [hbm4b:s30+s4], $0x2800, $0x38;
	[tilespmem:$0x1B180] =	vst v63  }
0x30: {  	_ = 	snop  }
0x31: {  	[spmem:s2] =	stream.indirect.scatter.add.f32 [tilespmem:s17], [sflag:$0x2], $0x80, s4, s21, $0xb8;
	[tilespmem:$0x1B180] =	vst v63  }
0x32: {  	_ =	swait.ge [sflag:s16], $0x2800  }
0x33: {  	[sflag:s16] =	ssyncset.done $0x0  }
0x34: {  	[sflag:s16] =	ssyncadd.s32 $0xFFFFD800  }
0x35: {  	_ =	swait.ge [sflag:s18], $0x50  }
0x36: {  	[sflag:s18] =	ssyncset.done $0x0  }
0x37: {  	[sflag:s18] =	ssyncadd.s32 $0xFFFFFFB0  }
0x38: {  	_ =	swait.ge [sflag:s18], $0x2800  }
0x39: {  	s31 =	sshrl.u32 s12, $0x3;
	[sflag:s18] =	ssyncset.done $0x0  }
0x3a: {  	s23 =	sadd.s32 s1, s31;
	[sflag:s18] =	ssyncadd.s32 $0xFFFFD800  }
0x3b: {  	[tilespmem:s4], [sflag:$0x1] =	stream.linear.gather [hbm4b:s23+s4], $0x50, $0x38;
	[tilespmem:$0x1B180] =	vst v63  }
0x3c: {  	_ = 	snop  }
0x3d: {  	[tilespmem:s17], [sflag:$0x1] =	stream.linear.gather [hbm4b:s11+s4], $0x2800, $0x38;
	[tilespmem:$0x1B180] =	vst v63  }
0x3e: {  	_ = 	snop  }
0x3f: {  	[spmem:s2] =	stream.indirect.scatter.add.f32 [tilespmem:s20], [sflag:$0x2], $0x80, s19, s21, $0xb8;
	[tilespmem:$0x1B180] =	vst v63  }
0x40: {  	_ =	swait.ge [sflag:s16], $0x2800  }
0x41: {  	[sflag:s16] =	ssyncset.done $0x0  }
0x42: {  	[sflag:s16] =	ssyncadd.s32 $0xFFFFD800  }
0x43: {  	_ =	swait.ge [sflag:s18], $0x50  }
0x44: {  	[sflag:s18] =	ssyncset.done $0x0  }
0x45: {  	[sflag:s18] =	ssyncadd.s32 $0xFFFFFFB0  }
0x46: {  	s25 =	simm.s32 $0x14;
	s26 =	simm.s32 $0x28;
	_ =	swait.ge [sflag:s18], $0x2800  }
0x47: {  	s24 =	sadd.s32 $0xA0, s12;
	s23 =	sadd.s32 $0xA00, s11;
	[sflag:s18] =	ssyncset.done $0x0  }
.LBB2_4:
0x48: {  	s28 =	sadd.s32 s25, s13  }
0x49: {  	[sflag:s18] =	ssyncadd.s32 $0xFFFFD800;
	s25 =	smov.u32 s26;
	s29 =	sadd.s32 $0x14, s26  }
0x4a: {  	[tilespmem:s19], [sflag:$0x1] =	stream.linear.gather [hbm4b:s28+s4], $0x50, $0x38;
	[tilespmem:$0x1B180] =	vst v63  }
0x4b: {  	p1 =	sne.s32 s26, $0x4C4;
	s26 =	sadd.s32 $0xFFFFFB00, s23  }
0x4c: {  	[tilespmem:s20], [sflag:$0x1] =	stream.linear.gather [hbm4b:s26+s4], $0x2800, $0x38;
	[tilespmem:$0x1B180] =	vst v63  }
0x4d: {  	_ = 	snop  }
0x4e: {  	[spmem:s2] =	stream.indirect.scatter.add.f32 [tilespmem:s17], [sflag:$0x2], $0x80, s4, s21, $0xb8;
	[tilespmem:$0x1B180] =	vst v63  }
0x4f: {  	_ =	swait.ge [sflag:s16], $0x2800  }
0x50: {  	[sflag:s16] =	ssyncset.done $0x0  }
0x51: {  	[sflag:s16] =	ssyncadd.s32 $0xFFFFD800  }
0x52: {  	_ =	swait.ge [sflag:s18], $0x50  }
0x53: {  	[sflag:s18] =	ssyncset.done $0x0  }
0x54: {  	[sflag:s18] =	ssyncadd.s32 $0xFFFFFFB0  }
0x55: {  	_ =	swait.ge [sflag:s18], $0x2800  }
0x56: {  	s26 =	sshrl.u32 s24, $0x3;
	[sflag:s18] =	ssyncset.done $0x0  }
0x57: {  	s26 =	sadd.s32 s1, s26;
	[sflag:s18] =	ssyncadd.s32 $0xFFFFD800  }
0x58: {  	[tilespmem:s4], [sflag:$0x1] =	stream.linear.gather [hbm4b:s26+s4], $0x50, $0x38;
	[tilespmem:$0x1B180] =	vst v63  }
0x59: {  	_ = 	snop  }
0x5a: {  	[tilespmem:s17], [sflag:$0x1] =	stream.linear.gather [hbm4b:s23+s4], $0x2800, $0x38;
	[tilespmem:$0x1B180] =	vst v63  }
0x5b: {  	_ = 	snop  }
0x5c: {  	[spmem:s2] =	stream.indirect.scatter.add.f32 [tilespmem:s20], [sflag:$0x2], $0x80, s19, s21, $0xb8;
	[tilespmem:$0x1B180] =	vst v63  }
0x5d: {  	_ =	swait.ge [sflag:s16], $0x2800  }
0x5e: {  	[sflag:s16] =	ssyncset.done $0x0  }
0x5f: {  	[sflag:s16] =	ssyncadd.s32 $0xFFFFD800  }
.Ltmp2:
0x60: {  	_ =	swait.ge [sflag:s18], $0x50;
	(pc) =	sbr.rel @p1 .LBB2_4-.Ltmp2, $4  }
0x61: {  	[sflag:s18] =	ssyncset.done $0x0  }
0x62: {  	[sflag:s18] =	ssyncadd.s32 $0xFFFFFFB0  }
0x63: {  	s24 =	sadd.s32 $0xA0, s24;
	_ =	swait.ge [sflag:s18], $0x2800  }
0x64: {  	s26 =	smov.u32 s29;
	s23 =	sadd.s32 $0xA00, s23;
	[sflag:s18] =	ssyncset.done $0x0  }
0x65: {  	s25 =	sadd.s32 s25, s13;
	[sflag:s18] =	ssyncadd.s32 $0xFFFFD800  }
0x66: {  	[tilespmem:s19], [sflag:$0x1] =	stream.linear.gather [hbm4b:s25+s4], $0x50, $0x38;
	[tilespmem:$0x1B180] =	vst v63  }
0x67: {  	s31 =	sadd.s32 $0xFFFFFB00, s23  }
0x68: {  	[tilespmem:s20], [sflag:$0x1] =	stream.linear.gather [hbm4b:s31+s4], $0x2800, $0x38;
	[tilespmem:$0x1B180] =	vst v63  }
0x69: {  	_ = 	snop  }
0x6a: {  	[spmem:s2] =	stream.indirect.scatter.add.f32 [tilespmem:s17], [sflag:$0x2], $0x80, s4, s21, $0xb8;
	[tilespmem:$0x1B180] =	vst v63  }
0x6b: {  	_ =	swait.ge [sflag:s16], $0x2800  }
0x6c: {  	[sflag:s16] =	ssyncset.done $0x0  }
0x6d: {  	[sflag:s16] =	ssyncadd.s32 $0xFFFFD800  }
0x6e: {  	_ =	swait.ge [sflag:s18], $0x50  }
0x6f: {  	[sflag:s18] =	ssyncset.done $0x0  }
0x70: {  	[sflag:s18] =	ssyncadd.s32 $0xFFFFFFB0  }
0x71: {  	_ =	swait.ge [sflag:s18], $0x2800  }
0x72: {  	s24 =	sshrl.u32 s24, $0x3;
	[sflag:s18] =	ssyncset.done $0x0  }
0x73: {  	s24 =	sadd.s32 s1, s24;
	[sflag:s18] =	ssyncadd.s32 $0xFFFFD800  }
0x74: {  	[tilespmem:s4], [sflag:$0x1] =	stream.linear.gather [hbm4b:s24+s4], $0x50, $0x38;
	[tilespmem:$0x1B180] =	vst v63  }
0x75: {  	_ = 	snop  }
0x76: {  	[tilespmem:s17], [sflag:$0x1] =	stream.linear.gather [hbm4b:s23+s4], $0x2800, $0x38;
	[tilespmem:$0x1B180] =	vst v63  }
0x77: {  	_ = 	snop  }
0x78: {  	[spmem:s2] =	stream.indirect.scatter.add.f32 [tilespmem:s20], [sflag:$0x2], $0x80, s19, s21, $0xb8;
	[tilespmem:$0x1B180] =	vst v63  }
0x79: {  	_ =	swait.ge [sflag:s16], $0x2800  }
0x7a: {  	[sflag:s16] =	ssyncset.done $0x0  }
0x7b: {  	[sflag:s16] =	ssyncadd.s32 $0xFFFFD800  }
0x7c: {  	_ =	swait.ge [sflag:s18], $0x50  }
0x7d: {  	[sflag:s18] =	ssyncset.done $0x0  }
0x7e: {  	[sflag:s18] =	ssyncadd.s32 $0xFFFFFFB0  }
0x7f: {  	_ =	swait.ge [sflag:s18], $0x2800  }
0x80: {  	[sflag:s18] =	ssyncset.done $0x0  }
0x81: {  	[sflag:s18] =	ssyncadd.s32 $0xFFFFD800  }
0x82: {  	[spmem:s2] =	stream.indirect.scatter.add.f32 [tilespmem:s17], [sflag:$0x2], $0x80, s4, s21, $0xb8;
	[tilespmem:$0x1B180] =	vst v63  }
0x83: {  	_ =	swait.ge [sflag:s16], $0x2800  }
0x84: {  	[sflag:s16] =	ssyncset.done $0x0  }
0x85: {  	[sflag:s16] =	ssyncadd.s32 $0xFFFFD800  }
0x86: {  	[bflag:$0x0] =	sbarrier.arrive $0xFFFF  }
0x87: {  	[tilespmem:s15], [sflag:$0x2] =	stream.linear.gather [spmem:s10], $0x2800, $0x38;
	[tilespmem:$0x1B180] =	vst v63  }
0x88: {  	_ =	swait.ge [sflag:s16], $0x2800  }
.Ltmp3:
0x89: {  	[sflag:s16] =	ssyncset.done $0x0;
	(pc) =	sbr.rel @!p0 .LBB2_7-.Ltmp3, $4  }
0x8a: {  	[sflag:s16] =	ssyncadd.s32 $0xFFFFD800  }
0x8b: {  	[hbm4b:s14+s4] =	stream.linear.scatter [tilespmem:s15], [sflag:$0x2], $0x2800, $0x38;
	[tilespmem:$0x1B180] =	vst v63  }
0x8c: {  	s25 =	smov.u32 s14;
	_ =	swait.ge [sflag:s16], $0x2800  }
0x8d: {  	s24 =	smov.u32 s10;
	s23 =	sadd.s32 $0xFFFFFFFF, s9;
	[sflag:s16] =	ssyncset.done $0x0  }
.LBB2_6:
0x8e: {  	[sflag:s16] =	ssyncadd.s32 $0xFFFFD800;
	s24 =	sadd.s32 $0x28000, s24;
	s25 =	sadd.s32 $0x5000, s25  }
0x8f: {  	[tilespmem:s15], [sflag:$0x2] =	stream.linear.gather [spmem:s24], $0x2800, $0x38;
	[tilespmem:$0x1B180] =	vst v63  }
0x90: {  	p0 =	sne.s32 s23, $0x1;
	s23 =	sadd.s32 $0xFFFFFFFF, s23;
	_ =	swait.ge [sflag:s16], $0x2800  }
.Ltmp4:
0x91: {  	[sflag:s16] =	ssyncset.done $0x0;
	(pc) =	sbr.rel @p0 .LBB2_6-.Ltmp4, $4  }
0x92: {  	[sflag:s16] =	ssyncadd.s32 $0xFFFFD800  }
0x93: {  	[hbm4b:s25+s4] =	stream.linear.scatter [tilespmem:s15], [sflag:$0x2], $0x2800, $0x38;
	[tilespmem:$0x1B180] =	vst v63  }
0x94: {  	_ =	swait.ge [sflag:s16], $0x2800  }
0x95: {  	[sflag:s16] =	ssyncset.done $0x0  }
.LBB2_7:
0x96: {  	s22 =	sadd.s32 $0x1, s22  }
0x97: {  	p0 =	sne.s32 s22, s8  }
.Ltmp5:
0x98: {  	_ = 	snop;
	(pc) =	sbr.rel @p0 .LBB2_1-.Ltmp5, $2  }
0x99: {  	_ =	sdelay $0x2  }
0x9a: {  	[sflag:s16] =	ssyncadd.s32 $0xFFFFD800  }
0x9b: {  	_ =	sfence.sel $0x180000  }
0x9c: {  	[bflag:$0x0] =	sbarrier.arrive $0xFFFF  }
0x9d: {  	p0 =	sne.s32 s3, $0x0;
	_ =	strace $0x90000050  }
0x9e: {  	s0 =	sadd.s32 @!p0 $0x100000, s0;
	[bflag:$0x2] =	sbarrier.arrive $0xFFFF  }
0x9f: {  	[sflag:s0] =	ssyncadd.tile.s32 @!p0 $0x1;
	_ =	shalt  }
.Lfunc_end2:
_tile_overlayer_lowered:
.L_overlay_start_2:
0xa0: {  	(tag) =	ssettag $0x2  }
0xa1: {  	s0 =	rddreg [dreg:$0x0];
	s2 =	stileid.u32  }
0xa2: {  	s1 =	rddreg [dreg:$0x1];
	p0 =	sne.s32 s2, $0x0  }
0xa3: {  	s3 =	rddreg [dreg:$0x2];
	[bflag:$0x3] =	sbarrier.arrive $0xFFFF;
	s2 =	simm.s32 @!p0 $0x1C02  }
0xa4: {  	[timem:s3], [sflag:s2] =	dma.local @!p0 [hbm:s0], s1  }
0xa5: {  	s0 =	simm.s32 @!p0 $0x2  }
0xa6: {  	_ =	swait.ge @!p0 [sflag:s0], s1  }
0xa7: {  	s1 =	ssub.s32 @!p0 $0x0, s1;
	[sflag:s0] =	ssyncset.done @!p0 $0x0  }
0xa8: {  	[sflag:s0] =	ssyncadd.s32 @!p0 s1  }
0xa9: {  	[bflag:$0x3] =	sbarrier.arrive $0xFFFF  }
0xaa: {  	_ =	shalt  }

</sc_bundles>
